<compile_context>
chip_gen: v7x
topology: tpu7x:2x2x1
jax: 0.10.2.dev20260603
libtpu: 0.0.44.dev20260713+nightly
codegen_flags: <defaults>
</compile_context>

<pallas_src>
import functools

import jax
import jax.numpy as jnp
import numpy as np
from jax import lax
from jax.experimental import pallas as pl
from jax.experimental.pallas import tpu as pltpu
from jax.experimental.pallas import tpu_sc as plsc

N = 10000
E = 320000
R = 237
D = 128
B = 1024
CH = 32
KS = 5
NATTR = 8
NCLS = 10

NC = 2
NS = 16
NW = NC * NS

EPW = E // NW
K = 80
NCHUNK = EPW // K
RPT = 624
TAIL = N - NS * RPT
ZCP = RPT // K
ZREM = RPT - ZCP * K
ATBL = 240

_BN_SCALE = float(1.0 / np.sqrt(1.0 + 1e-5))

_DIAGS = np.stack([np.eye(D, D, KS // 2 - k, dtype=np.float32)
                   for k in range(KS)])

_f32 = jnp.float32
_i32 = jnp.int32



def _gcn_scatter(support, row, col, typ, alpha_tbl):
  mesh = plsc.VectorSubcoreMesh(core_axis_name="c", subcore_axis_name="s")

  @functools.partial(
      pl.kernel,
      out_type=jax.ShapeDtypeStruct((2 * N, D), _f32),
      mesh=mesh,
      scratch_types=[
          pltpu.VMEM_SHARED((N, D), _f32),
          pltpu.VMEM((K,), _i32),
          pltpu.VMEM((K,), _i32),
          pltpu.VMEM((K,), _i32),
          pltpu.VMEM((K,), _i32),
          pltpu.VMEM((K,), _i32),
          pltpu.VMEM((K,), _f32),
          pltpu.VMEM((ATBL,), _f32),
          pltpu.VMEM((K, D), _f32),
          pltpu.VMEM((K, D), _f32),
          pltpu.VMEM((K, D), _f32),
          pltpu.VMEM((K, D), _f32),
          pltpu.SemaphoreType.DMA,
          pltpu.SemaphoreType.DMA,
          pltpu.SemaphoreType.DMA,
          pltpu.SemaphoreType.DMA,
          pltpu.SemaphoreType.DMA,
      ],
      compiler_params=pltpu.CompilerParams(needs_layout_passes=False),
  )
  def k(sup_hbm, row_hbm, col_hbm, typ_hbm, atbl_hbm, out_hbm,
        acc, ridx, cidx, tidx, sridx, scidx, aed, atbl,
        g0, g1, s0, s1, semga, semgb, semsa, semsb, semi):
    c = lax.axis_index("c")
    s = lax.axis_index("s")
    wid = c * NS + s

    zero16 = jnp.zeros((16,), _f32)

    def zrow(i, carry):
      for j in range(D // 16):
        s0[i, pl.ds(j * 16, 16)] = zero16
      return carry

    lax.fori_loop(0, K, zrow, 0)
    for z in range(ZCP):
      pltpu.async_copy(s0, acc.at[pl.ds(s * RPT + z * K, K)], semsa)
    pltpu.async_copy(s0.at[pl.ds(0, ZREM)],
                     acc.at[pl.ds(s * RPT + ZCP * K, ZREM)], semsb)

    @pl.when(s == 0)
    def _():
      pltpu.async_copy(s0.at[pl.ds(0, TAIL)], acc.at[pl.ds(NS * RPT, TAIL)],
                       semsb)

    pltpu.sync_copy(atbl_hbm, atbl)
    for z in range(ZCP):
      pltpu.make_async_copy(s0, acc.at[pl.ds(s * RPT + z * K, K)],
                            semsa).wait()
    pltpu.make_async_copy(s0.at[pl.ds(0, ZREM)],
                          acc.at[pl.ds(s * RPT + ZCP * K, ZREM)],
                          semsb).wait()

    @pl.when(s == 0)
    def _():
      pltpu.make_async_copy(s0.at[pl.ds(0, TAIL)],
                            acc.at[pl.ds(NS * RPT, TAIL)], semsb).wait()

    plsc.subcore_barrier()

    base = wid * EPW

    def prefetch_idx(i):
      off = base + i * K
      pltpu.async_copy(row_hbm.at[pl.ds(off, K)], ridx, semi)
      pltpu.async_copy(col_hbm.at[pl.ds(off, K)], cidx, semi)
      pltpu.async_copy(typ_hbm.at[pl.ds(off, K)], tidx, semi)

    def wait_idx(i):
      off = base + i * K
      pltpu.make_async_copy(row_hbm.at[pl.ds(off, K)], ridx, semi).wait()
      pltpu.make_async_copy(col_hbm.at[pl.ds(off, K)], cidx, semi).wait()
      pltpu.make_async_copy(typ_hbm.at[pl.ds(off, K)], tidx, semi).wait()

    prefetch_idx(0)
    wait_idx(0)
    pltpu.async_copy(sup_hbm.at[cidx], g0, semga)
    pltpu.async_copy(sup_hbm.at[ridx], g1, semgb)

    def window(i, carry):
      for j in range(K // 16):
        aed[pl.ds(j * 16, 16)] = plsc.load_gather(
            atbl, [tidx[pl.ds(j * 16, 16)]])

      pltpu.make_async_copy(sup_hbm.at[cidx], g0, semga).wait()

      @pl.when(i >= 1)
      def _():
        pltpu.make_async_copy(s0, acc.at[sridx], semsa).wait()

      @plsc.parallel_loop(0, K, unroll=4)
      def scale_a(e):
        av = plsc.load_gather(aed, [jnp.full((16,), e, _i32)])
        for j in range(D // 16):
          s0[e, pl.ds(j * 16, 16)] = g0[e, pl.ds(j * 16, 16)] * av

      for j in range(K // 16):
        sridx[pl.ds(j * 16, 16)] = ridx[pl.ds(j * 16, 16)]
      pltpu.async_copy(s0, acc.at[sridx], semsa, add=True)

      pltpu.make_async_copy(sup_hbm.at[ridx], g1, semgb).wait()

      @pl.when(i >= 1)
      def _():
        pltpu.make_async_copy(s1, acc.at[scidx], semsb).wait()

      for j in range(K // 16):
        scidx[pl.ds(j * 16, 16)] = cidx[pl.ds(j * 16, 16)]

      @pl.when(i < NCHUNK - 1)
      def _():
        prefetch_idx(i + 1)

      @plsc.parallel_loop(0, K // 2, unroll=4)
      def scale_b1(e):
        av = plsc.load_gather(aed, [jnp.full((16,), e, _i32)])
        for j in range(D // 16):
          s1[e, pl.ds(j * 16, 16)] = g1[e, pl.ds(j * 16, 16)] * av

      @pl.when(i < NCHUNK - 1)
      def _():
        wait_idx(i + 1)
        pltpu.async_copy(sup_hbm.at[cidx], g0, semga)

      @plsc.parallel_loop(K // 2, K, unroll=4)
      def scale_b2(e):
        av = plsc.load_gather(aed, [jnp.full((16,), e, _i32)])
        for j in range(D // 16):
          s1[e, pl.ds(j * 16, 16)] = g1[e, pl.ds(j * 16, 16)] * av

      pltpu.async_copy(s1, acc.at[scidx], semsb, add=True)

      @pl.when(i < NCHUNK - 1)
      def _():
        pltpu.async_copy(sup_hbm.at[ridx], g1, semgb)

      return carry

    lax.fori_loop(0, NCHUNK, window, 0)
    pltpu.make_async_copy(s0, acc.at[sridx], semsa).wait()
    pltpu.make_async_copy(s1, acc.at[scidx], semsb).wait()
    plsc.subcore_barrier()
    pltpu.sync_copy(acc.at[pl.ds(s * RPT, RPT)],
                    out_hbm.at[pl.ds(c * N + s * RPT, RPT)])

    @pl.when(s == 0)
    def _():
      pltpu.sync_copy(acc.at[pl.ds(NS * RPT, TAIL)],
                      out_hbm.at[pl.ds(c * N + NS * RPT, TAIL)])

  return k(support, row, col, typ, alpha_tbl)


def _sc_batch_gather(e1_all, emb_rel, e1f, relf, attrf):
  mesh = plsc.VectorSubcoreMesh(core_axis_name="c", subcore_axis_name="s")
  G1 = B // NW
  GA = B * NATTR // NW

  @functools.partial(
      pl.kernel,
      out_type=(
          jax.ShapeDtypeStruct((B, D), _f32),
          jax.ShapeDtypeStruct((B, D), _f32),
          jax.ShapeDtypeStruct((B * NATTR, D), _f32),
      ),
      mesh=mesh,
      scratch_types=[
          pltpu.VMEM((G1,), _i32),
          pltpu.VMEM((G1,), _i32),
          pltpu.VMEM((GA,), _i32),
          pltpu.VMEM((G1, D), _f32),
          pltpu.VMEM((G1, D), _f32),
          pltpu.VMEM((GA, D), _f32),
          pltpu.SemaphoreType.DMA,
          pltpu.SemaphoreType.DMA,
          pltpu.SemaphoreType.DMA,
      ],
  )
  def k(tbl_hbm, rtbl_hbm, e1_hbm, rel_hbm, attr_hbm, o1, o2, o3,
        i1, i2, i3, b1, b2, b3, s1, s2, s3):
    c = lax.axis_index("c")
    s = lax.axis_index("s")
    wid = c * NS + s
    pltpu.sync_copy(e1_hbm.at[pl.ds(wid * G1, G1)], i1)
    pltpu.sync_copy(rel_hbm.at[pl.ds(wid * G1, G1)], i2)
    pltpu.sync_copy(attr_hbm.at[pl.ds(wid * GA, GA)], i3)
    c1 = pltpu.async_copy(tbl_hbm.at[i1], b1, s1)
    c2 = pltpu.async_copy(rtbl_hbm.at[i2], b2, s2)
    c3 = pltpu.async_copy(tbl_hbm.at[i3], b3, s3)
    c1.wait()
    pltpu.sync_copy(b1, o1.at[pl.ds(wid * G1, G1)])
    c2.wait()
    pltpu.sync_copy(b2, o2.at[pl.ds(wid * G1, G1)])
    c3.wait()
    pltpu.sync_copy(b3, o3.at[pl.ds(wid * GA, GA)])

  return k(e1_all, emb_rel, e1f, relf, attrf)



_MB = 1000


def _mm(x, w):
  def body(xr, wr, o):
    o[...] = jnp.dot(xr[...], wr[...], preferred_element_type=_f32)

  return pl.pallas_call(
      body,
      grid=(N // _MB,),
      in_specs=[
          pl.BlockSpec((_MB, D), lambda i: (i, 0)),
          pl.BlockSpec((D, D), lambda i: (0, 0)),
      ],
      out_specs=pl.BlockSpec((_MB, D), lambda i: (i, 0)),
      out_shape=jax.ShapeDtypeStruct((N, D), _f32),
  )(x, w)


def _fuse_tanh_mm(agg, bias, scale, shift, w):
  def body(a0r, a1r, br, sr, hr, wr, o):
    x = (a0r[...] + a1r[...] + br[...]) * sr[...] + hr[...]
    o[...] = jnp.dot(jnp.tanh(x), wr[...], preferred_element_type=_f32)

  nb = N // _MB
  return pl.pallas_call(
      body,
      grid=(nb,),
      in_specs=[
          pl.BlockSpec((_MB, D), lambda i: (i, 0)),
          pl.BlockSpec((_MB, D), lambda i: (i + nb, 0)),
          pl.BlockSpec((1, D), lambda i: (0, 0)),
          pl.BlockSpec((1, D), lambda i: (0, 0)),
          pl.BlockSpec((1, D), lambda i: (0, 0)),
          pl.BlockSpec((D, D), lambda i: (0, 0)),
      ],
      out_specs=pl.BlockSpec((_MB, D), lambda i: (i, 0)),
      out_shape=jax.ShapeDtypeStruct((N, D), _f32),
  )(agg, agg, bias, scale, shift, w)


def _fuse_tanh(agg, bias, scale, shift):
  def body(a0r, a1r, br, sr, hr, o):
    x = (a0r[...] + a1r[...] + br[...]) * sr[...] + hr[...]
    o[...] = jnp.tanh(x)

  nb = N // _MB
  return pl.pallas_call(
      body,
      grid=(nb,),
      in_specs=[
          pl.BlockSpec((_MB, D), lambda i: (i, 0)),
          pl.BlockSpec((_MB, D), lambda i: (i + nb, 0)),
          pl.BlockSpec((1, D), lambda i: (0, 0)),
          pl.BlockSpec((1, D), lambda i: (0, 0)),
          pl.BlockSpec((1, D), lambda i: (0, 0)),
      ],
      out_specs=pl.BlockSpec((_MB, D), lambda i: (i, 0)),
      out_shape=jax.ShapeDtypeStruct((N, D), _f32),
  )(agg, agg, bias, scale, shift)


_FG = 512
_BB = 512


def _leaky(x):
  return jnp.where(x >= 0, x, 0.01 * x)


_NG = CH * D // _FG


def _convfc_decoder(e1_emb, rel_emb, t0, t1, cflat, fcw, fcb, attr3,
                    s2, b2, bi_w, bi_b, si_w, si_b,
                    cs_w1, cs_w2, cs_b, cls_w, cls_b):
  def body(er, rr, t0r, t1r, cr, fr, fbr, ar, s2r, b2r, biwr, bibr,
           siwr, sibr, c1r, c2r, cbr, clwr, clbr, o_fc, o_ug, o_cls):
    g = pl.program_id(1)
    conv = (jnp.dot(er[...], t0r[...], preferred_element_type=_f32)
            + jnp.dot(rr[...], t1r[...], preferred_element_type=_f32)
            + cr[...])
    conv = jnp.maximum(conv, 0.0)
    contrib = lax.dot_general(conv, fr[...], (((1,), (1,)), ((), ())),
                              preferred_element_type=_f32)

    @pl.when(g == 0)
    def _():
      o_fc[...] = contrib + fbr[...]

    @pl.when(g > 0)
    def _():
      o_fc[...] += contrib

    @pl.when(g == _NG - 1)
    def _():
      ue = jnp.maximum(o_fc[...] * s2r[...] + b2r[...], 0.0)
      usf = ar[...].reshape(_BB, NATTR, D)
      summed = jnp.sum(usf, axis=1)
      sumsq = jnp.sum(usf * usf, axis=1)
      deep = 0.5 * (summed * summed - sumsq)
      dn = (((1,), (1,)), ((), ()))
      dfm = _leaky(lax.dot_general(deep, biwr[...], dn,
                                   preferred_element_type=_f32) + bibr[...])
      bfm = _leaky(lax.dot_general(summed, siwr[...], dn,
                                   preferred_element_type=_f32) + sibr[...])
      feat = dfm + bfm
      ug = _leaky(
          lax.dot_general(feat, c1r[...], dn, preferred_element_type=_f32)
          + lax.dot_general(ue, c2r[...], dn, preferred_element_type=_f32)
          + cbr[...])
      o_ug[...] = ug
      o_cls[...] = jax.nn.sigmoid(
          lax.dot_general(ug, clwr[...], dn, preferred_element_type=_f32)
          + clbr[...])

  z2 = lambda i, g: (0, 0)
  return pl.pallas_call(
      body,
      grid=(B // _BB, _NG),
      in_specs=[
          pl.BlockSpec((_BB, D), lambda i, g: (i, 0)),
          pl.BlockSpec((_BB, D), lambda i, g: (i, 0)),
          pl.BlockSpec((D, _FG), lambda i, g: (0, g)),
          pl.BlockSpec((D, _FG), lambda i, g: (0, g)),
          pl.BlockSpec((1, _FG), lambda i, g: (0, g)),
          pl.BlockSpec((D, _FG), lambda i, g: (0, g)),
          pl.BlockSpec((1, D), z2),
          pl.BlockSpec((_BB * NATTR, D), lambda i, g: (i, 0)),
          pl.BlockSpec((1, D), z2),
          pl.BlockSpec((1, D), z2),
          pl.BlockSpec((D, D), z2),
          pl.BlockSpec((1, D), z2),
          pl.BlockSpec((D, D), z2),
          pl.BlockSpec((1, D), z2),
          pl.BlockSpec((D, D), z2),
          pl.BlockSpec((D, D), z2),
          pl.BlockSpec((1, D), z2),
          pl.BlockSpec((NCLS, D), z2),
          pl.BlockSpec((1, NCLS), z2),
      ],
      out_specs=[
          pl.BlockSpec((_BB, D), lambda i, g: (i, 0)),
          pl.BlockSpec((_BB, D), lambda i, g: (i, 0)),
          pl.BlockSpec((_BB, NCLS), lambda i, g: (i, 0)),
      ],
      out_shape=[
          jax.ShapeDtypeStruct((B, D), _f32),
          jax.ShapeDtypeStruct((B, D), _f32),
          jax.ShapeDtypeStruct((B, NCLS), _f32),
      ],
  )(e1_emb, rel_emb, t0, t1, cflat, fcw, fcb, attr3,
    s2, b2, bi_w, bi_b, si_w, si_b, cs_w1, cs_w2, cs_b, cls_w, cls_b)


_SB = 2000


def _score_t(ug, e1_all):
  def body(er, ur, o):
    o[...] = jax.nn.sigmoid(
        lax.dot_general(er[...], ur[...], (((1,), (1,)), ((), ())),
                        preferred_element_type=_f32))

  return pl.pallas_call(
      body,
      grid=(N // _SB,),
      in_specs=[
          pl.BlockSpec((_SB, D), lambda i: (i, 0)),
          pl.BlockSpec((B, D), lambda i: (0, 0)),
      ],
      out_specs=pl.BlockSpec((_SB, B), lambda i: (i, 0)),
      out_shape=jax.ShapeDtypeStruct((N, B), _f32),
  )(e1_all, ug)



def _conv_weights(p):
  s0 = p['bn0_g'] * _BN_SCALE
  b0 = p['bn0_b']
  s1 = p['bn1_g'] * _BN_SCALE
  b1 = p['bn1_b']
  w = p['conv1_w']
  w_eff = w * s0[None, :, None] * s1[:, None, None]

  ts = []
  for i in range(2):
    wi = w_eff[:, i, :]
    ti = jnp.einsum('ck,ktd->tcd', wi, _DIAGS)
    ts.append(ti.reshape(D, CH * D))

  dpos = jnp.arange(D)[None, :]
  kkv = jnp.arange(KS)[:, None]
  validk = ((dpos + kkv - KS // 2 >= 0) &
            (dpos + kkv - KS // 2 < D)).astype(_f32)
  term = jnp.einsum('cik,kd->cd', w * b0[None, :, None], validk) * s1[:, None]
  cmat = s1[:, None] * p['conv1_b'][:, None] + b1[:, None] + term
  return ts[0], ts[1], cmat.reshape(1, CH * D)


def kernel(e1, rel, attr, X, A_edge_index, A_edge_type, params):
  p = params
  emb = p['emb_e']
  row = A_edge_index[0].astype(_i32)
  col = A_edge_index[1].astype(_i32)
  et = A_edge_type.astype(_i32)
  a1 = jnp.pad(p['gc1_alpha'][:, 0], (0, ATBL - (R + 1)))
  a2 = jnp.pad(p['gc2_alpha'][:, 0], (0, ATBL - (R + 1)))

  sup1 = _mm(emb, p['gc1_w'])
  agg1 = _gcn_scatter(sup1, row, col, et, a1)
  sup2 = _fuse_tanh_mm(
      agg1,
      p['gc1_b'].reshape(1, D),
      (p['bn3_g'] * _BN_SCALE).reshape(1, D),
      p['bn3_b'].reshape(1, D),
      p['gc2_w'])
  agg2 = _gcn_scatter(sup2, row, col, et, a2)
  e1_all = _fuse_tanh(
      agg2,
      p['gc2_b'].reshape(1, D),
      (p['bn4_g'] * _BN_SCALE).reshape(1, D),
      p['bn4_b'].reshape(1, D))

  e1_emb, rel_emb, attr_rows = _sc_batch_gather(
      e1_all, p['emb_rel'],
      e1.reshape(B).astype(_i32),
      rel.reshape(B).astype(_i32),
      attr.reshape(B * NATTR).astype(_i32))

  t0, t1, cflat = _conv_weights(p)
  _, ug, cls = _convfc_decoder(
      e1_emb, rel_emb, t0, t1, cflat,
      p['fc_w'], p['fc_b'].reshape(1, D),
      attr_rows,
      (p['bn2_g'] * _BN_SCALE).reshape(1, D),
      p['bn2_b'].reshape(1, D),
      p['bi_w'], p['bi_b'].reshape(1, D),
      p['si_w'], p['si_b'].reshape(1, D),
      p['cs_w'][:, :D], p['cs_w'][:, D:], p['cs_b'].reshape(1, D),
      p['cls_w'], p['cls_b'].reshape(1, NCLS))

  pred = _score_t(ug, e1_all).T
  return (pred, cls)

# --- scband reference (transcript-rebuilt; emitter-appended) ---
"""Pipeline reference for scband-sacn-29721173688344 (READ-ONLY COPY).

The authoritative reference and input builder live on the scoring server;
editing this copy changes nothing except your own understanding.
"""

import jax, jax.numpy as jnp
import numpy as np

N = 10000
E = 320000
R = 237
D = 128
B = 1024
CH = 32
KS = 5
NATTR = 8
NCLS = 10


def _lin(x, w, b):
    return x @ w.T + b


def _bn_eval(x, g, b):
    # BatchNorm eval with running_mean=0, running_var=1
    scale = g / jnp.sqrt(1.0 + 1e-5)
    if x.ndim == 3:
        return x * scale[None, :, None] + b[None, :, None]
    return x * scale + b


def _gcn(inp, w, bias, alpha, row, col, etype, n):
    # GraphConvolution: A = coo(edge_index, alpha[edge_type]); out = (A + A^T) @ (inp @ w) + bias
    alp = alpha[etype][:, 0]
    support = inp @ w
    out = jnp.zeros((n, support.shape[1]), dtype=support.dtype)
    out = out.at[row].add(alp[:, None] * support[col])
    out = out.at[col].add(alp[:, None] * support[row])
    return out + bias


def _conv1d(x, w, b, pad):
    out = jax.lax.conv_general_dilated(x, w, (1,), [(pad, pad)], dimension_numbers=('NCH', 'OIH', 'NCH'))
    return out + b[None, :, None]


def _forward(e1, rel, attr, X, eidx, etype, p):
    row, col = eidx[0], eidx[1]
    emb_initial = p['emb_e'][X]
    x = _gcn(emb_initial, p['gc1_w'], p['gc1_b'], p['gc1_alpha'], row, col, etype, N)
    x = _bn_eval(x, p['bn3_g'], p['bn3_b'])
    x = jnp.tanh(x)
    x = _gcn(x, p['gc2_w'], p['gc2_b'], p['gc2_alpha'], row, col, etype, N)
    x = _bn_eval(x, p['bn4_g'], p['bn4_b'])
    e1_all = jnp.tanh(x)
    e1_emb = e1_all[e1]
    rel_emb = p['emb_rel'][rel]
    stacked = jnp.concatenate([e1_emb, rel_emb], axis=1)
    stacked = _bn_eval(stacked, p['bn0_g'], p['bn0_b'])
    x = _conv1d(stacked, p['conv1_w'], p['conv1_b'], KS // 2)
    x = _bn_eval(x, p['bn1_g'], p['bn1_b'])
    x = jax.nn.relu(x)
    x = x.reshape(e1.shape[0], -1)
    x = _lin(x, p['fc_w'], p['fc_b'])
    x = _bn_eval(x, p['bn2_g'], p['bn2_b'])
    x = jax.nn.relu(x)
    user_embedding = x
    attr_emb = e1_all[attr]
    usf = attr_emb[:, 0, :, :]
    summed = jnp.sum(usf, axis=1)
    deep_fm = 0.5 * (summed ** 2 - jnp.sum(usf ** 2, axis=1))
    deep_fm = jax.nn.leaky_relu(_lin(deep_fm, p['bi_w'], p['bi_b']))
    bias_fm = jax.nn.leaky_relu(_lin(summed, p['si_w'], p['si_b']))
    user_self_feat = deep_fm + bias_fm
    user_self_embed = _lin(jnp.concatenate([user_self_feat, user_embedding], axis=-1), p['cs_w'], p['cs_b'])
    user_gcn = jax.nn.leaky_relu(user_self_embed)
    pred = jax.nn.sigmoid(user_gcn @ e1_all.T)
    cls = jax.nn.sigmoid(_lin(user_gcn, p['cls_w'], p['cls_b']))
    return (pred, cls)


def setup_inputs(seed: int = 0):
    key = jax.random.key(seed)
    ks = jax.random.split(key, 24)
    e1 = jax.random.randint(ks[0], (B, 1), 0, N)
    rel = jax.random.randint(ks[1], (B, 1), 0, R)
    attr = jax.random.randint(ks[2], (B, 1, NATTR), 0, N)
    X = jnp.arange(N, dtype=jnp.int32)
    A_edge_index = jax.random.randint(ks[3], (2, E), 0, N)
    A_edge_type = jax.random.randint(ks[4], (E,), 0, R + 1)

    def nrm(k, shape, s=0.1):
        return s * jax.random.normal(k, shape, dtype=jnp.float32)

    params = {
        'emb_e': nrm(ks[5], (N, D)),
        'emb_rel': nrm(ks[6], (R, D)),
        'gc1_w': nrm(ks[7], (D, D)), 'gc1_b': jnp.zeros((D,), jnp.float32), 'gc1_alpha': nrm(ks[8], (R + 1, 1)).at[0].set(0.0),
        'gc2_w': nrm(ks[9], (D, D)), 'gc2_b': jnp.zeros((D,), jnp.float32), 'gc2_alpha': nrm(ks[10], (R + 1, 1)).at[0].set(0.0),
        'conv1_w': nrm(ks[11], (CH, 2, KS)), 'conv1_b': jnp.zeros((CH,), jnp.float32),
        'bn0_g': jnp.ones((2,), jnp.float32), 'bn0_b': jnp.zeros((2,), jnp.float32),
        'bn1_g': jnp.ones((CH,), jnp.float32), 'bn1_b': jnp.zeros((CH,), jnp.float32),
        'bn2_g': jnp.ones((D,), jnp.float32), 'bn2_b': jnp.zeros((D,), jnp.float32),
        'bn3_g': jnp.ones((D,), jnp.float32), 'bn3_b': jnp.zeros((D,), jnp.float32),
        'bn4_g': jnp.ones((D,), jnp.float32), 'bn4_b': jnp.zeros((D,), jnp.float32),
        'fc_w': nrm(ks[12], (D, CH * D), 0.02), 'fc_b': jnp.zeros((D,), jnp.float32),
        'bi_w': nrm(ks[13], (D, D)), 'bi_b': jnp.zeros((D,), jnp.float32),
        'si_w': nrm(ks[14], (D, D)), 'si_b': jnp.zeros((D,), jnp.float32),
        'cs_w': nrm(ks[15], (D, 2 * D)), 'cs_b': jnp.zeros((D,), jnp.float32),
        'cls_w': nrm(ks[16], (NCLS, D)), 'cls_b': jnp.zeros((NCLS,), jnp.float32),
    }
    return {'e1': e1, 'rel': rel, 'attr': attr, 'X': X, 'A_edge_index': A_edge_index, 'A_edge_type': A_edge_type, 'params': params}


def reference(e1, rel, attr, X, A_edge_index, A_edge_type, params):
    return _forward(e1, rel, attr, X, A_edge_index, A_edge_type, params)

if __name__ == "__main__":
    import jax
    _d = setup_inputs()
    print(jax.jit(kernel)(*tuple(_d.values())))

</pallas_src>

<mosaic_0001>
#map = affine_map<(d0, d1) -> (0, 0)>
#map1 = affine_map<(d0, d1) -> (0)>
module attributes {stable_mosaic.version = 14 : i64} {
  func.func @k(%arg0: i32, %arg1: i32, %arg2: memref<10000x128xf32, #tpu.memory_space<hbm>>, %arg3: memref<320000xi32, #tpu.memory_space<hbm>>, %arg4: memref<320000xi32, #tpu.memory_space<hbm>>, %arg5: memref<320000xi32, #tpu.memory_space<hbm>>, %arg6: memref<240xf32, #tpu.memory_space<hbm>>, %arg7: memref<20000x128xf32, #tpu.memory_space<hbm>>, %arg8: memref<10000x128xf32, #tpu.memory_space<vmem_shared>>, %arg9: memref<80xi32, #tpu.memory_space<vmem>>, %arg10: memref<80xi32, #tpu.memory_space<vmem>>, %arg11: memref<80xi32, #tpu.memory_space<vmem>>, %arg12: memref<80xi32, #tpu.memory_space<vmem>>, %arg13: memref<80xi32, #tpu.memory_space<vmem>>, %arg14: memref<80xf32, #tpu.memory_space<vmem>>, %arg15: memref<240xf32, #tpu.memory_space<vmem>>, %arg16: memref<80x128xf32, #tpu.memory_space<vmem>>, %arg17: memref<80x128xf32, #tpu.memory_space<vmem>>, %arg18: memref<80x128xf32, #tpu.memory_space<vmem>>, %arg19: memref<80x128xf32, #tpu.memory_space<vmem>>, %arg20: memref<!tpu.dma_semaphore, #tpu.memory_space<semaphore_mem>>, %arg21: memref<!tpu.dma_semaphore, #tpu.memory_space<semaphore_mem>>, %arg22: memref<!tpu.dma_semaphore, #tpu.memory_space<semaphore_mem>>, %arg23: memref<!tpu.dma_semaphore, #tpu.memory_space<semaphore_mem>>, %arg24: memref<!tpu.dma_semaphore, #tpu.memory_space<semaphore_mem>>) attributes {dimension_semantics = [#tpu.dimension_semantics<core_parallel>, #tpu.dimension_semantics<subcore_parallel>], iteration_bounds = array<i64: 2, 16>, scalar_prefetch = 0 : i64, scratch_operands = 17 : i64, tpu.core_type = #tpu.core_type<sc_vector_subcore>, window_params = [{transform_indices = #map}, {transform_indices = #map1}, {transform_indices = #map1}, {transform_indices = #map1}, {transform_indices = #map1}, {transform_indices = #map}]} {
    %mul3A = arith.constant 16 : i32
    %mul3A_0 = arith.muli %arg0, %mul3A : i32
    %add3A = arith.addi %mul3A_0, %arg1 : i32
    %broadcast_in_dim3A = arith.constant 0.000000e+00 : f32
    %broadcast_in_dim3A_1 = vector.broadcast %broadcast_in_dim3A : f32 to vector<16xf32>
    %scan3A = arith.constant 0 : i32
    %scan3A_2 = arith.constant 0 : i32
    %scan3A_3 = arith.constant 80 : i32
    %scan3A_4 = arith.addi %scan3A_2, %scan3A_3 : i32
    %scan3A_5 = arith.constant 1 : i32
    scf.for %scan3A_201 = %scan3A_2 to %scan3A_4 step %scan3A_5  : i32 {
      %swap3A = arith.index_cast %scan3A_201 : i32 to index
      %swap3A_202 = arith.constant 0 : index
      %swap3A_203 = tpu.vector_load %arg18[%swap3A, %swap3A_202] {strides = array<i32>} : memref<80x128xf32, #tpu.memory_space<vmem>>, vector<16xf32>,
      tpu.vector_store %arg18[%swap3A, %swap3A_202], %broadcast_in_dim3A_1 {strides = array<i32>} : memref<80x128xf32, #tpu.memory_space<vmem>>, vector<16xf32>,
      %swap3A_204 = arith.index_cast %scan3A_201 : i32 to index
      %swap3A_205 = arith.constant 16 : index
      %swap3A_206 = tpu.vector_load %arg18[%swap3A_204, %swap3A_205] {strides = array<i32>} : memref<80x128xf32, #tpu.memory_space<vmem>>, vector<16xf32>,
      tpu.vector_store %arg18[%swap3A_204, %swap3A_205], %broadcast_in_dim3A_1 {strides = array<i32>} : memref<80x128xf32, #tpu.memory_space<vmem>>, vector<16xf32>,
      %swap3A_207 = arith.index_cast %scan3A_201 : i32 to index
      %swap3A_208 = arith.constant 32 : index
      %swap3A_209 = tpu.vector_load %arg18[%swap3A_207, %swap3A_208] {strides = array<i32>} : memref<80x128xf32, #tpu.memory_space<vmem>>, vector<16xf32>,
      tpu.vector_store %arg18[%swap3A_207, %swap3A_208], %broadcast_in_dim3A_1 {strides = array<i32>} : memref<80x128xf32, #tpu.memory_space<vmem>>, vector<16xf32>,
      %swap3A_210 = arith.index_cast %scan3A_201 : i32 to index
      %swap3A_211 = arith.constant 48 : index
      %swap3A_212 = tpu.vector_load %arg18[%swap3A_210, %swap3A_211] {strides = array<i32>} : memref<80x128xf32, #tpu.memory_space<vmem>>, vector<16xf32>,
      tpu.vector_store %arg18[%swap3A_210, %swap3A_211], %broadcast_in_dim3A_1 {strides = array<i32>} : memref<80x128xf32, #tpu.memory_space<vmem>>, vector<16xf32>,
      %swap3A_213 = arith.index_cast %scan3A_201 : i32 to index
      %swap3A_214 = arith.constant 64 : index
      %swap3A_215 = tpu.vector_load %arg18[%swap3A_213, %swap3A_214] {strides = array<i32>} : memref<80x128xf32, #tpu.memory_space<vmem>>, vector<16xf32>,
      tpu.vector_store %arg18[%swap3A_213, %swap3A_214], %broadcast_in_dim3A_1 {strides = array<i32>} : memref<80x128xf32, #tpu.memory_space<vmem>>, vector<16xf32>,
      %swap3A_216 = arith.index_cast %scan3A_201 : i32 to index
      %swap3A_217 = arith.constant 80 : index
      %swap3A_218 = tpu.vector_load %arg18[%swap3A_216, %swap3A_217] {strides = array<i32>} : memref<80x128xf32, #tpu.memory_space<vmem>>, vector<16xf32>,
      tpu.vector_store %arg18[%swap3A_216, %swap3A_217], %broadcast_in_dim3A_1 {strides = array<i32>} : memref<80x128xf32, #tpu.memory_space<vmem>>, vector<16xf32>,
      %swap3A_219 = arith.index_cast %scan3A_201 : i32 to index
      %swap3A_220 = arith.constant 96 : index
      %swap3A_221 = tpu.vector_load %arg18[%swap3A_219, %swap3A_220] {strides = array<i32>} : memref<80x128xf32, #tpu.memory_space<vmem>>, vector<16xf32>,
      tpu.vector_store %arg18[%swap3A_219, %swap3A_220], %broadcast_in_dim3A_1 {strides = array<i32>} : memref<80x128xf32, #tpu.memory_space<vmem>>, vector<16xf32>,
      %swap3A_222 = arith.index_cast %scan3A_201 : i32 to index
      %swap3A_223 = arith.constant 112 : index
      %swap3A_224 = tpu.vector_load %arg18[%swap3A_222, %swap3A_223] {strides = array<i32>} : memref<80x128xf32, #tpu.memory_space<vmem>>, vector<16xf32>,
      tpu.vector_store %arg18[%swap3A_222, %swap3A_223], %broadcast_in_dim3A_1 {strides = array<i32>} : memref<80x128xf32, #tpu.memory_space<vmem>>, vector<16xf32>,
    }
    %scan3A_6 = arith.constant 80 : i32
    %mul3A_7 = arith.constant 624 : i32
    %mul3A_8 = arith.muli %arg1, %mul3A_7 : i32
    %add3A_9 = arith.constant 0 : i32
    %add3A_10 = arith.addi %mul3A_8, %add3A_9 : i32
    %dma_start3A = arith.constant 0 : i32
    %dma_start3A_11 = tpu.memref_slice %arg8[%add3A_10, %dma_start3A] : memref<10000x128xf32, #tpu.memory_space<vmem_shared>> -> memref<80x128xf32, #tpu.memory_space<vmem_shared>>
    %dma_start3A_12 = arith.constant 0 : i32
    %dma_start3A_13 = tpu.memref_slice %arg8[%add3A_10, %dma_start3A_12] : memref<10000x128xf32, #tpu.memory_space<vmem_shared>> -> memref<80x128xf32, #tpu.memory_space<vmem_shared>>
    tpu.enqueue_dma source(%arg18 : memref<80x128xf32, #tpu.memory_space<vmem>>) target(%dma_start3A_13 : memref<80x128xf32, #tpu.memory_space<vmem_shared>>) target_semaphore(%arg22 : memref<!tpu.dma_semaphore, #tpu.memory_space<semaphore_mem>>)
    %mul3A_14 = arith.constant 624 : i32
    %mul3A_15 = arith.muli %arg1, %mul3A_14 : i32
    %add3A_16 = arith.constant 80 : i32
    %add3A_17 = arith.addi %mul3A_15, %add3A_16 : i32
    %dma_start3A_18 = arith.constant 0 : i32
    %dma_start3A_19 = tpu.memref_slice %arg8[%add3A_17, %dma_start3A_18] : memref<10000x128xf32, #tpu.memory_space<vmem_shared>> -> memref<80x128xf32, #tpu.memory_space<vmem_shared>>
    %dma_start3A_20 = arith.constant 0 : i32
    %dma_start3A_21 = tpu.memref_slice %arg8[%add3A_17, %dma_start3A_20] : memref<10000x128xf32, #tpu.memory_space<vmem_shared>> -> memref<80x128xf32, #tpu.memory_space<vmem_shared>>
    tpu.enqueue_dma source(%arg18 : memref<80x128xf32, #tpu.memory_space<vmem>>) target(%dma_start3A_21 : memref<80x128xf32, #tpu.memory_space<vmem_shared>>) target_semaphore(%arg22 : memref<!tpu.dma_semaphore, #tpu.memory_space<semaphore_mem>>)
    %mul3A_22 = arith.constant 624 : i32
    %mul3A_23 = arith.muli %arg1, %mul3A_22 : i32
    %add3A_24 = arith.constant 160 : i32
    %add3A_25 = arith.addi %mul3A_23, %add3A_24 : i32
    %dma_start3A_26 = arith.constant 0 : i32
    %dma_start3A_27 = tpu.memref_slice %arg8[%add3A_25, %dma_start3A_26] : memref<10000x128xf32, #tpu.memory_space<vmem_shared>> -> memref<80x128xf32, #tpu.memory_space<vmem_shared>>
    %dma_start3A_28 = arith.constant 0 : i32
    %dma_start3A_29 = tpu.memref_slice %arg8[%add3A_25, %dma_start3A_28] : memref<10000x128xf32, #tpu.memory_space<vmem_shared>> -> memref<80x128xf32, #tpu.memory_space<vmem_shared>>
    tpu.enqueue_dma source(%arg18 : memref<80x128xf32, #tpu.memory_space<vmem>>) target(%dma_start3A_29 : memref<80x128xf32, #tpu.memory_space<vmem_shared>>) target_semaphore(%arg22 : memref<!tpu.dma_semaphore, #tpu.memory_space<semaphore_mem>>)
    %mul3A_30 = arith.constant 624 : i32
    %mul3A_31 = arith.muli %arg1, %mul3A_30 : i32
    %add3A_32 = arith.constant 240 : i32
    %add3A_33 = arith.addi %mul3A_31, %add3A_32 : i32
    %dma_start3A_34 = arith.constant 0 : i32
    %dma_start3A_35 = tpu.memref_slice %arg8[%add3A_33, %dma_start3A_34] : memref<10000x128xf32, #tpu.memory_space<vmem_shared>> -> memref<80x128xf32, #tpu.memory_space<vmem_shared>>
    %dma_start3A_36 = arith.constant 0 : i32
    %dma_start3A_37 = tpu.memref_slice %arg8[%add3A_33, %dma_start3A_36] : memref<10000x128xf32, #tpu.memory_space<vmem_shared>> -> memref<80x128xf32, #tpu.memory_space<vmem_shared>>
    tpu.enqueue_dma source(%arg18 : memref<80x128xf32, #tpu.memory_space<vmem>>) target(%dma_start3A_37 : memref<80x128xf32, #tpu.memory_space<vmem_shared>>) target_semaphore(%arg22 : memref<!tpu.dma_semaphore, #tpu.memory_space<semaphore_mem>>)
    %mul3A_38 = arith.constant 624 : i32
    %mul3A_39 = arith.muli %arg1, %mul3A_38 : i32
    %add3A_40 = arith.constant 320 : i32
    %add3A_41 = arith.addi %mul3A_39, %add3A_40 : i32
    %dma_start3A_42 = arith.constant 0 : i32
    %dma_start3A_43 = tpu.memref_slice %arg8[%add3A_41, %dma_start3A_42] : memref<10000x128xf32, #tpu.memory_space<vmem_shared>> -> memref<80x128xf32, #tpu.memory_space<vmem_shared>>
    %dma_start3A_44 = arith.constant 0 : i32
    %dma_start3A_45 = tpu.memref_slice %arg8[%add3A_41, %dma_start3A_44] : memref<10000x128xf32, #tpu.memory_space<vmem_shared>> -> memref<80x128xf32, #tpu.memory_space<vmem_shared>>
    tpu.enqueue_dma source(%arg18 : memref<80x128xf32, #tpu.memory_space<vmem>>) target(%dma_start3A_45 : memref<80x128xf32, #tpu.memory_space<vmem_shared>>) target_semaphore(%arg22 : memref<!tpu.dma_semaphore, #tpu.memory_space<semaphore_mem>>)
    %mul3A_46 = arith.constant 624 : i32
    %mul3A_47 = arith.muli %arg1, %mul3A_46 : i32
    %add3A_48 = arith.constant 400 : i32
    %add3A_49 = arith.addi %mul3A_47, %add3A_48 : i32
    %dma_start3A_50 = arith.constant 0 : i32
    %dma_start3A_51 = tpu.memref_slice %arg8[%add3A_49, %dma_start3A_50] : memref<10000x128xf32, #tpu.memory_space<vmem_shared>> -> memref<80x128xf32, #tpu.memory_space<vmem_shared>>
    %dma_start3A_52 = arith.constant 0 : i32
    %dma_start3A_53 = tpu.memref_slice %arg8[%add3A_49, %dma_start3A_52] : memref<10000x128xf32, #tpu.memory_space<vmem_shared>> -> memref<80x128xf32, #tpu.memory_space<vmem_shared>>
    tpu.enqueue_dma source(%arg18 : memref<80x128xf32, #tpu.memory_space<vmem>>) target(%dma_start3A_53 : memref<80x128xf32, #tpu.memory_space<vmem_shared>>) target_semaphore(%arg22 : memref<!tpu.dma_semaphore, #tpu.memory_space<semaphore_mem>>)
    %mul3A_54 = arith.constant 624 : i32
    %mul3A_55 = arith.muli %arg1, %mul3A_54 : i32
    %add3A_56 = arith.constant 480 : i32
    %add3A_57 = arith.addi %mul3A_55, %add3A_56 : i32
    %dma_start3A_58 = arith.constant 0 : i32
    %dma_start3A_59 = tpu.memref_slice %arg8[%add3A_57, %dma_start3A_58] : memref<10000x128xf32, #tpu.memory_space<vmem_shared>> -> memref<80x128xf32, #tpu.memory_space<vmem_shared>>
    %dma_start3A_60 = arith.constant 0 : i32
    %dma_start3A_61 = tpu.memref_slice %arg8[%add3A_57, %dma_start3A_60] : memref<10000x128xf32, #tpu.memory_space<vmem_shared>> -> memref<80x128xf32, #tpu.memory_space<vmem_shared>>
    tpu.enqueue_dma source(%arg18 : memref<80x128xf32, #tpu.memory_space<vmem>>) target(%dma_start3A_61 : memref<80x128xf32, #tpu.memory_space<vmem_shared>>) target_semaphore(%arg22 : memref<!tpu.dma_semaphore, #tpu.memory_space<semaphore_mem>>)
    %mul3A_62 = arith.constant 624 : i32
    %mul3A_63 = arith.muli %arg1, %mul3A_62 : i32
    %add3A_64 = arith.constant 560 : i32
    %add3A_65 = arith.addi %mul3A_63, %add3A_64 : i32
    %dma_start3A_66 = arith.constant 0 : i32
    %dma_start3A_67 = arith.constant 0 : i32
    %dma_start3A_68 = tpu.memref_slice %arg18[%dma_start3A_66, %dma_start3A_67] : memref<80x128xf32, #tpu.memory_space<vmem>> -> memref<64x128xf32, #tpu.memory_space<vmem>>
    %dma_start3A_69 = arith.constant 0 : i32
    %dma_start3A_70 = tpu.memref_slice %arg8[%add3A_65, %dma_start3A_69] : memref<10000x128xf32, #tpu.memory_space<vmem_shared>> -> memref<64x128xf32, #tpu.memory_space<vmem_shared>>
    %dma_start3A_71 = arith.constant 0 : i32
    %dma_start3A_72 = tpu.memref_slice %arg8[%add3A_65, %dma_start3A_71] : memref<10000x128xf32, #tpu.memory_space<vmem_shared>> -> memref<64x128xf32, #tpu.memory_space<vmem_shared>>
    %dma_start3A_73 = arith.constant 0 : i32
    %dma_start3A_74 = arith.constant 0 : i32
    %dma_start3A_75 = tpu.memref_slice %arg18[%dma_start3A_73, %dma_start3A_74] : memref<80x128xf32, #tpu.memory_space<vmem>> -> memref<64x128xf32, #tpu.memory_space<vmem>>
    tpu.enqueue_dma source(%dma_start3A_75 : memref<64x128xf32, #tpu.memory_space<vmem>>) target(%dma_start3A_72 : memref<64x128xf32, #tpu.memory_space<vmem_shared>>) target_semaphore(%arg23 : memref<!tpu.dma_semaphore, #tpu.memory_space<semaphore_mem>>)
    %eq3A = arith.constant 0 : i32
    %eq3A_76 = arith.cmpi eq, %arg1, %eq3A : i32
    %convert_element_type3A = arith.extui %eq3A_76 : i1 to i32
    %cond3A = arith.constant 0 : i32
    %cond3A_77 = arith.cmpi ne, %convert_element_type3A, %cond3A : i32
    scf.if %cond3A_77 {
      %dma_start3A_201 = arith.constant 0 : i32
      %dma_start3A_202 = arith.constant 0 : i32
      %dma_start3A_203 = tpu.memref_slice %arg18[%dma_start3A_201, %dma_start3A_202] : memref<80x128xf32, #tpu.memory_space<vmem>> -> memref<16x128xf32, #tpu.memory_space<vmem>>
      %dma_start3A_204 = arith.constant 9984 : i32
      %dma_start3A_205 = arith.constant 0 : i32
      %dma_start3A_206 = tpu.memref_slice %arg8[%dma_start3A_204, %dma_start3A_205] : memref<10000x128xf32, #tpu.memory_space<vmem_shared>> -> memref<16x128xf32, #tpu.memory_space<vmem_shared>>
      %dma_start3A_207 = arith.constant 9984 : i32
      %dma_start3A_208 = arith.constant 0 : i32
      %dma_start3A_209 = tpu.memref_slice %arg8[%dma_start3A_207, %dma_start3A_208] : memref<10000x128xf32, #tpu.memory_space<vmem_shared>> -> memref<16x128xf32, #tpu.memory_space<vmem_shared>>
      %dma_start3A_210 = arith.constant 0 : i32
      %dma_start3A_211 = arith.constant 0 : i32
      %dma_start3A_212 = tpu.memref_slice %arg18[%dma_start3A_210, %dma_start3A_211] : memref<80x128xf32, #tpu.memory_space<vmem>> -> memref<16x128xf32, #tpu.memory_space<vmem>>
      tpu.enqueue_dma source(%dma_start3A_212 : memref<16x128xf32, #tpu.memory_space<vmem>>) target(%dma_start3A_209 : memref<16x128xf32, #tpu.memory_space<vmem_shared>>) target_semaphore(%arg23 : memref<!tpu.dma_semaphore, #tpu.memory_space<semaphore_mem>>)
    } else {
    }
    "tpu.region"() ({
      %run_scoped3A = tpu.sem_alloc : memref<!tpu.dma_semaphore, #tpu.memory_space<semaphore_mem>>
      tpu.enqueue_dma source(%arg6 : memref<240xf32, #tpu.memory_space<hbm>>) target(%arg15 : memref<240xf32, #tpu.memory_space<vmem>>) target_semaphore(%run_scoped3A : memref<!tpu.dma_semaphore, #tpu.memory_space<semaphore_mem>>)
      tpu.wait_dma2 semaphore(%run_scoped3A : memref<!tpu.dma_semaphore, #tpu.memory_space<semaphore_mem>>) src(%arg6 : memref<240xf32, #tpu.memory_space<hbm>>) dst(%arg15 : memref<240xf32, #tpu.memory_space<vmem>>)
      tpu.yield
    }) : () -> ()
    %mul3A_78 = arith.constant 624 : i32
    %mul3A_79 = arith.muli %arg1, %mul3A_78 : i32
    %add3A_80 = arith.constant 0 : i32
    %add3A_81 = arith.addi %mul3A_79, %add3A_80 : i32
    %dma_wait3A = arith.constant 0 : i32
    %dma_wait3A_82 = tpu.memref_slice %arg8[%add3A_81, %dma_wait3A] : memref<10000x128xf32, #tpu.memory_space<vmem_shared>> -> memref<80x128xf32, #tpu.memory_space<vmem_shared>>
    %dma_wait3A_83 = arith.constant 0 : i32
    %dma_wait3A_84 = tpu.memref_slice %arg8[%add3A_81, %dma_wait3A_83] : memref<10000x128xf32, #tpu.memory_space<vmem_shared>> -> memref<80x128xf32, #tpu.memory_space<vmem_shared>>
    tpu.wait_dma2 semaphore(%arg22 : memref<!tpu.dma_semaphore, #tpu.memory_space<semaphore_mem>>) src(%arg18 : memref<80x128xf32, #tpu.memory_space<vmem>>) dst(%dma_wait3A_84 : memref<80x128xf32, #tpu.memory_space<vmem_shared>>)
    %mul3A_85 = arith.constant 624 : i32
    %mul3A_86 = arith.muli %arg1, %mul3A_85 : i32
    %add3A_87 = arith.constant 80 : i32
    %add3A_88 = arith.addi %mul3A_86, %add3A_87 : i32
    %dma_wait3A_89 = arith.constant 0 : i32
    %dma_wait3A_90 = tpu.memref_slice %arg8[%add3A_88, %dma_wait3A_89] : memref<10000x128xf32, #tpu.memory_space<vmem_shared>> -> memref<80x128xf32, #tpu.memory_space<vmem_shared>>
    %dma_wait3A_91 = arith.constant 0 : i32
    %dma_wait3A_92 = tpu.memref_slice %arg8[%add3A_88, %dma_wait3A_91] : memref<10000x128xf32, #tpu.memory_space<vmem_shared>> -> memref<80x128xf32, #tpu.memory_space<vmem_shared>>
    tpu.wait_dma2 semaphore(%arg22 : memref<!tpu.dma_semaphore, #tpu.memory_space<semaphore_mem>>) src(%arg18 : memref<80x128xf32, #tpu.memory_space<vmem>>) dst(%dma_wait3A_92 : memref<80x128xf32, #tpu.memory_space<vmem_shared>>)
    %mul3A_93 = arith.constant 624 : i32
    %mul3A_94 = arith.muli %arg1, %mul3A_93 : i32
    %add3A_95 = arith.constant 160 : i32
    %add3A_96 = arith.addi %mul3A_94, %add3A_95 : i32
    %dma_wait3A_97 = arith.constant 0 : i32
    %dma_wait3A_98 = tpu.memref_slice %arg8[%add3A_96, %dma_wait3A_97] : memref<10000x128xf32, #tpu.memory_space<vmem_shared>> -> memref<80x128xf32, #tpu.memory_space<vmem_shared>>
    %dma_wait3A_99 = arith.constant 0 : i32
    %dma_wait3A_100 = tpu.memref_slice %arg8[%add3A_96, %dma_wait3A_99] : memref<10000x128xf32, #tpu.memory_space<vmem_shared>> -> memref<80x128xf32, #tpu.memory_space<vmem_shared>>
    tpu.wait_dma2 semaphore(%arg22 : memref<!tpu.dma_semaphore, #tpu.memory_space<semaphore_mem>>) src(%arg18 : memref<80x128xf32, #tpu.memory_space<vmem>>) dst(%dma_wait3A_100 : memref<80x128xf32, #tpu.memory_space<vmem_shared>>)
    %mul3A_101 = arith.constant 624 : i32
    %mul3A_102 = arith.muli %arg1, %mul3A_101 : i32
    %add3A_103 = arith.constant 240 : i32
    %add3A_104 = arith.addi %mul3A_102, %add3A_103 : i32
    %dma_wait3A_105 = arith.constant 0 : i32
    %dma_wait3A_106 = tpu.memref_slice %arg8[%add3A_104, %dma_wait3A_105] : memref<10000x128xf32, #tpu.memory_space<vmem_shared>> -> memref<80x128xf32, #tpu.memory_space<vmem_shared>>
    %dma_wait3A_107 = arith.constant 0 : i32
    %dma_wait3A_108 = tpu.memref_slice %arg8[%add3A_104, %dma_wait3A_107] : memref<10000x128xf32, #tpu.memory_space<vmem_shared>> -> memref<80x128xf32, #tpu.memory_space<vmem_shared>>
    tpu.wait_dma2 semaphore(%arg22 : memref<!tpu.dma_semaphore, #tpu.memory_space<semaphore_mem>>) src(%arg18 : memref<80x128xf32, #tpu.memory_space<vmem>>) dst(%dma_wait3A_108 : memref<80x128xf32, #tpu.memory_space<vmem_shared>>)
    %mul3A_109 = arith.constant 624 : i32
    %mul3A_110 = arith.muli %arg1, %mul3A_109 : i32
    %add3A_111 = arith.constant 320 : i32
    %add3A_112 = arith.addi %mul3A_110, %add3A_111 : i32
    %dma_wait3A_113 = arith.constant 0 : i32
    %dma_wait3A_114 = tpu.memref_slice %arg8[%add3A_112, %dma_wait3A_113] : memref<10000x128xf32, #tpu.memory_space<vmem_shared>> -> memref<80x128xf32, #tpu.memory_space<vmem_shared>>
    %dma_wait3A_115 = arith.constant 0 : i32
    %dma_wait3A_116 = tpu.memref_slice %arg8[%add3A_112, %dma_wait3A_115] : memref<10000x128xf32, #tpu.memory_space<vmem_shared>> -> memref<80x128xf32, #tpu.memory_space<vmem_shared>>
    tpu.wait_dma2 semaphore(%arg22 : memref<!tpu.dma_semaphore, #tpu.memory_space<semaphore_mem>>) src(%arg18 : memref<80x128xf32, #tpu.memory_space<vmem>>) dst(%dma_wait3A_116 : memref<80x128xf32, #tpu.memory_space<vmem_shared>>)
    %mul3A_117 = arith.constant 624 : i32
    %mul3A_118 = arith.muli %arg1, %mul3A_117 : i32
    %add3A_119 = arith.constant 400 : i32
    %add3A_120 = arith.addi %mul3A_118, %add3A_119 : i32
    %dma_wait3A_121 = arith.constant 0 : i32
    %dma_wait3A_122 = tpu.memref_slice %arg8[%add3A_120, %dma_wait3A_121] : memref<10000x128xf32, #tpu.memory_space<vmem_shared>> -> memref<80x128xf32, #tpu.memory_space<vmem_shared>>
    %dma_wait3A_123 = arith.constant 0 : i32
    %dma_wait3A_124 = tpu.memref_slice %arg8[%add3A_120, %dma_wait3A_123] : memref<10000x128xf32, #tpu.memory_space<vmem_shared>> -> memref<80x128xf32, #tpu.memory_space<vmem_shared>>
    tpu.wait_dma2 semaphore(%arg22 : memref<!tpu.dma_semaphore, #tpu.memory_space<semaphore_mem>>) src(%arg18 : memref<80x128xf32, #tpu.memory_space<vmem>>) dst(%dma_wait3A_124 : memref<80x128xf32, #tpu.memory_space<vmem_shared>>)
    %mul3A_125 = arith.constant 624 : i32
    %mul3A_126 = arith.muli %arg1, %mul3A_125 : i32
    %add3A_127 = arith.constant 480 : i32
    %add3A_128 = arith.addi %mul3A_126, %add3A_127 : i32
    %dma_wait3A_129 = arith.constant 0 : i32
    %dma_wait3A_130 = tpu.memref_slice %arg8[%add3A_128, %dma_wait3A_129] : memref<10000x128xf32, #tpu.memory_space<vmem_shared>> -> memref<80x128xf32, #tpu.memory_space<vmem_shared>>
    %dma_wait3A_131 = arith.constant 0 : i32
    %dma_wait3A_132 = tpu.memref_slice %arg8[%add3A_128, %dma_wait3A_131] : memref<10000x128xf32, #tpu.memory_space<vmem_shared>> -> memref<80x128xf32, #tpu.memory_space<vmem_shared>>
    tpu.wait_dma2 semaphore(%arg22 : memref<!tpu.dma_semaphore, #tpu.memory_space<semaphore_mem>>) src(%arg18 : memref<80x128xf32, #tpu.memory_space<vmem>>) dst(%dma_wait3A_132 : memref<80x128xf32, #tpu.memory_space<vmem_shared>>)
    %mul3A_133 = arith.constant 624 : i32
    %mul3A_134 = arith.muli %arg1, %mul3A_133 : i32
    %add3A_135 = arith.constant 560 : i32
    %add3A_136 = arith.addi %mul3A_134, %add3A_135 : i32
    %dma_wait3A_137 = arith.constant 0 : i32
    %dma_wait3A_138 = arith.constant 0 : i32
    %dma_wait3A_139 = tpu.memref_slice %arg18[%dma_wait3A_137, %dma_wait3A_138] : memref<80x128xf32, #tpu.memory_space<vmem>> -> memref<64x128xf32, #tpu.memory_space<vmem>>
    %dma_wait3A_140 = arith.constant 0 : i32
    %dma_wait3A_141 = tpu.memref_slice %arg8[%add3A_136, %dma_wait3A_140] : memref<10000x128xf32, #tpu.memory_space<vmem_shared>> -> memref<64x128xf32, #tpu.memory_space<vmem_shared>>
    %dma_wait3A_142 = arith.constant 0 : i32
    %dma_wait3A_143 = tpu.memref_slice %arg8[%add3A_136, %dma_wait3A_142] : memref<10000x128xf32, #tpu.memory_space<vmem_shared>> -> memref<64x128xf32, #tpu.memory_space<vmem_shared>>
    %dma_wait3A_144 = arith.constant 0 : i32
    %dma_wait3A_145 = arith.constant 0 : i32
    %dma_wait3A_146 = tpu.memref_slice %arg18[%dma_wait3A_144, %dma_wait3A_145] : memref<80x128xf32, #tpu.memory_space<vmem>> -> memref<64x128xf32, #tpu.memory_space<vmem>>
    tpu.wait_dma2 semaphore(%arg23 : memref<!tpu.dma_semaphore, #tpu.memory_space<semaphore_mem>>) src(%dma_wait3A_146 : memref<64x128xf32, #tpu.memory_space<vmem>>) dst(%dma_wait3A_143 : memref<64x128xf32, #tpu.memory_space<vmem_shared>>)
    %eq3A_147 = arith.constant 0 : i32
    %eq3A_148 = arith.cmpi eq, %arg1, %eq3A_147 : i32
    %convert_element_type3A_149 = arith.extui %eq3A_148 : i1 to i32
    %cond3A_150 = arith.constant 0 : i32
    %cond3A_151 = arith.cmpi ne, %convert_element_type3A_149, %cond3A_150 : i32
    scf.if %cond3A_151 {
      %dma_wait3A_201 = arith.constant 0 : i32
      %dma_wait3A_202 = arith.constant 0 : i32
      %dma_wait3A_203 = tpu.memref_slice %arg18[%dma_wait3A_201, %dma_wait3A_202] : memref<80x128xf32, #tpu.memory_space<vmem>> -> memref<16x128xf32, #tpu.memory_space<vmem>>
      %dma_wait3A_204 = arith.constant 9984 : i32
      %dma_wait3A_205 = arith.constant 0 : i32
      %dma_wait3A_206 = tpu.memref_slice %arg8[%dma_wait3A_204, %dma_wait3A_205] : memref<10000x128xf32, #tpu.memory_space<vmem_shared>> -> memref<16x128xf32, #tpu.memory_space<vmem_shared>>
      %dma_wait3A_207 = arith.constant 9984 : i32
      %dma_wait3A_208 = arith.constant 0 : i32
      %dma_wait3A_209 = tpu.memref_slice %arg8[%dma_wait3A_207, %dma_wait3A_208] : memref<10000x128xf32, #tpu.memory_space<vmem_shared>> -> memref<16x128xf32, #tpu.memory_space<vmem_shared>>
      %dma_wait3A_210 = arith.constant 0 : i32
      %dma_wait3A_211 = arith.constant 0 : i32
      %dma_wait3A_212 = tpu.memref_slice %arg18[%dma_wait3A_210, %dma_wait3A_211] : memref<80x128xf32, #tpu.memory_space<vmem>> -> memref<16x128xf32, #tpu.memory_space<vmem>>
      tpu.wait_dma2 semaphore(%arg23 : memref<!tpu.dma_semaphore, #tpu.memory_space<semaphore_mem>>) src(%dma_wait3A_212 : memref<16x128xf32, #tpu.memory_space<vmem>>) dst(%dma_wait3A_209 : memref<16x128xf32, #tpu.memory_space<vmem_shared>>)
    } else {
    }
    %barrier3A = arith.constant 0 : index
    tpu.barrier barrier_id(%barrier3A)
    %mul3A_152 = arith.constant 10000 : i32
    %mul3A_153 = arith.muli %add3A, %mul3A_152 : i32
    %add3A_154 = arith.constant 0 : i32
    %add3A_155 = arith.addi %mul3A_153, %add3A_154 : i32
    %dma_start3A_156 = tpu.memref_slice %arg3[%add3A_155] : memref<320000xi32, #tpu.memory_space<hbm>> -> memref<80xi32, #tpu.memory_space<hbm>>
    %dma_start3A_157 = tpu.memref_slice %arg3[%add3A_155] : memref<320000xi32, #tpu.memory_space<hbm>> -> memref<80xi32, #tpu.memory_space<hbm>>
    tpu.enqueue_dma source(%dma_start3A_157 : memref<80xi32, #tpu.memory_space<hbm>>) target(%arg9 : memref<80xi32, #tpu.memory_space<vmem>>) target_semaphore(%arg24 : memref<!tpu.dma_semaphore, #tpu.memory_space<semaphore_mem>>)
    %dma_start3A_158 = tpu.memref_slice %arg4[%add3A_155] : memref<320000xi32, #tpu.memory_space<hbm>> -> memref<80xi32, #tpu.memory_space<hbm>>
    %dma_start3A_159 = tpu.memref_slice %arg4[%add3A_155] : memref<320000xi32, #tpu.memory_space<hbm>> -> memref<80xi32, #tpu.memory_space<hbm>>
    tpu.enqueue_dma source(%dma_start3A_159 : memref<80xi32, #tpu.memory_space<hbm>>) target(%arg10 : memref<80xi32, #tpu.memory_space<vmem>>) target_semaphore(%arg24 : memref<!tpu.dma_semaphore, #tpu.memory_space<semaphore_mem>>)
    %dma_start3A_160 = tpu.memref_slice %arg5[%add3A_155] : memref<320000xi32, #tpu.memory_space<hbm>> -> memref<80xi32, #tpu.memory_space<hbm>>
    %dma_start3A_161 = tpu.memref_slice %arg5[%add3A_155] : memref<320000xi32, #tpu.memory_space<hbm>> -> memref<80xi32, #tpu.memory_space<hbm>>
    tpu.enqueue_dma source(%dma_start3A_161 : memref<80xi32, #tpu.memory_space<hbm>>) target(%arg11 : memref<80xi32, #tpu.memory_space<vmem>>) target_semaphore(%arg24 : memref<!tpu.dma_semaphore, #tpu.memory_space<semaphore_mem>>)
    %add3A_162 = arith.constant 0 : i32
    %add3A_163 = arith.addi %mul3A_153, %add3A_162 : i32
    %dma_wait3A_164 = tpu.memref_slice %arg3[%add3A_163] : memref<320000xi32, #tpu.memory_space<hbm>> -> memref<80xi32, #tpu.memory_space<hbm>>
    %dma_wait3A_165 = tpu.memref_slice %arg3[%add3A_163] : memref<320000xi32, #tpu.memory_space<hbm>> -> memref<80xi32, #tpu.memory_space<hbm>>
    tpu.wait_dma2 semaphore(%arg24 : memref<!tpu.dma_semaphore, #tpu.memory_space<semaphore_mem>>) src(%dma_wait3A_165 : memref<80xi32, #tpu.memory_space<hbm>>) dst(%arg9 : memref<80xi32, #tpu.memory_space<vmem>>)
    %dma_wait3A_166 = tpu.memref_slice %arg4[%add3A_163] : memref<320000xi32, #tpu.memory_space<hbm>> -> memref<80xi32, #tpu.memory_space<hbm>>
    %dma_wait3A_167 = tpu.memref_slice %arg4[%add3A_163] : memref<320000xi32, #tpu.memory_space<hbm>> -> memref<80xi32, #tpu.memory_space<hbm>>
    tpu.wait_dma2 semaphore(%arg24 : memref<!tpu.dma_semaphore, #tpu.memory_space<semaphore_mem>>) src(%dma_wait3A_167 : memref<80xi32, #tpu.memory_space<hbm>>) dst(%arg10 : memref<80xi32, #tpu.memory_space<vmem>>)
    %dma_wait3A_168 = tpu.memref_slice %arg5[%add3A_163] : memref<320000xi32, #tpu.memory_space<hbm>> -> memref<80xi32, #tpu.memory_space<hbm>>
    %dma_wait3A_169 = tpu.memref_slice %arg5[%add3A_163] : memref<320000xi32, #tpu.memory_space<hbm>> -> memref<80xi32, #tpu.memory_space<hbm>>
    tpu.wait_dma2 semaphore(%arg24 : memref<!tpu.dma_semaphore, #tpu.memory_space<semaphore_mem>>) src(%dma_wait3A_169 : memref<80xi32, #tpu.memory_space<hbm>>) dst(%arg11 : memref<80xi32, #tpu.memory_space<vmem>>)
    %dma_start3A_170 = arith.constant 0 : i32
    %dma_start3A_171 = arith.constant 0 : i32
    %dma_start3A_172 = tpu.memref_slice %arg2[%dma_start3A_170, %dma_start3A_171] : memref<10000x128xf32, #tpu.memory_space<hbm>> -> memref<10000x128xf32, #tpu.memory_space<hbm>>
    tpu.enqueue_indirect_dma source(%dma_start3A_172 : memref<10000x128xf32, #tpu.memory_space<hbm>>) target(%arg16 : memref<80x128xf32, #tpu.memory_space<vmem>>) offsets(%arg10 : memref<80xi32, #tpu.memory_space<vmem>>) semaphore(%arg20 : memref<!tpu.dma_semaphore, #tpu.memory_space<semaphore_mem>>)
    %dma_start3A_173 = arith.constant 0 : i32
    %dma_start3A_174 = arith.constant 0 : i32
    %dma_start3A_175 = tpu.memref_slice %arg2[%dma_start3A_173, %dma_start3A_174] : memref<10000x128xf32, #tpu.memory_space<hbm>> -> memref<10000x128xf32, #tpu.memory_space<hbm>>
    tpu.enqueue_indirect_dma source(%dma_start3A_175 : memref<10000x128xf32, #tpu.memory_space<hbm>>) target(%arg17 : memref<80x128xf32, #tpu.memory_space<vmem>>) offsets(%arg9 : memref<80xi32, #tpu.memory_space<vmem>>) semaphore(%arg21 : memref<!tpu.dma_semaphore, #tpu.memory_space<semaphore_mem>>)
    %scan3A_176 = arith.constant 0 : i32
    %scan3A_177 = arith.constant 0 : i32
    %scan3A_178 = arith.constant 125 : i32
    %scan3A_179 = arith.addi %scan3A_177, %scan3A_178 : i32
    %scan3A_180 = arith.constant 1 : i32
    scf.for %scan3A_201 = %scan3A_177 to %scan3A_179 step %scan3A_180  : i32 {
      %get3A = arith.constant 0 : index
      %get3A_202 = tpu.vector_load %arg11[%get3A] {strides = array<i32>} : memref<80xi32, #tpu.memory_space<vmem>>, vector<16xi32>,
      %gather3A = tpu.vector_load_idx %arg15[%get3A_202] : memref<240xf32, #tpu.memory_space<vmem>>[vector<16xi32>], vector<16xf32>,
      %swap3A = arith.constant 0 : index
      %swap3A_203 = tpu.vector_load %arg14[%swap3A] {strides = array<i32>} : memref<80xf32, #tpu.memory_space<vmem>>, vector<16xf32>,
      tpu.vector_store %arg14[%swap3A], %gather3A {strides = array<i32>} : memref<80xf32, #tpu.memory_space<vmem>>, vector<16xf32>,
      %get3A_204 = arith.constant 16 : index
      %get3A_205 = tpu.vector_load %arg11[%get3A_204] {strides = array<i32>} : memref<80xi32, #tpu.memory_space<vmem>>, vector<16xi32>,
      %gather3A_206 = tpu.vector_load_idx %arg15[%get3A_205] : memref<240xf32, #tpu.memory_space<vmem>>[vector<16xi32>], vector<16xf32>,
      %swap3A_207 = arith.constant 16 : index
      %swap3A_208 = tpu.vector_load %arg14[%swap3A_207] {strides = array<i32>} : memref<80xf32, #tpu.memory_space<vmem>>, vector<16xf32>,
      tpu.vector_store %arg14[%swap3A_207], %gather3A_206 {strides = array<i32>} : memref<80xf32, #tpu.memory_space<vmem>>, vector<16xf32>,
      %get3A_209 = arith.constant 32 : index
      %get3A_210 = tpu.vector_load %arg11[%get3A_209] {strides = array<i32>} : memref<80xi32, #tpu.memory_space<vmem>>, vector<16xi32>,
      %gather3A_211 = tpu.vector_load_idx %arg15[%get3A_210] : memref<240xf32, #tpu.memory_space<vmem>>[vector<16xi32>], vector<16xf32>,
      %swap3A_212 = arith.constant 32 : index
      %swap3A_213 = tpu.vector_load %arg14[%swap3A_212] {strides = array<i32>} : memref<80xf32, #tpu.memory_space<vmem>>, vector<16xf32>,
      tpu.vector_store %arg14[%swap3A_212], %gather3A_211 {strides = array<i32>} : memref<80xf32, #tpu.memory_space<vmem>>, vector<16xf32>,
      %get3A_214 = arith.constant 48 : index
      %get3A_215 = tpu.vector_load %arg11[%get3A_214] {strides = array<i32>} : memref<80xi32, #tpu.memory_space<vmem>>, vector<16xi32>,
      %gather3A_216 = tpu.vector_load_idx %arg15[%get3A_215] : memref<240xf32, #tpu.memory_space<vmem>>[vector<16xi32>], vector<16xf32>,
      %swap3A_217 = arith.constant 48 : index
      %swap3A_218 = tpu.vector_load %arg14[%swap3A_217] {strides = array<i32>} : memref<80xf32, #tpu.memory_space<vmem>>, vector<16xf32>,
      tpu.vector_store %arg14[%swap3A_217], %gather3A_216 {strides = array<i32>} : memref<80xf32, #tpu.memory_space<vmem>>, vector<16xf32>,
      %get3A_219 = arith.constant 64 : index
      %get3A_220 = tpu.vector_load %arg11[%get3A_219] {strides = array<i32>} : memref<80xi32, #tpu.memory_space<vmem>>, vector<16xi32>,
      %gather3A_221 = tpu.vector_load_idx %arg15[%get3A_220] : memref<240xf32, #tpu.memory_space<vmem>>[vector<16xi32>], vector<16xf32>,
      %swap3A_222 = arith.constant 64 : index
      %swap3A_223 = tpu.vector_load %arg14[%swap3A_222] {strides = array<i32>} : memref<80xf32, #tpu.memory_space<vmem>>, vector<16xf32>,
      tpu.vector_store %arg14[%swap3A_222], %gather3A_221 {strides = array<i32>} : memref<80xf32, #tpu.memory_space<vmem>>, vector<16xf32>,
      %dma_wait3A_224 = arith.constant 0 : i32
      %dma_wait3A_225 = arith.constant 0 : i32
      %dma_wait3A_226 = tpu.memref_slice %arg2[%dma_wait3A_224, %dma_wait3A_225] : memref<10000x128xf32, #tpu.memory_space<hbm>> -> memref<10000x128xf32, #tpu.memory_space<hbm>>
      tpu.wait_indirect_dma semaphore(%arg20 : memref<!tpu.dma_semaphore, #tpu.memory_space<semaphore_mem>>) src(%dma_wait3A_226 : memref<10000x128xf32, #tpu.memory_space<hbm>>) dst(%arg16 : memref<80x128xf32, #tpu.memory_space<vmem>>)
      %ge3A = arith.constant 1 : i32
      %ge3A_227 = arith.cmpi sge, %scan3A_201, %ge3A : i32
      %convert_element_type3A_228 = arith.extui %ge3A_227 : i1 to i32
      %cond3A_229 = arith.constant 0 : i32
      %cond3A_230 = arith.cmpi ne, %convert_element_type3A_228, %cond3A_229 : i32
      scf.if %cond3A_230 {
        %dma_wait3A_307 = arith.constant 0 : i32
        %dma_wait3A_308 = arith.constant 0 : i32
        %dma_wait3A_309 = tpu.memref_slice %arg8[%dma_wait3A_307, %dma_wait3A_308] : memref<10000x128xf32, #tpu.memory_space<vmem_shared>> -> memref<10000x128xf32, #tpu.memory_space<vmem_shared>>
        tpu.wait_indirect_dma semaphore(%arg22 : memref<!tpu.dma_semaphore, #tpu.memory_space<semaphore_mem>>) src(%arg18 : memref<80x128xf32, #tpu.memory_space<vmem>>) dst(%dma_wait3A_309 : memref<10000x128xf32, #tpu.memory_space<vmem_shared>>)
      } else {
      }
      %parallel_loop3A = arith.constant 0 : i32
      %parallel_loop3A_231 = arith.constant 80 : i32
      %parallel_loop3A_232 = arith.constant 1 : i32
      scf.for %parallel_loop3A_307 = %parallel_loop3A to %parallel_loop3A_231 step %parallel_loop3A_232  : i32 {
        %parallel_loop3A_308 = vector.broadcast %parallel_loop3A_307 : i32 to vector<16xi32>
        %parallel_loop3A_309 = tpu.vector_load_idx %arg14[%parallel_loop3A_308] : memref<80xf32, #tpu.memory_space<vmem>>[vector<16xi32>], vector<16xf32>,
        %parallel_loop3A_310 = arith.index_cast %parallel_loop3A_307 : i32 to index
        %parallel_loop3A_311 = arith.constant 0 : index
        %parallel_loop3A_312 = tpu.vector_load %arg16[%parallel_loop3A_310, %parallel_loop3A_311] {strides = array<i32>} : memref<80x128xf32, #tpu.memory_space<vmem>>, vector<16xf32>,
        %parallel_loop3A_313 = arith.mulf %parallel_loop3A_312, %parallel_loop3A_309 : vector<16xf32>
        %parallel_loop3A_314 = arith.index_cast %parallel_loop3A_307 : i32 to index
        %parallel_loop3A_315 = arith.constant 0 : index
        %parallel_loop3A_316 = tpu.vector_load %arg18[%parallel_loop3A_314, %parallel_loop3A_315] {strides = array<i32>} : memref<80x128xf32, #tpu.memory_space<vmem>>, vector<16xf32>,
        tpu.vector_store %arg18[%parallel_loop3A_314, %parallel_loop3A_315], %parallel_loop3A_313 {strides = array<i32>} : memref<80x128xf32, #tpu.memory_space<vmem>>, vector<16xf32>,
        %parallel_loop3A_317 = arith.index_cast %parallel_loop3A_307 : i32 to index
        %parallel_loop3A_318 = arith.constant 16 : index
        %parallel_loop3A_319 = tpu.vector_load %arg16[%parallel_loop3A_317, %parallel_loop3A_318] {strides = array<i32>} : memref<80x128xf32, #tpu.memory_space<vmem>>, vector<16xf32>,
        %parallel_loop3A_320 = arith.mulf %parallel_loop3A_319, %parallel_loop3A_309 : vector<16xf32>
        %parallel_loop3A_321 = arith.index_cast %parallel_loop3A_307 : i32 to index
        %parallel_loop3A_322 = arith.constant 16 : index
        %parallel_loop3A_323 = tpu.vector_load %arg18[%parallel_loop3A_321, %parallel_loop3A_322] {strides = array<i32>} : memref<80x128xf32, #tpu.memory_space<vmem>>, vector<16xf32>,
        tpu.vector_store %arg18[%parallel_loop3A_321, %parallel_loop3A_322], %parallel_loop3A_320 {strides = array<i32>} : memref<80x128xf32, #tpu.memory_space<vmem>>, vector<16xf32>,
        %parallel_loop3A_324 = arith.index_cast %parallel_loop3A_307 : i32 to index
        %parallel_loop3A_325 = arith.constant 32 : index
        %parallel_loop3A_326 = tpu.vector_load %arg16[%parallel_loop3A_324, %parallel_loop3A_325] {strides = array<i32>} : memref<80x128xf32, #tpu.memory_space<vmem>>, vector<16xf32>,
        %parallel_loop3A_327 = arith.mulf %parallel_loop3A_326, %parallel_loop3A_309 : vector<16xf32>
        %parallel_loop3A_328 = arith.index_cast %parallel_loop3A_307 : i32 to index
        %parallel_loop3A_329 = arith.constant 32 : index
        %parallel_loop3A_330 = tpu.vector_load %arg18[%parallel_loop3A_328, %parallel_loop3A_329] {strides = array<i32>} : memref<80x128xf32, #tpu.memory_space<vmem>>, vector<16xf32>,
        tpu.vector_store %arg18[%parallel_loop3A_328, %parallel_loop3A_329], %parallel_loop3A_327 {strides = array<i32>} : memref<80x128xf32, #tpu.memory_space<vmem>>, vector<16xf32>,
        %parallel_loop3A_331 = arith.index_cast %parallel_loop3A_307 : i32 to index
        %parallel_loop3A_332 = arith.constant 48 : index
        %parallel_loop3A_333 = tpu.vector_load %arg16[%parallel_loop3A_331, %parallel_loop3A_332] {strides = array<i32>} : memref<80x128xf32, #tpu.memory_space<vmem>>, vector<16xf32>,
        %parallel_loop3A_334 = arith.mulf %parallel_loop3A_333, %parallel_loop3A_309 : vector<16xf32>
        %parallel_loop3A_335 = arith.index_cast %parallel_loop3A_307 : i32 to index
        %parallel_loop3A_336 = arith.constant 48 : index
        %parallel_loop3A_337 = tpu.vector_load %arg18[%parallel_loop3A_335, %parallel_loop3A_336] {strides = array<i32>} : memref<80x128xf32, #tpu.memory_space<vmem>>, vector<16xf32>,
        tpu.vector_store %arg18[%parallel_loop3A_335, %parallel_loop3A_336], %parallel_loop3A_334 {strides = array<i32>} : memref<80x128xf32, #tpu.memory_space<vmem>>, vector<16xf32>,
        %parallel_loop3A_338 = arith.index_cast %parallel_loop3A_307 : i32 to index
        %parallel_loop3A_339 = arith.constant 64 : index
        %parallel_loop3A_340 = tpu.vector_load %arg16[%parallel_loop3A_338, %parallel_loop3A_339] {strides = array<i32>} : memref<80x128xf32, #tpu.memory_space<vmem>>, vector<16xf32>,
        %parallel_loop3A_341 = arith.mulf %parallel_loop3A_340, %parallel_loop3A_309 : vector<16xf32>
        %parallel_loop3A_342 = arith.index_cast %parallel_loop3A_307 : i32 to index
        %parallel_loop3A_343 = arith.constant 64 : index
        %parallel_loop3A_344 = tpu.vector_load %arg18[%parallel_loop3A_342, %parallel_loop3A_343] {strides = array<i32>} : memref<80x128xf32, #tpu.memory_space<vmem>>, vector<16xf32>,
        tpu.vector_store %arg18[%parallel_loop3A_342, %parallel_loop3A_343], %parallel_loop3A_341 {strides = array<i32>} : memref<80x128xf32, #tpu.memory_space<vmem>>, vector<16xf32>,
        %parallel_loop3A_345 = arith.index_cast %parallel_loop3A_307 : i32 to index
        %parallel_loop3A_346 = arith.constant 80 : index
        %parallel_loop3A_347 = tpu.vector_load %arg16[%parallel_loop3A_345, %parallel_loop3A_346] {strides = array<i32>} : memref<80x128xf32, #tpu.memory_space<vmem>>, vector<16xf32>,
        %parallel_loop3A_348 = arith.mulf %parallel_loop3A_347, %parallel_loop3A_309 : vector<16xf32>
        %parallel_loop3A_349 = arith.index_cast %parallel_loop3A_307 : i32 to index
        %parallel_loop3A_350 = arith.constant 80 : index
        %parallel_loop3A_351 = tpu.vector_load %arg18[%parallel_loop3A_349, %parallel_loop3A_350] {strides = array<i32>} : memref<80x128xf32, #tpu.memory_space<vmem>>, vector<16xf32>,
        tpu.vector_store %arg18[%parallel_loop3A_349, %parallel_loop3A_350], %parallel_loop3A_348 {strides = array<i32>} : memref<80x128xf32, #tpu.memory_space<vmem>>, vector<16xf32>,
        %parallel_loop3A_352 = arith.index_cast %parallel_loop3A_307 : i32 to index
        %parallel_loop3A_353 = arith.constant 96 : index
        %parallel_loop3A_354 = tpu.vector_load %arg16[%parallel_loop3A_352, %parallel_loop3A_353] {strides = array<i32>} : memref<80x128xf32, #tpu.memory_space<vmem>>, vector<16xf32>,
        %parallel_loop3A_355 = arith.mulf %parallel_loop3A_354, %parallel_loop3A_309 : vector<16xf32>
        %parallel_loop3A_356 = arith.index_cast %parallel_loop3A_307 : i32 to index
        %parallel_loop3A_357 = arith.constant 96 : index
        %parallel_loop3A_358 = tpu.vector_load %arg18[%parallel_loop3A_356, %parallel_loop3A_357] {strides = array<i32>} : memref<80x128xf32, #tpu.memory_space<vmem>>, vector<16xf32>,
        tpu.vector_store %arg18[%parallel_loop3A_356, %parallel_loop3A_357], %parallel_loop3A_355 {strides = array<i32>} : memref<80x128xf32, #tpu.memory_space<vmem>>, vector<16xf32>,
        %parallel_loop3A_359 = arith.index_cast %parallel_loop3A_307 : i32 to index
        %parallel_loop3A_360 = arith.constant 112 : index
        %parallel_loop3A_361 = tpu.vector_load %arg16[%parallel_loop3A_359, %parallel_loop3A_360] {strides = array<i32>} : memref<80x128xf32, #tpu.memory_space<vmem>>, vector<16xf32>,
        %parallel_loop3A_362 = arith.mulf %parallel_loop3A_361, %parallel_loop3A_309 : vector<16xf32>
        %parallel_loop3A_363 = arith.index_cast %parallel_loop3A_307 : i32 to index
        %parallel_loop3A_364 = arith.constant 112 : index
        %parallel_loop3A_365 = tpu.vector_load %arg18[%parallel_loop3A_363, %parallel_loop3A_364] {strides = array<i32>} : memref<80x128xf32, #tpu.memory_space<vmem>>, vector<16xf32>,
        tpu.vector_store %arg18[%parallel_loop3A_363, %parallel_loop3A_364], %parallel_loop3A_362 {strides = array<i32>} : memref<80x128xf32, #tpu.memory_space<vmem>>, vector<16xf32>,
      } {sc.loop_unroll_factor = 4 : i64, sc.parallel_access}
      %get3A_233 = arith.constant 0 : index
      %get3A_234 = tpu.vector_load %arg9[%get3A_233] {strides = array<i32>} : memref<80xi32, #tpu.memory_space<vmem>>, vector<16xi32>,
      %swap3A_235 = arith.constant 0 : index
      %swap3A_236 = tpu.vector_load %arg12[%swap3A_235] {strides = array<i32>} : memref<80xi32, #tpu.memory_space<vmem>>, vector<16xi32>,
      tpu.vector_store %arg12[%swap3A_235], %get3A_234 {strides = array<i32>} : memref<80xi32, #tpu.memory_space<vmem>>, vector<16xi32>,
      %get3A_237 = arith.constant 16 : index
      %get3A_238 = tpu.vector_load %arg9[%get3A_237] {strides = array<i32>} : memref<80xi32, #tpu.memory_space<vmem>>, vector<16xi32>,
      %swap3A_239 = arith.constant 16 : index
      %swap3A_240 = tpu.vector_load %arg12[%swap3A_239] {strides = array<i32>} : memref<80xi32, #tpu.memory_space<vmem>>, vector<16xi32>,
      tpu.vector_store %arg12[%swap3A_239], %get3A_238 {strides = array<i32>} : memref<80xi32, #tpu.memory_space<vmem>>, vector<16xi32>,
      %get3A_241 = arith.constant 32 : index
      %get3A_242 = tpu.vector_load %arg9[%get3A_241] {strides = array<i32>} : memref<80xi32, #tpu.memory_space<vmem>>, vector<16xi32>,
      %swap3A_243 = arith.constant 32 : index
      %swap3A_244 = tpu.vector_load %arg12[%swap3A_243] {strides = array<i32>} : memref<80xi32, #tpu.memory_space<vmem>>, vector<16xi32>,
      tpu.vector_store %arg12[%swap3A_243], %get3A_242 {strides = array<i32>} : memref<80xi32, #tpu.memory_space<vmem>>, vector<16xi32>,
      %get3A_245 = arith.constant 48 : index
      %get3A_246 = tpu.vector_load %arg9[%get3A_245] {strides = array<i32>} : memref<80xi32, #tpu.memory_space<vmem>>, vector<16xi32>,
      %swap3A_247 = arith.constant 48 : index
      %swap3A_248 = tpu.vector_load %arg12[%swap3A_247] {strides = array<i32>} : memref<80xi32, #tpu.memory_space<vmem>>, vector<16xi32>,
      tpu.vector_store %arg12[%swap3A_247], %get3A_246 {strides = array<i32>} : memref<80xi32, #tpu.memory_space<vmem>>, vector<16xi32>,
      %get3A_249 = arith.constant 64 : index
      %get3A_250 = tpu.vector_load %arg9[%get3A_249] {strides = array<i32>} : memref<80xi32, #tpu.memory_space<vmem>>, vector<16xi32>,
      %swap3A_251 = arith.constant 64 : index
      %swap3A_252 = tpu.vector_load %arg12[%swap3A_251] {strides = array<i32>} : memref<80xi32, #tpu.memory_space<vmem>>, vector<16xi32>,
      tpu.vector_store %arg12[%swap3A_251], %get3A_250 {strides = array<i32>} : memref<80xi32, #tpu.memory_space<vmem>>, vector<16xi32>,
      %dma_start3A_253 = arith.constant 0 : i32
      %dma_start3A_254 = arith.constant 0 : i32
      %dma_start3A_255 = tpu.memref_slice %arg8[%dma_start3A_253, %dma_start3A_254] : memref<10000x128xf32, #tpu.memory_space<vmem_shared>> -> memref<10000x128xf32, #tpu.memory_space<vmem_shared>>
      tpu.enqueue_indirect_dma source(%arg18 : memref<80x128xf32, #tpu.memory_space<vmem>>) target(%dma_start3A_255 : memref<10000x128xf32, #tpu.memory_space<vmem_shared>>) offsets(%arg12 : memref<80xi32, #tpu.memory_space<vmem>>) semaphore(%arg22 : memref<!tpu.dma_semaphore, #tpu.memory_space<semaphore_mem>>) {add = true}
      %dma_wait3A_256 = arith.constant 0 : i32
      %dma_wait3A_257 = arith.constant 0 : i32
      %dma_wait3A_258 = tpu.memref_slice %arg2[%dma_wait3A_256, %dma_wait3A_257] : memref<10000x128xf32, #tpu.memory_space<hbm>> -> memref<10000x128xf32, #tpu.memory_space<hbm>>
      tpu.wait_indirect_dma semaphore(%arg21 : memref<!tpu.dma_semaphore, #tpu.memory_space<semaphore_mem>>) src(%dma_wait3A_258 : memref<10000x128xf32, #tpu.memory_space<hbm>>) dst(%arg17 : memref<80x128xf32, #tpu.memory_space<vmem>>)
      %ge3A_259 = arith.constant 1 : i32
      %ge3A_260 = arith.cmpi sge, %scan3A_201, %ge3A_259 : i32
      %convert_element_type3A_261 = arith.extui %ge3A_260 : i1 to i32
      %cond3A_262 = arith.constant 0 : i32
      %cond3A_263 = arith.cmpi ne, %convert_element_type3A_261, %cond3A_262 : i32
      scf.if %cond3A_263 {
        %dma_wait3A_307 = arith.constant 0 : i32
        %dma_wait3A_308 = arith.constant 0 : i32
        %dma_wait3A_309 = tpu.memref_slice %arg8[%dma_wait3A_307, %dma_wait3A_308] : memref<10000x128xf32, #tpu.memory_space<vmem_shared>> -> memref<10000x128xf32, #tpu.memory_space<vmem_shared>>
        tpu.wait_indirect_dma semaphore(%arg23 : memref<!tpu.dma_semaphore, #tpu.memory_space<semaphore_mem>>) src(%arg19 : memref<80x128xf32, #tpu.memory_space<vmem>>) dst(%dma_wait3A_309 : memref<10000x128xf32, #tpu.memory_space<vmem_shared>>)
      } else {
      }
      %get3A_264 = arith.constant 0 : index
      %get3A_265 = tpu.vector_load %arg10[%get3A_264] {strides = array<i32>} : memref<80xi32, #tpu.memory_space<vmem>>, vector<16xi32>,
      %swap3A_266 = arith.constant 0 : index
      %swap3A_267 = tpu.vector_load %arg13[%swap3A_266] {strides = array<i32>} : memref<80xi32, #tpu.memory_space<vmem>>, vector<16xi32>,
      tpu.vector_store %arg13[%swap3A_266], %get3A_265 {strides = array<i32>} : memref<80xi32, #tpu.memory_space<vmem>>, vector<16xi32>,
      %get3A_268 = arith.constant 16 : index
      %get3A_269 = tpu.vector_load %arg10[%get3A_268] {strides = array<i32>} : memref<80xi32, #tpu.memory_space<vmem>>, vector<16xi32>,
      %swap3A_270 = arith.constant 16 : index
      %swap3A_271 = tpu.vector_load %arg13[%swap3A_270] {strides = array<i32>} : memref<80xi32, #tpu.memory_space<vmem>>, vector<16xi32>,
      tpu.vector_store %arg13[%swap3A_270], %get3A_269 {strides = array<i32>} : memref<80xi32, #tpu.memory_space<vmem>>, vector<16xi32>,
      %get3A_272 = arith.constant 32 : index
      %get3A_273 = tpu.vector_load %arg10[%get3A_272] {strides = array<i32>} : memref<80xi32, #tpu.memory_space<vmem>>, vector<16xi32>,
      %swap3A_274 = arith.constant 32 : index
      %swap3A_275 = tpu.vector_load %arg13[%swap3A_274] {strides = array<i32>} : memref<80xi32, #tpu.memory_space<vmem>>, vector<16xi32>,
      tpu.vector_store %arg13[%swap3A_274], %get3A_273 {strides = array<i32>} : memref<80xi32, #tpu.memory_space<vmem>>, vector<16xi32>,
      %get3A_276 = arith.constant 48 : index
      %get3A_277 = tpu.vector_load %arg10[%get3A_276] {strides = array<i32>} : memref<80xi32, #tpu.memory_space<vmem>>, vector<16xi32>,
      %swap3A_278 = arith.constant 48 : index
      %swap3A_279 = tpu.vector_load %arg13[%swap3A_278] {strides = array<i32>} : memref<80xi32, #tpu.memory_space<vmem>>, vector<16xi32>,
      tpu.vector_store %arg13[%swap3A_278], %get3A_277 {strides = array<i32>} : memref<80xi32, #tpu.memory_space<vmem>>, vector<16xi32>,
      %get3A_280 = arith.constant 64 : index
      %get3A_281 = tpu.vector_load %arg10[%get3A_280] {strides = array<i32>} : memref<80xi32, #tpu.memory_space<vmem>>, vector<16xi32>,
      %swap3A_282 = arith.constant 64 : index
      %swap3A_283 = tpu.vector_load %arg13[%swap3A_282] {strides = array<i32>} : memref<80xi32, #tpu.memory_space<vmem>>, vector<16xi32>,
      tpu.vector_store %arg13[%swap3A_282], %get3A_281 {strides = array<i32>} : memref<80xi32, #tpu.memory_space<vmem>>, vector<16xi32>,
      %lt3A = arith.constant 124 : i32
      %lt3A_284 = arith.cmpi slt, %scan3A_201, %lt3A : i32
      %convert_element_type3A_285 = arith.extui %lt3A_284 : i1 to i32
      %cond3A_286 = arith.constant 0 : i32
      %cond3A_287 = arith.cmpi ne, %convert_element_type3A_285, %cond3A_286 : i32
      scf.if %cond3A_287 {
        %add3A_307 = arith.constant 1 : i32
        %add3A_308 = arith.addi %scan3A_201, %add3A_307 : i32
        %mul3A_309 = arith.constant 80 : i32
        %mul3A_310 = arith.muli %add3A_308, %mul3A_309 : i32
        %add3A_311 = arith.addi %mul3A_153, %mul3A_310 : i32
        %dma_start3A_312 = tpu.memref_slice %arg3[%add3A_311] : memref<320000xi32, #tpu.memory_space<hbm>> -> memref<80xi32, #tpu.memory_space<hbm>>
        %dma_start3A_313 = tpu.memref_slice %arg3[%add3A_311] : memref<320000xi32, #tpu.memory_space<hbm>> -> memref<80xi32, #tpu.memory_space<hbm>>
        tpu.enqueue_dma source(%dma_start3A_313 : memref<80xi32, #tpu.memory_space<hbm>>) target(%arg9 : memref<80xi32, #tpu.memory_space<vmem>>) target_semaphore(%arg24 : memref<!tpu.dma_semaphore, #tpu.memory_space<semaphore_mem>>)
        %dma_start3A_314 = tpu.memref_slice %arg4[%add3A_311] : memref<320000xi32, #tpu.memory_space<hbm>> -> memref<80xi32, #tpu.memory_space<hbm>>
        %dma_start3A_315 = tpu.memref_slice %arg4[%add3A_311] : memref<320000xi32, #tpu.memory_space<hbm>> -> memref<80xi32, #tpu.memory_space<hbm>>
        tpu.enqueue_dma source(%dma_start3A_315 : memref<80xi32, #tpu.memory_space<hbm>>) target(%arg10 : memref<80xi32, #tpu.memory_space<vmem>>) target_semaphore(%arg24 : memref<!tpu.dma_semaphore, #tpu.memory_space<semaphore_mem>>)
        %dma_start3A_316 = tpu.memref_slice %arg5[%add3A_311] : memref<320000xi32, #tpu.memory_space<hbm>> -> memref<80xi32, #tpu.memory_space<hbm>>
        %dma_start3A_317 = tpu.memref_slice %arg5[%add3A_311] : memref<320000xi32, #tpu.memory_space<hbm>> -> memref<80xi32, #tpu.memory_space<hbm>>
        tpu.enqueue_dma source(%dma_start3A_317 : memref<80xi32, #tpu.memory_space<hbm>>) target(%arg11 : memref<80xi32, #tpu.memory_space<vmem>>) target_semaphore(%arg24 : memref<!tpu.dma_semaphore, #tpu.memory_space<semaphore_mem>>)
      } else {
      }
      %parallel_loop3A_288 = arith.constant 0 : i32
      %parallel_loop3A_289 = arith.constant 40 : i32
      %parallel_loop3A_290 = arith.constant 1 : i32
      scf.for %parallel_loop3A_307 = %parallel_loop3A_288 to %parallel_loop3A_289 step %parallel_loop3A_290  : i32 {
        %parallel_loop3A_308 = vector.broadcast %parallel_loop3A_307 : i32 to vector<16xi32>
        %parallel_loop3A_309 = tpu.vector_load_idx %arg14[%parallel_loop3A_308] : memref<80xf32, #tpu.memory_space<vmem>>[vector<16xi32>], vector<16xf32>,
        %parallel_loop3A_310 = arith.index_cast %parallel_loop3A_307 : i32 to index
        %parallel_loop3A_311 = arith.constant 0 : index
        %parallel_loop3A_312 = tpu.vector_load %arg17[%parallel_loop3A_310, %parallel_loop3A_311] {strides = array<i32>} : memref<80x128xf32, #tpu.memory_space<vmem>>, vector<16xf32>,
        %parallel_loop3A_313 = arith.mulf %parallel_loop3A_312, %parallel_loop3A_309 : vector<16xf32>
        %parallel_loop3A_314 = arith.index_cast %parallel_loop3A_307 : i32 to index
        %parallel_loop3A_315 = arith.constant 0 : index
        %parallel_loop3A_316 = tpu.vector_load %arg19[%parallel_loop3A_314, %parallel_loop3A_315] {strides = array<i32>} : memref<80x128xf32, #tpu.memory_space<vmem>>, vector<16xf32>,
        tpu.vector_store %arg19[%parallel_loop3A_314, %parallel_loop3A_315], %parallel_loop3A_313 {strides = array<i32>} : memref<80x128xf32, #tpu.memory_space<vmem>>, vector<16xf32>,
        %parallel_loop3A_317 = arith.index_cast %parallel_loop3A_307 : i32 to index
        %parallel_loop3A_318 = arith.constant 16 : index
        %parallel_loop3A_319 = tpu.vector_load %arg17[%parallel_loop3A_317, %parallel_loop3A_318] {strides = array<i32>} : memref<80x128xf32, #tpu.memory_space<vmem>>, vector<16xf32>,
        %parallel_loop3A_320 = arith.mulf %parallel_loop3A_319, %parallel_loop3A_309 : vector<16xf32>
        %parallel_loop3A_321 = arith.index_cast %parallel_loop3A_307 : i32 to index
        %parallel_loop3A_322 = arith.constant 16 : index
        %parallel_loop3A_323 = tpu.vector_load %arg19[%parallel_loop3A_321, %parallel_loop3A_322] {strides = array<i32>} : memref<80x128xf32, #tpu.memory_space<vmem>>, vector<16xf32>,
        tpu.vector_store %arg19[%parallel_loop3A_321, %parallel_loop3A_322], %parallel_loop3A_320 {strides = array<i32>} : memref<80x128xf32, #tpu.memory_space<vmem>>, vector<16xf32>,
        %parallel_loop3A_324 = arith.index_cast %parallel_loop3A_307 : i32 to index
        %parallel_loop3A_325 = arith.constant 32 : index
        %parallel_loop3A_326 = tpu.vector_load %arg17[%parallel_loop3A_324, %parallel_loop3A_325] {strides = array<i32>} : memref<80x128xf32, #tpu.memory_space<vmem>>, vector<16xf32>,
        %parallel_loop3A_327 = arith.mulf %parallel_loop3A_326, %parallel_loop3A_309 : vector<16xf32>
        %parallel_loop3A_328 = arith.index_cast %parallel_loop3A_307 : i32 to index
        %parallel_loop3A_329 = arith.constant 32 : index
        %parallel_loop3A_330 = tpu.vector_load %arg19[%parallel_loop3A_328, %parallel_loop3A_329] {strides = array<i32>} : memref<80x128xf32, #tpu.memory_space<vmem>>, vector<16xf32>,
        tpu.vector_store %arg19[%parallel_loop3A_328, %parallel_loop3A_329], %parallel_loop3A_327 {strides = array<i32>} : memref<80x128xf32, #tpu.memory_space<vmem>>, vector<16xf32>,
        %parallel_loop3A_331 = arith.index_cast %parallel_loop3A_307 : i32 to index
        %parallel_loop3A_332 = arith.constant 48 : index
        %parallel_loop3A_333 = tpu.vector_load %arg17[%parallel_loop3A_331, %parallel_loop3A_332] {strides = array<i32>} : memref<80x128xf32, #tpu.memory_space<vmem>>, vector<16xf32>,
        %parallel_loop3A_334 = arith.mulf %parallel_loop3A_333, %parallel_loop3A_309 : vector<16xf32>
        %parallel_loop3A_335 = arith.index_cast %parallel_loop3A_307 : i32 to index
        %parallel_loop3A_336 = arith.constant 48 : index
        %parallel_loop3A_337 = tpu.vector_load %arg19[%parallel_loop3A_335, %parallel_loop3A_336] {strides = array<i32>} : memref<80x128xf32, #tpu.memory_space<vmem>>, vector<16xf32>,
        tpu.vector_store %arg19[%parallel_loop3A_335, %parallel_loop3A_336], %parallel_loop3A_334 {strides = array<i32>} : memref<80x128xf32, #tpu.memory_space<vmem>>, vector<16xf32>,
        %parallel_loop3A_338 = arith.index_cast %parallel_loop3A_307 : i32 to index
        %parallel_loop3A_339 = arith.constant 64 : index
        %parallel_loop3A_340 = tpu.vector_load %arg17[%parallel_loop3A_338, %parallel_loop3A_339] {strides = array<i32>} : memref<80x128xf32, #tpu.memory_space<vmem>>, vector<16xf32>,
        %parallel_loop3A_341 = arith.mulf %parallel_loop3A_340, %parallel_loop3A_309 : vector<16xf32>
        %parallel_loop3A_342 = arith.index_cast %parallel_loop3A_307 : i32 to index
        %parallel_loop3A_343 = arith.constant 64 : index
        %parallel_loop3A_344 = tpu.vector_load %arg19[%parallel_loop3A_342, %parallel_loop3A_343] {strides = array<i32>} : memref<80x128xf32, #tpu.memory_space<vmem>>, vector<16xf32>,
        tpu.vector_store %arg19[%parallel_loop3A_342, %parallel_loop3A_343], %parallel_loop3A_341 {strides = array<i32>} : memref<80x128xf32, #tpu.memory_space<vmem>>, vector<16xf32>,
        %parallel_loop3A_345 = arith.index_cast %parallel_loop3A_307 : i32 to index
        %parallel_loop3A_346 = arith.constant 80 : index
        %parallel_loop3A_347 = tpu.vector_load %arg17[%parallel_loop3A_345, %parallel_loop3A_346] {strides = array<i32>} : memref<80x128xf32, #tpu.memory_space<vmem>>, vector<16xf32>,
        %parallel_loop3A_348 = arith.mulf %parallel_loop3A_347, %parallel_loop3A_309 : vector<16xf32>
        %parallel_loop3A_349 = arith.index_cast %parallel_loop3A_307 : i32 to index
        %parallel_loop3A_350 = arith.constant 80 : index
        %parallel_loop3A_351 = tpu.vector_load %arg19[%parallel_loop3A_349, %parallel_loop3A_350] {strides = array<i32>} : memref<80x128xf32, #tpu.memory_space<vmem>>, vector<16xf32>,
        tpu.vector_store %arg19[%parallel_loop3A_349, %parallel_loop3A_350], %parallel_loop3A_348 {strides = array<i32>} : memref<80x128xf32, #tpu.memory_space<vmem>>, vector<16xf32>,
        %parallel_loop3A_352 = arith.index_cast %parallel_loop3A_307 : i32 to index
        %parallel_loop3A_353 = arith.constant 96 : index
        %parallel_loop3A_354 = tpu.vector_load %arg17[%parallel_loop3A_352, %parallel_loop3A_353] {strides = array<i32>} : memref<80x128xf32, #tpu.memory_space<vmem>>, vector<16xf32>,
        %parallel_loop3A_355 = arith.mulf %parallel_loop3A_354, %parallel_loop3A_309 : vector<16xf32>
        %parallel_loop3A_356 = arith.index_cast %parallel_loop3A_307 : i32 to index
        %parallel_loop3A_357 = arith.constant 96 : index
        %parallel_loop3A_358 = tpu.vector_load %arg19[%parallel_loop3A_356, %parallel_loop3A_357] {strides = array<i32>} : memref<80x128xf32, #tpu.memory_space<vmem>>, vector<16xf32>,
        tpu.vector_store %arg19[%parallel_loop3A_356, %parallel_loop3A_357], %parallel_loop3A_355 {strides = array<i32>} : memref<80x128xf32, #tpu.memory_space<vmem>>, vector<16xf32>,
        %parallel_loop3A_359 = arith.index_cast %parallel_loop3A_307 : i32 to index
        %parallel_loop3A_360 = arith.constant 112 : index
        %parallel_loop3A_361 = tpu.vector_load %arg17[%parallel_loop3A_359, %parallel_loop3A_360] {strides = array<i32>} : memref<80x128xf32, #tpu.memory_space<vmem>>, vector<16xf32>,
        %parallel_loop3A_362 = arith.mulf %parallel_loop3A_361, %parallel_loop3A_309 : vector<16xf32>
        %parallel_loop3A_363 = arith.index_cast %parallel_loop3A_307 : i32 to index
        %parallel_loop3A_364 = arith.constant 112 : index
        %parallel_loop3A_365 = tpu.vector_load %arg19[%parallel_loop3A_363, %parallel_loop3A_364] {strides = array<i32>} : memref<80x128xf32, #tpu.memory_space<vmem>>, vector<16xf32>,
        tpu.vector_store %arg19[%parallel_loop3A_363, %parallel_loop3A_364], %parallel_loop3A_362 {strides = array<i32>} : memref<80x128xf32, #tpu.memory_space<vmem>>, vector<16xf32>,
      } {sc.loop_unroll_factor = 4 : i64, sc.parallel_access}
      %lt3A_291 = arith.constant 124 : i32
      %lt3A_292 = arith.cmpi slt, %scan3A_201, %lt3A_291 : i32
      %convert_element_type3A_293 = arith.extui %lt3A_292 : i1 to i32
      %cond3A_294 = arith.constant 0 : i32
      %cond3A_295 = arith.cmpi ne, %convert_element_type3A_293, %cond3A_294 : i32
      scf.if %cond3A_295 {
        %add3A_307 = arith.constant 1 : i32
        %add3A_308 = arith.addi %scan3A_201, %add3A_307 : i32
        %mul3A_309 = arith.constant 80 : i32
        %mul3A_310 = arith.muli %add3A_308, %mul3A_309 : i32
        %add3A_311 = arith.addi %mul3A_153, %mul3A_310 : i32
        %dma_wait3A_312 = tpu.memref_slice %arg3[%add3A_311] : memref<320000xi32, #tpu.memory_space<hbm>> -> memref<80xi32, #tpu.memory_space<hbm>>
        %dma_wait3A_313 = tpu.memref_slice %arg3[%add3A_311] : memref<320000xi32, #tpu.memory_space<hbm>> -> memref<80xi32, #tpu.memory_space<hbm>>
        tpu.wait_dma2 semaphore(%arg24 : memref<!tpu.dma_semaphore, #tpu.memory_space<semaphore_mem>>) src(%dma_wait3A_313 : memref<80xi32, #tpu.memory_space<hbm>>) dst(%arg9 : memref<80xi32, #tpu.memory_space<vmem>>)
        %dma_wait3A_314 = tpu.memref_slice %arg4[%add3A_311] : memref<320000xi32, #tpu.memory_space<hbm>> -> memref<80xi32, #tpu.memory_space<hbm>>
        %dma_wait3A_315 = tpu.memref_slice %arg4[%add3A_311] : memref<320000xi32, #tpu.memory_space<hbm>> -> memref<80xi32, #tpu.memory_space<hbm>>
        tpu.wait_dma2 semaphore(%arg24 : memref<!tpu.dma_semaphore, #tpu.memory_space<semaphore_mem>>) src(%dma_wait3A_315 : memref<80xi32, #tpu.memory_space<hbm>>) dst(%arg10 : memref<80xi32, #tpu.memory_space<vmem>>)
        %dma_wait3A_316 = tpu.memref_slice %arg5[%add3A_311] : memref<320000xi32, #tpu.memory_space<hbm>> -> memref<80xi32, #tpu.memory_space<hbm>>
        %dma_wait3A_317 = tpu.memref_slice %arg5[%add3A_311] : memref<320000xi32, #tpu.memory_space<hbm>> -> memref<80xi32, #tpu.memory_space<hbm>>
        tpu.wait_dma2 semaphore(%arg24 : memref<!tpu.dma_semaphore, #tpu.memory_space<semaphore_mem>>) src(%dma_wait3A_317 : memref<80xi32, #tpu.memory_space<hbm>>) dst(%arg11 : memref<80xi32, #tpu.memory_space<vmem>>)
        %dma_start3A_318 = arith.constant 0 : i32
        %dma_start3A_319 = arith.constant 0 : i32
        %dma_start3A_320 = tpu.memref_slice %arg2[%dma_start3A_318, %dma_start3A_319] : memref<10000x128xf32, #tpu.memory_space<hbm>> -> memref<10000x128xf32, #tpu.memory_space<hbm>>
        tpu.enqueue_indirect_dma source(%dma_start3A_320 : memref<10000x128xf32, #tpu.memory_space<hbm>>) target(%arg16 : memref<80x128xf32, #tpu.memory_space<vmem>>) offsets(%arg10 : memref<80xi32, #tpu.memory_space<vmem>>) semaphore(%arg20 : memref<!tpu.dma_semaphore, #tpu.memory_space<semaphore_mem>>)
      } else {
      }
      %parallel_loop3A_296 = arith.constant 40 : i32
      %parallel_loop3A_297 = arith.constant 80 : i32
      %parallel_loop3A_298 = arith.constant 1 : i32
      scf.for %parallel_loop3A_307 = %parallel_loop3A_296 to %parallel_loop3A_297 step %parallel_loop3A_298  : i32 {
        %parallel_loop3A_308 = vector.broadcast %parallel_loop3A_307 : i32 to vector<16xi32>
        %parallel_loop3A_309 = tpu.vector_load_idx %arg14[%parallel_loop3A_308] : memref<80xf32, #tpu.memory_space<vmem>>[vector<16xi32>], vector<16xf32>,
        %parallel_loop3A_310 = arith.index_cast %parallel_loop3A_307 : i32 to index
        %parallel_loop3A_311 = arith.constant 0 : index
        %parallel_loop3A_312 = tpu.vector_load %arg17[%parallel_loop3A_310, %parallel_loop3A_311] {strides = array<i32>} : memref<80x128xf32, #tpu.memory_space<vmem>>, vector<16xf32>,
        %parallel_loop3A_313 = arith.mulf %parallel_loop3A_312, %parallel_loop3A_309 : vector<16xf32>
        %parallel_loop3A_314 = arith.index_cast %parallel_loop3A_307 : i32 to index
        %parallel_loop3A_315 = arith.constant 0 : index
        %parallel_loop3A_316 = tpu.vector_load %arg19[%parallel_loop3A_314, %parallel_loop3A_315] {strides = array<i32>} : memref<80x128xf32, #tpu.memory_space<vmem>>, vector<16xf32>,
        tpu.vector_store %arg19[%parallel_loop3A_314, %parallel_loop3A_315], %parallel_loop3A_313 {strides = array<i32>} : memref<80x128xf32, #tpu.memory_space<vmem>>, vector<16xf32>,
        %parallel_loop3A_317 = arith.index_cast %parallel_loop3A_307 : i32 to index
        %parallel_loop3A_318 = arith.constant 16 : index
        %parallel_loop3A_319 = tpu.vector_load %arg17[%parallel_loop3A_317, %parallel_loop3A_318] {strides = array<i32>} : memref<80x128xf32, #tpu.memory_space<vmem>>, vector<16xf32>,
        %parallel_loop3A_320 = arith.mulf %parallel_loop3A_319, %parallel_loop3A_309 : vector<16xf32>
        %parallel_loop3A_321 = arith.index_cast %parallel_loop3A_307 : i32 to index
        %parallel_loop3A_322 = arith.constant 16 : index
        %parallel_loop3A_323 = tpu.vector_load %arg19[%parallel_loop3A_321, %parallel_loop3A_322] {strides = array<i32>} : memref<80x128xf32, #tpu.memory_space<vmem>>, vector<16xf32>,
        tpu.vector_store %arg19[%parallel_loop3A_321, %parallel_loop3A_322], %parallel_loop3A_320 {strides = array<i32>} : memref<80x128xf32, #tpu.memory_space<vmem>>, vector<16xf32>,
        %parallel_loop3A_324 = arith.index_cast %parallel_loop3A_307 : i32 to index
        %parallel_loop3A_325 = arith.constant 32 : index
        %parallel_loop3A_326 = tpu.vector_load %arg17[%parallel_loop3A_324, %parallel_loop3A_325] {strides = array<i32>} : memref<80x128xf32, #tpu.memory_space<vmem>>, vector<16xf32>,
        %parallel_loop3A_327 = arith.mulf %parallel_loop3A_326, %parallel_loop3A_309 : vector<16xf32>
        %parallel_loop3A_328 = arith.index_cast %parallel_loop3A_307 : i32 to index
        %parallel_loop3A_329 = arith.constant 32 : index
        %parallel_loop3A_330 = tpu.vector_load %arg19[%parallel_loop3A_328, %parallel_loop3A_329] {strides = array<i32>} : memref<80x128xf32, #tpu.memory_space<vmem>>, vector<16xf32>,
        tpu.vector_store %arg19[%parallel_loop3A_328, %parallel_loop3A_329], %parallel_loop3A_327 {strides = array<i32>} : memref<80x128xf32, #tpu.memory_space<vmem>>, vector<16xf32>,
        %parallel_loop3A_331 = arith.index_cast %parallel_loop3A_307 : i32 to index
        %parallel_loop3A_332 = arith.constant 48 : index
        %parallel_loop3A_333 = tpu.vector_load %arg17[%parallel_loop3A_331, %parallel_loop3A_332] {strides = array<i32>} : memref<80x128xf32, #tpu.memory_space<vmem>>, vector<16xf32>,
        %parallel_loop3A_334 = arith.mulf %parallel_loop3A_333, %parallel_loop3A_309 : vector<16xf32>
        %parallel_loop3A_335 = arith.index_cast %parallel_loop3A_307 : i32 to index
        %parallel_loop3A_336 = arith.constant 48 : index
        %parallel_loop3A_337 = tpu.vector_load %arg19[%parallel_loop3A_335, %parallel_loop3A_336] {strides = array<i32>} : memref<80x128xf32, #tpu.memory_space<vmem>>, vector<16xf32>,
        tpu.vector_store %arg19[%parallel_loop3A_335, %parallel_loop3A_336], %parallel_loop3A_334 {strides = array<i32>} : memref<80x128xf32, #tpu.memory_space<vmem>>, vector<16xf32>,
        %parallel_loop3A_338 = arith.index_cast %parallel_loop3A_307 : i32 to index
        %parallel_loop3A_339 = arith.constant 64 : index
        %parallel_loop3A_340 = tpu.vector_load %arg17[%parallel_loop3A_338, %parallel_loop3A_339] {strides = array<i32>} : memref<80x128xf32, #tpu.memory_space<vmem>>, vector<16xf32>,
        %parallel_loop3A_341 = arith.mulf %parallel_loop3A_340, %parallel_loop3A_309 : vector<16xf32>
        %parallel_loop3A_342 = arith.index_cast %parallel_loop3A_307 : i32 to index
        %parallel_loop3A_343 = arith.constant 64 : index
        %parallel_loop3A_344 = tpu.vector_load %arg19[%parallel_loop3A_342, %parallel_loop3A_343] {strides = array<i32>} : memref<80x128xf32, #tpu.memory_space<vmem>>, vector<16xf32>,
        tpu.vector_store %arg19[%parallel_loop3A_342, %parallel_loop3A_343], %parallel_loop3A_341 {strides = array<i32>} : memref<80x128xf32, #tpu.memory_space<vmem>>, vector<16xf32>,
        %parallel_loop3A_345 = arith.index_cast %parallel_loop3A_307 : i32 to index
        %parallel_loop3A_346 = arith.constant 80 : index
        %parallel_loop3A_347 = tpu.vector_load %arg17[%parallel_loop3A_345, %parallel_loop3A_346] {strides = array<i32>} : memref<80x128xf32, #tpu.memory_space<vmem>>, vector<16xf32>,
        %parallel_loop3A_348 = arith.mulf %parallel_loop3A_347, %parallel_loop3A_309 : vector<16xf32>
        %parallel_loop3A_349 = arith.index_cast %parallel_loop3A_307 : i32 to index
        %parallel_loop3A_350 = arith.constant 80 : index
        %parallel_loop3A_351 = tpu.vector_load %arg19[%parallel_loop3A_349, %parallel_loop3A_350] {strides = array<i32>} : memref<80x128xf32, #tpu.memory_space<vmem>>, vector<16xf32>,
        tpu.vector_store %arg19[%parallel_loop3A_349, %parallel_loop3A_350], %parallel_loop3A_348 {strides = array<i32>} : memref<80x128xf32, #tpu.memory_space<vmem>>, vector<16xf32>,
        %parallel_loop3A_352 = arith.index_cast %parallel_loop3A_307 : i32 to index
        %parallel_loop3A_353 = arith.constant 96 : index
        %parallel_loop3A_354 = tpu.vector_load %arg17[%parallel_loop3A_352, %parallel_loop3A_353] {strides = array<i32>} : memref<80x128xf32, #tpu.memory_space<vmem>>, vector<16xf32>,
        %parallel_loop3A_355 = arith.mulf %parallel_loop3A_354, %parallel_loop3A_309 : vector<16xf32>
        %parallel_loop3A_356 = arith.index_cast %parallel_loop3A_307 : i32 to index
        %parallel_loop3A_357 = arith.constant 96 : index
        %parallel_loop3A_358 = tpu.vector_load %arg19[%parallel_loop3A_356, %parallel_loop3A_357] {strides = array<i32>} : memref<80x128xf32, #tpu.memory_space<vmem>>, vector<16xf32>,
        tpu.vector_store %arg19[%parallel_loop3A_356, %parallel_loop3A_357], %parallel_loop3A_355 {strides = array<i32>} : memref<80x128xf32, #tpu.memory_space<vmem>>, vector<16xf32>,
        %parallel_loop3A_359 = arith.index_cast %parallel_loop3A_307 : i32 to index
        %parallel_loop3A_360 = arith.constant 112 : index
        %parallel_loop3A_361 = tpu.vector_load %arg17[%parallel_loop3A_359, %parallel_loop3A_360] {strides = array<i32>} : memref<80x128xf32, #tpu.memory_space<vmem>>, vector<16xf32>,
        %parallel_loop3A_362 = arith.mulf %parallel_loop3A_361, %parallel_loop3A_309 : vector<16xf32>
        %parallel_loop3A_363 = arith.index_cast %parallel_loop3A_307 : i32 to index
        %parallel_loop3A_364 = arith.constant 112 : index
        %parallel_loop3A_365 = tpu.vector_load %arg19[%parallel_loop3A_363, %parallel_loop3A_364] {strides = array<i32>} : memref<80x128xf32, #tpu.memory_space<vmem>>, vector<16xf32>,
        tpu.vector_store %arg19[%parallel_loop3A_363, %parallel_loop3A_364], %parallel_loop3A_362 {strides = array<i32>} : memref<80x128xf32, #tpu.memory_space<vmem>>, vector<16xf32>,
      } {sc.loop_unroll_factor = 4 : i64, sc.parallel_access}
      %dma_start3A_299 = arith.constant 0 : i32
      %dma_start3A_300 = arith.constant 0 : i32
      %dma_start3A_301 = tpu.memref_slice %arg8[%dma_start3A_299, %dma_start3A_300] : memref<10000x128xf32, #tpu.memory_space<vmem_shared>> -> memref<10000x128xf32, #tpu.memory_space<vmem_shared>>
      tpu.enqueue_indirect_dma source(%arg19 : memref<80x128xf32, #tpu.memory_space<vmem>>) target(%dma_start3A_301 : memref<10000x128xf32, #tpu.memory_space<vmem_shared>>) offsets(%arg13 : memref<80xi32, #tpu.memory_space<vmem>>) semaphore(%arg23 : memref<!tpu.dma_semaphore, #tpu.memory_space<semaphore_mem>>) {add = true}
      %lt3A_302 = arith.constant 124 : i32
      %lt3A_303 = arith.cmpi slt, %scan3A_201, %lt3A_302 : i32
      %convert_element_type3A_304 = arith.extui %lt3A_303 : i1 to i32
      %cond3A_305 = arith.constant 0 : i32
      %cond3A_306 = arith.cmpi ne, %convert_element_type3A_304, %cond3A_305 : i32
      scf.if %cond3A_306 {
        %dma_start3A_307 = arith.constant 0 : i32
        %dma_start3A_308 = arith.constant 0 : i32
        %dma_start3A_309 = tpu.memref_slice %arg2[%dma_start3A_307, %dma_start3A_308] : memref<10000x128xf32, #tpu.memory_space<hbm>> -> memref<10000x128xf32, #tpu.memory_space<hbm>>
        tpu.enqueue_indirect_dma source(%dma_start3A_309 : memref<10000x128xf32, #tpu.memory_space<hbm>>) target(%arg17 : memref<80x128xf32, #tpu.memory_space<vmem>>) offsets(%arg9 : memref<80xi32, #tpu.memory_space<vmem>>) semaphore(%arg21 : memref<!tpu.dma_semaphore, #tpu.memory_space<semaphore_mem>>)
      } else {
      }
    }
    %scan3A_181 = arith.constant 125 : i32
    %dma_wait3A_182 = arith.constant 0 : i32
    %dma_wait3A_183 = arith.constant 0 : i32
    %dma_wait3A_184 = tpu.memref_slice %arg8[%dma_wait3A_182, %dma_wait3A_183] : memref<10000x128xf32, #tpu.memory_space<vmem_shared>> -> memref<10000x128xf32, #tpu.memory_space<vmem_shared>>
    tpu.wait_indirect_dma semaphore(%arg22 : memref<!tpu.dma_semaphore, #tpu.memory_space<semaphore_mem>>) src(%arg18 : memref<80x128xf32, #tpu.memory_space<vmem>>) dst(%dma_wait3A_184 : memref<10000x128xf32, #tpu.memory_space<vmem_shared>>)
    %dma_wait3A_185 = arith.constant 0 : i32
    %dma_wait3A_186 = arith.constant 0 : i32
    %dma_wait3A_187 = tpu.memref_slice %arg8[%dma_wait3A_185, %dma_wait3A_186] : memref<10000x128xf32, #tpu.memory_space<vmem_shared>> -> memref<10000x128xf32, #tpu.memory_space<vmem_shared>>
    tpu.wait_indirect_dma semaphore(%arg23 : memref<!tpu.dma_semaphore, #tpu.memory_space<semaphore_mem>>) src(%arg19 : memref<80x128xf32, #tpu.memory_space<vmem>>) dst(%dma_wait3A_187 : memref<10000x128xf32, #tpu.memory_space<vmem_shared>>)
    %barrier3A_188 = arith.constant 0 : index
    tpu.barrier barrier_id(%barrier3A_188)
    %mul3A_189 = arith.constant 624 : i32
    %mul3A_190 = arith.muli %arg1, %mul3A_189 : i32
    %mul3A_191 = arith.constant 10000 : i32
    %mul3A_192 = arith.muli %arg0, %mul3A_191 : i32
    %mul3A_193 = arith.constant 624 : i32
    %mul3A_194 = arith.muli %arg1, %mul3A_193 : i32
    %add3A_195 = arith.addi %mul3A_192, %mul3A_194 : i32
    "tpu.region"() ({
      %run_scoped3A = tpu.sem_alloc : memref<!tpu.dma_semaphore, #tpu.memory_space<semaphore_mem>>
      %dma_start3A_201 = arith.constant 0 : i32
      %dma_start3A_202 = tpu.memref_slice %arg7[%add3A_195, %dma_start3A_201] : memref<20000x128xf32, #tpu.memory_space<hbm>> -> memref<624x128xf32, #tpu.memory_space<hbm>>
      %dma_start3A_203 = arith.constant 0 : i32
      %dma_start3A_204 = tpu.memref_slice %arg8[%mul3A_190, %dma_start3A_203] : memref<10000x128xf32, #tpu.memory_space<vmem_shared>> -> memref<624x128xf32, #tpu.memory_space<vmem_shared>>
      tpu.enqueue_dma source(%dma_start3A_204 : memref<624x128xf32, #tpu.memory_space<vmem_shared>>) target(%dma_start3A_202 : memref<624x128xf32, #tpu.memory_space<hbm>>) target_semaphore(%run_scoped3A : memref<!tpu.dma_semaphore, #tpu.memory_space<semaphore_mem>>)
      %dma_wait3A_205 = arith.constant 0 : i32
      %dma_wait3A_206 = tpu.memref_slice %arg7[%add3A_195, %dma_wait3A_205] : memref<20000x128xf32, #tpu.memory_space<hbm>> -> memref<624x128xf32, #tpu.memory_space<hbm>>
      %dma_wait3A_207 = arith.constant 0 : i32
      %dma_wait3A_208 = tpu.memref_slice %arg8[%mul3A_190, %dma_wait3A_207] : memref<10000x128xf32, #tpu.memory_space<vmem_shared>> -> memref<624x128xf32, #tpu.memory_space<vmem_shared>>
      tpu.wait_dma2 semaphore(%run_scoped3A : memref<!tpu.dma_semaphore, #tpu.memory_space<semaphore_mem>>) src(%dma_wait3A_208 : memref<624x128xf32, #tpu.memory_space<vmem_shared>>) dst(%dma_wait3A_206 : memref<624x128xf32, #tpu.memory_space<hbm>>)
      tpu.yield
    }) : () -> ()
    %eq3A_196 = arith.constant 0 : i32
    %eq3A_197 = arith.cmpi eq, %arg1, %eq3A_196 : i32
    %convert_element_type3A_198 = arith.extui %eq3A_197 : i1 to i32
    %cond3A_199 = arith.constant 0 : i32
    %cond3A_200 = arith.cmpi ne, %convert_element_type3A_198, %cond3A_199 : i32
    scf.if %cond3A_200 {
      %mul3A_201 = arith.constant 10000 : i32
      %mul3A_202 = arith.muli %arg0, %mul3A_201 : i32
      %add3A_203 = arith.constant 9984 : i32
      %add3A_204 = arith.addi %mul3A_202, %add3A_203 : i32
      "tpu.region"() ({
        %run_scoped3A = tpu.sem_alloc : memref<!tpu.dma_semaphore, #tpu.memory_space<semaphore_mem>>
        %dma_start3A_205 = arith.constant 0 : i32
        %dma_start3A_206 = tpu.memref_slice %arg7[%add3A_204, %dma_start3A_205] : memref<20000x128xf32, #tpu.memory_space<hbm>> -> memref<16x128xf32, #tpu.memory_space<hbm>>
        %dma_start3A_207 = arith.constant 9984 : i32
        %dma_start3A_208 = arith.constant 0 : i32
        %dma_start3A_209 = tpu.memref_slice %arg8[%dma_start3A_207, %dma_start3A_208] : memref<10000x128xf32, #tpu.memory_space<vmem_shared>> -> memref<16x128xf32, #tpu.memory_space<vmem_shared>>
        tpu.enqueue_dma source(%dma_start3A_209 : memref<16x128xf32, #tpu.memory_space<vmem_shared>>) target(%dma_start3A_206 : memref<16x128xf32, #tpu.memory_space<hbm>>) target_semaphore(%run_scoped3A : memref<!tpu.dma_semaphore, #tpu.memory_space<semaphore_mem>>)
        %dma_wait3A_210 = arith.constant 0 : i32
        %dma_wait3A_211 = tpu.memref_slice %arg7[%add3A_204, %dma_wait3A_210] : memref<20000x128xf32, #tpu.memory_space<hbm>> -> memref<16x128xf32, #tpu.memory_space<hbm>>
        %dma_wait3A_212 = arith.constant 9984 : i32
        %dma_wait3A_213 = arith.constant 0 : i32
        %dma_wait3A_214 = tpu.memref_slice %arg8[%dma_wait3A_212, %dma_wait3A_213] : memref<10000x128xf32, #tpu.memory_space<vmem_shared>> -> memref<16x128xf32, #tpu.memory_space<vmem_shared>>
        tpu.wait_dma2 semaphore(%run_scoped3A : memref<!tpu.dma_semaphore, #tpu.memory_space<semaphore_mem>>) src(%dma_wait3A_214 : memref<16x128xf32, #tpu.memory_space<vmem_shared>>) dst(%dma_wait3A_211 : memref<16x128xf32, #tpu.memory_space<hbm>>)
        tpu.yield
      }) : () -> ()
    } else {
    }
    return
  }
}

#map = affine_map<(d0, d1) -> (0, 0)>
#map1 = affine_map<(d0, d1) -> (0)>
module attributes {stable_mosaic.version = 14 : i64} {
  func.func @k(%arg0: i32, %arg1: i32, %arg2: memref<10000x128xf32, #tpu.memory_space<hbm>>, %arg3: memref<237x128xf32, #tpu.memory_space<hbm>>, %arg4: memref<1024xi32, #tpu.memory_space<hbm>>, %arg5: memref<1024xi32, #tpu.memory_space<hbm>>, %arg6: memref<8192xi32, #tpu.memory_space<hbm>>, %arg7: memref<1024x128xf32, #tpu.memory_space<hbm>>, %arg8: memref<1024x128xf32, #tpu.memory_space<hbm>>, %arg9: memref<8192x128xf32, #tpu.memory_space<hbm>>, %arg10: memref<32xi32, #tpu.memory_space<vmem>>, %arg11: memref<32xi32, #tpu.memory_space<vmem>>, %arg12: memref<256xi32, #tpu.memory_space<vmem>>, %arg13: memref<32x128xf32, #tpu.memory_space<vmem>>, %arg14: memref<32x128xf32, #tpu.memory_space<vmem>>, %arg15: memref<256x128xf32, #tpu.memory_space<vmem>>, %arg16: memref<!tpu.dma_semaphore, #tpu.memory_space<semaphore_mem>>, %arg17: memref<!tpu.dma_semaphore, #tpu.memory_space<semaphore_mem>>, %arg18: memref<!tpu.dma_semaphore, #tpu.memory_space<semaphore_mem>>) attributes {dimension_semantics = [#tpu.dimension_semantics<core_parallel>, #tpu.dimension_semantics<subcore_parallel>], iteration_bounds = array<i64: 2, 16>, scalar_prefetch = 0 : i64, scratch_operands = 9 : i64, tpu.core_type = #tpu.core_type<sc_vector_subcore>, window_params = [{transform_indices = #map}, {transform_indices = #map}, {transform_indices = #map1}, {transform_indices = #map1}, {transform_indices = #map1}, {transform_indices = #map}, {transform_indices = #map}, {transform_indices = #map}]} {
    %mul3A = arith.constant 16 : i32
    %mul3A_0 = arith.muli %arg0, %mul3A : i32
    %add3A = arith.addi %mul3A_0, %arg1 : i32
    %mul3A_1 = arith.constant 32 : i32
    %mul3A_2 = arith.muli %add3A, %mul3A_1 : i32
    "tpu.region"() ({
      %run_scoped3A = tpu.sem_alloc : memref<!tpu.dma_semaphore, #tpu.memory_space<semaphore_mem>>
      %dma_start3A_29 = tpu.memref_slice %arg4[%mul3A_2] : memref<1024xi32, #tpu.memory_space<hbm>> -> memref<32xi32, #tpu.memory_space<hbm>>
      %dma_start3A_30 = tpu.memref_slice %arg4[%mul3A_2] : memref<1024xi32, #tpu.memory_space<hbm>> -> memref<32xi32, #tpu.memory_space<hbm>>
      tpu.enqueue_dma source(%dma_start3A_30 : memref<32xi32, #tpu.memory_space<hbm>>) target(%arg10 : memref<32xi32, #tpu.memory_space<vmem>>) target_semaphore(%run_scoped3A : memref<!tpu.dma_semaphore, #tpu.memory_space<semaphore_mem>>)
      %dma_wait3A_31 = tpu.memref_slice %arg4[%mul3A_2] : memref<1024xi32, #tpu.memory_space<hbm>> -> memref<32xi32, #tpu.memory_space<hbm>>
      %dma_wait3A_32 = tpu.memref_slice %arg4[%mul3A_2] : memref<1024xi32, #tpu.memory_space<hbm>> -> memref<32xi32, #tpu.memory_space<hbm>>
      tpu.wait_dma2 semaphore(%run_scoped3A : memref<!tpu.dma_semaphore, #tpu.memory_space<semaphore_mem>>) src(%dma_wait3A_32 : memref<32xi32, #tpu.memory_space<hbm>>) dst(%arg10 : memref<32xi32, #tpu.memory_space<vmem>>)
      tpu.yield
    }) : () -> ()
    %mul3A_3 = arith.constant 32 : i32
    %mul3A_4 = arith.muli %add3A, %mul3A_3 : i32
    "tpu.region"() ({
      %run_scoped3A = tpu.sem_alloc : memref<!tpu.dma_semaphore, #tpu.memory_space<semaphore_mem>>
      %dma_start3A_29 = tpu.memref_slice %arg5[%mul3A_4] : memref<1024xi32, #tpu.memory_space<hbm>> -> memref<32xi32, #tpu.memory_space<hbm>>
      %dma_start3A_30 = tpu.memref_slice %arg5[%mul3A_4] : memref<1024xi32, #tpu.memory_space<hbm>> -> memref<32xi32, #tpu.memory_space<hbm>>
      tpu.enqueue_dma source(%dma_start3A_30 : memref<32xi32, #tpu.memory_space<hbm>>) target(%arg11 : memref<32xi32, #tpu.memory_space<vmem>>) target_semaphore(%run_scoped3A : memref<!tpu.dma_semaphore, #tpu.memory_space<semaphore_mem>>)
      %dma_wait3A_31 = tpu.memref_slice %arg5[%mul3A_4] : memref<1024xi32, #tpu.memory_space<hbm>> -> memref<32xi32, #tpu.memory_space<hbm>>
      %dma_wait3A_32 = tpu.memref_slice %arg5[%mul3A_4] : memref<1024xi32, #tpu.memory_space<hbm>> -> memref<32xi32, #tpu.memory_space<hbm>>
      tpu.wait_dma2 semaphore(%run_scoped3A : memref<!tpu.dma_semaphore, #tpu.memory_space<semaphore_mem>>) src(%dma_wait3A_32 : memref<32xi32, #tpu.memory_space<hbm>>) dst(%arg11 : memref<32xi32, #tpu.memory_space<vmem>>)
      tpu.yield
    }) : () -> ()
    %mul3A_5 = arith.constant 256 : i32
    %mul3A_6 = arith.muli %add3A, %mul3A_5 : i32
    "tpu.region"() ({
      %run_scoped3A = tpu.sem_alloc : memref<!tpu.dma_semaphore, #tpu.memory_space<semaphore_mem>>
      %dma_start3A_29 = tpu.memref_slice %arg6[%mul3A_6] : memref<8192xi32, #tpu.memory_space<hbm>> -> memref<256xi32, #tpu.memory_space<hbm>>
      %dma_start3A_30 = tpu.memref_slice %arg6[%mul3A_6] : memref<8192xi32, #tpu.memory_space<hbm>> -> memref<256xi32, #tpu.memory_space<hbm>>
      tpu.enqueue_dma source(%dma_start3A_30 : memref<256xi32, #tpu.memory_space<hbm>>) target(%arg12 : memref<256xi32, #tpu.memory_space<vmem>>) target_semaphore(%run_scoped3A : memref<!tpu.dma_semaphore, #tpu.memory_space<semaphore_mem>>)
      %dma_wait3A_31 = tpu.memref_slice %arg6[%mul3A_6] : memref<8192xi32, #tpu.memory_space<hbm>> -> memref<256xi32, #tpu.memory_space<hbm>>
      %dma_wait3A_32 = tpu.memref_slice %arg6[%mul3A_6] : memref<8192xi32, #tpu.memory_space<hbm>> -> memref<256xi32, #tpu.memory_space<hbm>>
      tpu.wait_dma2 semaphore(%run_scoped3A : memref<!tpu.dma_semaphore, #tpu.memory_space<semaphore_mem>>) src(%dma_wait3A_32 : memref<256xi32, #tpu.memory_space<hbm>>) dst(%arg12 : memref<256xi32, #tpu.memory_space<vmem>>)
      tpu.yield
    }) : () -> ()
    %dma_start3A = arith.constant 0 : i32
    %dma_start3A_7 = arith.constant 0 : i32
    %dma_start3A_8 = tpu.memref_slice %arg2[%dma_start3A, %dma_start3A_7] : memref<10000x128xf32, #tpu.memory_space<hbm>> -> memref<10000x128xf32, #tpu.memory_space<hbm>>
    tpu.enqueue_indirect_dma source(%dma_start3A_8 : memref<10000x128xf32, #tpu.memory_space<hbm>>) target(%arg13 : memref<32x128xf32, #tpu.memory_space<vmem>>) offsets(%arg10 : memref<32xi32, #tpu.memory_space<vmem>>) semaphore(%arg16 : memref<!tpu.dma_semaphore, #tpu.memory_space<semaphore_mem>>)
    %dma_start3A_9 = arith.constant 0 : i32
    %dma_start3A_10 = arith.constant 0 : i32
    %dma_start3A_11 = tpu.memref_slice %arg3[%dma_start3A_9, %dma_start3A_10] : memref<237x128xf32, #tpu.memory_space<hbm>> -> memref<237x128xf32, #tpu.memory_space<hbm>>
    tpu.enqueue_indirect_dma source(%dma_start3A_11 : memref<237x128xf32, #tpu.memory_space<hbm>>) target(%arg14 : memref<32x128xf32, #tpu.memory_space<vmem>>) offsets(%arg11 : memref<32xi32, #tpu.memory_space<vmem>>) semaphore(%arg17 : memref<!tpu.dma_semaphore, #tpu.memory_space<semaphore_mem>>)
    %dma_start3A_12 = arith.constant 0 : i32
    %dma_start3A_13 = arith.constant 0 : i32
    %dma_start3A_14 = tpu.memref_slice %arg2[%dma_start3A_12, %dma_start3A_13] : memref<10000x128xf32, #tpu.memory_space<hbm>> -> memref<10000x128xf32, #tpu.memory_space<hbm>>
    tpu.enqueue_indirect_dma source(%dma_start3A_14 : memref<10000x128xf32, #tpu.memory_space<hbm>>) target(%arg15 : memref<256x128xf32, #tpu.memory_space<vmem>>) offsets(%arg12 : memref<256xi32, #tpu.memory_space<vmem>>) semaphore(%arg18 : memref<!tpu.dma_semaphore, #tpu.memory_space<semaphore_mem>>)
    %dma_wait3A = arith.constant 0 : i32
    %dma_wait3A_15 = arith.constant 0 : i32
    %dma_wait3A_16 = tpu.memref_slice %arg2[%dma_wait3A, %dma_wait3A_15] : memref<10000x128xf32, #tpu.memory_space<hbm>> -> memref<10000x128xf32, #tpu.memory_space<hbm>>
    tpu.wait_indirect_dma semaphore(%arg16 : memref<!tpu.dma_semaphore, #tpu.memory_space<semaphore_mem>>) src(%dma_wait3A_16 : memref<10000x128xf32, #tpu.memory_space<hbm>>) dst(%arg13 : memref<32x128xf32, #tpu.memory_space<vmem>>)
    %mul3A_17 = arith.constant 32 : i32
    %mul3A_18 = arith.muli %add3A, %mul3A_17 : i32
    "tpu.region"() ({
      %run_scoped3A = tpu.sem_alloc : memref<!tpu.dma_semaphore, #tpu.memory_space<semaphore_mem>>
      %dma_start3A_29 = arith.constant 0 : i32
      %dma_start3A_30 = tpu.memref_slice %arg7[%mul3A_18, %dma_start3A_29] : memref<1024x128xf32, #tpu.memory_space<hbm>> -> memref<32x128xf32, #tpu.memory_space<hbm>>
      %dma_start3A_31 = arith.constant 0 : i32
      %dma_start3A_32 = tpu.memref_slice %arg7[%mul3A_18, %dma_start3A_31] : memref<1024x128xf32, #tpu.memory_space<hbm>> -> memref<32x128xf32, #tpu.memory_space<hbm>>
      tpu.enqueue_dma source(%arg13 : memref<32x128xf32, #tpu.memory_space<vmem>>) target(%dma_start3A_32 : memref<32x128xf32, #tpu.memory_space<hbm>>) target_semaphore(%run_scoped3A : memref<!tpu.dma_semaphore, #tpu.memory_space<semaphore_mem>>)
      %dma_wait3A_33 = arith.constant 0 : i32
      %dma_wait3A_34 = tpu.memref_slice %arg7[%mul3A_18, %dma_wait3A_33] : memref<1024x128xf32, #tpu.memory_space<hbm>> -> memref<32x128xf32, #tpu.memory_space<hbm>>
      %dma_wait3A_35 = arith.constant 0 : i32
      %dma_wait3A_36 = tpu.memref_slice %arg7[%mul3A_18, %dma_wait3A_35] : memref<1024x128xf32, #tpu.memory_space<hbm>> -> memref<32x128xf32, #tpu.memory_space<hbm>>
      tpu.wait_dma2 semaphore(%run_scoped3A : memref<!tpu.dma_semaphore, #tpu.memory_space<semaphore_mem>>) src(%arg13 : memref<32x128xf32, #tpu.memory_space<vmem>>) dst(%dma_wait3A_36 : memref<32x128xf32, #tpu.memory_space<hbm>>)
      tpu.yield
    }) : () -> ()
    %dma_wait3A_19 = arith.constant 0 : i32
    %dma_wait3A_20 = arith.constant 0 : i32
    %dma_wait3A_21 = tpu.memref_slice %arg3[%dma_wait3A_19, %dma_wait3A_20] : memref<237x128xf32, #tpu.memory_space<hbm>> -> memref<237x128xf32, #tpu.memory_space<hbm>>
    tpu.wait_indirect_dma semaphore(%arg17 : memref<!tpu.dma_semaphore, #tpu.memory_space<semaphore_mem>>) src(%dma_wait3A_21 : memref<237x128xf32, #tpu.memory_space<hbm>>) dst(%arg14 : memref<32x128xf32, #tpu.memory_space<vmem>>)
    %mul3A_22 = arith.constant 32 : i32
    %mul3A_23 = arith.muli %add3A, %mul3A_22 : i32
    "tpu.region"() ({
      %run_scoped3A = tpu.sem_alloc : memref<!tpu.dma_semaphore, #tpu.memory_space<semaphore_mem>>
      %dma_start3A_29 = arith.constant 0 : i32
      %dma_start3A_30 = tpu.memref_slice %arg8[%mul3A_23, %dma_start3A_29] : memref<1024x128xf32, #tpu.memory_space<hbm>> -> memref<32x128xf32, #tpu.memory_space<hbm>>
      %dma_start3A_31 = arith.constant 0 : i32
      %dma_start3A_32 = tpu.memref_slice %arg8[%mul3A_23, %dma_start3A_31] : memref<1024x128xf32, #tpu.memory_space<hbm>> -> memref<32x128xf32, #tpu.memory_space<hbm>>
      tpu.enqueue_dma source(%arg14 : memref<32x128xf32, #tpu.memory_space<vmem>>) target(%dma_start3A_32 : memref<32x128xf32, #tpu.memory_space<hbm>>) target_semaphore(%run_scoped3A : memref<!tpu.dma_semaphore, #tpu.memory_space<semaphore_mem>>)
      %dma_wait3A_33 = arith.constant 0 : i32
      %dma_wait3A_34 = tpu.memref_slice %arg8[%mul3A_23, %dma_wait3A_33] : memref<1024x128xf32, #tpu.memory_space<hbm>> -> memref<32x128xf32, #tpu.memory_space<hbm>>
      %dma_wait3A_35 = arith.constant 0 : i32
      %dma_wait3A_36 = tpu.memref_slice %arg8[%mul3A_23, %dma_wait3A_35] : memref<1024x128xf32, #tpu.memory_space<hbm>> -> memref<32x128xf32, #tpu.memory_space<hbm>>
      tpu.wait_dma2 semaphore(%run_scoped3A : memref<!tpu.dma_semaphore, #tpu.memory_space<semaphore_mem>>) src(%arg14 : memref<32x128xf32, #tpu.memory_space<vmem>>) dst(%dma_wait3A_36 : memref<32x128xf32, #tpu.memory_space<hbm>>)
      tpu.yield
    }) : () -> ()
    %dma_wait3A_24 = arith.constant 0 : i32
    %dma_wait3A_25 = arith.constant 0 : i32
    %dma_wait3A_26 = tpu.memref_slice %arg2[%dma_wait3A_24, %dma_wait3A_25] : memref<10000x128xf32, #tpu.memory_space<hbm>> -> memref<10000x128xf32, #tpu.memory_space<hbm>>
    tpu.wait_indirect_dma semaphore(%arg18 : memref<!tpu.dma_semaphore, #tpu.memory_space<semaphore_mem>>) src(%dma_wait3A_26 : memref<10000x128xf32, #tpu.memory_space<hbm>>) dst(%arg15 : memref<256x128xf32, #tpu.memory_space<vmem>>)
    %mul3A_27 = arith.constant 256 : i32
    %mul3A_28 = arith.muli %add3A, %mul3A_27 : i32
    "tpu.region"() ({
      %run_scoped3A = tpu.sem_alloc : memref<!tpu.dma_semaphore, #tpu.memory_space<semaphore_mem>>
      %dma_start3A_29 = arith.constant 0 : i32
      %dma_start3A_30 = tpu.memref_slice %arg9[%mul3A_28, %dma_start3A_29] : memref<8192x128xf32, #tpu.memory_space<hbm>> -> memref<256x128xf32, #tpu.memory_space<hbm>>
      %dma_start3A_31 = arith.constant 0 : i32
      %dma_start3A_32 = tpu.memref_slice %arg9[%mul3A_28, %dma_start3A_31] : memref<8192x128xf32, #tpu.memory_space<hbm>> -> memref<256x128xf32, #tpu.memory_space<hbm>>
      tpu.enqueue_dma source(%arg15 : memref<256x128xf32, #tpu.memory_space<vmem>>) target(%dma_start3A_32 : memref<256x128xf32, #tpu.memory_space<hbm>>) target_semaphore(%run_scoped3A : memref<!tpu.dma_semaphore, #tpu.memory_space<semaphore_mem>>)
      %dma_wait3A_33 = arith.constant 0 : i32
      %dma_wait3A_34 = tpu.memref_slice %arg9[%mul3A_28, %dma_wait3A_33] : memref<8192x128xf32, #tpu.memory_space<hbm>> -> memref<256x128xf32, #tpu.memory_space<hbm>>
      %dma_wait3A_35 = arith.constant 0 : i32
      %dma_wait3A_36 = tpu.memref_slice %arg9[%mul3A_28, %dma_wait3A_35] : memref<8192x128xf32, #tpu.memory_space<hbm>> -> memref<256x128xf32, #tpu.memory_space<hbm>>
      tpu.wait_dma2 semaphore(%run_scoped3A : memref<!tpu.dma_semaphore, #tpu.memory_space<semaphore_mem>>) src(%arg15 : memref<256x128xf32, #tpu.memory_space<vmem>>) dst(%dma_wait3A_36 : memref<256x128xf32, #tpu.memory_space<hbm>>)
      tpu.yield
    }) : () -> ()
    return
  }
}

#map = affine_map<(d0, d1) -> (0, 0)>
#map1 = affine_map<(d0, d1) -> (0)>
module attributes {stable_mosaic.version = 14 : i64} {
  func.func @k(%arg0: i32, %arg1: i32, %arg2: memref<10000x128xf32, #tpu.memory_space<hbm>>, %arg3: memref<320000xi32, #tpu.memory_space<hbm>>, %arg4: memref<320000xi32, #tpu.memory_space<hbm>>, %arg5: memref<320000xi32, #tpu.memory_space<hbm>>, %arg6: memref<240xf32, #tpu.memory_space<hbm>>, %arg7: memref<20000x128xf32, #tpu.memory_space<hbm>>, %arg8: memref<10000x128xf32, #tpu.memory_space<vmem_shared>>, %arg9: memref<80xi32, #tpu.memory_space<vmem>>, %arg10: memref<80xi32, #tpu.memory_space<vmem>>, %arg11: memref<80xi32, #tpu.memory_space<vmem>>, %arg12: memref<80xi32, #tpu.memory_space<vmem>>, %arg13: memref<80xi32, #tpu.memory_space<vmem>>, %arg14: memref<80xf32, #tpu.memory_space<vmem>>, %arg15: memref<240xf32, #tpu.memory_space<vmem>>, %arg16: memref<80x128xf32, #tpu.memory_space<vmem>>, %arg17: memref<80x128xf32, #tpu.memory_space<vmem>>, %arg18: memref<80x128xf32, #tpu.memory_space<vmem>>, %arg19: memref<80x128xf32, #tpu.memory_space<vmem>>, %arg20: memref<!tpu.dma_semaphore, #tpu.memory_space<semaphore_mem>>, %arg21: memref<!tpu.dma_semaphore, #tpu.memory_space<semaphore_mem>>, %arg22: memref<!tpu.dma_semaphore, #tpu.memory_space<semaphore_mem>>, %arg23: memref<!tpu.dma_semaphore, #tpu.memory_space<semaphore_mem>>, %arg24: memref<!tpu.dma_semaphore, #tpu.memory_space<semaphore_mem>>) attributes {dimension_semantics = [#tpu.dimension_semantics<core_parallel>, #tpu.dimension_semantics<subcore_parallel>], iteration_bounds = array<i64: 2, 16>, scalar_prefetch = 0 : i64, scratch_operands = 17 : i64, tpu.core_type = #tpu.core_type<sc_vector_subcore>, window_params = [{transform_indices = #map}, {transform_indices = #map1}, {transform_indices = #map1}, {transform_indices = #map1}, {transform_indices = #map1}, {transform_indices = #map}]} {
    %mul3A = arith.constant 16 : i32
    %mul3A_0 = arith.muli %arg0, %mul3A : i32
    %add3A = arith.addi %mul3A_0, %arg1 : i32
    %broadcast_in_dim3A = arith.constant 0.000000e+00 : f32
    %broadcast_in_dim3A_1 = vector.broadcast %broadcast_in_dim3A : f32 to vector<16xf32>
    %scan3A = arith.constant 0 : i32
    %scan3A_2 = arith.constant 0 : i32
    %scan3A_3 = arith.constant 80 : i32
    %scan3A_4 = arith.addi %scan3A_2, %scan3A_3 : i32
    %scan3A_5 = arith.constant 1 : i32
    scf.for %scan3A_201 = %scan3A_2 to %scan3A_4 step %scan3A_5  : i32 {
      %swap3A = arith.index_cast %scan3A_201 : i32 to index
      %swap3A_202 = arith.constant 0 : index
      %swap3A_203 = tpu.vector_load %arg18[%swap3A, %swap3A_202] {strides = array<i32>} : memref<80x128xf32, #tpu.memory_space<vmem>>, vector<16xf32>,
      tpu.vector_store %arg18[%swap3A, %swap3A_202], %broadcast_in_dim3A_1 {strides = array<i32>} : memref<80x128xf32, #tpu.memory_space<vmem>>, vector<16xf32>,
      %swap3A_204 = arith.index_cast %scan3A_201 : i32 to index
      %swap3A_205 = arith.constant 16 : index
      %swap3A_206 = tpu.vector_load %arg18[%swap3A_204, %swap3A_205] {strides = array<i32>} : memref<80x128xf32, #tpu.memory_space<vmem>>, vector<16xf32>,
      tpu.vector_store %arg18[%swap3A_204, %swap3A_205], %broadcast_in_dim3A_1 {strides = array<i32>} : memref<80x128xf32, #tpu.memory_space<vmem>>, vector<16xf32>,
      %swap3A_207 = arith.index_cast %scan3A_201 : i32 to index
      %swap3A_208 = arith.constant 32 : index
      %swap3A_209 = tpu.vector_load %arg18[%swap3A_207, %swap3A_208] {strides = array<i32>} : memref<80x128xf32, #tpu.memory_space<vmem>>, vector<16xf32>,
      tpu.vector_store %arg18[%swap3A_207, %swap3A_208], %broadcast_in_dim3A_1 {strides = array<i32>} : memref<80x128xf32, #tpu.memory_space<vmem>>, vector<16xf32>,
      %swap3A_210 = arith.index_cast %scan3A_201 : i32 to index
      %swap3A_211 = arith.constant 48 : index
      %swap3A_212 = tpu.vector_load %arg18[%swap3A_210, %swap3A_211] {strides = array<i32>} : memref<80x128xf32, #tpu.memory_space<vmem>>, vector<16xf32>,
      tpu.vector_store %arg18[%swap3A_210, %swap3A_211], %broadcast_in_dim3A_1 {strides = array<i32>} : memref<80x128xf32, #tpu.memory_space<vmem>>, vector<16xf32>,
      %swap3A_213 = arith.index_cast %scan3A_201 : i32 to index
      %swap3A_214 = arith.constant 64 : index
      %swap3A_215 = tpu.vector_load %arg18[%swap3A_213, %swap3A_214] {strides = array<i32>} : memref<80x128xf32, #tpu.memory_space<vmem>>, vector<16xf32>,
      tpu.vector_store %arg18[%swap3A_213, %swap3A_214], %broadcast_in_dim3A_1 {strides = array<i32>} : memref<80x128xf32, #tpu.memory_space<vmem>>, vector<16xf32>,
      %swap3A_216 = arith.index_cast %scan3A_201 : i32 to index
      %swap3A_217 = arith.constant 80 : index
      %swap3A_218 = tpu.vector_load %arg18[%swap3A_216, %swap3A_217] {strides = array<i32>} : memref<80x128xf32, #tpu.memory_space<vmem>>, vector<16xf32>,
      tpu.vector_store %arg18[%swap3A_216, %swap3A_217], %broadcast_in_dim3A_1 {strides = array<i32>} : memref<80x128xf32, #tpu.memory_space<vmem>>, vector<16xf32>,
      %swap3A_219 = arith.index_cast %scan3A_201 : i32 to index
      %swap3A_220 = arith.constant 96 : index
      %swap3A_221 = tpu.vector_load %arg18[%swap3A_219, %swap3A_220] {strides = array<i32>} : memref<80x128xf32, #tpu.memory_space<vmem>>, vector<16xf32>,
      tpu.vector_store %arg18[%swap3A_219, %swap3A_220], %broadcast_in_dim3A_1 {strides = array<i32>} : memref<80x128xf32, #tpu.memory_space<vmem>>, vector<16xf32>,
      %swap3A_222 = arith.index_cast %scan3A_201 : i32 to index
      %swap3A_223 = arith.constant 112 : index
      %swap3A_224 = tpu.vector_load %arg18[%swap3A_222, %swap3A_223] {strides = array<i32>} : memref<80x128xf32, #tpu.memory_space<vmem>>, vector<16xf32>,
      tpu.vector_store %arg18[%swap3A_222, %swap3A_223], %broadcast_in_dim3A_1 {strides = array<i32>} : memref<80x128xf32, #tpu.memory_space<vmem>>, vector<16xf32>,
    }
    %scan3A_6 = arith.constant 80 : i32
    %mul3A_7 = arith.constant 624 : i32
    %mul3A_8 = arith.muli %arg1, %mul3A_7 : i32
    %add3A_9 = arith.constant 0 : i32
    %add3A_10 = arith.addi %mul3A_8, %add3A_9 : i32
    %dma_start3A = arith.constant 0 : i32
    %dma_start3A_11 = tpu.memref_slice %arg8[%add3A_10, %dma_start3A] : memref<10000x128xf32, #tpu.memory_space<vmem_shared>> -> memref<80x128xf32, #tpu.memory_space<vmem_shared>>
    %dma_start3A_12 = arith.constant 0 : i32
    %dma_start3A_13 = tpu.memref_slice %arg8[%add3A_10, %dma_start3A_12] : memref<10000x128xf32, #tpu.memory_space<vmem_shared>> -> memref<80x128xf32, #tpu.memory_space<vmem_shared>>
    tpu.enqueue_dma source(%arg18 : memref<80x128xf32, #tpu.memory_space<vmem>>) target(%dma_start3A_13 : memref<80x128xf32, #tpu.memory_space<vmem_shared>>) target_semaphore(%arg22 : memref<!tpu.dma_semaphore, #tpu.memory_space<semaphore_mem>>)
    %mul3A_14 = arith.constant 624 : i32
    %mul3A_15 = arith.muli %arg1, %mul3A_14 : i32
    %add3A_16 = arith.constant 80 : i32
    %add3A_17 = arith.addi %mul3A_15, %add3A_16 : i32
    %dma_start3A_18 = arith.constant 0 : i32
    %dma_start3A_19 = tpu.memref_slice %arg8[%add3A_17, %dma_start3A_18] : memref<10000x128xf32, #tpu.memory_space<vmem_shared>> -> memref<80x128xf32, #tpu.memory_space<vmem_shared>>
    %dma_start3A_20 = arith.constant 0 : i32
    %dma_start3A_21 = tpu.memref_slice %arg8[%add3A_17, %dma_start3A_20] : memref<10000x128xf32, #tpu.memory_space<vmem_shared>> -> memref<80x128xf32, #tpu.memory_space<vmem_shared>>
    tpu.enqueue_dma source(%arg18 : memref<80x128xf32, #tpu.memory_space<vmem>>) target(%dma_start3A_21 : memref<80x128xf32, #tpu.memory_space<vmem_shared>>) target_semaphore(%arg22 : memref<!tpu.dma_semaphore, #tpu.memory_space<semaphore_mem>>)
    %mul3A_22 = arith.constant 624 : i32
    %mul3A_23 = arith.muli %arg1, %mul3A_22 : i32
    %add3A_24 = arith.constant 160 : i32
    %add3A_25 = arith.addi %mul3A_23, %add3A_24 : i32
    %dma_start3A_26 = arith.constant 0 : i32
    %dma_start3A_27 = tpu.memref_slice %arg8[%add3A_25, %dma_start3A_26] : memref<10000x128xf32, #tpu.memory_space<vmem_shared>> -> memref<80x128xf32, #tpu.memory_space<vmem_shared>>
    %dma_start3A_28 = arith.constant 0 : i32
    %dma_start3A_29 = tpu.memref_slice %arg8[%add3A_25, %dma_start3A_28] : memref<10000x128xf32, #tpu.memory_space<vmem_shared>> -> memref<80x128xf32, #tpu.memory_space<vmem_shared>>
    tpu.enqueue_dma source(%arg18 : memref<80x128xf32, #tpu.memory_space<vmem>>) target(%dma_start3A_29 : memref<80x128xf32, #tpu.memory_space<vmem_shared>>) target_semaphore(%arg22 : memref<!tpu.dma_semaphore, #tpu.memory_space<semaphore_mem>>)
    %mul3A_30 = arith.constant 624 : i32
    %mul3A_31 = arith.muli %arg1, %mul3A_30 : i32
    %add3A_32 = arith.constant 240 : i32
    %add3A_33 = arith.addi %mul3A_31, %add3A_32 : i32
    %dma_start3A_34 = arith.constant 0 : i32
    %dma_start3A_35 = tpu.memref_slice %arg8[%add3A_33, %dma_start3A_34] : memref<10000x128xf32, #tpu.memory_space<vmem_shared>> -> memref<80x128xf32, #tpu.memory_space<vmem_shared>>
    %dma_start3A_36 = arith.constant 0 : i32
    %dma_start3A_37 = tpu.memref_slice %arg8[%add3A_33, %dma_start3A_36] : memref<10000x128xf32, #tpu.memory_space<vmem_shared>> -> memref<80x128xf32, #tpu.memory_space<vmem_shared>>
    tpu.enqueue_dma source(%arg18 : memref<80x128xf32, #tpu.memory_space<vmem>>) target(%dma_start3A_37 : memref<80x128xf32, #tpu.memory_space<vmem_shared>>) target_semaphore(%arg22 : memref<!tpu.dma_semaphore, #tpu.memory_space<semaphore_mem>>)
    %mul3A_38 = arith.constant 624 : i32
    %mul3A_39 = arith.muli %arg1, %mul3A_38 : i32
    %add3A_40 = arith.constant 320 : i32
    %add3A_41 = arith.addi %mul3A_39, %add3A_40 : i32
    %dma_start3A_42 = arith.constant 0 : i32
    %dma_start3A_43 = tpu.memref_slice %arg8[%add3A_41, %dma_start3A_42] : memref<10000x128xf32, #tpu.memory_space<vmem_shared>> -> memref<80x128xf32, #tpu.memory_space<vmem_shared>>
    %dma_start3A_44 = arith.constant 0 : i32
    %dma_start3A_45 = tpu.memref_slice %arg8[%add3A_41, %dma_start3A_44] : memref<10000x128xf32, #tpu.memory_space<vmem_shared>> -> memref<80x128xf32, #tpu.memory_space<vmem_shared>>
    tpu.enqueue_dma source(%arg18 : memref<80x128xf32, #tpu.memory_space<vmem>>) target(%dma_start3A_45 : memref<80x128xf32, #tpu.memory_space<vmem_shared>>) target_semaphore(%arg22 : memref<!tpu.dma_semaphore, #tpu.memory_space<semaphore_mem>>)
    %mul3A_46 = arith.constant 624 : i32
    %mul3A_47 = arith.muli %arg1, %mul3A_46 : i32
    %add3A_48 = arith.constant 400 : i32
    %add3A_49 = arith.addi %mul3A_47, %add3A_48 : i32
    %dma_start3A_50 = arith.constant 0 : i32
    %dma_start3A_51 = tpu.memref_slice %arg8[%add3A_49, %dma_start3A_50] : memref<10000x128xf32, #tpu.memory_space<vmem_shared>> -> memref<80x128xf32, #tpu.memory_space<vmem_shared>>
    %dma_start3A_52 = arith.constant 0 : i32
    %dma_start3A_53 = tpu.memref_slice %arg8[%add3A_49, %dma_start3A_52] : memref<10000x128xf32, #tpu.memory_space<vmem_shared>> -> memref<80x128xf32, #tpu.memory_space<vmem_shared>>
    tpu.enqueue_dma source(%arg18 : memref<80x128xf32, #tpu.memory_space<vmem>>) target(%dma_start3A_53 : memref<80x128xf32, #tpu.memory_space<vmem_shared>>) target_semaphore(%arg22 : memref<!tpu.dma_semaphore, #tpu.memory_space<semaphore_mem>>)
    %mul3A_54 = arith.constant 624 : i32
    %mul3A_55 = arith.muli %arg1, %mul3A_54 : i32
    %add3A_56 = arith.constant 480 : i32
    %add3A_57 = arith.addi %mul3A_55, %add3A_56 : i32
    %dma_start3A_58 = arith.constant 0 : i32
    %dma_start3A_59 = tpu.memref_slice %arg8[%add3A_57, %dma_start3A_58] : memref<10000x128xf32, #tpu.memory_space<vmem_shared>> -> memref<80x128xf32, #tpu.memory_space<vmem_shared>>
    %dma_start3A_60 = arith.constant 0 : i32
    %dma_start3A_61 = tpu.memref_slice %arg8[%add3A_57, %dma_start3A_60] : memref<10000x128xf32, #tpu.memory_space<vmem_shared>> -> memref<80x128xf32, #tpu.memory_space<vmem_shared>>
    tpu.enqueue_dma source(%arg18 : memref<80x128xf32, #tpu.memory_space<vmem>>) target(%dma_start3A_61 : memref<80x128xf32, #tpu.memory_space<vmem_shared>>) target_semaphore(%arg22 : memref<!tpu.dma_semaphore, #tpu.memory_space<semaphore_mem>>)
    %mul3A_62 = arith.constant 624 : i32
    %mul3A_63 = arith.muli %arg1, %mul3A_62 : i32
    %add3A_64 = arith.constant 560 : i32
    %add3A_65 = arith.addi %mul3A_63, %add3A_64 : i32
    %dma_start3A_66 = arith.constant 0 : i32
    %dma_start3A_67 = arith.constant 0 : i32
    %dma_start3A_68 = tpu.memref_slice %arg18[%dma_start3A_66, %dma_start3A_67] : memref<80x128xf32, #tpu.memory_space<vmem>> -> memref<64x128xf32, #tpu.memory_space<vmem>>
    %dma_start3A_69 = arith.constant 0 : i32
    %dma_start3A_70 = tpu.memref_slice %arg8[%add3A_65, %dma_start3A_69] : memref<10000x128xf32, #tpu.memory_space<vmem_shared>> -> memref<64x128xf32, #tpu.memory_space<vmem_shared>>
    %dma_start3A_71 = arith.constant 0 : i32
    %dma_start3A_72 = tpu.memref_slice %arg8[%add3A_65, %dma_start3A_71] : memref<10000x128xf32, #tpu.memory_space<vmem_shared>> -> memref<64x128xf32, #tpu.memory_space<vmem_shared>>
    %dma_start3A_73 = arith.constant 0 : i32
    %dma_start3A_74 = arith.constant 0 : i32
    %dma_start3A_75 = tpu.memref_slice %arg18[%dma_start3A_73, %dma_start3A_74] : memref<80x128xf32, #tpu.memory_space<vmem>> -> memref<64x128xf32, #tpu.memory_space<vmem>>
    tpu.enqueue_dma source(%dma_start3A_75 : memref<64x128xf32, #tpu.memory_space<vmem>>) target(%dma_start3A_72 : memref<64x128xf32, #tpu.memory_space<vmem_shared>>) target_semaphore(%arg23 : memref<!tpu.dma_semaphore, #tpu.memory_space<semaphore_mem>>)
    %eq3A = arith.constant 0 : i32
    %eq3A_76 = arith.cmpi eq, %arg1, %eq3A : i32
    %convert_element_type3A = arith.extui %eq3A_76 : i1 to i32
    %cond3A = arith.constant 0 : i32
    %cond3A_77 = arith.cmpi ne, %convert_element_type3A, %cond3A : i32
    scf.if %cond3A_77 {
      %dma_start3A_201 = arith.constant 0 : i32
      %dma_start3A_202 = arith.constant 0 : i32
      %dma_start3A_203 = tpu.memref_slice %arg18[%dma_start3A_201, %dma_start3A_202] : memref<80x128xf32, #tpu.memory_space<vmem>> -> memref<16x128xf32, #tpu.memory_space<vmem>>
      %dma_start3A_204 = arith.constant 9984 : i32
      %dma_start3A_205 = arith.constant 0 : i32
      %dma_start3A_206 = tpu.memref_slice %arg8[%dma_start3A_204, %dma_start3A_205] : memref<10000x128xf32, #tpu.memory_space<vmem_shared>> -> memref<16x128xf32, #tpu.memory_space<vmem_shared>>
      %dma_start3A_207 = arith.constant 9984 : i32
      %dma_start3A_208 = arith.constant 0 : i32
      %dma_start3A_209 = tpu.memref_slice %arg8[%dma_start3A_207, %dma_start3A_208] : memref<10000x128xf32, #tpu.memory_space<vmem_shared>> -> memref<16x128xf32, #tpu.memory_space<vmem_shared>>
      %dma_start3A_210 = arith.constant 0 : i32
      %dma_start3A_211 = arith.constant 0 : i32
      %dma_start3A_212 = tpu.memref_slice %arg18[%dma_start3A_210, %dma_start3A_211] : memref<80x128xf32, #tpu.memory_space<vmem>> -> memref<16x128xf32, #tpu.memory_space<vmem>>
      tpu.enqueue_dma source(%dma_start3A_212 : memref<16x128xf32, #tpu.memory_space<vmem>>) target(%dma_start3A_209 : memref<16x128xf32, #tpu.memory_space<vmem_shared>>) target_semaphore(%arg23 : memref<!tpu.dma_semaphore, #tpu.memory_space<semaphore_mem>>)
    } else {
    }
    "tpu.region"() ({
      %run_scoped3A = tpu.sem_alloc : memref<!tpu.dma_semaphore, #tpu.memory_space<semaphore_mem>>
      tpu.enqueue_dma source(%arg6 : memref<240xf32, #tpu.memory_space<hbm>>) target(%arg15 : memref<240xf32, #tpu.memory_space<vmem>>) target_semaphore(%run_scoped3A : memref<!tpu.dma_semaphore, #tpu.memory_space<semaphore_mem>>)
      tpu.wait_dma2 semaphore(%run_scoped3A : memref<!tpu.dma_semaphore, #tpu.memory_space<semaphore_mem>>) src(%arg6 : memref<240xf32, #tpu.memory_space<hbm>>) dst(%arg15 : memref<240xf32, #tpu.memory_space<vmem>>)
      tpu.yield
    }) : () -> ()
    %mul3A_78 = arith.constant 624 : i32
    %mul3A_79 = arith.muli %arg1, %mul3A_78 : i32
    %add3A_80 = arith.constant 0 : i32
    %add3A_81 = arith.addi %mul3A_79, %add3A_80 : i32
    %dma_wait3A = arith.constant 0 : i32
    %dma_wait3A_82 = tpu.memref_slice %arg8[%add3A_81, %dma_wait3A] : memref<10000x128xf32, #tpu.memory_space<vmem_shared>> -> memref<80x128xf32, #tpu.memory_space<vmem_shared>>
    %dma_wait3A_83 = arith.constant 0 : i32
    %dma_wait3A_84 = tpu.memref_slice %arg8[%add3A_81, %dma_wait3A_83] : memref<10000x128xf32, #tpu.memory_space<vmem_shared>> -> memref<80x128xf32, #tpu.memory_space<vmem_shared>>
    tpu.wait_dma2 semaphore(%arg22 : memref<!tpu.dma_semaphore, #tpu.memory_space<semaphore_mem>>) src(%arg18 : memref<80x128xf32, #tpu.memory_space<vmem>>) dst(%dma_wait3A_84 : memref<80x128xf32, #tpu.memory_space<vmem_shared>>)
    %mul3A_85 = arith.constant 624 : i32
    %mul3A_86 = arith.muli %arg1, %mul3A_85 : i32
    %add3A_87 = arith.constant 80 : i32
    %add3A_88 = arith.addi %mul3A_86, %add3A_87 : i32
    %dma_wait3A_89 = arith.constant 0 : i32
    %dma_wait3A_90 = tpu.memref_slice %arg8[%add3A_88, %dma_wait3A_89] : memref<10000x128xf32, #tpu.memory_space<vmem_shared>> -> memref<80x128xf32, #tpu.memory_space<vmem_shared>>
    %dma_wait3A_91 = arith.constant 0 : i32
    %dma_wait3A_92 = tpu.memref_slice %arg8[%add3A_88, %dma_wait3A_91] : memref<10000x128xf32, #tpu.memory_space<vmem_shared>> -> memref<80x128xf32, #tpu.memory_space<vmem_shared>>
    tpu.wait_dma2 semaphore(%arg22 : memref<!tpu.dma_semaphore, #tpu.memory_space<semaphore_mem>>) src(%arg18 : memref<80x128xf32, #tpu.memory_space<vmem>>) dst(%dma_wait3A_92 : memref<80x128xf32, #tpu.memory_space<vmem_shared>>)
    %mul3A_93 = arith.constant 624 : i32
    %mul3A_94 = arith.muli %arg1, %mul3A_93 : i32
    %add3A_95 = arith.constant 160 : i32
    %add3A_96 = arith.addi %mul3A_94, %add3A_95 : i32
    %dma_wait3A_97 = arith.constant 0 : i32
    %dma_wait3A_98 = tpu.memref_slice %arg8[%add3A_96, %dma_wait3A_97] : memref<10000x128xf32, #tpu.memory_space<vmem_shared>> -> memref<80x128xf32, #tpu.memory_space<vmem_shared>>
    %dma_wait3A_99 = arith.constant 0 : i32
    %dma_wait3A_100 = tpu.memref_slice %arg8[%add3A_96, %dma_wait3A_99] : memref<10000x128xf32, #tpu.memory_space<vmem_shared>> -> memref<80x128xf32, #tpu.memory_space<vmem_shared>>
    tpu.wait_dma2 semaphore(%arg22 : memref<!tpu.dma_semaphore, #tpu.memory_space<semaphore_mem>>) src(%arg18 : memref<80x128xf32, #tpu.memory_space<vmem>>) dst(%dma_wait3A_100 : memref<80x128xf32, #tpu.memory_space<vmem_shared>>)
    %mul3A_101 = arith.constant 624 : i32
    %mul3A_102 = arith.muli %arg1, %mul3A_101 : i32
    %add3A_103 = arith.constant 240 : i32
    %add3A_104 = arith.addi %mul3A_102, %add3A_103 : i32
    %dma_wait3A_105 = arith.constant 0 : i32
    %dma_wait3A_106 = tpu.memref_slice %arg8[%add3A_104, %dma_wait3A_105] : memref<10000x128xf32, #tpu.memory_space<vmem_shared>> -> memref<80x128xf32, #tpu.memory_space<vmem_shared>>
    %dma_wait3A_107 = arith.constant 0 : i32
    %dma_wait3A_108 = tpu.memref_slice %arg8[%add3A_104, %dma_wait3A_107] : memref<10000x128xf32, #tpu.memory_space<vmem_shared>> -> memref<80x128xf32, #tpu.memory_space<vmem_shared>>
    tpu.wait_dma2 semaphore(%arg22 : memref<!tpu.dma_semaphore, #tpu.memory_space<semaphore_mem>>) src(%arg18 : memref<80x128xf32, #tpu.memory_space<vmem>>) dst(%dma_wait3A_108 : memref<80x128xf32, #tpu.memory_space<vmem_shared>>)
    %mul3A_109 = arith.constant 624 : i32
    %mul3A_110 = arith.muli %arg1, %mul3A_109 : i32
    %add3A_111 = arith.constant 320 : i32
    %add3A_112 = arith.addi %mul3A_110, %add3A_111 : i32
    %dma_wait3A_113 = arith.constant 0 : i32
    %dma_wait3A_114 = tpu.memref_slice %arg8[%add3A_112, %dma_wait3A_113] : memref<10000x128xf32, #tpu.memory_space<vmem_shared>> -> memref<80x128xf32, #tpu.memory_space<vmem_shared>>
    %dma_wait3A_115 = arith.constant 0 : i32
    %dma_wait3A_116 = tpu.memref_slice %arg8[%add3A_112, %dma_wait3A_115] : memref<10000x128xf32, #tpu.memory_space<vmem_shared>> -> memref<80x128xf32, #tpu.memory_space<vmem_shared>>
    tpu.wait_dma2 semaphore(%arg22 : memref<!tpu.dma_semaphore, #tpu.memory_space<semaphore_mem>>) src(%arg18 : memref<80x128xf32, #tpu.memory_space<vmem>>) dst(%dma_wait3A_116 : memref<80x128xf32, #tpu.memory_space<vmem_shared>>)
    %mul3A_117 = arith.constant 624 : i32
    %mul3A_118 = arith.muli %arg1, %mul3A_117 : i32
    %add3A_119 = arith.constant 400 : i32
    %add3A_120 = arith.addi %mul3A_118, %add3A_119 : i32
    %dma_wait3A_121 = arith.constant 0 : i32
    %dma_wait3A_122 = tpu.memref_slice %arg8[%add3A_120, %dma_wait3A_121] : memref<10000x128xf32, #tpu.memory_space<vmem_shared>> -> memref<80x128xf32, #tpu.memory_space<vmem_shared>>
    %dma_wait3A_123 = arith.constant 0 : i32
    %dma_wait3A_124 = tpu.memref_slice %arg8[%add3A_120, %dma_wait3A_123] : memref<10000x128xf32, #tpu.memory_space<vmem_shared>> -> memref<80x128xf32, #tpu.memory_space<vmem_shared>>
    tpu.wait_dma2 semaphore(%arg22 : memref<!tpu.dma_semaphore, #tpu.memory_space<semaphore_mem>>) src(%arg18 : memref<80x128xf32, #tpu.memory_space<vmem>>) dst(%dma_wait3A_124 : memref<80x128xf32, #tpu.memory_space<vmem_shared>>)
    %mul3A_125 = arith.constant 624 : i32
    %mul3A_126 = arith.muli %arg1, %mul3A_125 : i32
    %add3A_127 = arith.constant 480 : i32
    %add3A_128 = arith.addi %mul3A_126, %add3A_127 : i32
    %dma_wait3A_129 = arith.constant 0 : i32
    %dma_wait3A_130 = tpu.memref_slice %arg8[%add3A_128, %dma_wait3A_129] : memref<10000x128xf32, #tpu.memory_space<vmem_shared>> -> memref<80x128xf32, #tpu.memory_space<vmem_shared>>
    %dma_wait3A_131 = arith.constant 0 : i32
    %dma_wait3A_132 = tpu.memref_slice %arg8[%add3A_128, %dma_wait3A_131] : memref<10000x128xf32, #tpu.memory_space<vmem_shared>> -> memref<80x128xf32, #tpu.memory_space<vmem_shared>>
    tpu.wait_dma2 semaphore(%arg22 : memref<!tpu.dma_semaphore, #tpu.memory_space<semaphore_mem>>) src(%arg18 : memref<80x128xf32, #tpu.memory_space<vmem>>) dst(%dma_wait3A_132 : memref<80x128xf32, #tpu.memory_space<vmem_shared>>)
    %mul3A_133 = arith.constant 624 : i32
    %mul3A_134 = arith.muli %arg1, %mul3A_133 : i32
    %add3A_135 = arith.constant 560 : i32
    %add3A_136 = arith.addi %mul3A_134, %add3A_135 : i32
    %dma_wait3A_137 = arith.constant 0 : i32
    %dma_wait3A_138 = arith.constant 0 : i32
    %dma_wait3A_139 = tpu.memref_slice %arg18[%dma_wait3A_137, %dma_wait3A_138] : memref<80x128xf32, #tpu.memory_space<vmem>> -> memref<64x128xf32, #tpu.memory_space<vmem>>
    %dma_wait3A_140 = arith.constant 0 : i32
    %dma_wait3A_141 = tpu.memref_slice %arg8[%add3A_136, %dma_wait3A_140] : memref<10000x128xf32, #tpu.memory_space<vmem_shared>> -> memref<64x128xf32, #tpu.memory_space<vmem_shared>>
    %dma_wait3A_142 = arith.constant 0 : i32
    %dma_wait3A_143 = tpu.memref_slice %arg8[%add3A_136, %dma_wait3A_142] : memref<10000x128xf32, #tpu.memory_space<vmem_shared>> -> memref<64x128xf32, #tpu.memory_space<vmem_shared>>
    %dma_wait3A_144 = arith.constant 0 : i32
    %dma_wait3A_145 = arith.constant 0 : i32
    %dma_wait3A_146 = tpu.memref_slice %arg18[%dma_wait3A_144, %dma_wait3A_145] : memref<80x128xf32, #tpu.memory_space<vmem>> -> memref<64x128xf32, #tpu.memory_space<vmem>>
    tpu.wait_dma2 semaphore(%arg23 : memref<!tpu.dma_semaphore, #tpu.memory_space<semaphore_mem>>) src(%dma_wait3A_146 : memref<64x128xf32, #tpu.memory_space<vmem>>) dst(%dma_wait3A_143 : memref<64x128xf32, #tpu.memory_space<vmem_shared>>)
    %eq3A_147 = arith.constant 0 : i32
    %eq3A_148 = arith.cmpi eq, %arg1, %eq3A_147 : i32
    %convert_element_type3A_149 = arith.extui %eq3A_148 : i1 to i32
    %cond3A_150 = arith.constant 0 : i32
    %cond3A_151 = arith.cmpi ne, %convert_element_type3A_149, %cond3A_150 : i32
    scf.if %cond3A_151 {
      %dma_wait3A_201 = arith.constant 0 : i32
      %dma_wait3A_202 = arith.constant 0 : i32
      %dma_wait3A_203 = tpu.memref_slice %arg18[%dma_wait3A_201, %dma_wait3A_202] : memref<80x128xf32, #tpu.memory_space<vmem>> -> memref<16x128xf32, #tpu.memory_space<vmem>>
      %dma_wait3A_204 = arith.constant 9984 : i32
      %dma_wait3A_205 = arith.constant 0 : i32
      %dma_wait3A_206 = tpu.memref_slice %arg8[%dma_wait3A_204, %dma_wait3A_205] : memref<10000x128xf32, #tpu.memory_space<vmem_shared>> -> memref<16x128xf32, #tpu.memory_space<vmem_shared>>
      %dma_wait3A_207 = arith.constant 9984 : i32
      %dma_wait3A_208 = arith.constant 0 : i32
      %dma_wait3A_209 = tpu.memref_slice %arg8[%dma_wait3A_207, %dma_wait3A_208] : memref<10000x128xf32, #tpu.memory_space<vmem_shared>> -> memref<16x128xf32, #tpu.memory_space<vmem_shared>>
      %dma_wait3A_210 = arith.constant 0 : i32
      %dma_wait3A_211 = arith.constant 0 : i32
      %dma_wait3A_212 = tpu.memref_slice %arg18[%dma_wait3A_210, %dma_wait3A_211] : memref<80x128xf32, #tpu.memory_space<vmem>> -> memref<16x128xf32, #tpu.memory_space<vmem>>
      tpu.wait_dma2 semaphore(%arg23 : memref<!tpu.dma_semaphore, #tpu.memory_space<semaphore_mem>>) src(%dma_wait3A_212 : memref<16x128xf32, #tpu.memory_space<vmem>>) dst(%dma_wait3A_209 : memref<16x128xf32, #tpu.memory_space<vmem_shared>>)
    } else {
    }
    %barrier3A = arith.constant 0 : index
    tpu.barrier barrier_id(%barrier3A)
    %mul3A_152 = arith.constant 10000 : i32
    %mul3A_153 = arith.muli %add3A, %mul3A_152 : i32
    %add3A_154 = arith.constant 0 : i32
    %add3A_155 = arith.addi %mul3A_153, %add3A_154 : i32
    %dma_start3A_156 = tpu.memref_slice %arg3[%add3A_155] : memref<320000xi32, #tpu.memory_space<hbm>> -> memref<80xi32, #tpu.memory_space<hbm>>
    %dma_start3A_157 = tpu.memref_slice %arg3[%add3A_155] : memref<320000xi32, #tpu.memory_space<hbm>> -> memref<80xi32, #tpu.memory_space<hbm>>
    tpu.enqueue_dma source(%dma_start3A_157 : memref<80xi32, #tpu.memory_space<hbm>>) target(%arg9 : memref<80xi32, #tpu.memory_space<vmem>>) target_semaphore(%arg24 : memref<!tpu.dma_semaphore, #tpu.memory_space<semaphore_mem>>)
    %dma_start3A_158 = tpu.memref_slice %arg4[%add3A_155] : memref<320000xi32, #tpu.memory_space<hbm>> -> memref<80xi32, #tpu.memory_space<hbm>>
    %dma_start3A_159 = tpu.memref_slice %arg4[%add3A_155] : memref<320000xi32, #tpu.memory_space<hbm>> -> memref<80xi32, #tpu.memory_space<hbm>>
    tpu.enqueue_dma source(%dma_start3A_159 : memref<80xi32, #tpu.memory_space<hbm>>) target(%arg10 : memref<80xi32, #tpu.memory_space<vmem>>) target_semaphore(%arg24 : memref<!tpu.dma_semaphore, #tpu.memory_space<semaphore_mem>>)
    %dma_start3A_160 = tpu.memref_slice %arg5[%add3A_155] : memref<320000xi32, #tpu.memory_space<hbm>> -> memref<80xi32, #tpu.memory_space<hbm>>
    %dma_start3A_161 = tpu.memref_slice %arg5[%add3A_155] : memref<320000xi32, #tpu.memory_space<hbm>> -> memref<80xi32, #tpu.memory_space<hbm>>
    tpu.enqueue_dma source(%dma_start3A_161 : memref<80xi32, #tpu.memory_space<hbm>>) target(%arg11 : memref<80xi32, #tpu.memory_space<vmem>>) target_semaphore(%arg24 : memref<!tpu.dma_semaphore, #tpu.memory_space<semaphore_mem>>)
    %add3A_162 = arith.constant 0 : i32
    %add3A_163 = arith.addi %mul3A_153, %add3A_162 : i32
    %dma_wait3A_164 = tpu.memref_slice %arg3[%add3A_163] : memref<320000xi32, #tpu.memory_space<hbm>> -> memref<80xi32, #tpu.memory_space<hbm>>
    %dma_wait3A_165 = tpu.memref_slice %arg3[%add3A_163] : memref<320000xi32, #tpu.memory_space<hbm>> -> memref<80xi32, #tpu.memory_space<hbm>>
    tpu.wait_dma2 semaphore(%arg24 : memref<!tpu.dma_semaphore, #tpu.memory_space<semaphore_mem>>) src(%dma_wait3A_165 : memref<80xi32, #tpu.memory_space<hbm>>) dst(%arg9 : memref<80xi32, #tpu.memory_space<vmem>>)
    %dma_wait3A_166 = tpu.memref_slice %arg4[%add3A_163] : memref<320000xi32, #tpu.memory_space<hbm>> -> memref<80xi32, #tpu.memory_space<hbm>>
    %dma_wait3A_167 = tpu.memref_slice %arg4[%add3A_163] : memref<320000xi32, #tpu.memory_space<hbm>> -> memref<80xi32, #tpu.memory_space<hbm>>
    tpu.wait_dma2 semaphore(%arg24 : memref<!tpu.dma_semaphore, #tpu.memory_space<semaphore_mem>>) src(%dma_wait3A_167 : memref<80xi32, #tpu.memory_space<hbm>>) dst(%arg10 : memref<80xi32, #tpu.memory_space<vmem>>)
    %dma_wait3A_168 = tpu.memref_slice %arg5[%add3A_163] : memref<320000xi32, #tpu.memory_space<hbm>> -> memref<80xi32, #tpu.memory_space<hbm>>
    %dma_wait3A_169 = tpu.memref_slice %arg5[%add3A_163] : memref<320000xi32, #tpu.memory_space<hbm>> -> memref<80xi32, #tpu.memory_space<hbm>>
    tpu.wait_dma2 semaphore(%arg24 : memref<!tpu.dma_semaphore, #tpu.memory_space<semaphore_mem>>) src(%dma_wait3A_169 : memref<80xi32, #tpu.memory_space<hbm>>) dst(%arg11 : memref<80xi32, #tpu.memory_space<vmem>>)
    %dma_start3A_170 = arith.constant 0 : i32
    %dma_start3A_171 = arith.constant 0 : i32
    %dma_start3A_172 = tpu.memref_slice %arg2[%dma_start3A_170, %dma_start3A_171] : memref<10000x128xf32, #tpu.memory_space<hbm>> -> memref<10000x128xf32, #tpu.memory_space<hbm>>
    tpu.enqueue_indirect_dma source(%dma_start3A_172 : memref<10000x128xf32, #tpu.memory_space<hbm>>) target(%arg16 : memref<80x128xf32, #tpu.memory_space<vmem>>) offsets(%arg10 : memref<80xi32, #tpu.memory_space<vmem>>) semaphore(%arg20 : memref<!tpu.dma_semaphore, #tpu.memory_space<semaphore_mem>>)
    %dma_start3A_173 = arith.constant 0 : i32
    %dma_start3A_174 = arith.constant 0 : i32
    %dma_start3A_175 = tpu.memref_slice %arg2[%dma_start3A_173, %dma_start3A_174] : memref<10000x128xf32, #tpu.memory_space<hbm>> -> memref<10000x128xf32, #tpu.memory_space<hbm>>
    tpu.enqueue_indirect_dma source(%dma_start3A_175 : memref<10000x128xf32, #tpu.memory_space<hbm>>) target(%arg17 : memref<80x128xf32, #tpu.memory_space<vmem>>) offsets(%arg9 : memref<80xi32, #tpu.memory_space<vmem>>) semaphore(%arg21 : memref<!tpu.dma_semaphore, #tpu.memory_space<semaphore_mem>>)
    %scan3A_176 = arith.constant 0 : i32
    %scan3A_177 = arith.constant 0 : i32
    %scan3A_178 = arith.constant 125 : i32
    %scan3A_179 = arith.addi %scan3A_177, %scan3A_178 : i32
    %scan3A_180 = arith.constant 1 : i32
    scf.for %scan3A_201 = %scan3A_177 to %scan3A_179 step %scan3A_180  : i32 {
      %get3A = arith.constant 0 : index
      %get3A_202 = tpu.vector_load %arg11[%get3A] {strides = array<i32>} : memref<80xi32, #tpu.memory_space<vmem>>, vector<16xi32>,
      %gather3A = tpu.vector_load_idx %arg15[%get3A_202] : memref<240xf32, #tpu.memory_space<vmem>>[vector<16xi32>], vector<16xf32>,
      %swap3A = arith.constant 0 : index
      %swap3A_203 = tpu.vector_load %arg14[%swap3A] {strides = array<i32>} : memref<80xf32, #tpu.memory_space<vmem>>, vector<16xf32>,
      tpu.vector_store %arg14[%swap3A], %gather3A {strides = array<i32>} : memref<80xf32, #tpu.memory_space<vmem>>, vector<16xf32>,
      %get3A_204 = arith.constant 16 : index
      %get3A_205 = tpu.vector_load %arg11[%get3A_204] {strides = array<i32>} : memref<80xi32, #tpu.memory_space<vmem>>, vector<16xi32>,
      %gather3A_206 = tpu.vector_load_idx %arg15[%get3A_205] : memref<240xf32, #tpu.memory_space<vmem>>[vector<16xi32>], vector<16xf32>,
      %swap3A_207 = arith.constant 16 : index
      %swap3A_208 = tpu.vector_load %arg14[%swap3A_207] {strides = array<i32>} : memref<80xf32, #tpu.memory_space<vmem>>, vector<16xf32>,
      tpu.vector_store %arg14[%swap3A_207], %gather3A_206 {strides = array<i32>} : memref<80xf32, #tpu.memory_space<vmem>>, vector<16xf32>,
      %get3A_209 = arith.constant 32 : index
      %get3A_210 = tpu.vector_load %arg11[%get3A_209] {strides = array<i32>} : memref<80xi32, #tpu.memory_space<vmem>>, vector<16xi32>,
      %gather3A_211 = tpu.vector_load_idx %arg15[%get3A_210] : memref<240xf32, #tpu.memory_space<vmem>>[vector<16xi32>], vector<16xf32>,
      %swap3A_212 = arith.constant 32 : index
      %swap3A_213 = tpu.vector_load %arg14[%swap3A_212] {strides = array<i32>} : memref<80xf32, #tpu.memory_space<vmem>>, vector<16xf32>,
      tpu.vector_store %arg14[%swap3A_212], %gather3A_211 {strides = array<i32>} : memref<80xf32, #tpu.memory_space<vmem>>, vector<16xf32>,
      %get3A_214 = arith.constant 48 : index
      %get3A_215 = tpu.vector_load %arg11[%get3A_214] {strides = array<i32>} : memref<80xi32, #tpu.memory_space<vmem>>, vector<16xi32>,
      %gather3A_216 = tpu.vector_load_idx %arg15[%get3A_215] : memref<240xf32, #tpu.memory_space<vmem>>[vector<16xi32>], vector<16xf32>,
      %swap3A_217 = arith.constant 48 : index
      %swap3A_218 = tpu.vector_load %arg14[%swap3A_217] {strides = array<i32>} : memref<80xf32, #tpu.memory_space<vmem>>, vector<16xf32>,
      tpu.vector_store %arg14[%swap3A_217], %gather3A_216 {strides = array<i32>} : memref<80xf32, #tpu.memory_space<vmem>>, vector<16xf32>,
      %get3A_219 = arith.constant 64 : index
      %get3A_220 = tpu.vector_load %arg11[%get3A_219] {strides = array<i32>} : memref<80xi32, #tpu.memory_space<vmem>>, vector<16xi32>,
      %gather3A_221 = tpu.vector_load_idx %arg15[%get3A_220] : memref<240xf32, #tpu.memory_space<vmem>>[vector<16xi32>], vector<16xf32>,
      %swap3A_222 = arith.constant 64 : index
      %swap3A_223 = tpu.vector_load %arg14[%swap3A_222] {strides = array<i32>} : memref<80xf32, #tpu.memory_space<vmem>>, vector<16xf32>,
      tpu.vector_store %arg14[%swap3A_222], %gather3A_221 {strides = array<i32>} : memref<80xf32, #tpu.memory_space<vmem>>, vector<16xf32>,
      %dma_wait3A_224 = arith.constant 0 : i32
      %dma_wait3A_225 = arith.constant 0 : i32
      %dma_wait3A_226 = tpu.memref_slice %arg2[%dma_wait3A_224, %dma_wait3A_225] : memref<10000x128xf32, #tpu.memory_space<hbm>> -> memref<10000x128xf32, #tpu.memory_space<hbm>>
      tpu.wait_indirect_dma semaphore(%arg20 : memref<!tpu.dma_semaphore, #tpu.memory_space<semaphore_mem>>) src(%dma_wait3A_226 : memref<10000x128xf32, #tpu.memory_space<hbm>>) dst(%arg16 : memref<80x128xf32, #tpu.memory_space<vmem>>)
      %ge3A = arith.constant 1 : i32
      %ge3A_227 = arith.cmpi sge, %scan3A_201, %ge3A : i32
      %convert_element_type3A_228 = arith.extui %ge3A_227 : i1 to i32
      %cond3A_229 = arith.constant 0 : i32
      %cond3A_230 = arith.cmpi ne, %convert_element_type3A_228, %cond3A_229 : i32
      scf.if %cond3A_230 {
        %dma_wait3A_307 = arith.constant 0 : i32
        %dma_wait3A_308 = arith.constant 0 : i32
        %dma_wait3A_309 = tpu.memref_slice %arg8[%dma_wait3A_307, %dma_wait3A_308] : memref<10000x128xf32, #tpu.memory_space<vmem_shared>> -> memref<10000x128xf32, #tpu.memory_space<vmem_shared>>
        tpu.wait_indirect_dma semaphore(%arg22 : memref<!tpu.dma_semaphore, #tpu.memory_space<semaphore_mem>>) src(%arg18 : memref<80x128xf32, #tpu.memory_space<vmem>>) dst(%dma_wait3A_309 : memref<10000x128xf32, #tpu.memory_space<vmem_shared>>)
      } else {
      }
      %parallel_loop3A = arith.constant 0 : i32
      %parallel_loop3A_231 = arith.constant 80 : i32
      %parallel_loop3A_232 = arith.constant 1 : i32
      scf.for %parallel_loop3A_307 = %parallel_loop3A to %parallel_loop3A_231 step %parallel_loop3A_232  : i32 {
        %parallel_loop3A_308 = vector.broadcast %parallel_loop3A_307 : i32 to vector<16xi32>
        %parallel_loop3A_309 = tpu.vector_load_idx %arg14[%parallel_loop3A_308] : memref<80xf32, #tpu.memory_space<vmem>>[vector<16xi32>], vector<16xf32>,
        %parallel_loop3A_310 = arith.index_cast %parallel_loop3A_307 : i32 to index
        %parallel_loop3A_311 = arith.constant 0 : index
        %parallel_loop3A_312 = tpu.vector_load %arg16[%parallel_loop3A_310, %parallel_loop3A_311] {strides = array<i32>} : memref<80x128xf32, #tpu.memory_space<vmem>>, vector<16xf32>,
        %parallel_loop3A_313 = arith.mulf %parallel_loop3A_312, %parallel_loop3A_309 : vector<16xf32>
        %parallel_loop3A_314 = arith.index_cast %parallel_loop3A_307 : i32 to index
        %parallel_loop3A_315 = arith.constant 0 : index
        %parallel_loop3A_316 = tpu.vector_load %arg18[%parallel_loop3A_314, %parallel_loop3A_315] {strides = array<i32>} : memref<80x128xf32, #tpu.memory_space<vmem>>, vector<16xf32>,
        tpu.vector_store %arg18[%parallel_loop3A_314, %parallel_loop3A_315], %parallel_loop3A_313 {strides = array<i32>} : memref<80x128xf32, #tpu.memory_space<vmem>>, vector<16xf32>,
        %parallel_loop3A_317 = arith.index_cast %parallel_loop3A_307 : i32 to index
        %parallel_loop3A_318 = arith.constant 16 : index
        %parallel_loop3A_319 = tpu.vector_load %arg16[%parallel_loop3A_317, %parallel_loop3A_318] {strides = array<i32>} : memref<80x128xf32, #tpu.memory_space<vmem>>, vector<16xf32>,
        %parallel_loop3A_320 = arith.mulf %parallel_loop3A_319, %parallel_loop3A_309 : vector<16xf32>
        %parallel_loop3A_321 = arith.index_cast %parallel_loop3A_307 : i32 to index
        %parallel_loop3A_322 = arith.constant 16 : index
        %parallel_loop3A_323 = tpu.vector_load %arg18[%parallel_loop3A_321, %parallel_loop3A_322] {strides = array<i32>} : memref<80x128xf32, #tpu.memory_space<vmem>>, vector<16xf32>,
        tpu.vector_store %arg18[%parallel_loop3A_321, %parallel_loop3A_322], %parallel_loop3A_320 {strides = array<i32>} : memref<80x128xf32, #tpu.memory_space<vmem>>, vector<16xf32>,
        %parallel_loop3A_324 = arith.index_cast %parallel_loop3A_307 : i32 to index
        %parallel_loop3A_325 = arith.constant 32 : index
        %parallel_loop3A_326 = tpu.vector_load %arg16[%parallel_loop3A_324, %parallel_loop3A_325] {strides = array<i32>} : memref<80x128xf32, #tpu.memory_space<vmem>>, vector<16xf32>,
        %parallel_loop3A_327 = arith.mulf %parallel_loop3A_326, %parallel_loop3A_309 : vector<16xf32>
        %parallel_loop3A_328 = arith.index_cast %parallel_loop3A_307 : i32 to index
        %parallel_loop3A_329 = arith.constant 32 : index
        %parallel_loop3A_330 = tpu.vector_load %arg18[%parallel_loop3A_328, %parallel_loop3A_329] {strides = array<i32>} : memref<80x128xf32, #tpu.memory_space<vmem>>, vector<16xf32>,
        tpu.vector_store %arg18[%parallel_loop3A_328, %parallel_loop3A_329], %parallel_loop3A_327 {strides = array<i32>} : memref<80x128xf32, #tpu.memory_space<vmem>>, vector<16xf32>,
        %parallel_loop3A_331 = arith.index_cast %parallel_loop3A_307 : i32 to index
        %parallel_loop3A_332 = arith.constant 48 : index
        %parallel_loop3A_333 = tpu.vector_load %arg16[%parallel_loop3A_331, %parallel_loop3A_332] {strides = array<i32>} : memref<80x128xf32, #tpu.memory_space<vmem>>, vector<16xf32>,
        %parallel_loop3A_334 = arith.mulf %parallel_loop3A_333, %parallel_loop3A_309 : vector<16xf32>
        %parallel_loop3A_335 = arith.index_cast %parallel_loop3A_307 : i32 to index
        %parallel_loop3A_336 = arith.constant 48 : index
        %parallel_loop3A_337 = tpu.vector_load %arg18[%parallel_loop3A_335, %parallel_loop3A_336] {strides = array<i32>} : memref<80x128xf32, #tpu.memory_space<vmem>>, vector<16xf32>,
        tpu.vector_store %arg18[%parallel_loop3A_335, %parallel_loop3A_336], %parallel_loop3A_334 {strides = array<i32>} : memref<80x128xf32, #tpu.memory_space<vmem>>, vector<16xf32>,
        %parallel_loop3A_338 = arith.index_cast %parallel_loop3A_307 : i32 to index
        %parallel_loop3A_339 = arith.constant 64 : index
        %parallel_loop3A_340 = tpu.vector_load %arg16[%parallel_loop3A_338, %parallel_loop3A_339] {strides = array<i32>} : memref<80x128xf32, #tpu.memory_space<vmem>>, vector<16xf32>,
        %parallel_loop3A_341 = arith.mulf %parallel_loop3A_340, %parallel_loop3A_309 : vector<16xf32>
        %parallel_loop3A_342 = arith.index_cast %parallel_loop3A_307 : i32 to index
        %parallel_loop3A_343 = arith.constant 64 : index
        %parallel_loop3A_344 = tpu.vector_load %arg18[%parallel_loop3A_342, %parallel_loop3A_343] {strides = array<i32>} : memref<80x128xf32, #tpu.memory_space<vmem>>, vector<16xf32>,
        tpu.vector_store %arg18[%parallel_loop3A_342, %parallel_loop3A_343], %parallel_loop3A_341 {strides = array<i32>} : memref<80x128xf32, #tpu.memory_space<vmem>>, vector<16xf32>,
        %parallel_loop3A_345 = arith.index_cast %parallel_loop3A_307 : i32 to index
        %parallel_loop3A_346 = arith.constant 80 : index
        %parallel_loop3A_347 = tpu.vector_load %arg16[%parallel_loop3A_345, %parallel_loop3A_346] {strides = array<i32>} : memref<80x128xf32, #tpu.memory_space<vmem>>, vector<16xf32>,
        %parallel_loop3A_348 = arith.mulf %parallel_loop3A_347, %parallel_loop3A_309 : vector<16xf32>
        %parallel_loop3A_349 = arith.index_cast %parallel_loop3A_307 : i32 to index
        %parallel_loop3A_350 = arith.constant 80 : index
        %parallel_loop3A_351 = tpu.vector_load %arg18[%parallel_loop3A_349, %parallel_loop3A_350] {strides = array<i32>} : memref<80x128xf32, #tpu.memory_space<vmem>>, vector<16xf32>,
        tpu.vector_store %arg18[%parallel_loop3A_349, %parallel_loop3A_350], %parallel_loop3A_348 {strides = array<i32>} : memref<80x128xf32, #tpu.memory_space<vmem>>, vector<16xf32>,
        %parallel_loop3A_352 = arith.index_cast %parallel_loop3A_307 : i32 to index
        %parallel_loop3A_353 = arith.constant 96 : index
        %parallel_loop3A_354 = tpu.vector_load %arg16[%parallel_loop3A_352, %parallel_loop3A_353] {strides = array<i32>} : memref<80x128xf32, #tpu.memory_space<vmem>>, vector<16xf32>,
        %parallel_loop3A_355 = arith.mulf %parallel_loop3A_354, %parallel_loop3A_309 : vector<16xf32>
        %parallel_loop3A_356 = arith.index_cast %parallel_loop3A_307 : i32 to index
        %parallel_loop3A_357 = arith.constant 96 : index
        %parallel_loop3A_358 = tpu.vector_load %arg18[%parallel_loop3A_356, %parallel_loop3A_357] {strides = array<i32>} : memref<80x128xf32, #tpu.memory_space<vmem>>, vector<16xf32>,
        tpu.vector_store %arg18[%parallel_loop3A_356, %parallel_loop3A_357], %parallel_loop3A_355 {strides = array<i32>} : memref<80x128xf32, #tpu.memory_space<vmem>>, vector<16xf32>,
        %parallel_loop3A_359 = arith.index_cast %parallel_loop3A_307 : i32 to index
        %parallel_loop3A_360 = arith.constant 112 : index
        %parallel_loop3A_361 = tpu.vector_load %arg16[%parallel_loop3A_359, %parallel_loop3A_360] {strides = array<i32>} : memref<80x128xf32, #tpu.memory_space<vmem>>, vector<16xf32>,
        %parallel_loop3A_362 = arith.mulf %parallel_loop3A_361, %parallel_loop3A_309 : vector<16xf32>
        %parallel_loop3A_363 = arith.index_cast %parallel_loop3A_307 : i32 to index
        %parallel_loop3A_364 = arith.constant 112 : index
        %parallel_loop3A_365 = tpu.vector_load %arg18[%parallel_loop3A_363, %parallel_loop3A_364] {strides = array<i32>} : memref<80x128xf32, #tpu.memory_space<vmem>>, vector<16xf32>,
        tpu.vector_store %arg18[%parallel_loop3A_363, %parallel_loop3A_364], %parallel_loop3A_362 {strides = array<i32>} : memref<80x128xf32, #tpu.memory_space<vmem>>, vector<16xf32>,
      } {sc.loop_unroll_factor = 4 : i64, sc.parallel_access}
      %get3A_233 = arith.constant 0 : index
      %get3A_234 = tpu.vector_load %arg9[%get3A_233] {strides = array<i32>} : memref<80xi32, #tpu.memory_space<vmem>>, vector<16xi32>,
      %swap3A_235 = arith.constant 0 : index
      %swap3A_236 = tpu.vector_load %arg12[%swap3A_235] {strides = array<i32>} : memref<80xi32, #tpu.memory_space<vmem>>, vector<16xi32>,
      tpu.vector_store %arg12[%swap3A_235], %get3A_234 {strides = array<i32>} : memref<80xi32, #tpu.memory_space<vmem>>, vector<16xi32>,
      %get3A_237 = arith.constant 16 : index
      %get3A_238 = tpu.vector_load %arg9[%get3A_237] {strides = array<i32>} : memref<80xi32, #tpu.memory_space<vmem>>, vector<16xi32>,
      %swap3A_239 = arith.constant 16 : index
      %swap3A_240 = tpu.vector_load %arg12[%swap3A_239] {strides = array<i32>} : memref<80xi32, #tpu.memory_space<vmem>>, vector<16xi32>,
      tpu.vector_store %arg12[%swap3A_239], %get3A_238 {strides = array<i32>} : memref<80xi32, #tpu.memory_space<vmem>>, vector<16xi32>,
      %get3A_241 = arith.constant 32 : index
      %get3A_242 = tpu.vector_load %arg9[%get3A_241] {strides = array<i32>} : memref<80xi32, #tpu.memory_space<vmem>>, vector<16xi32>,
      %swap3A_243 = arith.constant 32 : index
      %swap3A_244 = tpu.vector_load %arg12[%swap3A_243] {strides = array<i32>} : memref<80xi32, #tpu.memory_space<vmem>>, vector<16xi32>,
      tpu.vector_store %arg12[%swap3A_243], %get3A_242 {strides = array<i32>} : memref<80xi32, #tpu.memory_space<vmem>>, vector<16xi32>,
      %get3A_245 = arith.constant 48 : index
      %get3A_246 = tpu.vector_load %arg9[%get3A_245] {strides = array<i32>} : memref<80xi32, #tpu.memory_space<vmem>>, vector<16xi32>,
      %swap3A_247 = arith.constant 48 : index
      %swap3A_248 = tpu.vector_load %arg12[%swap3A_247] {strides = array<i32>} : memref<80xi32, #tpu.memory_space<vmem>>, vector<16xi32>,
      tpu.vector_store %arg12[%swap3A_247], %get3A_246 {strides = array<i32>} : memref<80xi32, #tpu.memory_space<vmem>>, vector<16xi32>,
      %get3A_249 = arith.constant 64 : index
      %get3A_250 = tpu.vector_load %arg9[%get3A_249] {strides = array<i32>} : memref<80xi32, #tpu.memory_space<vmem>>, vector<16xi32>,
      %swap3A_251 = arith.constant 64 : index
      %swap3A_252 = tpu.vector_load %arg12[%swap3A_251] {strides = array<i32>} : memref<80xi32, #tpu.memory_space<vmem>>, vector<16xi32>,
      tpu.vector_store %arg12[%swap3A_251], %get3A_250 {strides = array<i32>} : memref<80xi32, #tpu.memory_space<vmem>>, vector<16xi32>,
      %dma_start3A_253 = arith.constant 0 : i32
      %dma_start3A_254 = arith.constant 0 : i32
      %dma_start3A_255 = tpu.memref_slice %arg8[%dma_start3A_253, %dma_start3A_254] : memref<10000x128xf32, #tpu.memory_space<vmem_shared>> -> memref<10000x128xf32, #tpu.memory_space<vmem_shared>>
      tpu.enqueue_indirect_dma source(%arg18 : memref<80x128xf32, #tpu.memory_space<vmem>>) target(%dma_start3A_255 : memref<10000x128xf32, #tpu.memory_space<vmem_shared>>) offsets(%arg12 : memref<80xi32, #tpu.memory_space<vmem>>) semaphore(%arg22 : memref<!tpu.dma_semaphore, #tpu.memory_space<semaphore_mem>>) {add = true}
      %dma_wait3A_256 = arith.constant 0 : i32
      %dma_wait3A_257 = arith.constant 0 : i32
      %dma_wait3A_258 = tpu.memref_slice %arg2[%dma_wait3A_256, %dma_wait3A_257] : memref<10000x128xf32, #tpu.memory_space<hbm>> -> memref<10000x128xf32, #tpu.memory_space<hbm>>
      tpu.wait_indirect_dma semaphore(%arg21 : memref<!tpu.dma_semaphore, #tpu.memory_space<semaphore_mem>>) src(%dma_wait3A_258 : memref<10000x128xf32, #tpu.memory_space<hbm>>) dst(%arg17 : memref<80x128xf32, #tpu.memory_space<vmem>>)
      %ge3A_259 = arith.constant 1 : i32
      %ge3A_260 = arith.cmpi sge, %scan3A_201, %ge3A_259 : i32
      %convert_element_type3A_261 = arith.extui %ge3A_260 : i1 to i32
      %cond3A_262 = arith.constant 0 : i32
      %cond3A_263 = arith.cmpi ne, %convert_element_type3A_261, %cond3A_262 : i32
      scf.if %cond3A_263 {
        %dma_wait3A_307 = arith.constant 0 : i32
        %dma_wait3A_308 = arith.constant 0 : i32
        %dma_wait3A_309 = tpu.memref_slice %arg8[%dma_wait3A_307, %dma_wait3A_308] : memref<10000x128xf32, #tpu.memory_space<vmem_shared>> -> memref<10000x128xf32, #tpu.memory_space<vmem_shared>>
        tpu.wait_indirect_dma semaphore(%arg23 : memref<!tpu.dma_semaphore, #tpu.memory_space<semaphore_mem>>) src(%arg19 : memref<80x128xf32, #tpu.memory_space<vmem>>) dst(%dma_wait3A_309 : memref<10000x128xf32, #tpu.memory_space<vmem_shared>>)
      } else {
      }
      %get3A_264 = arith.constant 0 : index
      %get3A_265 = tpu.vector_load %arg10[%get3A_264] {strides = array<i32>} : memref<80xi32, #tpu.memory_space<vmem>>, vector<16xi32>,
      %swap3A_266 = arith.constant 0 : index
      %swap3A_267 = tpu.vector_load %arg13[%swap3A_266] {strides = array<i32>} : memref<80xi32, #tpu.memory_space<vmem>>, vector<16xi32>,
      tpu.vector_store %arg13[%swap3A_266], %get3A_265 {strides = array<i32>} : memref<80xi32, #tpu.memory_space<vmem>>, vector<16xi32>,
      %get3A_268 = arith.constant 16 : index
      %get3A_269 = tpu.vector_load %arg10[%get3A_268] {strides = array<i32>} : memref<80xi32, #tpu.memory_space<vmem>>, vector<16xi32>,
      %swap3A_270 = arith.constant 16 : index
      %swap3A_271 = tpu.vector_load %arg13[%swap3A_270] {strides = array<i32>} : memref<80xi32, #tpu.memory_space<vmem>>, vector<16xi32>,
      tpu.vector_store %arg13[%swap3A_270], %get3A_269 {strides = array<i32>} : memref<80xi32, #tpu.memory_space<vmem>>, vector<16xi32>,
      %get3A_272 = arith.constant 32 : index
      %get3A_273 = tpu.vector_load %arg10[%get3A_272] {strides = array<i32>} : memref<80xi32, #tpu.memory_space<vmem>>, vector<16xi32>,
      %swap3A_274 = arith.constant 32 : index
      %swap3A_275 = tpu.vector_load %arg13[%swap3A_274] {strides = array<i32>} : memref<80xi32, #tpu.memory_space<vmem>>, vector<16xi32>,
      tpu.vector_store %arg13[%swap3A_274], %get3A_273 {strides = array<i32>} : memref<80xi32, #tpu.memory_space<vmem>>, vector<16xi32>,
      %get3A_276 = arith.constant 48 : index
      %get3A_277 = tpu.vector_load %arg10[%get3A_276] {strides = array<i32>} : memref<80xi32, #tpu.memory_space<vmem>>, vector<16xi32>,
      %swap3A_278 = arith.constant 48 : index
      %swap3A_279 = tpu.vector_load %arg13[%swap3A_278] {strides = array<i32>} : memref<80xi32, #tpu.memory_space<vmem>>, vector<16xi32>,
      tpu.vector_store %arg13[%swap3A_278], %get3A_277 {strides = array<i32>} : memref<80xi32, #tpu.memory_space<vmem>>, vector<16xi32>,
      %get3A_280 = arith.constant 64 : index
      %get3A_281 = tpu.vector_load %arg10[%get3A_280] {strides = array<i32>} : memref<80xi32, #tpu.memory_space<vmem>>, vector<16xi32>,
      %swap3A_282 = arith.constant 64 : index
      %swap3A_283 = tpu.vector_load %arg13[%swap3A_282] {strides = array<i32>} : memref<80xi32, #tpu.memory_space<vmem>>, vector<16xi32>,
      tpu.vector_store %arg13[%swap3A_282], %get3A_281 {strides = array<i32>} : memref<80xi32, #tpu.memory_space<vmem>>, vector<16xi32>,
      %lt3A = arith.constant 124 : i32
      %lt3A_284 = arith.cmpi slt, %scan3A_201, %lt3A : i32
      %convert_element_type3A_285 = arith.extui %lt3A_284 : i1 to i32
      %cond3A_286 = arith.constant 0 : i32
      %cond3A_287 = arith.cmpi ne, %convert_element_type3A_285, %cond3A_286 : i32
      scf.if %cond3A_287 {
        %add3A_307 = arith.constant 1 : i32
        %add3A_308 = arith.addi %scan3A_201, %add3A_307 : i32
        %mul3A_309 = arith.constant 80 : i32
        %mul3A_310 = arith.muli %add3A_308, %mul3A_309 : i32
        %add3A_311 = arith.addi %mul3A_153, %mul3A_310 : i32
        %dma_start3A_312 = tpu.memref_slice %arg3[%add3A_311] : memref<320000xi32, #tpu.memory_space<hbm>> -> memref<80xi32, #tpu.memory_space<hbm>>
        %dma_start3A_313 = tpu.memref_slice %arg3[%add3A_311] : memref<320000xi32, #tpu.memory_space<hbm>> -> memref<80xi32, #tpu.memory_space<hbm>>
        tpu.enqueue_dma source(%dma_start3A_313 : memref<80xi32, #tpu.memory_space<hbm>>) target(%arg9 : memref<80xi32, #tpu.memory_space<vmem>>) target_semaphore(%arg24 : memref<!tpu.dma_semaphore, #tpu.memory_space<semaphore_mem>>)
        %dma_start3A_314 = tpu.memref_slice %arg4[%add3A_311] : memref<320000xi32, #tpu.memory_space<hbm>> -> memref<80xi32, #tpu.memory_space<hbm>>
        %dma_start3A_315 = tpu.memref_slice %arg4[%add3A_311] : memref<320000xi32, #tpu.memory_space<hbm>> -> memref<80xi32, #tpu.memory_space<hbm>>
        tpu.enqueue_dma source(%dma_start3A_315 : memref<80xi32, #tpu.memory_space<hbm>>) target(%arg10 : memref<80xi32, #tpu.memory_space<vmem>>) target_semaphore(%arg24 : memref<!tpu.dma_semaphore, #tpu.memory_space<semaphore_mem>>)
        %dma_start3A_316 = tpu.memref_slice %arg5[%add3A_311] : memref<320000xi32, #tpu.memory_space<hbm>> -> memref<80xi32, #tpu.memory_space<hbm>>
        %dma_start3A_317 = tpu.memref_slice %arg5[%add3A_311] : memref<320000xi32, #tpu.memory_space<hbm>> -> memref<80xi32, #tpu.memory_space<hbm>>
        tpu.enqueue_dma source(%dma_start3A_317 : memref<80xi32, #tpu.memory_space<hbm>>) target(%arg11 : memref<80xi32, #tpu.memory_space<vmem>>) target_semaphore(%arg24 : memref<!tpu.dma_semaphore, #tpu.memory_space<semaphore_mem>>)
      } else {
      }
      %parallel_loop3A_288 = arith.constant 0 : i32
      %parallel_loop3A_289 = arith.constant 40 : i32
      %parallel_loop3A_290 = arith.constant 1 : i32
      scf.for %parallel_loop3A_307 = %parallel_loop3A_288 to %parallel_loop3A_289 step %parallel_loop3A_290  : i32 {
        %parallel_loop3A_308 = vector.broadcast %parallel_loop3A_307 : i32 to vector<16xi32>
        %parallel_loop3A_309 = tpu.vector_load_idx %arg14[%parallel_loop3A_308] : memref<80xf32, #tpu.memory_space<vmem>>[vector<16xi32>], vector<16xf32>,
        %parallel_loop3A_310 = arith.index_cast %parallel_loop3A_307 : i32 to index
        %parallel_loop3A_311 = arith.constant 0 : index
        %parallel_loop3A_312 = tpu.vector_load %arg17[%parallel_loop3A_310, %parallel_loop3A_311] {strides = array<i32>} : memref<80x128xf32, #tpu.memory_space<vmem>>, vector<16xf32>,
        %parallel_loop3A_313 = arith.mulf %parallel_loop3A_312, %parallel_loop3A_309 : vector<16xf32>
        %parallel_loop3A_314 = arith.index_cast %parallel_loop3A_307 : i32 to index
        %parallel_loop3A_315 = arith.constant 0 : index
        %parallel_loop3A_316 = tpu.vector_load %arg19[%parallel_loop3A_314, %parallel_loop3A_315] {strides = array<i32>} : memref<80x128xf32, #tpu.memory_space<vmem>>, vector<16xf32>,
        tpu.vector_store %arg19[%parallel_loop3A_314, %parallel_loop3A_315], %parallel_loop3A_313 {strides = array<i32>} : memref<80x128xf32, #tpu.memory_space<vmem>>, vector<16xf32>,
        %parallel_loop3A_317 = arith.index_cast %parallel_loop3A_307 : i32 to index
        %parallel_loop3A_318 = arith.constant 16 : index
        %parallel_loop3A_319 = tpu.vector_load %arg17[%parallel_loop3A_317, %parallel_loop3A_318] {strides = array<i32>} : memref<80x128xf32, #tpu.memory_space<vmem>>, vector<16xf32>,
        %parallel_loop3A_320 = arith.mulf %parallel_loop3A_319, %parallel_loop3A_309 : vector<16xf32>
        %parallel_loop3A_321 = arith.index_cast %parallel_loop3A_307 : i32 to index
        %parallel_loop3A_322 = arith.constant 16 : index
        %parallel_loop3A_323 = tpu.vector_load %arg19[%parallel_loop3A_321, %parallel_loop3A_322] {strides = array<i32>} : memref<80x128xf32, #tpu.memory_space<vmem>>, vector<16xf32>,
        tpu.vector_store %arg19[%parallel_loop3A_321, %parallel_loop3A_322], %parallel_loop3A_320 {strides = array<i32>} : memref<80x128xf32, #tpu.memory_space<vmem>>, vector<16xf32>,
        %parallel_loop3A_324 = arith.index_cast %parallel_loop3A_307 : i32 to index
        %parallel_loop3A_325 = arith.constant 32 : index
        %parallel_loop3A_326 = tpu.vector_load %arg17[%parallel_loop3A_324, %parallel_loop3A_325] {strides = array<i32>} : memref<80x128xf32, #tpu.memory_space<vmem>>, vector<16xf32>,
        %parallel_loop3A_327 = arith.mulf %parallel_loop3A_326, %parallel_loop3A_309 : vector<16xf32>
        %parallel_loop3A_328 = arith.index_cast %parallel_loop3A_307 : i32 to index
        %parallel_loop3A_329 = arith.constant 32 : index
        %parallel_loop3A_330 = tpu.vector_load %arg19[%parallel_loop3A_328, %parallel_loop3A_329] {strides = array<i32>} : memref<80x128xf32, #tpu.memory_space<vmem>>, vector<16xf32>,
        tpu.vector_store %arg19[%parallel_loop3A_328, %parallel_loop3A_329], %parallel_loop3A_327 {strides = array<i32>} : memref<80x128xf32, #tpu.memory_space<vmem>>, vector<16xf32>,
        %parallel_loop3A_331 = arith.index_cast %parallel_loop3A_307 : i32 to index
        %parallel_loop3A_332 = arith.constant 48 : index
        %parallel_loop3A_333 = tpu.vector_load %arg17[%parallel_loop3A_331, %parallel_loop3A_332] {strides = array<i32>} : memref<80x128xf32, #tpu.memory_space<vmem>>, vector<16xf32>,
        %parallel_loop3A_334 = arith.mulf %parallel_loop3A_333, %parallel_loop3A_309 : vector<16xf32>
        %parallel_loop3A_335 = arith.index_cast %parallel_loop3A_307 : i32 to index
        %parallel_loop3A_336 = arith.constant 48 : index
        %parallel_loop3A_337 = tpu.vector_load %arg19[%parallel_loop3A_335, %parallel_loop3A_336] {strides = array<i32>} : memref<80x128xf32, #tpu.memory_space<vmem>>, vector<16xf32>,
        tpu.vector_store %arg19[%parallel_loop3A_335, %parallel_loop3A_336], %parallel_loop3A_334 {strides = array<i32>} : memref<80x128xf32, #tpu.memory_space<vmem>>, vector<16xf32>,
        %parallel_loop3A_338 = arith.index_cast %parallel_loop3A_307 : i32 to index
        %parallel_loop3A_339 = arith.constant 64 : index
        %parallel_loop3A_340 = tpu.vector_load %arg17[%parallel_loop3A_338, %parallel_loop3A_339] {strides = array<i32>} : memref<80x128xf32, #tpu.memory_space<vmem>>, vector<16xf32>,
        %parallel_loop3A_341 = arith.mulf %parallel_loop3A_340, %parallel_loop3A_309 : vector<16xf32>
        %parallel_loop3A_342 = arith.index_cast %parallel_loop3A_307 : i32 to index
        %parallel_loop3A_343 = arith.constant 64 : index
        %parallel_loop3A_344 = tpu.vector_load %arg19[%parallel_loop3A_342, %parallel_loop3A_343] {strides = array<i32>} : memref<80x128xf32, #tpu.memory_space<vmem>>, vector<16xf32>,
        tpu.vector_store %arg19[%parallel_loop3A_342, %parallel_loop3A_343], %parallel_loop3A_341 {strides = array<i32>} : memref<80x128xf32, #tpu.memory_space<vmem>>, vector<16xf32>,
        %parallel_loop3A_345 = arith.index_cast %parallel_loop3A_307 : i32 to index
        %parallel_loop3A_346 = arith.constant 80 : index
        %parallel_loop3A_347 = tpu.vector_load %arg17[%parallel_loop3A_345, %parallel_loop3A_346] {strides = array<i32>} : memref<80x128xf32, #tpu.memory_space<vmem>>, vector<16xf32>,
        %parallel_loop3A_348 = arith.mulf %parallel_loop3A_347, %parallel_loop3A_309 : vector<16xf32>
        %parallel_loop3A_349 = arith.index_cast %parallel_loop3A_307 : i32 to index
        %parallel_loop3A_350 = arith.constant 80 : index
        %parallel_loop3A_351 = tpu.vector_load %arg19[%parallel_loop3A_349, %parallel_loop3A_350] {strides = array<i32>} : memref<80x128xf32, #tpu.memory_space<vmem>>, vector<16xf32>,
        tpu.vector_store %arg19[%parallel_loop3A_349, %parallel_loop3A_350], %parallel_loop3A_348 {strides = array<i32>} : memref<80x128xf32, #tpu.memory_space<vmem>>, vector<16xf32>,
        %parallel_loop3A_352 = arith.index_cast %parallel_loop3A_307 : i32 to index
        %parallel_loop3A_353 = arith.constant 96 : index
        %parallel_loop3A_354 = tpu.vector_load %arg17[%parallel_loop3A_352, %parallel_loop3A_353] {strides = array<i32>} : memref<80x128xf32, #tpu.memory_space<vmem>>, vector<16xf32>,
        %parallel_loop3A_355 = arith.mulf %parallel_loop3A_354, %parallel_loop3A_309 : vector<16xf32>
        %parallel_loop3A_356 = arith.index_cast %parallel_loop3A_307 : i32 to index
        %parallel_loop3A_357 = arith.constant 96 : index
        %parallel_loop3A_358 = tpu.vector_load %arg19[%parallel_loop3A_356, %parallel_loop3A_357] {strides = array<i32>} : memref<80x128xf32, #tpu.memory_space<vmem>>, vector<16xf32>,
        tpu.vector_store %arg19[%parallel_loop3A_356, %parallel_loop3A_357], %parallel_loop3A_355 {strides = array<i32>} : memref<80x128xf32, #tpu.memory_space<vmem>>, vector<16xf32>,
        %parallel_loop3A_359 = arith.index_cast %parallel_loop3A_307 : i32 to index
        %parallel_loop3A_360 = arith.constant 112 : index
        %parallel_loop3A_361 = tpu.vector_load %arg17[%parallel_loop3A_359, %parallel_loop3A_360] {strides = array<i32>} : memref<80x128xf32, #tpu.memory_space<vmem>>, vector<16xf32>,
        %parallel_loop3A_362 = arith.mulf %parallel_loop3A_361, %parallel_loop3A_309 : vector<16xf32>
        %parallel_loop3A_363 = arith.index_cast %parallel_loop3A_307 : i32 to index
        %parallel_loop3A_364 = arith.constant 112 : index
        %parallel_loop3A_365 = tpu.vector_load %arg19[%parallel_loop3A_363, %parallel_loop3A_364] {strides = array<i32>} : memref<80x128xf32, #tpu.memory_space<vmem>>, vector<16xf32>,
        tpu.vector_store %arg19[%parallel_loop3A_363, %parallel_loop3A_364], %parallel_loop3A_362 {strides = array<i32>} : memref<80x128xf32, #tpu.memory_space<vmem>>, vector<16xf32>,
      } {sc.loop_unroll_factor = 4 : i64, sc.parallel_access}
      %lt3A_291 = arith.constant 124 : i32
      %lt3A_292 = arith.cmpi slt, %scan3A_201, %lt3A_291 : i32
      %convert_element_type3A_293 = arith.extui %lt3A_292 : i1 to i32
      %cond3A_294 = arith.constant 0 : i32
      %cond3A_295 = arith.cmpi ne, %convert_element_type3A_293, %cond3A_294 : i32
      scf.if %cond3A_295 {
        %add3A_307 = arith.constant 1 : i32
        %add3A_308 = arith.addi %scan3A_201, %add3A_307 : i32
        %mul3A_309 = arith.constant 80 : i32
        %mul3A_310 = arith.muli %add3A_308, %mul3A_309 : i32
        %add3A_311 = arith.addi %mul3A_153, %mul3A_310 : i32
        %dma_wait3A_312 = tpu.memref_slice %arg3[%add3A_311] : memref<320000xi32, #tpu.memory_space<hbm>> -> memref<80xi32, #tpu.memory_space<hbm>>
        %dma_wait3A_313 = tpu.memref_slice %arg3[%add3A_311] : memref<320000xi32, #tpu.memory_space<hbm>> -> memref<80xi32, #tpu.memory_space<hbm>>
        tpu.wait_dma2 semaphore(%arg24 : memref<!tpu.dma_semaphore, #tpu.memory_space<semaphore_mem>>) src(%dma_wait3A_313 : memref<80xi32, #tpu.memory_space<hbm>>) dst(%arg9 : memref<80xi32, #tpu.memory_space<vmem>>)
        %dma_wait3A_314 = tpu.memref_slice %arg4[%add3A_311] : memref<320000xi32, #tpu.memory_space<hbm>> -> memref<80xi32, #tpu.memory_space<hbm>>
        %dma_wait3A_315 = tpu.memref_slice %arg4[%add3A_311] : memref<320000xi32, #tpu.memory_space<hbm>> -> memref<80xi32, #tpu.memory_space<hbm>>
        tpu.wait_dma2 semaphore(%arg24 : memref<!tpu.dma_semaphore, #tpu.memory_space<semaphore_mem>>) src(%dma_wait3A_315 : memref<80xi32, #tpu.memory_space<hbm>>) dst(%arg10 : memref<80xi32, #tpu.memory_space<vmem>>)
        %dma_wait3A_316 = tpu.memref_slice %arg5[%add3A_311] : memref<320000xi32, #tpu.memory_space<hbm>> -> memref<80xi32, #tpu.memory_space<hbm>>
        %dma_wait3A_317 = tpu.memref_slice %arg5[%add3A_311] : memref<320000xi32, #tpu.memory_space<hbm>> -> memref<80xi32, #tpu.memory_space<hbm>>
        tpu.wait_dma2 semaphore(%arg24 : memref<!tpu.dma_semaphore, #tpu.memory_space<semaphore_mem>>) src(%dma_wait3A_317 : memref<80xi32, #tpu.memory_space<hbm>>) dst(%arg11 : memref<80xi32, #tpu.memory_space<vmem>>)
        %dma_start3A_318 = arith.constant 0 : i32
        %dma_start3A_319 = arith.constant 0 : i32
        %dma_start3A_320 = tpu.memref_slice %arg2[%dma_start3A_318, %dma_start3A_319] : memref<10000x128xf32, #tpu.memory_space<hbm>> -> memref<10000x128xf32, #tpu.memory_space<hbm>>
        tpu.enqueue_indirect_dma source(%dma_start3A_320 : memref<10000x128xf32, #tpu.memory_space<hbm>>) target(%arg16 : memref<80x128xf32, #tpu.memory_space<vmem>>) offsets(%arg10 : memref<80xi32, #tpu.memory_space<vmem>>) semaphore(%arg20 : memref<!tpu.dma_semaphore, #tpu.memory_space<semaphore_mem>>)
      } else {
      }
      %parallel_loop3A_296 = arith.constant 40 : i32
      %parallel_loop3A_297 = arith.constant 80 : i32
      %parallel_loop3A_298 = arith.constant 1 : i32
      scf.for %parallel_loop3A_307 = %parallel_loop3A_296 to %parallel_loop3A_297 step %parallel_loop3A_298  : i32 {
        %parallel_loop3A_308 = vector.broadcast %parallel_loop3A_307 : i32 to vector<16xi32>
        %parallel_loop3A_309 = tpu.vector_load_idx %arg14[%parallel_loop3A_308] : memref<80xf32, #tpu.memory_space<vmem>>[vector<16xi32>], vector<16xf32>,
        %parallel_loop3A_310 = arith.index_cast %parallel_loop3A_307 : i32 to index
        %parallel_loop3A_311 = arith.constant 0 : index
        %parallel_loop3A_312 = tpu.vector_load %arg17[%parallel_loop3A_310, %parallel_loop3A_311] {strides = array<i32>} : memref<80x128xf32, #tpu.memory_space<vmem>>, vector<16xf32>,
        %parallel_loop3A_313 = arith.mulf %parallel_loop3A_312, %parallel_loop3A_309 : vector<16xf32>
        %parallel_loop3A_314 = arith.index_cast %parallel_loop3A_307 : i32 to index
        %parallel_loop3A_315 = arith.constant 0 : index
        %parallel_loop3A_316 = tpu.vector_load %arg19[%parallel_loop3A_314, %parallel_loop3A_315] {strides = array<i32>} : memref<80x128xf32, #tpu.memory_space<vmem>>, vector<16xf32>,
        tpu.vector_store %arg19[%parallel_loop3A_314, %parallel_loop3A_315], %parallel_loop3A_313 {strides = array<i32>} : memref<80x128xf32, #tpu.memory_space<vmem>>, vector<16xf32>,
        %parallel_loop3A_317 = arith.index_cast %parallel_loop3A_307 : i32 to index
        %parallel_loop3A_318 = arith.constant 16 : index
        %parallel_loop3A_319 = tpu.vector_load %arg17[%parallel_loop3A_317, %parallel_loop3A_318] {strides = array<i32>} : memref<80x128xf32, #tpu.memory_space<vmem>>, vector<16xf32>,
        %parallel_loop3A_320 = arith.mulf %parallel_loop3A_319, %parallel_loop3A_309 : vector<16xf32>
        %parallel_loop3A_321 = arith.index_cast %parallel_loop3A_307 : i32 to index
        %parallel_loop3A_322 = arith.constant 16 : index
        %parallel_loop3A_323 = tpu.vector_load %arg19[%parallel_loop3A_321, %parallel_loop3A_322] {strides = array<i32>} : memref<80x128xf32, #tpu.memory_space<vmem>>, vector<16xf32>,
        tpu.vector_store %arg19[%parallel_loop3A_321, %parallel_loop3A_322], %parallel_loop3A_320 {strides = array<i32>} : memref<80x128xf32, #tpu.memory_space<vmem>>, vector<16xf32>,
        %parallel_loop3A_324 = arith.index_cast %parallel_loop3A_307 : i32 to index
        %parallel_loop3A_325 = arith.constant 32 : index
        %parallel_loop3A_326 = tpu.vector_load %arg17[%parallel_loop3A_324, %parallel_loop3A_325] {strides = array<i32>} : memref<80x128xf32, #tpu.memory_space<vmem>>, vector<16xf32>,
        %parallel_loop3A_327 = arith.mulf %parallel_loop3A_326, %parallel_loop3A_309 : vector<16xf32>
        %parallel_loop3A_328 = arith.index_cast %parallel_loop3A_307 : i32 to index
        %parallel_loop3A_329 = arith.constant 32 : index
        %parallel_loop3A_330 = tpu.vector_load %arg19[%parallel_loop3A_328, %parallel_loop3A_329] {strides = array<i32>} : memref<80x128xf32, #tpu.memory_space<vmem>>, vector<16xf32>,
        tpu.vector_store %arg19[%parallel_loop3A_328, %parallel_loop3A_329], %parallel_loop3A_327 {strides = array<i32>} : memref<80x128xf32, #tpu.memory_space<vmem>>, vector<16xf32>,
        %parallel_loop3A_331 = arith.index_cast %parallel_loop3A_307 : i32 to index
        %parallel_loop3A_332 = arith.constant 48 : index
        %parallel_loop3A_333 = tpu.vector_load %arg17[%parallel_loop3A_331, %parallel_loop3A_332] {strides = array<i32>} : memref<80x128xf32, #tpu.memory_space<vmem>>, vector<16xf32>,
        %parallel_loop3A_334 = arith.mulf %parallel_loop3A_333, %parallel_loop3A_309 : vector<16xf32>
        %parallel_loop3A_335 = arith.index_cast %parallel_loop3A_307 : i32 to index
        %parallel_loop3A_336 = arith.constant 48 : index
        %parallel_loop3A_337 = tpu.vector_load %arg19[%parallel_loop3A_335, %parallel_loop3A_336] {strides = array<i32>} : memref<80x128xf32, #tpu.memory_space<vmem>>, vector<16xf32>,
        tpu.vector_store %arg19[%parallel_loop3A_335, %parallel_loop3A_336], %parallel_loop3A_334 {strides = array<i32>} : memref<80x128xf32, #tpu.memory_space<vmem>>, vector<16xf32>,
        %parallel_loop3A_338 = arith.index_cast %parallel_loop3A_307 : i32 to index
        %parallel_loop3A_339 = arith.constant 64 : index
        %parallel_loop3A_340 = tpu.vector_load %arg17[%parallel_loop3A_338, %parallel_loop3A_339] {strides = array<i32>} : memref<80x128xf32, #tpu.memory_space<vmem>>, vector<16xf32>,
        %parallel_loop3A_341 = arith.mulf %parallel_loop3A_340, %parallel_loop3A_309 : vector<16xf32>
        %parallel_loop3A_342 = arith.index_cast %parallel_loop3A_307 : i32 to index
        %parallel_loop3A_343 = arith.constant 64 : index
        %parallel_loop3A_344 = tpu.vector_load %arg19[%parallel_loop3A_342, %parallel_loop3A_343] {strides = array<i32>} : memref<80x128xf32, #tpu.memory_space<vmem>>, vector<16xf32>,
        tpu.vector_store %arg19[%parallel_loop3A_342, %parallel_loop3A_343], %parallel_loop3A_341 {strides = array<i32>} : memref<80x128xf32, #tpu.memory_space<vmem>>, vector<16xf32>,
        %parallel_loop3A_345 = arith.index_cast %parallel_loop3A_307 : i32 to index
        %parallel_loop3A_346 = arith.constant 80 : index
        %parallel_loop3A_347 = tpu.vector_load %arg17[%parallel_loop3A_345, %parallel_loop3A_346] {strides = array<i32>} : memref<80x128xf32, #tpu.memory_space<vmem>>, vector<16xf32>,
        %parallel_loop3A_348 = arith.mulf %parallel_loop3A_347, %parallel_loop3A_309 : vector<16xf32>
        %parallel_loop3A_349 = arith.index_cast %parallel_loop3A_307 : i32 to index
        %parallel_loop3A_350 = arith.constant 80 : index
        %parallel_loop3A_351 = tpu.vector_load %arg19[%parallel_loop3A_349, %parallel_loop3A_350] {strides = array<i32>} : memref<80x128xf32, #tpu.memory_space<vmem>>, vector<16xf32>,
        tpu.vector_store %arg19[%parallel_loop3A_349, %parallel_loop3A_350], %parallel_loop3A_348 {strides = array<i32>} : memref<80x128xf32, #tpu.memory_space<vmem>>, vector<16xf32>,
        %parallel_loop3A_352 = arith.index_cast %parallel_loop3A_307 : i32 to index
        %parallel_loop3A_353 = arith.constant 96 : index
        %parallel_loop3A_354 = tpu.vector_load %arg17[%parallel_loop3A_352, %parallel_loop3A_353] {strides = array<i32>} : memref<80x128xf32, #tpu.memory_space<vmem>>, vector<16xf32>,
        %parallel_loop3A_355 = arith.mulf %parallel_loop3A_354, %parallel_loop3A_309 : vector<16xf32>
        %parallel_loop3A_356 = arith.index_cast %parallel_loop3A_307 : i32 to index
        %parallel_loop3A_357 = arith.constant 96 : index
        %parallel_loop3A_358 = tpu.vector_load %arg19[%parallel_loop3A_356, %parallel_loop3A_357] {strides = array<i32>} : memref<80x128xf32, #tpu.memory_space<vmem>>, vector<16xf32>,
        tpu.vector_store %arg19[%parallel_loop3A_356, %parallel_loop3A_357], %parallel_loop3A_355 {strides = array<i32>} : memref<80x128xf32, #tpu.memory_space<vmem>>, vector<16xf32>,
        %parallel_loop3A_359 = arith.index_cast %parallel_loop3A_307 : i32 to index
        %parallel_loop3A_360 = arith.constant 112 : index
        %parallel_loop3A_361 = tpu.vector_load %arg17[%parallel_loop3A_359, %parallel_loop3A_360] {strides = array<i32>} : memref<80x128xf32, #tpu.memory_space<vmem>>, vector<16xf32>,
        %parallel_loop3A_362 = arith.mulf %parallel_loop3A_361, %parallel_loop3A_309 : vector<16xf32>
        %parallel_loop3A_363 = arith.index_cast %parallel_loop3A_307 : i32 to index
        %parallel_loop3A_364 = arith.constant 112 : index
        %parallel_loop3A_365 = tpu.vector_load %arg19[%parallel_loop3A_363, %parallel_loop3A_364] {strides = array<i32>} : memref<80x128xf32, #tpu.memory_space<vmem>>, vector<16xf32>,
        tpu.vector_store %arg19[%parallel_loop3A_363, %parallel_loop3A_364], %parallel_loop3A_362 {strides = array<i32>} : memref<80x128xf32, #tpu.memory_space<vmem>>, vector<16xf32>,
      } {sc.loop_unroll_factor = 4 : i64, sc.parallel_access}
      %dma_start3A_299 = arith.constant 0 : i32
      %dma_start3A_300 = arith.constant 0 : i32
      %dma_start3A_301 = tpu.memref_slice %arg8[%dma_start3A_299, %dma_start3A_300] : memref<10000x128xf32, #tpu.memory_space<vmem_shared>> -> memref<10000x128xf32, #tpu.memory_space<vmem_shared>>
      tpu.enqueue_indirect_dma source(%arg19 : memref<80x128xf32, #tpu.memory_space<vmem>>) target(%dma_start3A_301 : memref<10000x128xf32, #tpu.memory_space<vmem_shared>>) offsets(%arg13 : memref<80xi32, #tpu.memory_space<vmem>>) semaphore(%arg23 : memref<!tpu.dma_semaphore, #tpu.memory_space<semaphore_mem>>) {add = true}
      %lt3A_302 = arith.constant 124 : i32
      %lt3A_303 = arith.cmpi slt, %scan3A_201, %lt3A_302 : i32
      %convert_element_type3A_304 = arith.extui %lt3A_303 : i1 to i32
      %cond3A_305 = arith.constant 0 : i32
      %cond3A_306 = arith.cmpi ne, %convert_element_type3A_304, %cond3A_305 : i32
      scf.if %cond3A_306 {
        %dma_start3A_307 = arith.constant 0 : i32
        %dma_start3A_308 = arith.constant 0 : i32
        %dma_start3A_309 = tpu.memref_slice %arg2[%dma_start3A_307, %dma_start3A_308] : memref<10000x128xf32, #tpu.memory_space<hbm>> -> memref<10000x128xf32, #tpu.memory_space<hbm>>
        tpu.enqueue_indirect_dma source(%dma_start3A_309 : memref<10000x128xf32, #tpu.memory_space<hbm>>) target(%arg17 : memref<80x128xf32, #tpu.memory_space<vmem>>) offsets(%arg9 : memref<80xi32, #tpu.memory_space<vmem>>) semaphore(%arg21 : memref<!tpu.dma_semaphore, #tpu.memory_space<semaphore_mem>>)
      } else {
      }
    }
    %scan3A_181 = arith.constant 125 : i32
    %dma_wait3A_182 = arith.constant 0 : i32
    %dma_wait3A_183 = arith.constant 0 : i32
    %dma_wait3A_184 = tpu.memref_slice %arg8[%dma_wait3A_182, %dma_wait3A_183] : memref<10000x128xf32, #tpu.memory_space<vmem_shared>> -> memref<10000x128xf32, #tpu.memory_space<vmem_shared>>
    tpu.wait_indirect_dma semaphore(%arg22 : memref<!tpu.dma_semaphore, #tpu.memory_space<semaphore_mem>>) src(%arg18 : memref<80x128xf32, #tpu.memory_space<vmem>>) dst(%dma_wait3A_184 : memref<10000x128xf32, #tpu.memory_space<vmem_shared>>)
    %dma_wait3A_185 = arith.constant 0 : i32
    %dma_wait3A_186 = arith.constant 0 : i32
    %dma_wait3A_187 = tpu.memref_slice %arg8[%dma_wait3A_185, %dma_wait3A_186] : memref<10000x128xf32, #tpu.memory_space<vmem_shared>> -> memref<10000x128xf32, #tpu.memory_space<vmem_shared>>
    tpu.wait_indirect_dma semaphore(%arg23 : memref<!tpu.dma_semaphore, #tpu.memory_space<semaphore_mem>>) src(%arg19 : memref<80x128xf32, #tpu.memory_space<vmem>>) dst(%dma_wait3A_187 : memref<10000x128xf32, #tpu.memory_space<vmem_shared>>)
    %barrier3A_188 = arith.constant 0 : index
    tpu.barrier barrier_id(%barrier3A_188)
    %mul3A_189 = arith.constant 624 : i32
    %mul3A_190 = arith.muli %arg1, %mul3A_189 : i32
    %mul3A_191 = arith.constant 10000 : i32
    %mul3A_192 = arith.muli %arg0, %mul3A_191 : i32
    %mul3A_193 = arith.constant 624 : i32
    %mul3A_194 = arith.muli %arg1, %mul3A_193 : i32
    %add3A_195 = arith.addi %mul3A_192, %mul3A_194 : i32
    "tpu.region"() ({
      %run_scoped3A = tpu.sem_alloc : memref<!tpu.dma_semaphore, #tpu.memory_space<semaphore_mem>>
      %dma_start3A_201 = arith.constant 0 : i32
      %dma_start3A_202 = tpu.memref_slice %arg7[%add3A_195, %dma_start3A_201] : memref<20000x128xf32, #tpu.memory_space<hbm>> -> memref<624x128xf32, #tpu.memory_space<hbm>>
      %dma_start3A_203 = arith.constant 0 : i32
      %dma_start3A_204 = tpu.memref_slice %arg8[%mul3A_190, %dma_start3A_203] : memref<10000x128xf32, #tpu.memory_space<vmem_shared>> -> memref<624x128xf32, #tpu.memory_space<vmem_shared>>
      tpu.enqueue_dma source(%dma_start3A_204 : memref<624x128xf32, #tpu.memory_space<vmem_shared>>) target(%dma_start3A_202 : memref<624x128xf32, #tpu.memory_space<hbm>>) target_semaphore(%run_scoped3A : memref<!tpu.dma_semaphore, #tpu.memory_space<semaphore_mem>>)
      %dma_wait3A_205 = arith.constant 0 : i32
      %dma_wait3A_206 = tpu.memref_slice %arg7[%add3A_195, %dma_wait3A_205] : memref<20000x128xf32, #tpu.memory_space<hbm>> -> memref<624x128xf32, #tpu.memory_space<hbm>>
      %dma_wait3A_207 = arith.constant 0 : i32
      %dma_wait3A_208 = tpu.memref_slice %arg8[%mul3A_190, %dma_wait3A_207] : memref<10000x128xf32, #tpu.memory_space<vmem_shared>> -> memref<624x128xf32, #tpu.memory_space<vmem_shared>>
      tpu.wait_dma2 semaphore(%run_scoped3A : memref<!tpu.dma_semaphore, #tpu.memory_space<semaphore_mem>>) src(%dma_wait3A_208 : memref<624x128xf32, #tpu.memory_space<vmem_shared>>) dst(%dma_wait3A_206 : memref<624x128xf32, #tpu.memory_space<hbm>>)
      tpu.yield
    }) : () -> ()
    %eq3A_196 = arith.constant 0 : i32
    %eq3A_197 = arith.cmpi eq, %arg1, %eq3A_196 : i32
    %convert_element_type3A_198 = arith.extui %eq3A_197 : i1 to i32
    %cond3A_199 = arith.constant 0 : i32
    %cond3A_200 = arith.cmpi ne, %convert_element_type3A_198, %cond3A_199 : i32
    scf.if %cond3A_200 {
      %mul3A_201 = arith.constant 10000 : i32
      %mul3A_202 = arith.muli %arg0, %mul3A_201 : i32
      %add3A_203 = arith.constant 9984 : i32
      %add3A_204 = arith.addi %mul3A_202, %add3A_203 : i32
      "tpu.region"() ({
        %run_scoped3A = tpu.sem_alloc : memref<!tpu.dma_semaphore, #tpu.memory_space<semaphore_mem>>
        %dma_start3A_205 = arith.constant 0 : i32
        %dma_start3A_206 = tpu.memref_slice %arg7[%add3A_204, %dma_start3A_205] : memref<20000x128xf32, #tpu.memory_space<hbm>> -> memref<16x128xf32, #tpu.memory_space<hbm>>
        %dma_start3A_207 = arith.constant 9984 : i32
        %dma_start3A_208 = arith.constant 0 : i32
        %dma_start3A_209 = tpu.memref_slice %arg8[%dma_start3A_207, %dma_start3A_208] : memref<10000x128xf32, #tpu.memory_space<vmem_shared>> -> memref<16x128xf32, #tpu.memory_space<vmem_shared>>
        tpu.enqueue_dma source(%dma_start3A_209 : memref<16x128xf32, #tpu.memory_space<vmem_shared>>) target(%dma_start3A_206 : memref<16x128xf32, #tpu.memory_space<hbm>>) target_semaphore(%run_scoped3A : memref<!tpu.dma_semaphore, #tpu.memory_space<semaphore_mem>>)
        %dma_wait3A_210 = arith.constant 0 : i32
        %dma_wait3A_211 = tpu.memref_slice %arg7[%add3A_204, %dma_wait3A_210] : memref<20000x128xf32, #tpu.memory_space<hbm>> -> memref<16x128xf32, #tpu.memory_space<hbm>>
        %dma_wait3A_212 = arith.constant 9984 : i32
        %dma_wait3A_213 = arith.constant 0 : i32
        %dma_wait3A_214 = tpu.memref_slice %arg8[%dma_wait3A_212, %dma_wait3A_213] : memref<10000x128xf32, #tpu.memory_space<vmem_shared>> -> memref<16x128xf32, #tpu.memory_space<vmem_shared>>
        tpu.wait_dma2 semaphore(%run_scoped3A : memref<!tpu.dma_semaphore, #tpu.memory_space<semaphore_mem>>) src(%dma_wait3A_214 : memref<16x128xf32, #tpu.memory_space<vmem_shared>>) dst(%dma_wait3A_211 : memref<16x128xf32, #tpu.memory_space<hbm>>)
        tpu.yield
      }) : () -> ()
    } else {
    }
    return
  }
}

module attributes {stable_mosaic.version = 14 : i64} {
  func.func @body(%arg0: i32, %arg1: memref<1000x128xf32, #tpu.memory_space<vmem>>, %arg2: memref<128x128xf32, #tpu.memory_space<vmem>>, %arg3: memref<1000x128xf32, #tpu.memory_space<vmem>>) attributes {dimension_semantics = [#tpu.dimension_semantics<arbitrary>], iteration_bounds = array<i64: 10>, scalar_prefetch = 0 : i64, scratch_operands = 0 : i64, tpu.core_type = #tpu.core_type<tc>, window_params = [{transform_indices = @transform_0, window_bounds = array<i64: 1000, 128>}, {pipeline_mode = #tpu.pipeline_mode<synchronous>, transform_indices = @transform_1, window_bounds = array<i64: 128, 128>}, {transform_indices = @transform_2, window_bounds = array<i64: 1000, 128>}]} {
    %get3A = arith.constant 0 : index
    %get3A_0 = arith.constant 0 : index
    %get3A_1 = vector.load %arg1[%get3A, %get3A_0] : memref<1000x128xf32, #tpu.memory_space<vmem>>, vector<1000x128xf32>
    %get3A_2 = arith.constant 0 : index
    %get3A_3 = arith.constant 0 : index
    %get3A_4 = vector.load %arg2[%get3A_2, %get3A_3] : memref<128x128xf32, #tpu.memory_space<vmem>>, vector<128x128xf32>
    %dot_general3A = arith.constant dense<0.000000e+00> : vector<1000x128xf32>
    %dot_general3A_5 = tpu.matmul %get3A_1, %get3A_4, %dot_general3A {dimension_numbers = #tpu.dot_dimension_numbers<[1], [0], [0], [1], [0, 0, 1, 1], [], []>, transpose_lhs_hint = false} : vector<1000x128xf32>, vector<128x128xf32>, vector<1000x128xf32> -> vector<1000x128xf32>
    %swap3A = arith.constant 0 : index
    %swap3A_6 = arith.constant 0 : index
    %swap3A_7 = vector.load %arg3[%swap3A, %swap3A_6] : memref<1000x128xf32, #tpu.memory_space<vmem>>, vector<1000x128xf32>
    tpu.vector_store %arg3[%swap3A, %swap3A_6], %dot_general3A_5 {strides = array<i32>} : memref<1000x128xf32, #tpu.memory_space<vmem>>, vector<1000x128xf32>,
    return
  }
  func.func @transform_0(%arg0: i32) -> (i32, i32) {
    %c0_i32 = arith.constant 0 : i32
    %c0_i32_0 = arith.constant 0 : i32
    return %arg0, %c0_i32 : i32, i32
  }
  func.func @transform_1(%arg0: i32) -> (i32, i32) {
    %c0_i32 = arith.constant 0 : i32
    %c0_i32_0 = arith.constant 0 : i32
    %c0_i32_1 = arith.constant 0 : i32
    return %c0_i32, %c0_i32_0 : i32, i32
  }
  func.func @transform_2(%arg0: i32) -> (i32, i32) {
    %c0_i32 = arith.constant 0 : i32
    %c0_i32_0 = arith.constant 0 : i32
    return %arg0, %c0_i32 : i32, i32
  }
}

module attributes {stable_mosaic.version = 14 : i64} {
  func.func @body(%arg0: i32, %arg1: memref<1000x128xf32, #tpu.memory_space<vmem>>, %arg2: memref<1000x128xf32, #tpu.memory_space<vmem>>, %arg3: memref<1x128xf32, #tpu.memory_space<vmem>>, %arg4: memref<1x128xf32, #tpu.memory_space<vmem>>, %arg5: memref<1x128xf32, #tpu.memory_space<vmem>>, %arg6: memref<128x128xf32, #tpu.memory_space<vmem>>, %arg7: memref<1000x128xf32, #tpu.memory_space<vmem>>) attributes {dimension_semantics = [#tpu.dimension_semantics<arbitrary>], iteration_bounds = array<i64: 10>, scalar_prefetch = 0 : i64, scratch_operands = 0 : i64, tpu.core_type = #tpu.core_type<tc>, window_params = [{transform_indices = @transform_0, window_bounds = array<i64: 1000, 128>}, {transform_indices = @transform_1, window_bounds = array<i64: 1000, 128>}, {pipeline_mode = #tpu.pipeline_mode<synchronous>, transform_indices = @transform_2, window_bounds = array<i64: 1, 128>}, {pipeline_mode = #tpu.pipeline_mode<synchronous>, transform_indices = @transform_3, window_bounds = array<i64: 1, 128>}, {pipeline_mode = #tpu.pipeline_mode<synchronous>, transform_indices = @transform_4, window_bounds = array<i64: 1, 128>}, {pipeline_mode = #tpu.pipeline_mode<synchronous>, transform_indices = @transform_5, window_bounds = array<i64: 128, 128>}, {transform_indices = @transform_6, window_bounds = array<i64: 1000, 128>}]} {
    %get3A = arith.constant 0 : index
    %get3A_0 = arith.constant 0 : index
    %get3A_1 = vector.load %arg1[%get3A, %get3A_0] : memref<1000x128xf32, #tpu.memory_space<vmem>>, vector<1000x128xf32>
    %get3A_2 = arith.constant 0 : index
    %get3A_3 = arith.constant 0 : index
    %get3A_4 = vector.load %arg2[%get3A_2, %get3A_3] : memref<1000x128xf32, #tpu.memory_space<vmem>>, vector<1000x128xf32>
    %add3A = arith.addf %get3A_1, %get3A_4 : vector<1000x128xf32>
    %get3A_5 = arith.constant 0 : index
    %get3A_6 = arith.constant 0 : index
    %get3A_7 = vector.load %arg3[%get3A_5, %get3A_6] : memref<1x128xf32, #tpu.memory_space<vmem>>, vector<1x128xf32>
    %add3A_8 = vector.broadcast %get3A_7 : vector<1x128xf32> to vector<1000x128xf32>
    %add3A_9 = arith.addf %add3A, %add3A_8 : vector<1000x128xf32>
    %get3A_10 = arith.constant 0 : index
    %get3A_11 = arith.constant 0 : index
    %get3A_12 = vector.load %arg4[%get3A_10, %get3A_11] : memref<1x128xf32, #tpu.memory_space<vmem>>, vector<1x128xf32>
    %mul3A = vector.broadcast %get3A_12 : vector<1x128xf32> to vector<1000x128xf32>
    %mul3A_13 = arith.mulf %add3A_9, %mul3A : vector<1000x128xf32>
    %get3A_14 = arith.constant 0 : index
    %get3A_15 = arith.constant 0 : index
    %get3A_16 = vector.load %arg5[%get3A_14, %get3A_15] : memref<1x128xf32, #tpu.memory_space<vmem>>, vector<1x128xf32>
    %add3A_17 = vector.broadcast %get3A_16 : vector<1x128xf32> to vector<1000x128xf32>
    %add3A_18 = arith.addf %mul3A_13, %add3A_17 : vector<1000x128xf32>
    %tanh3A = math.tanh %add3A_18 : vector<1000x128xf32>
    %get3A_19 = arith.constant 0 : index
    %get3A_20 = arith.constant 0 : index
    %get3A_21 = vector.load %arg6[%get3A_19, %get3A_20] : memref<128x128xf32, #tpu.memory_space<vmem>>, vector<128x128xf32>
    %dot_general3A = arith.constant dense<0.000000e+00> : vector<1000x128xf32>
    %dot_general3A_22 = tpu.matmul %tanh3A, %get3A_21, %dot_general3A {dimension_numbers = #tpu.dot_dimension_numbers<[1], [0], [0], [1], [0, 0, 1, 1], [], []>, transpose_lhs_hint = false} : vector<1000x128xf32>, vector<128x128xf32>, vector<1000x128xf32> -> vector<1000x128xf32>
    %swap3A = arith.constant 0 : index
    %swap3A_23 = arith.constant 0 : index
    %swap3A_24 = vector.load %arg7[%swap3A, %swap3A_23] : memref<1000x128xf32, #tpu.memory_space<vmem>>, vector<1000x128xf32>
    tpu.vector_store %arg7[%swap3A, %swap3A_23], %dot_general3A_22 {strides = array<i32>} : memref<1000x128xf32, #tpu.memory_space<vmem>>, vector<1000x128xf32>,
    return
  }
  func.func @transform_0(%arg0: i32) -> (i32, i32) {
    %c0_i32 = arith.constant 0 : i32
    %c0_i32_0 = arith.constant 0 : i32
    return %arg0, %c0_i32 : i32, i32
  }
  func.func @transform_1(%arg0: i32) -> (i32, i32) {
    %add3A = arith.constant 10 : i32
    %add3A_0 = arith.addi %arg0, %add3A : i32
    %c0_i32 = arith.constant 0 : i32
    %c0_i32_1 = arith.constant 0 : i32
    return %add3A_0, %c0_i32 : i32, i32
  }
  func.func @transform_2(%arg0: i32) -> (i32, i32) {
    %c0_i32 = arith.constant 0 : i32
    %c0_i32_0 = arith.constant 0 : i32
    %c0_i32_1 = arith.constant 0 : i32
    return %c0_i32, %c0_i32_0 : i32, i32
  }
  func.func @transform_3(%arg0: i32) -> (i32, i32) {
    %c0_i32 = arith.constant 0 : i32
    %c0_i32_0 = arith.constant 0 : i32
    %c0_i32_1 = arith.constant 0 : i32
    return %c0_i32, %c0_i32_0 : i32, i32
  }
  func.func @transform_4(%arg0: i32) -> (i32, i32) {
    %c0_i32 = arith.constant 0 : i32
    %c0_i32_0 = arith.constant 0 : i32
    %c0_i32_1 = arith.constant 0 : i32
    return %c0_i32, %c0_i32_0 : i32, i32
  }
  func.func @transform_5(%arg0: i32) -> (i32, i32) {
    %c0_i32 = arith.constant 0 : i32
    %c0_i32_0 = arith.constant 0 : i32
    %c0_i32_1 = arith.constant 0 : i32
    return %c0_i32, %c0_i32_0 : i32, i32
  }
  func.func @transform_6(%arg0: i32) -> (i32, i32) {
    %c0_i32 = arith.constant 0 : i32
    %c0_i32_0 = arith.constant 0 : i32
    return %arg0, %c0_i32 : i32, i32
  }
}

module attributes {stable_mosaic.version = 14 : i64} {
  func.func @body(%arg0: i32, %arg1: memref<1000x128xf32, #tpu.memory_space<vmem>>, %arg2: memref<1000x128xf32, #tpu.memory_space<vmem>>, %arg3: memref<1x128xf32, #tpu.memory_space<vmem>>, %arg4: memref<1x128xf32, #tpu.memory_space<vmem>>, %arg5: memref<1x128xf32, #tpu.memory_space<vmem>>, %arg6: memref<1000x128xf32, #tpu.memory_space<vmem>>) attributes {dimension_semantics = [#tpu.dimension_semantics<arbitrary>], iteration_bounds = array<i64: 10>, scalar_prefetch = 0 : i64, scratch_operands = 0 : i64, tpu.core_type = #tpu.core_type<tc>, window_params = [{transform_indices = @transform_0, window_bounds = array<i64: 1000, 128>}, {transform_indices = @transform_1, window_bounds = array<i64: 1000, 128>}, {pipeline_mode = #tpu.pipeline_mode<synchronous>, transform_indices = @transform_2, window_bounds = array<i64: 1, 128>}, {pipeline_mode = #tpu.pipeline_mode<synchronous>, transform_indices = @transform_3, window_bounds = array<i64: 1, 128>}, {pipeline_mode = #tpu.pipeline_mode<synchronous>, transform_indices = @transform_4, window_bounds = array<i64: 1, 128>}, {transform_indices = @transform_5, window_bounds = array<i64: 1000, 128>}]} {
    %get3A = arith.constant 0 : index
    %get3A_0 = arith.constant 0 : index
    %get3A_1 = vector.load %arg1[%get3A, %get3A_0] : memref<1000x128xf32, #tpu.memory_space<vmem>>, vector<1000x128xf32>
    %get3A_2 = arith.constant 0 : index
    %get3A_3 = arith.constant 0 : index
    %get3A_4 = vector.load %arg2[%get3A_2, %get3A_3] : memref<1000x128xf32, #tpu.memory_space<vmem>>, vector<1000x128xf32>
    %add3A = arith.addf %get3A_1, %get3A_4 : vector<1000x128xf32>
    %get3A_5 = arith.constant 0 : index
    %get3A_6 = arith.constant 0 : index
    %get3A_7 = vector.load %arg3[%get3A_5, %get3A_6] : memref<1x128xf32, #tpu.memory_space<vmem>>, vector<1x128xf32>
    %add3A_8 = vector.broadcast %get3A_7 : vector<1x128xf32> to vector<1000x128xf32>
    %add3A_9 = arith.addf %add3A, %add3A_8 : vector<1000x128xf32>
    %get3A_10 = arith.constant 0 : index
    %get3A_11 = arith.constant 0 : index
    %get3A_12 = vector.load %arg4[%get3A_10, %get3A_11] : memref<1x128xf32, #tpu.memory_space<vmem>>, vector<1x128xf32>
    %mul3A = vector.broadcast %get3A_12 : vector<1x128xf32> to vector<1000x128xf32>
    %mul3A_13 = arith.mulf %add3A_9, %mul3A : vector<1000x128xf32>
    %get3A_14 = arith.constant 0 : index
    %get3A_15 = arith.constant 0 : index
    %get3A_16 = vector.load %arg5[%get3A_14, %get3A_15] : memref<1x128xf32, #tpu.memory_space<vmem>>, vector<1x128xf32>
    %add3A_17 = vector.broadcast %get3A_16 : vector<1x128xf32> to vector<1000x128xf32>
    %add3A_18 = arith.addf %mul3A_13, %add3A_17 : vector<1000x128xf32>
    %tanh3A = math.tanh %add3A_18 : vector<1000x128xf32>
    %swap3A = arith.constant 0 : index
    %swap3A_19 = arith.constant 0 : index
    %swap3A_20 = vector.load %arg6[%swap3A, %swap3A_19] : memref<1000x128xf32, #tpu.memory_space<vmem>>, vector<1000x128xf32>
    tpu.vector_store %arg6[%swap3A, %swap3A_19], %tanh3A {strides = array<i32>} : memref<1000x128xf32, #tpu.memory_space<vmem>>, vector<1000x128xf32>,
    return
  }
  func.func @transform_0(%arg0: i32) -> (i32, i32) {
    %c0_i32 = arith.constant 0 : i32
    %c0_i32_0 = arith.constant 0 : i32
    return %arg0, %c0_i32 : i32, i32
  }
  func.func @transform_1(%arg0: i32) -> (i32, i32) {
    %add3A = arith.constant 10 : i32
    %add3A_0 = arith.addi %arg0, %add3A : i32
    %c0_i32 = arith.constant 0 : i32
    %c0_i32_1 = arith.constant 0 : i32
    return %add3A_0, %c0_i32 : i32, i32
  }
  func.func @transform_2(%arg0: i32) -> (i32, i32) {
    %c0_i32 = arith.constant 0 : i32
    %c0_i32_0 = arith.constant 0 : i32
    %c0_i32_1 = arith.constant 0 : i32
    return %c0_i32, %c0_i32_0 : i32, i32
  }
  func.func @transform_3(%arg0: i32) -> (i32, i32) {
    %c0_i32 = arith.constant 0 : i32
    %c0_i32_0 = arith.constant 0 : i32
    %c0_i32_1 = arith.constant 0 : i32
    return %c0_i32, %c0_i32_0 : i32, i32
  }
  func.func @transform_4(%arg0: i32) -> (i32, i32) {
    %c0_i32 = arith.constant 0 : i32
    %c0_i32_0 = arith.constant 0 : i32
    %c0_i32_1 = arith.constant 0 : i32
    return %c0_i32, %c0_i32_0 : i32, i32
  }
  func.func @transform_5(%arg0: i32) -> (i32, i32) {
    %c0_i32 = arith.constant 0 : i32
    %c0_i32_0 = arith.constant 0 : i32
    return %arg0, %c0_i32 : i32, i32
  }
}

module attributes {stable_mosaic.version = 14 : i64} {
  func.func @body(%arg0: i32, %arg1: i32, %arg2: memref<512x128xf32, #tpu.memory_space<vmem>>, %arg3: memref<512x128xf32, #tpu.memory_space<vmem>>, %arg4: memref<128x512xf32, #tpu.memory_space<vmem>>, %arg5: memref<128x512xf32, #tpu.memory_space<vmem>>, %arg6: memref<1x512xf32, #tpu.memory_space<vmem>>, %arg7: memref<128x512xf32, #tpu.memory_space<vmem>>, %arg8: memref<1x128xf32, #tpu.memory_space<vmem>>, %arg9: memref<4096x128xf32, #tpu.memory_space<vmem>>, %arg10: memref<1x128xf32, #tpu.memory_space<vmem>>, %arg11: memref<1x128xf32, #tpu.memory_space<vmem>>, %arg12: memref<128x128xf32, #tpu.memory_space<vmem>>, %arg13: memref<1x128xf32, #tpu.memory_space<vmem>>, %arg14: memref<128x128xf32, #tpu.memory_space<vmem>>, %arg15: memref<1x128xf32, #tpu.memory_space<vmem>>, %arg16: memref<128x128xf32, #tpu.memory_space<vmem>>, %arg17: memref<128x128xf32, #tpu.memory_space<vmem>>, %arg18: memref<1x128xf32, #tpu.memory_space<vmem>>, %arg19: memref<10x128xf32, #tpu.memory_space<vmem>>, %arg20: memref<1x10xf32, #tpu.memory_space<vmem>>, %arg21: memref<512x128xf32, #tpu.memory_space<vmem>>, %arg22: memref<512x128xf32, #tpu.memory_space<vmem>>, %arg23: memref<512x10xf32, #tpu.memory_space<vmem>>) attributes {dimension_semantics = [#tpu.dimension_semantics<arbitrary>, #tpu.dimension_semantics<arbitrary>], iteration_bounds = array<i64: 2, 8>, scalar_prefetch = 0 : i64, scratch_operands = 0 : i64, tpu.core_type = #tpu.core_type<tc>, window_params = [{transform_indices = @transform_0, window_bounds = array<i64: 512, 128>}, {transform_indices = @transform_1, window_bounds = array<i64: 512, 128>}, {transform_indices = @transform_2, window_bounds = array<i64: 128, 512>}, {transform_indices = @transform_3, window_bounds = array<i64: 128, 512>}, {transform_indices = @transform_4, window_bounds = array<i64: 1, 512>}, {transform_indices = @transform_5, window_bounds = array<i64: 128, 512>}, {pipeline_mode = #tpu.pipeline_mode<synchronous>, transform_indices = @transform_6, window_bounds = array<i64: 1, 128>}, {transform_indices = @transform_7, window_bounds = array<i64: 4096, 128>}, {pipeline_mode = #tpu.pipeline_mode<synchronous>, transform_indices = @transform_8, window_bounds = array<i64: 1, 128>}, {pipeline_mode = #tpu.pipeline_mode<synchronous>, transform_indices = @transform_9, window_bounds = array<i64: 1, 128>}, {pipeline_mode = #tpu.pipeline_mode<synchronous>, transform_indices = @transform_10, window_bounds = array<i64: 128, 128>}, {pipeline_mode = #tpu.pipeline_mode<synchronous>, transform_indices = @transform_11, window_bounds = array<i64: 1, 128>}, {pipeline_mode = #tpu.pipeline_mode<synchronous>, transform_indices = @transform_12, window_bounds = array<i64: 128, 128>}, {pipeline_mode = #tpu.pipeline_mode<synchronous>, transform_indices = @transform_13, window_bounds = array<i64: 1, 128>}, {pipeline_mode = #tpu.pipeline_mode<synchronous>, transform_indices = @transform_14, window_bounds = array<i64: 128, 128>}, {pipeline_mode = #tpu.pipeline_mode<synchronous>, transform_indices = @transform_15, window_bounds = array<i64: 128, 128>}, {pipeline_mode = #tpu.pipeline_mode<synchronous>, transform_indices = @transform_16, window_bounds = array<i64: 1, 128>}, {pipeline_mode = #tpu.pipeline_mode<synchronous>, transform_indices = @transform_17, window_bounds = array<i64: 10, 128>}, {pipeline_mode = #tpu.pipeline_mode<synchronous>, transform_indices = @transform_18, window_bounds = array<i64: 1, 10>}, {transform_indices = @transform_19, window_bounds = array<i64: 512, 128>}, {transform_indices = @transform_20, window_bounds = array<i64: 512, 128>}, {transform_indices = @transform_21, window_bounds = array<i64: 512, 10>}]} {
    %get3A = arith.constant 0 : index
    %get3A_0 = arith.constant 0 : index
    %get3A_1 = vector.load %arg2[%get3A, %get3A_0] : memref<512x128xf32, #tpu.memory_space<vmem>>, vector<512x128xf32>
    %get3A_2 = arith.constant 0 : index
    %get3A_3 = arith.constant 0 : index
    %get3A_4 = vector.load %arg4[%get3A_2, %get3A_3] : memref<128x512xf32, #tpu.memory_space<vmem>>, vector<128x512xf32>
    %dot_general3A = arith.constant dense<0.000000e+00> : vector<512x512xf32>
    %dot_general3A_5 = tpu.matmul %get3A_1, %get3A_4, %dot_general3A {dimension_numbers = #tpu.dot_dimension_numbers<[1], [0], [0], [1], [0, 0, 1, 1], [], []>, transpose_lhs_hint = false} : vector<512x128xf32>, vector<128x512xf32>, vector<512x512xf32> -> vector<512x512xf32>
    %get3A_6 = arith.constant 0 : index
    %get3A_7 = arith.constant 0 : index
    %get3A_8 = vector.load %arg3[%get3A_6, %get3A_7] : memref<512x128xf32, #tpu.memory_space<vmem>>, vector<512x128xf32>
    %get3A_9 = arith.constant 0 : index
    %get3A_10 = arith.constant 0 : index
    %get3A_11 = vector.load %arg5[%get3A_9, %get3A_10] : memref<128x512xf32, #tpu.memory_space<vmem>>, vector<128x512xf32>
    %dot_general3A_12 = arith.constant dense<0.000000e+00> : vector<512x512xf32>
    %dot_general3A_13 = tpu.matmul %get3A_8, %get3A_11, %dot_general3A_12 {dimension_numbers = #tpu.dot_dimension_numbers<[1], [0], [0], [1], [0, 0, 1, 1], [], []>, transpose_lhs_hint = false} : vector<512x128xf32>, vector<128x512xf32>, vector<512x512xf32> -> vector<512x512xf32>
    %add3A = arith.addf %dot_general3A_5, %dot_general3A_13 : vector<512x512xf32>
    %get3A_14 = arith.constant 0 : index
    %get3A_15 = arith.constant 0 : index
    %get3A_16 = vector.load %arg6[%get3A_14, %get3A_15] : memref<1x512xf32, #tpu.memory_space<vmem>>, vector<1x512xf32>
    %add3A_17 = vector.broadcast %get3A_16 : vector<1x512xf32> to vector<512x512xf32>
    %add3A_18 = arith.addf %add3A, %add3A_17 : vector<512x512xf32>
    %max3A = arith.constant 0.000000e+00 : f32
    %max3A_19 = vector.broadcast %max3A : f32 to vector<512x512xf32>
    %max3A_20 = arith.maximumf %add3A_18, %max3A_19 : vector<512x512xf32>
    %get3A_21 = arith.constant 0 : index
    %get3A_22 = arith.constant 0 : index
    %get3A_23 = vector.load %arg7[%get3A_21, %get3A_22] : memref<128x512xf32, #tpu.memory_space<vmem>>, vector<128x512xf32>
    %dot_general3A_24 = arith.constant dense<0.000000e+00> : vector<512x128xf32>
    %dot_general3A_25 = tpu.matmul %max3A_20, %get3A_23, %dot_general3A_24 {dimension_numbers = #tpu.dot_dimension_numbers<[1], [1], [0], [0], [0, 0, 1, 0], [], []>, transpose_lhs_hint = false} : vector<512x512xf32>, vector<128x512xf32>, vector<512x128xf32> -> vector<512x128xf32>
    %eq3A = arith.constant 0 : i32
    %eq3A_26 = arith.cmpi eq, %arg1, %eq3A : i32
    %convert_element_type3A = arith.extui %eq3A_26 : i1 to i32
    %cond3A = arith.constant 0 : i32
    %cond3A_27 = arith.cmpi ne, %convert_element_type3A, %cond3A : i32
    scf.if %cond3A_27 {
      %get3A_37 = arith.constant 0 : index
      %get3A_38 = arith.constant 0 : index
      %get3A_39 = vector.load %arg8[%get3A_37, %get3A_38] : memref<1x128xf32, #tpu.memory_space<vmem>>, vector<1x128xf32>
      %add3A_40 = vector.broadcast %get3A_39 : vector<1x128xf32> to vector<512x128xf32>
      %add3A_41 = arith.addf %dot_general3A_25, %add3A_40 : vector<512x128xf32>
      %swap3A = arith.constant 0 : index
      %swap3A_42 = arith.constant 0 : index
      %swap3A_43 = vector.load %arg21[%swap3A, %swap3A_42] : memref<512x128xf32, #tpu.memory_space<vmem>>, vector<512x128xf32>
      tpu.vector_store %arg21[%swap3A, %swap3A_42], %add3A_41 {strides = array<i32>} : memref<512x128xf32, #tpu.memory_space<vmem>>, vector<512x128xf32>,
    } else {
    }
    %gt3A = arith.constant 0 : i32
    %gt3A_28 = arith.cmpi sgt, %arg1, %gt3A : i32
    %convert_element_type3A_29 = arith.extui %gt3A_28 : i1 to i32
    %cond3A_30 = arith.constant 0 : i32
    %cond3A_31 = arith.cmpi ne, %convert_element_type3A_29, %cond3A_30 : i32
    scf.if %cond3A_31 {
      %get3A_37 = arith.constant 0 : index
      %get3A_38 = arith.constant 0 : index
      %get3A_39 = vector.load %arg21[%get3A_37, %get3A_38] : memref<512x128xf32, #tpu.memory_space<vmem>>, vector<512x128xf32>
      %add3A_40 = arith.addf %get3A_39, %dot_general3A_25 : vector<512x128xf32>
      %swap3A = arith.constant 0 : index
      %swap3A_41 = arith.constant 0 : index
      %swap3A_42 = vector.load %arg21[%swap3A, %swap3A_41] : memref<512x128xf32, #tpu.memory_space<vmem>>, vector<512x128xf32>
      tpu.vector_store %arg21[%swap3A, %swap3A_41], %add3A_40 {strides = array<i32>} : memref<512x128xf32, #tpu.memory_space<vmem>>, vector<512x128xf32>,
    } else {
    }
    %eq3A_32 = arith.constant 7 : i32
    %eq3A_33 = arith.cmpi eq, %arg1, %eq3A_32 : i32
    %convert_element_type3A_34 = arith.extui %eq3A_33 : i1 to i32
    %cond3A_35 = arith.constant 0 : i32
    %cond3A_36 = arith.cmpi ne, %convert_element_type3A_34, %cond3A_35 : i32
    scf.if %cond3A_36 {
      %get3A_37 = arith.constant 0 : index
      %get3A_38 = arith.constant 0 : index
      %get3A_39 = vector.load %arg21[%get3A_37, %get3A_38] : memref<512x128xf32, #tpu.memory_space<vmem>>, vector<512x128xf32>
      %get3A_40 = arith.constant 0 : index
      %get3A_41 = arith.constant 0 : index
      %get3A_42 = vector.load %arg10[%get3A_40, %get3A_41] : memref<1x128xf32, #tpu.memory_space<vmem>>, vector<1x128xf32>
      %mul3A = vector.broadcast %get3A_42 : vector<1x128xf32> to vector<512x128xf32>
      %mul3A_43 = arith.mulf %get3A_39, %mul3A : vector<512x128xf32>
      %get3A_44 = arith.constant 0 : index
      %get3A_45 = arith.constant 0 : index
      %get3A_46 = vector.load %arg11[%get3A_44, %get3A_45] : memref<1x128xf32, #tpu.memory_space<vmem>>, vector<1x128xf32>
      %add3A_47 = vector.broadcast %get3A_46 : vector<1x128xf32> to vector<512x128xf32>
      %add3A_48 = arith.addf %mul3A_43, %add3A_47 : vector<512x128xf32>
      %max3A_49 = arith.constant 0.000000e+00 : f32
      %max3A_50 = vector.broadcast %max3A_49 : f32 to vector<512x128xf32>
      %max3A_51 = arith.maximumf %add3A_48, %max3A_50 : vector<512x128xf32>
      %get3A_52 = arith.constant 0 : index
      %get3A_53 = arith.constant 0 : index
      %get3A_54 = vector.load %arg9[%get3A_52, %get3A_53] : memref<4096x128xf32, #tpu.memory_space<vmem>>, vector<4096x128xf32>
      %reshape3A = vector.shape_cast %get3A_54 : vector<4096x128xf32> to vector<512x8x128xf32>
      %reduce_sum3A = arith.constant dense<0.000000e+00> : vector<512x128xf32>
      %reduce_sum3A_55 = vector.multi_reduction <add>, %reshape3A, %reduce_sum3A [1] : vector<512x8x128xf32> to vector<512x128xf32>
      %mul3A_56 = arith.mulf %reshape3A, %reshape3A : vector<512x8x128xf32>
      %reduce_sum3A_57 = arith.constant dense<0.000000e+00> : vector<512x128xf32>
      %reduce_sum3A_58 = vector.multi_reduction <add>, %mul3A_56, %reduce_sum3A_57 [1] : vector<512x8x128xf32> to vector<512x128xf32>
      %mul3A_59 = arith.mulf %reduce_sum3A_55, %reduce_sum3A_55 : vector<512x128xf32>
      %sub3A = arith.subf %mul3A_59, %reduce_sum3A_58 : vector<512x128xf32>
      %mul3A_60 = arith.constant 5.000000e-01 : f32
      %mul3A_61 = vector.broadcast %mul3A_60 : f32 to vector<512x128xf32>
      %mul3A_62 = arith.mulf %mul3A_61, %sub3A : vector<512x128xf32>
      %get3A_63 = arith.constant 0 : index
      %get3A_64 = arith.constant 0 : index
      %get3A_65 = vector.load %arg12[%get3A_63, %get3A_64] : memref<128x128xf32, #tpu.memory_space<vmem>>, vector<128x128xf32>
      %dot_general3A_66 = arith.constant dense<0.000000e+00> : vector<512x128xf32>
      %dot_general3A_67 = tpu.matmul %mul3A_62, %get3A_65, %dot_general3A_66 {dimension_numbers = #tpu.dot_dimension_numbers<[1], [1], [0], [0], [0, 0, 1, 0], [], []>, transpose_lhs_hint = false} : vector<512x128xf32>, vector<128x128xf32>, vector<512x128xf32> -> vector<512x128xf32>
      %get3A_68 = arith.constant 0 : index
      %get3A_69 = arith.constant 0 : index
      %get3A_70 = vector.load %arg13[%get3A_68, %get3A_69] : memref<1x128xf32, #tpu.memory_space<vmem>>, vector<1x128xf32>
      %add3A_71 = vector.broadcast %get3A_70 : vector<1x128xf32> to vector<512x128xf32>
      %add3A_72 = arith.addf %dot_general3A_67, %add3A_71 : vector<512x128xf32>
      %ge3A = arith.constant 0.000000e+00 : f32
      %ge3A_73 = vector.broadcast %ge3A : f32 to vector<512x128xf32>
      %ge3A_74 = arith.cmpf oge, %add3A_72, %ge3A_73 : vector<512x128xf32>
      %mul3A_75 = arith.constant 0.00999999977 : f32
      %mul3A_76 = vector.broadcast %mul3A_75 : f32 to vector<512x128xf32>
      %mul3A_77 = arith.mulf %mul3A_76, %add3A_72 : vector<512x128xf32>
      %select_n3A = arith.select %ge3A_74, %add3A_72, %mul3A_77 : vector<512x128xi1>, vector<512x128xf32>
      %get3A_78 = arith.constant 0 : index
      %get3A_79 = arith.constant 0 : index
      %get3A_80 = vector.load %arg14[%get3A_78, %get3A_79] : memref<128x128xf32, #tpu.memory_space<vmem>>, vector<128x128xf32>
      %dot_general3A_81 = arith.constant dense<0.000000e+00> : vector<512x128xf32>
      %dot_general3A_82 = tpu.matmul %reduce_sum3A_55, %get3A_80, %dot_general3A_81 {dimension_numbers = #tpu.dot_dimension_numbers<[1], [1], [0], [0], [0, 0, 1, 0], [], []>, transpose_lhs_hint = false} : vector<512x128xf32>, vector<128x128xf32>, vector<512x128xf32> -> vector<512x128xf32>
      %get3A_83 = arith.constant 0 : index
      %get3A_84 = arith.constant 0 : index
      %get3A_85 = vector.load %arg15[%get3A_83, %get3A_84] : memref<1x128xf32, #tpu.memory_space<vmem>>, vector<1x128xf32>
      %add3A_86 = vector.broadcast %get3A_85 : vector<1x128xf32> to vector<512x128xf32>
      %add3A_87 = arith.addf %dot_general3A_82, %add3A_86 : vector<512x128xf32>
      %ge3A_88 = arith.constant 0.000000e+00 : f32
      %ge3A_89 = vector.broadcast %ge3A_88 : f32 to vector<512x128xf32>
      %ge3A_90 = arith.cmpf oge, %add3A_87, %ge3A_89 : vector<512x128xf32>
      %mul3A_91 = arith.constant 0.00999999977 : f32
      %mul3A_92 = vector.broadcast %mul3A_91 : f32 to vector<512x128xf32>
      %mul3A_93 = arith.mulf %mul3A_92, %add3A_87 : vector<512x128xf32>
      %select_n3A_94 = arith.select %ge3A_90, %add3A_87, %mul3A_93 : vector<512x128xi1>, vector<512x128xf32>
      %add3A_95 = arith.addf %select_n3A, %select_n3A_94 : vector<512x128xf32>
      %get3A_96 = arith.constant 0 : index
      %get3A_97 = arith.constant 0 : index
      %get3A_98 = vector.load %arg16[%get3A_96, %get3A_97] : memref<128x128xf32, #tpu.memory_space<vmem>>, vector<128x128xf32>
      %dot_general3A_99 = arith.constant dense<0.000000e+00> : vector<512x128xf32>
      %dot_general3A_100 = tpu.matmul %add3A_95, %get3A_98, %dot_general3A_99 {dimension_numbers = #tpu.dot_dimension_numbers<[1], [1], [0], [0], [0, 0, 1, 0], [], []>, transpose_lhs_hint = false} : vector<512x128xf32>, vector<128x128xf32>, vector<512x128xf32> -> vector<512x128xf32>
      %get3A_101 = arith.constant 0 : index
      %get3A_102 = arith.constant 0 : index
      %get3A_103 = vector.load %arg17[%get3A_101, %get3A_102] : memref<128x128xf32, #tpu.memory_space<vmem>>, vector<128x128xf32>
      %dot_general3A_104 = arith.constant dense<0.000000e+00> : vector<512x128xf32>
      %dot_general3A_105 = tpu.matmul %max3A_51, %get3A_103, %dot_general3A_104 {dimension_numbers = #tpu.dot_dimension_numbers<[1], [1], [0], [0], [0, 0, 1, 0], [], []>, transpose_lhs_hint = false} : vector<512x128xf32>, vector<128x128xf32>, vector<512x128xf32> -> vector<512x128xf32>
      %add3A_106 = arith.addf %dot_general3A_100, %dot_general3A_105 : vector<512x128xf32>
      %get3A_107 = arith.constant 0 : index
      %get3A_108 = arith.constant 0 : index
      %get3A_109 = vector.load %arg18[%get3A_107, %get3A_108] : memref<1x128xf32, #tpu.memory_space<vmem>>, vector<1x128xf32>
      %add3A_110 = vector.broadcast %get3A_109 : vector<1x128xf32> to vector<512x128xf32>
      %add3A_111 = arith.addf %add3A_106, %add3A_110 : vector<512x128xf32>
      %ge3A_112 = arith.constant 0.000000e+00 : f32
      %ge3A_113 = vector.broadcast %ge3A_112 : f32 to vector<512x128xf32>
      %ge3A_114 = arith.cmpf oge, %add3A_111, %ge3A_113 : vector<512x128xf32>
      %mul3A_115 = arith.constant 0.00999999977 : f32
      %mul3A_116 = vector.broadcast %mul3A_115 : f32 to vector<512x128xf32>
      %mul3A_117 = arith.mulf %mul3A_116, %add3A_111 : vector<512x128xf32>
      %select_n3A_118 = arith.select %ge3A_114, %add3A_111, %mul3A_117 : vector<512x128xi1>, vector<512x128xf32>
      %swap3A = arith.constant 0 : index
      %swap3A_119 = arith.constant 0 : index
      %swap3A_120 = vector.load %arg22[%swap3A, %swap3A_119] : memref<512x128xf32, #tpu.memory_space<vmem>>, vector<512x128xf32>
      tpu.vector_store %arg22[%swap3A, %swap3A_119], %select_n3A_118 {strides = array<i32>} : memref<512x128xf32, #tpu.memory_space<vmem>>, vector<512x128xf32>,
      %get3A_121 = arith.constant 0 : index
      %get3A_122 = arith.constant 0 : index
      %get3A_123 = vector.load %arg19[%get3A_121, %get3A_122] : memref<10x128xf32, #tpu.memory_space<vmem>>, vector<10x128xf32>
      %dot_general3A_124 = arith.constant dense<0.000000e+00> : vector<512x10xf32>
      %dot_general3A_125 = tpu.matmul %select_n3A_118, %get3A_123, %dot_general3A_124 {dimension_numbers = #tpu.dot_dimension_numbers<[1], [1], [0], [0], [0, 0, 1, 0], [], []>, transpose_lhs_hint = false} : vector<512x128xf32>, vector<10x128xf32>, vector<512x10xf32> -> vector<512x10xf32>
      %get3A_126 = arith.constant 0 : index
      %get3A_127 = arith.constant 0 : index
      %get3A_128 = vector.load %arg20[%get3A_126, %get3A_127] : memref<1x10xf32, #tpu.memory_space<vmem>>, vector<1x10xf32>
      %add3A_129 = vector.broadcast %get3A_128 : vector<1x10xf32> to vector<512x10xf32>
      %add3A_130 = arith.addf %dot_general3A_125, %add3A_129 : vector<512x10xf32>
      %logistic3A = arith.negf %add3A_130 : vector<512x10xf32>
      %logistic3A_131 = math.exp %logistic3A : vector<512x10xf32>
      %logistic3A_132 = arith.constant 1.000000e+00 : f32
      %logistic3A_133 = vector.broadcast %logistic3A_132 : f32 to vector<512x10xf32>
      %logistic3A_134 = arith.addf %logistic3A_133, %logistic3A_131 : vector<512x10xf32>
      %logistic3A_135 = arith.divf %logistic3A_133, %logistic3A_134 : vector<512x10xf32>
      %swap3A_136 = arith.constant 0 : index
      %swap3A_137 = arith.constant 0 : index
      %swap3A_138 = vector.load %arg23[%swap3A_136, %swap3A_137] : memref<512x10xf32, #tpu.memory_space<vmem>>, vector<512x10xf32>
      tpu.vector_store %arg23[%swap3A_136, %swap3A_137], %logistic3A_135 {strides = array<i32>} : memref<512x10xf32, #tpu.memory_space<vmem>>, vector<512x10xf32>,
    } else {
    }
    return
  }
  func.func @transform_0(%arg0: i32, %arg1: i32) -> (i32, i32) {
    %c0_i32 = arith.constant 0 : i32
    %c0_i32_0 = arith.constant 0 : i32
    return %arg0, %c0_i32 : i32, i32
  }
  func.func @transform_1(%arg0: i32, %arg1: i32) -> (i32, i32) {
    %c0_i32 = arith.constant 0 : i32
    %c0_i32_0 = arith.constant 0 : i32
    return %arg0, %c0_i32 : i32, i32
  }
  func.func @transform_2(%arg0: i32, %arg1: i32) -> (i32, i32) {
    %c0_i32 = arith.constant 0 : i32
    %c0_i32_0 = arith.constant 0 : i32
    return %c0_i32, %arg1 : i32, i32
  }
  func.func @transform_3(%arg0: i32, %arg1: i32) -> (i32, i32) {
    %c0_i32 = arith.constant 0 : i32
    %c0_i32_0 = arith.constant 0 : i32
    return %c0_i32, %arg1 : i32, i32
  }
  func.func @transform_4(%arg0: i32, %arg1: i32) -> (i32, i32) {
    %c0_i32 = arith.constant 0 : i32
    %c0_i32_0 = arith.constant 0 : i32
    return %c0_i32, %arg1 : i32, i32
  }
  func.func @transform_5(%arg0: i32, %arg1: i32) -> (i32, i32) {
    %c0_i32 = arith.constant 0 : i32
    %c0_i32_0 = arith.constant 0 : i32
    return %c0_i32, %arg1 : i32, i32
  }
  func.func @transform_6(%arg0: i32, %arg1: i32) -> (i32, i32) {
    %c0_i32 = arith.constant 0 : i32
    %c0_i32_0 = arith.constant 0 : i32
    %c0_i32_1 = arith.constant 0 : i32
    return %c0_i32, %c0_i32_0 : i32, i32
  }
  func.func @transform_7(%arg0: i32, %arg1: i32) -> (i32, i32) {
    %c0_i32 = arith.constant 0 : i32
    %c0_i32_0 = arith.constant 0 : i32
    return %arg0, %c0_i32 : i32, i32
  }
  func.func @transform_8(%arg0: i32, %arg1: i32) -> (i32, i32) {
    %c0_i32 = arith.constant 0 : i32
    %c0_i32_0 = arith.constant 0 : i32
    %c0_i32_1 = arith.constant 0 : i32
    return %c0_i32, %c0_i32_0 : i32, i32
  }
  func.func @transform_9(%arg0: i32, %arg1: i32) -> (i32, i32) {
    %c0_i32 = arith.constant 0 : i32
    %c0_i32_0 = arith.constant 0 : i32
    %c0_i32_1 = arith.constant 0 : i32
    return %c0_i32, %c0_i32_0 : i32, i32
  }
  func.func @transform_10(%arg0: i32, %arg1: i32) -> (i32, i32) {
    %c0_i32 = arith.constant 0 : i32
    %c0_i32_0 = arith.constant 0 : i32
    %c0_i32_1 = arith.constant 0 : i32
    return %c0_i32, %c0_i32_0 : i32, i32
  }
  func.func @transform_11(%arg0: i32, %arg1: i32) -> (i32, i32) {
    %c0_i32 = arith.constant 0 : i32
    %c0_i32_0 = arith.constant 0 : i32
    %c0_i32_1 = arith.constant 0 : i32
    return %c0_i32, %c0_i32_0 : i32, i32
  }
  func.func @transform_12(%arg0: i32, %arg1: i32) -> (i32, i32) {
    %c0_i32 = arith.constant 0 : i32
    %c0_i32_0 = arith.constant 0 : i32
    %c0_i32_1 = arith.constant 0 : i32
    return %c0_i32, %c0_i32_0 : i32, i32
  }
  func.func @transform_13(%arg0: i32, %arg1: i32) -> (i32, i32) {
    %c0_i32 = arith.constant 0 : i32
    %c0_i32_0 = arith.constant 0 : i32
    %c0_i32_1 = arith.constant 0 : i32
    return %c0_i32, %c0_i32_0 : i32, i32
  }
  func.func @transform_14(%arg0: i32, %arg1: i32) -> (i32, i32) {
    %c0_i32 = arith.constant 0 : i32
    %c0_i32_0 = arith.constant 0 : i32
    %c0_i32_1 = arith.constant 0 : i32
    return %c0_i32, %c0_i32_0 : i32, i32
  }
  func.func @transform_15(%arg0: i32, %arg1: i32) -> (i32, i32) {
    %c0_i32 = arith.constant 0 : i32
    %c0_i32_0 = arith.constant 0 : i32
    %c0_i32_1 = arith.constant 0 : i32
    return %c0_i32, %c0_i32_0 : i32, i32
  }
  func.func @transform_16(%arg0: i32, %arg1: i32) -> (i32, i32) {
    %c0_i32 = arith.constant 0 : i32
    %c0_i32_0 = arith.constant 0 : i32
    %c0_i32_1 = arith.constant 0 : i32
    return %c0_i32, %c0_i32_0 : i32, i32
  }
  func.func @transform_17(%arg0: i32, %arg1: i32) -> (i32, i32) {
    %c0_i32 = arith.constant 0 : i32
    %c0_i32_0 = arith.constant 0 : i32
    %c0_i32_1 = arith.constant 0 : i32
    return %c0_i32, %c0_i32_0 : i32, i32
  }
  func.func @transform_18(%arg0: i32, %arg1: i32) -> (i32, i32) {
    %c0_i32 = arith.constant 0 : i32
    %c0_i32_0 = arith.constant 0 : i32
    %c0_i32_1 = arith.constant 0 : i32
    return %c0_i32, %c0_i32_0 : i32, i32
  }
  func.func @transform_19(%arg0: i32, %arg1: i32) -> (i32, i32) {
    %c0_i32 = arith.constant 0 : i32
    %c0_i32_0 = arith.constant 0 : i32
    return %arg0, %c0_i32 : i32, i32
  }
  func.func @transform_20(%arg0: i32, %arg1: i32) -> (i32, i32) {
    %c0_i32 = arith.constant 0 : i32
    %c0_i32_0 = arith.constant 0 : i32
    return %arg0, %c0_i32 : i32, i32
  }
  func.func @transform_21(%arg0: i32, %arg1: i32) -> (i32, i32) {
    %c0_i32 = arith.constant 0 : i32
    %c0_i32_0 = arith.constant 0 : i32
    return %arg0, %c0_i32 : i32, i32
  }
}

module attributes {stable_mosaic.version = 14 : i64} {
  func.func @body(%arg0: i32, %arg1: memref<2000x128xf32, #tpu.memory_space<vmem>>, %arg2: memref<1024x128xf32, #tpu.memory_space<vmem>>, %arg3: memref<2000x1024xf32, #tpu.memory_space<vmem>>) attributes {dimension_semantics = [#tpu.dimension_semantics<arbitrary>], iteration_bounds = array<i64: 5>, scalar_prefetch = 0 : i64, scratch_operands = 0 : i64, tpu.core_type = #tpu.core_type<tc>, window_params = [{transform_indices = @transform_0, window_bounds = array<i64: 2000, 128>}, {pipeline_mode = #tpu.pipeline_mode<synchronous>, transform_indices = @transform_1, window_bounds = array<i64: 1024, 128>}, {transform_indices = @transform_2, window_bounds = array<i64: 2000, 1024>}]} {
    %get3A = arith.constant 0 : index
    %get3A_0 = arith.constant 0 : index
    %get3A_1 = vector.load %arg1[%get3A, %get3A_0] : memref<2000x128xf32, #tpu.memory_space<vmem>>, vector<2000x128xf32>
    %get3A_2 = arith.constant 0 : index
    %get3A_3 = arith.constant 0 : index
    %get3A_4 = vector.load %arg2[%get3A_2, %get3A_3] : memref<1024x128xf32, #tpu.memory_space<vmem>>, vector<1024x128xf32>
    %dot_general3A = arith.constant dense<0.000000e+00> : vector<2000x1024xf32>
    %dot_general3A_5 = tpu.matmul %get3A_1, %get3A_4, %dot_general3A {dimension_numbers = #tpu.dot_dimension_numbers<[1], [1], [0], [0], [0, 0, 1, 0], [], []>, transpose_lhs_hint = false} : vector<2000x128xf32>, vector<1024x128xf32>, vector<2000x1024xf32> -> vector<2000x1024xf32>
    %logistic3A = arith.negf %dot_general3A_5 : vector<2000x1024xf32>
    %logistic3A_6 = math.exp %logistic3A : vector<2000x1024xf32>
    %logistic3A_7 = arith.constant 1.000000e+00 : f32
    %logistic3A_8 = vector.broadcast %logistic3A_7 : f32 to vector<2000x1024xf32>
    %logistic3A_9 = arith.addf %logistic3A_8, %logistic3A_6 : vector<2000x1024xf32>
    %logistic3A_10 = arith.divf %logistic3A_8, %logistic3A_9 : vector<2000x1024xf32>
    %swap3A = arith.constant 0 : index
    %swap3A_11 = arith.constant 0 : index
    %swap3A_12 = vector.load %arg3[%swap3A, %swap3A_11] : memref<2000x1024xf32, #tpu.memory_space<vmem>>, vector<2000x1024xf32>
    tpu.vector_store %arg3[%swap3A, %swap3A_11], %logistic3A_10 {strides = array<i32>} : memref<2000x1024xf32, #tpu.memory_space<vmem>>, vector<2000x1024xf32>,
    return
  }
  func.func @transform_0(%arg0: i32) -> (i32, i32) {
    %c0_i32 = arith.constant 0 : i32
    %c0_i32_0 = arith.constant 0 : i32
    return %arg0, %c0_i32 : i32, i32
  }
  func.func @transform_1(%arg0: i32) -> (i32, i32) {
    %c0_i32 = arith.constant 0 : i32
    %c0_i32_0 = arith.constant 0 : i32
    %c0_i32_1 = arith.constant 0 : i32
    return %c0_i32, %c0_i32_0 : i32, i32
  }
  func.func @transform_2(%arg0: i32) -> (i32, i32) {
    %c0_i32 = arith.constant 0 : i32
    %c0_i32_0 = arith.constant 0 : i32
    return %arg0, %c0_i32 : i32, i32
  }
}

</mosaic_0001>

<sc_bundles>
// kernel: kernel.10.cloned.1.call-start
scs
__scs_entry_jumppad:
0x0: {  	(pc) =	sbr.rel $0x88, $3  }
0x1: {  	(tag) =	ssettag $0x0;
	lr =	simm.s32 $0x1  }
0x2: {  	[smem:$0x3F7E] =	sst lr;
	_ =	strace $0xD0000000  }
0x3: {  	_ = 	snop  }
0x4: {  	_ = 	snop  }
0x5: {  	_ = 	snop  }
0x6: {  	_ = 	snop  }
0x7: {  	_ = 	snop  }
__scs_overlays_trampoline_lowered:
0x8: {  	[smem:$0x3F8D] =	sst s0  }
0x9: {  	[smem:$0x3F8E] =	sst s1  }
0xa: {  	[smem:$0x3F8F] =	sst s2  }
0xb: {  	[smem:$0x3F90] =	sst s3  }
0xc: {  	[smem:$0x3F91] =	sst s4  }
0xd: {  	[smem:$0x3F92] =	sst s5  }
0xe: {  	[smem:$0x3F93] =	sst s6  }
0xf: {  	[smem:$0x3F94] =	sst s7  }
0x10: {  	[smem:$0x3F95] =	sst s8  }
0x11: {  	[smem:$0x3F96] =	sst s9;
	s0 =	simm.s32 @!p0 $0x0  }
0x12: {  	s1 =	sld [smem:$0x3F7C];
	s0 =	simm.s32 @p0 $0x1  }
0x13: {  	[smem:$0x3F97] =	sst s0;
	s0 =	simm.s32 @!p1 $0x0  }
0x14: {  	s2 =	sld [smem:$0x3F7B];
	s0 =	simm.s32 @p1 $0x1  }
0x15: {  	[smem:$0x3F98] =	sst s0;
	s0 =	simm.s32 @!p2 $0x0  }
0x16: {  	s3 =	sld [smem:$0x3FDB];
	s0 =	simm.s32 @p2 $0x1  }
0x17: {  	s4 =	simm.s32 $0x1BF5;
	[smem:$0x3F9A] =	sst s0  }
0x18: {  	s0 =	sld [smem:$0x3F7D];
	_ =	swait.ge [sflag:s4], $0x0  }
0x19: {  	s7 =	sld [smem:$0x3F7E]  }
0x1a: {  	s8 =	sadd.s32 $0xFFFFE003, lr  }
0x1b: {  	s9 =	sadd.s32 $0xFFFFFEF7, lr;
	s5 =	simm.s32 $0xFFFFFFFF;
	p2 =	slt.u32 s8, $0xFFFFF086  }
0x1c: {  	p1 =	slt.u32 s9, $0xF7A;
	s5 =	simm.s32 @!p2 $0x0  }
0x1d: {  	s5 =	simm.s32 @p1 $0x1;
	p0 =	seq.s32 s7, s2  }
0x1e: {  	s7 =	smul.u32 @!p0 $0xF7A, s2;
	p2 =	seq.s32 @!p0 s5, $0x0  }
0x1f: {  	s9 =	smul.u32 $0xF7A, s1;
	s8 =	simm.s32 @!p0 $0x1BF5;
	p2 =	por !p2, p0  }
0x20: {  	[sflag:s8] =	ssyncset.s32 @!p0 $0xFFFFF086;
	s6 =	sadd.s32 @!p0 s3, s7;
	s7 =	simm.s32 @!p0 $0x108  }
0x21: {  	s3 =	sadd.s32 s3, s9;
	s6 =	sadd.s32 @!p0 $0x88, s6;
	s7 =	simm.s32 @p2 $0x1082  }
0x22: {  	[simem:s7], [sflag:s8] =	dma.local @!p0 [hbm:s6], $0xF7A  }
0x23: {  	s9 =	sor.u32 $0xD0000000, s2;
	s6 =	simm.s32 $0x108;
	_ =	swait.ge @!p0 [sflag:s8], $0x0  }
0x24: {  	s3 =	sadd.s32 $0x88, s3;
	s6 =	simm.s32 @!p1 $0x1082;
	[sflag:s4] =	ssyncset.s32 $0xFFFFF086  }
0x25: {  	[simem:s6], [sflag:s4] =	dma.local [hbm:s3], $0xF7A  }
0x26: {  	[smem:$0x3F7E] =	sst s1;
	(tag) =	ssettag s2;
	_ =	strace s9  }
0x27: {  	s1 =	sld [smem:$0x3F8E]  }
0x28: {  	s2 =	sld [smem:$0x3F8F]  }
0x29: {  	s4 =	sld [smem:$0x3F91]  }
0x2a: {  	p0 =	seq.s32 s5, $0x0;
	s5 =	sld [smem:$0x3F92]  }
0x2b: {  	s6 =	sld [smem:$0x3F93]  }
0x2c: {  	s7 =	sld [smem:$0x3F94]  }
0x2d: {  	s3 =	simm.s32 $0x108;
	s8 =	sld [smem:$0x3F95]  }
0x2e: {  	s3 =	simm.s32 @!p0 $0x1082;
	s9 =	sld [smem:$0x3F96]  }
0x2f: {  	lr =	sadd.s32 s0, s3;
	s0 =	sld [smem:$0x3F8D]  }
0x30: {  	s3 =	sld [smem:$0x3F90]  }
0x31: {  	[smem:$0x3F99] =	sst s10  }
0x32: {  	s10 =	sld [smem:$0x3F97];
	_ =	sdelay $0x3  }
0x33: {  	p0 =	seq.s32 s10, $0x1;
	s10 =	sld [smem:$0x3F99];
	_ =	sdelay $0x3  }
0x34: {  	[smem:$0x3F99] =	sst s10  }
0x35: {  	s10 =	sld [smem:$0x3F98];
	_ =	sdelay $0x3  }
0x36: {  	p1 =	seq.s32 s10, $0x1;
	s10 =	sld [smem:$0x3F99];
	_ =	sdelay $0x3  }
0x37: {  	[smem:$0x3F99] =	sst s10  }
0x38: {  	s10 =	sld [smem:$0x3F9A]  }
0x39: {  	_ = 	snop;
	(pc) =	sbr.ind lr, $3  }
0x3a: {  	_ = 	snop  }
0x3b: {  	_ = 	snop  }
0x3c: {  	p2 =	seq.s32 s10, $0x1;
	s10 =	sld [smem:$0x3F99]  }
0x3d: {  	_ =	shalt  }
0x3e: {  	_ =	shalt  }
0x3f: {  	_ =	shalt  }
0x40: {  	_ =	shalt  }
0x41: {  	_ =	shalt  }
0x42: {  	_ =	shalt  }
0x43: {  	_ =	shalt  }
0x44: {  	_ =	shalt  }
0x45: {  	_ =	shalt  }
0x46: {  	_ =	shalt  }
0x47: {  	_ =	shalt  }
0x48: {  	_ =	shalt  }
0x49: {  	_ =	shalt  }
0x4a: {  	_ =	shalt  }
0x4b: {  	_ =	shalt  }
0x4c: {  	_ =	shalt  }
0x4d: {  	_ =	shalt  }
0x4e: {  	_ =	shalt  }
0x4f: {  	_ =	shalt  }
0x50: {  	_ =	shalt  }
0x51: {  	_ =	shalt  }
0x52: {  	_ =	shalt  }
0x53: {  	_ =	shalt  }
0x54: {  	_ =	shalt  }
0x55: {  	_ =	shalt  }
0x56: {  	_ =	shalt  }
0x57: {  	_ =	shalt  }
0x58: {  	_ =	shalt  }
0x59: {  	_ =	shalt  }
0x5a: {  	_ =	shalt  }
0x5b: {  	_ =	shalt  }
0x5c: {  	_ =	shalt  }
0x5d: {  	_ =	shalt  }
0x5e: {  	_ =	shalt  }
0x5f: {  	_ =	shalt  }
0x60: {  	_ =	shalt  }
0x61: {  	_ =	shalt  }
0x62: {  	_ =	shalt  }
0x63: {  	_ =	shalt  }
0x64: {  	_ =	shalt  }
0x65: {  	_ =	shalt  }
0x66: {  	_ =	shalt  }
0x67: {  	_ =	shalt  }
0x68: {  	_ =	shalt  }
0x69: {  	_ =	shalt  }
0x6a: {  	_ =	shalt  }
0x6b: {  	_ =	shalt  }
0x6c: {  	_ =	shalt  }
0x6d: {  	_ =	shalt  }
0x6e: {  	_ =	shalt  }
0x6f: {  	_ =	shalt  }
0x70: {  	_ =	shalt  }
0x71: {  	_ =	shalt  }
0x72: {  	_ =	shalt  }
0x73: {  	_ =	shalt  }
0x74: {  	_ =	shalt  }
0x75: {  	_ =	shalt  }
0x76: {  	_ =	shalt  }
0x77: {  	_ =	shalt  }
0x78: {  	_ =	shalt  }
0x79: {  	_ =	shalt  }
0x7a: {  	_ =	shalt  }
0x7b: {  	_ =	shalt  }
0x7c: {  	_ =	shalt  }
0x7d: {  	_ =	shalt  }
0x7e: {  	_ =	shalt  }
0x7f: {  	_ =	shalt  }
0x80: {  	_ =	shalt  }
0x81: {  	_ =	shalt  }
0x82: {  	_ =	shalt  }
0x83: {  	_ =	shalt  }
0x84: {  	_ =	shalt  }
0x85: {  	_ =	shalt  }
0x86: {  	_ =	shalt  }
0x87: {  	_ =	shalt  }
.Lfunc_end0:
.L_simem_size_0:
called_computation_lowered:
.L_overlay_start_0:
0x88: {  	s2 =	sld [smem:$0x3FD9]  }
0x89: {  	s3 =	sld [smem:$0x3FFE];
	_ =	sdelay $0x1  }
0x8a: {  	s1 =	srdreg.scid  }
0x8b: {  	s0 =	sand.u32 $0x1, s1  }
0x8c: {  	s14 =	sshll.u32 s0, $0xA;
	s2 =	sadd.s32 s3, s2  }
0x8d: {  	s2 =	sadd.s32 s2, s14  }
0x8e: {  	[smem:$0x3FA5] =	sst s2  }
0x8f: {  	_ = 	snop  }
0x90: {  	s2 =	sld [smem:$0x3FD0];
	_ =	sdelay $0x2  }
0x91: {  	s4 =	simm.s32 $0xA;
	s5 =	simm.s32 $0x10;
	s15 =	sld [smem:$0x3FC5]  }
0x92: {  	[smem:s5], [sflag:s4] =	dma.local [hbm:s2], $0x1  }
0x93: {  	_ =	swait.eq [sflag:s4], $0x1  }
0x94: {  	[sflag:s4] =	ssyncset.done $0x0  }
0x95: {  	s16 =	sld [smem:$0x10];
	[sflag:s4] =	ssyncadd.s32 $0xFFFFFFFF  }
0x96: {  	s17 =	sld [smem:$0x11];
	(tm) =	ssettm $0x1  }
0x97: {  	s18 =	sld [smem:$0x3FFB];
	_ =	sdelay $0x3  }
0x98: {  	_ =	strace s18  }
0x99: {  	s5 =	sld [smem:$0x3FFC];
	_ =	sdelay $0x3  }
0x9a: {  	_ =	strace s5  }
0x9b: {  	s5 =	sld [smem:$0x3FFD];
	_ =	sdelay $0x3  }
0x9c: {  	_ =	strace s5  }
0x9d: {  	_ =	strace $0x8FFFFFFF  }
0x9e: {  	s19 =	sld [smem:$0x3FDB];
	_ =	sdelay $0x1  }
0x9f: {  	s6 =	simm.s32 $_scs_section_size  }
0xa0: {  	s7 =	simm.s32 $_size__tile_overlayer_lowered;
	s8 =	simm.s32 $_tile_overlayer_lowered  }
0xa1: {  	s22 =	simm.s32 $0x1BFF;
	s21 =	sshll.u32 s8, $0x1;
	s5 =	sadd.s32 s6, s19  }
0xa2: {  	s9 =	simm.s32 $0x0;
	s20 =	sshll.u32 s7, $0x1;
	s7 =	sadd.s32 s21, s5  }
0xa3: {  	[timem:s9], [sflag:s22] =	dma.local [hbm:s7], s20  }
0xa4: {  	_ =	swait.ge [sflag:s22], s20  }
0xa5: {  	s6 =	ssub.s32 $0x0, s20;
	[sflag:s22] =	ssyncset.done $0x0  }
0xa6: {  	[sflag:s22] =	ssyncadd.s32 s6;
	_ =	sdelay $0x1  }
0xa7: {  	s23 =	simm.s32 $0x1B8B  }
0xa8: {  	_ =	swait.ge [sflag:s23], $0x1  }
0xa9: {  	[sflag:s23] =	ssyncset.done $0x0  }
0xaa: {  	s25 =	simm.s32 $0x1B8E;
	s24 =	sld [smem:$0x3FFE];
	[sflag:s23] =	ssyncadd.s32 $0xFFFFFFFF  }
0xab: {  	s26 =	simm.s32 $execute0_lowered;
	[smem:$0x3FD2] =	sst s25  }
0xac: {  	s7 =	sshll.u32 s26, $0x1;
	_ =	strace $0x80000046;
	[dreg:$0x1] =	wrdreg $0xFFFFFFFF  }
0xad: {  	s28 =	simm.s32 $_size_execute0_lowered;
	s5 =	sadd.s32 s5, s7;
	[dreg:$0x0] =	wrdreg $0x0  }
0xae: {  	s7 =	sshll.u32 s28, $0x1;
	[dreg:$0x2] =	wrdreg s5  }
0xaf: {  	[dreg:$0x3] =	wrdreg s7  }
0xb0: {  	[dreg:$0x4] =	wrdreg $0xC0  }
0xb1: {  	_ =	task [dreg:s9], $0x5FFFF  }
0xb2: {  	[dreg:$0x1] =	wrdreg $0xFFFFFFFF  }
0xb3: {  	[dreg:$0x0] =	wrdreg $0x60  }
0xb4: {  	[dreg:$0x2] =	wrdreg s24  }
0xb5: {  	[dreg:$0x3] =	wrdreg s15  }
0xb6: {  	[dreg:$0x4] =	wrdreg s17  }
0xb7: {  	[dreg:$0x5] =	wrdreg s16  }
0xb8: {  	[dreg:$0x6] =	wrdreg $0x0  }
0xb9: {  	[dreg:$0x7] =	wrdreg $0x9  }
0xba: {  	_ =	task.clear_ibuf [dreg:s9], $0x8FFFF;
	_ =	strace $0x90000046  }
0xbb: {  	s29 =	simm.s32 $0x9;
	_ =	strace $0x80000048  }
0xbc: {  	_ =	swait.ge [sflag:s29], $0x1  }
0xbd: {  	[sflag:s29] =	ssyncadd.s32 $0xFFFFFFFF  }
0xbe: {  	_ =	strace $0x90000048  }
0xbf: {  	_ =	sfence  }
0xc0: {  	s30 =	sld [smem:$0x0];
	_ =	sdelay $0x2  }
0xc1: {  	s31 =	sshll.u32 s1, $0xD;
	s1 =	sshrl.u32 s1, $0x2  }
0xc2: {  	s3 =	sand.u32 $0x4000, s31;
	s1 =	sadd.s32 s1, s30  }
0xc3: {  	s0 =	sor.u32 s3, s0;
	s1 =	sshll.u32 s1, $0x11  }
0xc4: {  	s0 =	sor.u32 s1, s0  }
0xc5: {  	s0 =	sadd.s32 $0x8F2B, s0  }
0xc6: {  	[sflag:s0] =	ssyncadd.remote.s32 $0x1  }
0xc7: {  	_ =	sfence.sel $0xFFFF  }
0xc8: {  	[dreg:$0x0] =	wrdreg $0xFFFFFFFF;
	(pc) =	sbr.abs _section_cstart, $3  }
0xc9: {  	[dreg:$0x1] =	wrdreg $0xFFFFFFFF  }
0xca: {  	_ =	task.clear_ibuf [dreg:s9], $0x2FFFF;
	_ =	strace $0x9FFFFFFF  }
0xcb: {  	(tm) =	ssettm $0x7FFFFFFF  }
tec
execute0_lowered:
.L_overlay_start_1:
0x0: {  	(tag) =	ssettag $0x1  }
0x1: {  	s0 =	rddreg [dreg:$0x0]  }
0x2: {  	s1 =	rddreg [dreg:$0x1]  }
0x3: {  	s2 =	rddreg [dreg:$0x3]  }
0x4: {  	s3 =	rddreg [dreg:$0x4];
	s4 =	simm.s32 $0x0  }
0x5: {  	s12 =	srdreg.scid;
	s13 =	stileid.u32;
	s28 =	simm.s32 $0x6  }
0x6: {  	s29 =	simm.s32 $0x3;
	s30 =	simm.s32 $0x4;
	s31 =	simm.s32 $0x13880  }
0x7: {  	[smem:$0x7FF] =	sst s4;
	s4 =	sand.u32 $0x1, s12;
	s6 =	sadd.s32 $0x19C00, s0  }
0x8: {  	s9 =	smul.u32 $0x4E000, s13;
	s7 =	sadd.s32 $0xFE00, s0;
	s8 =	sadd.s32 $0x6000, s0  }
0x9: {  	s10 =	smul.u32 $0x2700, s13;
	p0 =	sne.s32 s13, $0x0;
	_ =	strace $0x80000047  }
0xa: {  	s5 =	ssub.s32 $0x2, s4;
	s15 =	sshll.u32 s4, $0x4;
	s11 =	smul.u32 $0x27100, s4  }
0xb: {  	s4 =	smul.u32 $0x138800, s4;
	s14 =	sshrl.u32 s5, $0x1;
	s9 =	sshrl.u32 s9, $0x2  }
0xc: {  	s0 =	ssub.s32 s5, s14;
	s5 =	sor.u32 s13, s15;
	s18 =	sadd.s32 s9, s3  }
0xd: {  	s10 =	sadd.s32 s10, s11;
	s9 =	sadd.s32 $0x2800, s18;
	[dreg:$0x6] =	wrdreg s18  }
0xe: {  	s4 =	sshrl.u32 s4, $0x3;
	s16 =	sadd.s32 $0x5000, s18;
	[dreg:$0x7] =	wrdreg s9  }
0xf: {  	s11 =	simm.s32 $0x13B00;
	s17 =	sadd.s32 $0x7800, s18;
	[dreg:$0x8] =	wrdreg s16  }
0x10: {  	s13 =	simm.s32 $0x13A80;
	s19 =	sadd.s32 $0xA000, s18;
	[dreg:$0x9] =	wrdreg s17  }
0x11: {  	s14 =	simm.s32 $0x1B480;
	s20 =	sadd.s32 $0xC800, s18;
	[dreg:$0xa] =	wrdreg s19  }
0x12: {  	s15 =	simm.s32 $0x0;
	s21 =	sadd.s32 $0xF000, s18;
	[dreg:$0xb] =	wrdreg s20  }
0x13: {  	s5 =	smul.u32 $0x2710, s5;
	s22 =	sadd.s32 $0x11800, s18;
	[dreg:$0xc] =	wrdreg s21  }
0x14: {  	s4 =	sadd.s32 s2, s4;
	s2 =	sadd.s32 s2, s10;
	[dreg:$0xd] =	wrdreg s22  }
0x15: {  	s0 =	smax.u32 s0, $0x1;
	s10 =	simm.s32 $0x1;
	[dreg:$0x12] =	wrdreg s2  }
0x16: {  	s19 =	sadd.s32 $0x138000, s3;
	s26 =	sadd.s32 $0x27000, s4;
	[dreg:$0x14] =	wrdreg s0  }
0x17: {  	s2 =	simm.s32 $0x5;
	s4 =	simm.s32 $0x50;
	s0 =	simm.s32 $0x13A00  }
.Ltmp0:
0x18: {  	s12 =	sshrl.u32 s5, $0x3;
	[dreg:$0x13] =	wrdreg s26;
	(pc) =	sbr.rel .LBB2_1-.Ltmp0, $4  }
0x19: {  	s21 =	sadd.s32 $0x50, s5;
	[dreg:$0xe] =	wrdreg s19;
	s23 =	sadd.s32 s7, s12  }
0x1a: {  	s26 =	simm.s32 $0x13B80;
	s24 =	sadd.s32 s8, s12;
	[dreg:$0xf] =	wrdreg s23  }
0x1b: {  	s5 =	simm.s32 $0x16480;
	s25 =	sadd.s32 s1, s12;
	[dreg:$0x10] =	wrdreg s24  }
0x1c: {  	v0 =	vimm.f32 $0.0e+00;
	s12 =	simm.s32 $0x2;
	[dreg:$0x11] =	wrdreg s25;
	s25 =	simm.s32 $0x18C80  }
.LBB2_12:
0x1d: {  	_ =	swait.ge [sflag:s29], $0x2800  }
0x1e: {  	[sflag:s29] =	ssyncset.done $0x0  }
0x1f: {  	[sflag:s29] =	ssyncadd.s32 $0xFFFFD800  }
0x20: {  	_ =	swait.ge [sflag:s30], $0x2800  }
0x21: {  	[sflag:s30] =	ssyncset.done $0x0  }
0x22: {  	[sflag:s30] =	ssyncadd.s32 $0xFFFFD800  }
0x23: {  	s9 =	stileid.u32;
	[bflag:$0x0] =	sbarrier.arrive $0xFFFF  }
0x24: {  	s9 =	sshll.u32 s9, $0x6;
	s18 =	rddreg [dreg:$0x6]  }
0x25: {  	s9 =	sor.u32 $0x1C06, s9;
	s17 =	rddreg [dreg:$0x12];
	s16 =	sshrl.u32 s18, $0x3  }
0x26: {  	[hbm:s17], [sflag:s9] =	dma.local [spmem:s16], $0x2700  }
0x27: {  	_ =	swait.ge [sflag:s28], $0x2700  }
0x28: {  	[sflag:s28] =	ssyncset.done $0x0;
	s19 =	rddreg [dreg:$0xe]  }
0x29: {  	s17 =	rddreg [dreg:$0x13];
	[sflag:s28] =	ssyncadd.s32 $0xFFFFD900;
	s16 =	sshrl.u32 @!p0 s19, $0x3  }
0x2a: {  	[hbm:s17], [sflag:s9] =	dma.local @!p0 [spmem:s16], $0x100  }
0x2b: {  	s9 =	simm.s32 @!p0 $0x6  }
0x2c: {  	_ =	swait.ge @!p0 [sflag:s9], $0x100  }
0x2d: {  	s15 =	sadd.s32 $0x1, s15;
	s24 =	rddreg [dreg:$0x14]  }
0x2e: {  	p1 =	sne.s32 s15, s24  }
.Ltmp1:
0x2f: {  	_ = 	snop;
	(pc) =	sbr.rel @!p1 .LBB2_13-.Ltmp1, $3  }
0x30: {  	_ =	sdelay $0x1  }
0x31: {  	[sflag:s9] =	ssyncset.done @!p0 $0x0  }
0x32: {  	[sflag:s9] =	ssyncadd.s32 @!p0 $0xFFFFFF00  }
.LBB2_1:
0x33: {  	s16 =	simm.s32 $0x0;
	s17 =	simm.s32 $0x200  }
.LBB2_2:
0x34: {  	p1 =	sne.s32 s17, $0x9E00;
	[tilespmem:s16+$0x18CF0] =	vst v0  }
0x35: {  	[tilespmem:s16+$0x18C80] =	vst v0  }
0x36: {  	[tilespmem:s16+$0x18C90] =	vst v0  }
.Ltmp2:
0x37: {  	[tilespmem:s16+$0x18CA0] =	vst v0;
	(pc) =	sbr.rel @p1 .LBB2_2-.Ltmp2, $4  }
0x38: {  	[tilespmem:s16+$0x18CB0] =	vst v0  }
0x39: {  	[tilespmem:s16+$0x18CC0] =	vst v0  }
0x3a: {  	[tilespmem:s16+$0x18CD0] =	vst v0  }
0x3b: {  	[tilespmem:s16+$0x18CE0] =	vst v0;
	s16 =	sshra.s32 s17, $0x2;
	s17 =	sadd.s32 $0x200, s17  }
0x3c: {  	[tilespmem:s16+$0x18CF0] =	vst v0  }
0x3d: {  	[tilespmem:s16+$0x18C80] =	vst v0  }
0x3e: {  	[tilespmem:s16+$0x18C90] =	vst v0  }
0x3f: {  	[tilespmem:s16+$0x18CA0] =	vst v0  }
0x40: {  	[tilespmem:s16+$0x18CB0] =	vst v0  }
0x41: {  	[tilespmem:s16+$0x18CC0] =	vst v0  }
0x42: {  	[tilespmem:s16+$0x18CD0] =	vst v0  }
0x43: {  	[tilespmem:s16+$0x18CE0] =	vst v0  }
0x44: {  	[spmem:s18] =	stream.linear.scatter [tilespmem:s25], [sflag:$0x3], $0x2800, $0x38;
	[tilespmem:$0x1DC80] =	vst v63  }
0x45: {  	s9 =	rddreg [dreg:$0x7]  }
0x46: {  	[spmem:s9] =	stream.linear.scatter [tilespmem:s25], [sflag:$0x3], $0x2800, $0x38;
	[tilespmem:$0x1DC80] =	vst v63  }
0x47: {  	s18 =	rddreg [dreg:$0x8]  }
0x48: {  	[spmem:s18] =	stream.linear.scatter [tilespmem:s25], [sflag:$0x3], $0x2800, $0x38;
	[tilespmem:$0x1DC80] =	vst v63  }
0x49: {  	s20 =	rddreg [dreg:$0x9]  }
0x4a: {  	[spmem:s20] =	stream.linear.scatter [tilespmem:s25], [sflag:$0x3], $0x2800, $0x38;
	[tilespmem:$0x1DC80] =	vst v63  }
0x4b: {  	s22 =	rddreg [dreg:$0xa]  }
0x4c: {  	[spmem:s22] =	stream.linear.scatter [tilespmem:s25], [sflag:$0x3], $0x2800, $0x38;
	[tilespmem:$0x1DC80] =	vst v63  }
0x4d: {  	s23 =	rddreg [dreg:$0xb]  }
0x4e: {  	[spmem:s23] =	stream.linear.scatter [tilespmem:s25], [sflag:$0x3], $0x2800, $0x38;
	[tilespmem:$0x1DC80] =	vst v63  }
0x4f: {  	s24 =	rddreg [dreg:$0xc]  }
0x50: {  	[spmem:s24] =	stream.linear.scatter [tilespmem:s25], [sflag:$0x3], $0x2800, $0x38;
	[tilespmem:$0x1DC80] =	vst v63  }
0x51: {  	s16 =	rddreg [dreg:$0xd]  }
0x52: {  	[spmem:s16] =	stream.linear.scatter [tilespmem:s25], [sflag:$0x4], $0x2000, $0x38;
	[tilespmem:$0x1DC80] =	vst v63  }
0x53: {  	s16 =	simm.s32 @!p0 $0x18C80  }
0x54: {  	[spmem:s19] =	stream.linear.scatter @!p0 [tilespmem:s16], [sflag:$0x4], $0x800, $0x38;
	[tilespmem:$0x1DC80] =	vst v63  }
0x55: {  	s17 =	rddreg [dreg:$0x2];
	s18 =	simm.s32 $0x0  }
0x56: {  	[tilespmem:s26], [sflag:$0x6] =	stream.linear.gather [hbm4b:s17+s18], $0x100, $0x38;
	[tilespmem:$0x1DC80] =	vst v63  }
0x57: {  	_ =	swait.ge [sflag:s28], $0x100  }
0x58: {  	[sflag:s28] =	ssyncset.done $0x0  }
0x59: {  	[sflag:s28] =	ssyncadd.s32 $0xFFFFFF00  }
0x5a: {  	_ =	swait.ge [sflag:s29], $0x2800  }
0x5b: {  	[sflag:s29] =	ssyncset.done $0x0  }
0x5c: {  	[sflag:s29] =	ssyncadd.s32 $0xFFFFD800  }
0x5d: {  	_ =	swait.ge [sflag:s29], $0x2800  }
0x5e: {  	[sflag:s29] =	ssyncset.done $0x0  }
0x5f: {  	[sflag:s29] =	ssyncadd.s32 $0xFFFFD800  }
0x60: {  	_ =	swait.ge [sflag:s29], $0x2800  }
0x61: {  	[sflag:s29] =	ssyncset.done $0x0  }
0x62: {  	[sflag:s29] =	ssyncadd.s32 $0xFFFFD800  }
0x63: {  	_ =	swait.ge [sflag:s29], $0x2800  }
0x64: {  	[sflag:s29] =	ssyncset.done $0x0  }
0x65: {  	[sflag:s29] =	ssyncadd.s32 $0xFFFFD800  }
0x66: {  	_ =	swait.ge [sflag:s29], $0x2800  }
0x67: {  	[sflag:s29] =	ssyncset.done $0x0  }
0x68: {  	[sflag:s29] =	ssyncadd.s32 $0xFFFFD800  }
0x69: {  	_ =	swait.ge [sflag:s29], $0x2800  }
0x6a: {  	[sflag:s29] =	ssyncset.done $0x0  }
0x6b: {  	[sflag:s29] =	ssyncadd.s32 $0xFFFFD800  }
0x6c: {  	_ =	swait.ge [sflag:s29], $0x2800  }
0x6d: {  	[sflag:s29] =	ssyncset.done $0x0  }
0x6e: {  	[sflag:s29] =	ssyncadd.s32 $0xFFFFD800  }
0x6f: {  	_ =	swait.ge [sflag:s30], $0x2000  }
0x70: {  	[sflag:s30] =	ssyncset.done $0x0  }
0x71: {  	s16 =	simm.s32 @!p0 $0x4;
	[sflag:s30] =	ssyncadd.s32 $0xFFFFE000  }
0x72: {  	_ =	swait.ge @!p0 [sflag:s16], $0x800  }
0x73: {  	[sflag:s16] =	ssyncset.done @!p0 $0x0  }
0x74: {  	[sflag:s16] =	ssyncadd.s32 @!p0 $0xFFFFF800  }
0x75: {  	[bflag:$0x0] =	sbarrier.arrive $0xFFFF  }
0x76: {  	s16 =	simm.s32 $0x0;
	s19 =	rddreg [dreg:$0xf]  }
0x77: {  	[tilespmem:s31], [sflag:$0x5] =	stream.linear.gather [hbm4b:s19+s16], $0x50, $0x38;
	[tilespmem:$0x1DC80] =	vst v63  }
0x78: {  	s17 =	simm.s32 $0x13900;
	s20 =	rddreg [dreg:$0x10]  }
0x79: {  	[tilespmem:s17], [sflag:$0x5] =	stream.linear.gather [hbm4b:s20+s16], $0x50, $0x38;
	[tilespmem:$0x1DC80] =	vst v63  }
0x7a: {  	s23 =	simm.s32 $0x13980;
	s22 =	rddreg [dreg:$0x11]  }
0x7b: {  	[tilespmem:s23], [sflag:$0x5] =	stream.linear.gather [hbm4b:s22+s16], $0x50, $0x38;
	[tilespmem:$0x1DC80] =	vst v63  }
0x7c: {  	_ =	swait.ge [sflag:s2], $0x50  }
0x7d: {  	[sflag:s2] =	ssyncset.done $0x0  }
0x7e: {  	[sflag:s2] =	ssyncadd.s32 $0xFFFFFFB0  }
0x7f: {  	_ =	swait.ge [sflag:s2], $0x50  }
0x80: {  	[sflag:s2] =	ssyncset.done $0x0  }
0x81: {  	[sflag:s2] =	ssyncadd.s32 $0xFFFFFFB0  }
0x82: {  	_ =	swait.ge [sflag:s2], $0x50  }
0x83: {  	[sflag:s2] =	ssyncset.done $0x0  }
0x84: {  	s24 =	simm.s32 $0x13C80;
	[sflag:s2] =	ssyncadd.s32 $0xFFFFFFB0  }
0x85: {  	[tilespmem:s24], [sflag:$0x1] =	stream.indirect.gather [hbm4b:s6+s4], $0x80, s17, s4, $0xb8;
	[tilespmem:$0x1DC80] =	vst v63  }
0x86: {  	s18 =	simm.s32 $0x0  }
0x87: {  	[tilespmem:s5], [sflag:$0x2] =	stream.indirect.gather [hbm4b:s6+s4], $0x80, s31, s4, $0xb8;
	[tilespmem:$0x1DC80] =	vst v63  }
.LBB2_4:
0x88: {  	v1 =	vld [tilespmem:$0x13980];
	_ =	sdelay $0x5  }
0x89: {  	v2 =	vld [tilespmem:$0x13990];
	_ =	sdelay $0x1  }
0x8a: {  	v1 =	vld.idx.msk [tilespmem:v1+s26+$0x0], $0xffff;
	_ =	sdelay $0x3  }
0x8b: {  	v3 =	vld [tilespmem:$0x139A0]  }
0x8c: {  	[tilespmem:$0x13B00] =	vst v1  }
0x8d: {  	v1 =	vld.idx.msk [tilespmem:v2+s26+$0x0], $0xffff;
	_ =	sdelay $0x3  }
0x8e: {  	v2 =	vld [tilespmem:$0x139B0]  }
0x8f: {  	[tilespmem:$0x13B10] =	vst v1  }
0x90: {  	v1 =	vld.idx.msk [tilespmem:v3+s26+$0x0], $0xffff;
	_ =	sdelay $0x3  }
0x91: {  	v3 =	vld [tilespmem:$0x139C0]  }
0x92: {  	[tilespmem:$0x13B20] =	vst v1  }
0x93: {  	v1 =	vld.idx.msk [tilespmem:v2+s26+$0x0], $0xffff;
	_ =	sdelay $0x4  }
0x94: {  	[tilespmem:$0x13B30] =	vst v1  }
0x95: {  	v1 =	vld.idx.msk [tilespmem:v3+s26+$0x0], $0xffff;
	_ =	sdelay $0x3  }
0x96: {  	s24 =	simm.s32 $0x2;
	v2 =	vmov s16  }
0x97: {  	v3 =	vmov s24;
	[tilespmem:$0x13B40] =	vst v1;
	v1 =	vand.u32 $0xFFFFFFFC, v2  }
0x98: {  	s17 =	simm.s32 $0x1;
	v3 =	vand.u32 $0xFFFFFFFE, v3;
	_ =	swait.ge [sflag:s10], $0x2800;
	v1 =	vbroadcast v1, $0x0  }
0x99: {  	p1 =	seq.s32 s18, $0x0;
	v3 =	vbroadcast v3, $0x0;
	v2 =	vmov s17;
	[sflag:s10] =	ssyncset.done $0x0  }
0x9a: {  	s17 =	simm.s32 @!p1 $0x3;
	v2 =	vand.u32 $0xFFFFFFFD, v2;
	[sflag:s10] =	ssyncadd.s32 $0xFFFFD800  }
0x9b: {  	v2 =	vbroadcast v2, $0x0;
	_ =	swait.ge @!p1 [sflag:s17], $0x2800  }
0x9c: {  	[sflag:s17] =	ssyncset.done @!p1 $0x0  }
0x9d: {  	[sflag:s17] =	ssyncadd.s32 @!p1 $0xFFFFD800  }
0x9e: {  	v6 =	vld.idx.msk [tilespmem:v1+s11+$0x0], $0xffff  }
0x9f: {  	s9 =	simm.s32 $0x3;
	s23 =	simm.s32 $0x13D80;
	v8 =	vld.idx.msk [tilespmem:v3+s11+$0x0], $0xffff  }
0xa0: {  	v1 =	vmov s9;
	v3 =	vld [tilespmem:s23+$0xFFFFFF00]  }
0xa1: {  	v7 =	vld.idx.msk [tilespmem:v2+s11+$0x0], $0xffff  }
0xa2: {  	v2 =	vld [tilespmem:s23+$0x0];
	_ =	sdelay $0x1  }
0xa3: {  	v4 =	vld [tilespmem:s23+$0xFFFFFF80]  }
0xa4: {  	v5 =	vld.idx.msk [tilespmem:v1+s11+$0x0], $0xffff  }
0xa5: {  	v1 =	vld [tilespmem:s23+$0x80];
	v3 =	vmul.f32 v3, v6  }
0xa6: {  	s22 =	simm.s32 $0x18D80;
	v2 =	vmul.f32 v2, v8  }
0xa7: {  	[tilespmem:s22+$0xFFFFFF00] =	vst v3  }
0xa8: {  	v4 =	vmul.f32 v4, v7;
	[tilespmem:s22+$0x0] =	vst v2;
	v3 =	vld [tilespmem:s23+$0xFFFFFF10]  }
0xa9: {  	v2 =	vld [tilespmem:s23+$0x10]  }
0xaa: {  	[tilespmem:s22+$0xFFFFFF80] =	vst v4;
	v1 =	vmul.f32 v1, v5  }
0xab: {  	v4 =	vld [tilespmem:s23+$0xFFFFFF90]  }
0xac: {  	[tilespmem:s22+$0x80] =	vst v1  }
0xad: {  	v1 =	vld [tilespmem:s23+$0x90];
	v3 =	vmul.f32 v3, v6  }
0xae: {  	v2 =	vmul.f32 v2, v8  }
0xaf: {  	[tilespmem:s22+$0xFFFFFF10] =	vst v3  }
0xb0: {  	v4 =	vmul.f32 v4, v7;
	[tilespmem:s22+$0x10] =	vst v2;
	v3 =	vld [tilespmem:s23+$0xFFFFFF20]  }
0xb1: {  	v2 =	vld [tilespmem:s23+$0x20]  }
0xb2: {  	[tilespmem:s22+$0xFFFFFF90] =	vst v4;
	v1 =	vmul.f32 v1, v5  }
0xb3: {  	v4 =	vld [tilespmem:s23+$0xFFFFFFA0]  }
0xb4: {  	[tilespmem:s22+$0x90] =	vst v1  }
0xb5: {  	s19 =	simm.s32 $0x4;
	v1 =	vld [tilespmem:s23+$0xA0];
	v3 =	vmul.f32 v3, v6  }
0xb6: {  	s20 =	simm.s32 $0x5;
	v9 =	vmov s19;
	v2 =	vmul.f32 v2, v8  }
0xb7: {  	s19 =	simm.s32 $0x7;
	v10 =	vmov s20;
	v9 =	vand.u32 $0xFFFFFFFC, v9;
	[tilespmem:s22+$0xFFFFFF20] =	vst v3  }
0xb8: {  	v9 =	vbroadcast v9, $0x0;
	v4 =	vmul.f32 v4, v7;
	[tilespmem:s22+$0x20] =	vst v2;
	v2 =	vmov s19  }
0xb9: {  	v10 =	vand.u32 $0xFFFFFFFD, v10;
	v11 =	vld [tilespmem:s23+$0xFFFFFF30]  }
0xba: {  	v10 =	vbroadcast v10, $0x0;
	[tilespmem:s22+$0xFFFFFFA0] =	vst v4;
	v3 =	vld [tilespmem:s23+$0x30];
	v1 =	vmul.f32 v1, v5  }
0xbb: {  	s24 =	simm.s32 $0x6;
	v12 =	vld [tilespmem:s23+$0xFFFFFFB0]  }
0xbc: {  	[tilespmem:s22+$0xA0] =	vst v1;
	v1 =	vmov s24  }
0xbd: {  	v4 =	vand.u32 $0xFFFFFFFE, v1;
	v1 =	vld.idx.msk [tilespmem:v2+s11+$0x0], $0xffff  }
0xbe: {  	v2 =	vld.idx.msk [tilespmem:v9+s11+$0x0], $0xffff;
	v9 =	vmul.f32 v11, v6  }
0xbf: {  	v3 =	vmul.f32 v3, v8  }
0xc0: {  	v14 =	vbroadcast v4, $0x0;
	v4 =	vld.idx.msk [tilespmem:v10+s11+$0x0], $0xffff;
	v10 =	vmul.f32 v12, v7;
	[tilespmem:s22+$0xFFFFFF30] =	vst v9  }
0xc1: {  	v13 =	vld [tilespmem:s23+$0xB0];
	[tilespmem:s22+$0x30] =	vst v3  }
0xc2: {  	[tilespmem:s22+$0xFFFFFFB0] =	vst v10;
	v9 =	vld [tilespmem:s23+$0x40]  }
0xc3: {  	s20 =	simm.s32 $0x13F80;
	v10 =	vld [tilespmem:s23+$0xFFFFFFC0]  }
0xc4: {  	v12 =	vld [tilespmem:s20+$0x0]  }
0xc5: {  	v11 =	vld [tilespmem:s23+$0xFFFFFF40]  }
0xc6: {  	v13 =	vmul.f32 v13, v5;
	v3 =	vld.idx.msk [tilespmem:v14+s11+$0x0], $0xffff  }
0xc7: {  	v14 =	vld [tilespmem:s20+$0xFFFFFF00];
	v9 =	vmul.f32 v9, v8  }
0xc8: {  	v15 =	vld [tilespmem:s20+$0xFFFFFF80];
	[tilespmem:s22+$0xB0] =	vst v13;
	v10 =	vmul.f32 v10, v7  }
0xc9: {  	v16 =	vld [tilespmem:s20+$0x80];
	[tilespmem:s22+$0x40] =	vst v9  }
0xca: {  	v9 =	vmul.f32 v11, v6;
	[tilespmem:s22+$0xFFFFFFC0] =	vst v10;
	v10 =	vld [tilespmem:s23+$0xC0]  }
0xcb: {  	v11 =	vld [tilespmem:s23+$0x50];
	v12 =	vmul.f32 v12, v3  }
0xcc: {  	s19 =	simm.s32 $0x18F80;
	v13 =	vld [tilespmem:s23+$0xFFFFFFD0];
	[tilespmem:s22+$0xFFFFFF40] =	vst v9;
	v9 =	vmul.f32 v14, v2  }
0xcd: {  	v14 =	vmul.f32 v15, v4;
	[tilespmem:s19+$0x0] =	vst v12;
	v12 =	vld [tilespmem:s23+$0xFFFFFF50]  }
0xce: {  	v15 =	vmul.f32 v16, v1;
	[tilespmem:s19+$0xFFFFFF00] =	vst v9;
	v9 =	vld [tilespmem:s20+$0x10]  }
0xcf: {  	[tilespmem:s19+$0xFFFFFF80] =	vst v14;
	v16 =	vld [tilespmem:s20+$0xFFFFFF10];
	v10 =	vmul.f32 v10, v5  }
0xd0: {  	[tilespmem:s19+$0x80] =	vst v15;
	v14 =	vld [tilespmem:s20+$0xFFFFFF90];
	v11 =	vmul.f32 v11, v8  }
0xd1: {  	v15 =	vld [tilespmem:s20+$0x90];
	v13 =	vmul.f32 v13, v7;
	[tilespmem:s22+$0xC0] =	vst v10  }
0xd2: {  	[tilespmem:s22+$0x50] =	vst v11;
	v11 =	vmul.f32 v12, v6;
	v10 =	vld [tilespmem:s23+$0xD0]  }
0xd3: {  	[tilespmem:s22+$0xFFFFFFD0] =	vst v13;
	v12 =	vld [tilespmem:s23+$0x60];
	v9 =	vmul.f32 v9, v3  }
0xd4: {  	v13 =	vmul.f32 v16, v2;
	[tilespmem:s22+$0xFFFFFF50] =	vst v11;
	v11 =	vld [tilespmem:s23+$0xFFFFFFE0]  }
0xd5: {  	v14 =	vmul.f32 v14, v4;
	[tilespmem:s19+$0x10] =	vst v9;
	v9 =	vld [tilespmem:s23+$0xFFFFFF60]  }
0xd6: {  	v15 =	vmul.f32 v15, v1;
	[tilespmem:s19+$0xFFFFFF10] =	vst v13;
	v13 =	vld [tilespmem:s20+$0x20]  }
0xd7: {  	[tilespmem:s19+$0xFFFFFF90] =	vst v14;
	v16 =	vld [tilespmem:s20+$0xFFFFFF20];
	v10 =	vmul.f32 v10, v5  }
0xd8: {  	[tilespmem:s19+$0x90] =	vst v15;
	v12 =	vmul.f32 v12, v8  }
0xd9: {  	v17 =	vld [tilespmem:s20+$0xFFFFFFA0];
	v11 =	vmul.f32 v11, v7;
	[tilespmem:s22+$0xD0] =	vst v10  }
0xda: {  	v18 =	vld [tilespmem:s20+$0xA0];
	[tilespmem:s22+$0x60] =	vst v12;
	v9 =	vmul.f32 v9, v6  }
0xdb: {  	v19 =	vld [tilespmem:s23+$0x70];
	v10 =	vmul.f32 v13, v3;
	[tilespmem:s22+$0xFFFFFFE0] =	vst v11  }
0xdc: {  	s9 =	simm.s32 $0x8;
	s24 =	simm.s32 $0x9;
	v20 =	vld [tilespmem:s23+$0xE0];
	v11 =	vmul.f32 v16, v2;
	[tilespmem:s22+$0xFFFFFF60] =	vst v9  }
0xdd: {  	v12 =	vmov s24;
	s24 =	simm.s32 $0xB;
	v14 =	vld [tilespmem:s23+$0xFFFFFFF0];
	v9 =	vmov s9;
	[tilespmem:s19+$0x20] =	vst v10  }
0xde: {  	v13 =	vmul.f32 v17, v4;
	v15 =	vld [tilespmem:s23+$0xFFFFFF70];
	v9 =	vand.u32 $0xFFFFFFFC, v9;
	[tilespmem:s19+$0xFFFFFF20] =	vst v11;
	v11 =	vmov s24  }
0xdf: {  	v17 =	vmul.f32 v18, v1;
	v10 =	vand.u32 $0xFFFFFFFD, v12;
	v16 =	vld [tilespmem:s20+$0x30];
	v9 =	vbroadcast v9, $0x0  }
0xe0: {  	v10 =	vbroadcast v10, $0x0;
	[tilespmem:s19+$0xFFFFFFA0] =	vst v13;
	v12 =	vld [tilespmem:s20+$0xFFFFFF30];
	v18 =	vmul.f32 v19, v8  }
0xe1: {  	s17 =	simm.s32 $0xA;
	s24 =	simm.s32 $0xC;
	[tilespmem:s19+$0xA0] =	vst v17;
	v13 =	vld [tilespmem:s20+$0xFFFFFFB0];
	v17 =	vmul.f32 v20, v5  }
.LBB2_5:
0xe2: {  	p2 =	slt.u32 s24, $0x4C;
	v8 =	vmov s17;
	v19 =	vld [tilespmem:s20+$0xB0];
	v14 =	vmul.f32 v14, v7;
	[tilespmem:s22+$0x70] =	vst v18;
	v7 =	vmov v4  }
0xe3: {  	v4 =	vand.u32 $0xFFFFFFFE, v8;
	v8 =	vld.idx.msk [tilespmem:v11+s11+$0x0], $0xffff;
	v11 =	vmul.f32 v15, v6;
	[tilespmem:s22+$0xE0] =	vst v17;
	v6 =	vmov v2  }
0xe4: {  	v15 =	vbroadcast v4, $0x0;
	v16 =	vmul.f32 v16, v3;
	[tilespmem:s22+$0xFFFFFFF0] =	vst v14;
	v14 =	vld [tilespmem:s23+$0xF0];
	s23 =	smov.u32 s20  }
0xe5: {  	v2 =	vld.idx.msk [tilespmem:v9+s11+$0x0], $0xffff;
	v9 =	vmul.f32 v12, v6;
	[tilespmem:s22+$0xFFFFFF70] =	vst v11  }
0xe6: {  	v4 =	vld.idx.msk [tilespmem:v10+s11+$0x0], $0xffff;
	v10 =	vmul.f32 v13, v7;
	[tilespmem:s19+$0x30] =	vst v16  }
0xe7: {  	[tilespmem:s19+$0xFFFFFF30] =	vst v9;
	v9 =	vld [tilespmem:s20+$0x40];
	v11 =	vmul.f32 v19, v1  }
0xe8: {  	v12 =	vld [tilespmem:s20+$0xFFFFFF40];
	[tilespmem:s19+$0xFFFFFFB0] =	vst v10  }
0xe9: {  	v10 =	vld [tilespmem:s20+$0xFFFFFFC0];
	[tilespmem:s19+$0xB0] =	vst v11;
	v11 =	vmul.f32 v14, v5;
	v5 =	vmov v1;
	v1 =	vmov v8  }
0xea: {  	s20 =	sadd.s32 $0x200, s20;
	v8 =	vld.idx.msk [tilespmem:v15+s11+$0x0], $0xffff  }
0xeb: {  	v13 =	vld [tilespmem:s20+$0x0];
	[tilespmem:s22+$0xF0] =	vst v11;
	s22 =	smov.u32 s19  }
0xec: {  	v11 =	vld [tilespmem:s20+$0xFFFFFF00];
	v9 =	vmul.f32 v9, v3  }
0xed: {  	v14 =	vld [tilespmem:s20+$0xFFFFFF80];
	v12 =	vmul.f32 v12, v6  }
0xee: {  	v15 =	vld [tilespmem:s20+$0x80];
	v10 =	vmul.f32 v10, v7;
	[tilespmem:s19+$0x40] =	vst v9  }
0xef: {  	[tilespmem:s19+$0xFFFFFF40] =	vst v12;
	v9 =	vld [tilespmem:s23+$0x50]  }
0xf0: {  	v12 =	vmul.f32 v13, v8;
	[tilespmem:s19+$0xFFFFFFC0] =	vst v10;
	v10 =	vld [tilespmem:s23+$0xC0]  }
0xf1: {  	s19 =	sadd.s32 $0x200, s19;
	v11 =	vmul.f32 v11, v2;
	v13 =	vld [tilespmem:s23+$0xFFFFFFD0]  }
0xf2: {  	v14 =	vmul.f32 v14, v4;
	[tilespmem:s19+$0x0] =	vst v12;
	v12 =	vld [tilespmem:s23+$0xFFFFFF50]  }
0xf3: {  	[tilespmem:s19+$0xFFFFFF00] =	vst v11;
	v11 =	vld [tilespmem:s20+$0x10];
	v15 =	vmul.f32 v15, v1  }
0xf4: {  	v16 =	vld [tilespmem:s20+$0xFFFFFF10];
	[tilespmem:s19+$0xFFFFFF80] =	vst v14;
	v9 =	vmul.f32 v9, v3  }
0xf5: {  	v14 =	vld [tilespmem:s20+$0xFFFFFF90];
	[tilespmem:s19+$0x80] =	vst v15;
	v10 =	vmul.f32 v10, v5  }
0xf6: {  	v15 =	vld [tilespmem:s20+$0x90];
	v13 =	vmul.f32 v13, v7;
	[tilespmem:s22+$0x50] =	vst v9  }
0xf7: {  	v9 =	vmul.f32 v12, v6;
	v12 =	vld [tilespmem:s23+$0x60];
	[tilespmem:s22+$0xC0] =	vst v10  }
0xf8: {  	v10 =	vmul.f32 v11, v8;
	[tilespmem:s22+$0xFFFFFFD0] =	vst v13;
	v11 =	vld [tilespmem:s23+$0xD0]  }
0xf9: {  	v13 =	vmul.f32 v16, v2;
	[tilespmem:s22+$0xFFFFFF50] =	vst v9;
	v9 =	vld [tilespmem:s23+$0xFFFFFFE0]  }
0xfa: {  	v14 =	vmul.f32 v14, v4;
	[tilespmem:s19+$0x10] =	vst v10;
	v10 =	vld [tilespmem:s23+$0xFFFFFF60]  }
0xfb: {  	[tilespmem:s19+$0xFFFFFF10] =	vst v13;
	v13 =	vld [tilespmem:s20+$0x20];
	v15 =	vmul.f32 v15, v1  }
0xfc: {  	v16 =	vld [tilespmem:s20+$0xFFFFFF20];
	[tilespmem:s19+$0xFFFFFF90] =	vst v14;
	v12 =	vmul.f32 v12, v3  }
0xfd: {  	v17 =	vld [tilespmem:s20+$0xFFFFFFA0];
	[tilespmem:s19+$0x90] =	vst v15;
	v11 =	vmul.f32 v11, v5  }
0xfe: {  	v18 =	vld [tilespmem:s20+$0xA0];
	v9 =	vmul.f32 v9, v7;
	[tilespmem:s22+$0x60] =	vst v12  }
0xff: {  	v10 =	vmul.f32 v10, v6;
	v19 =	vld [tilespmem:s23+$0x70];
	[tilespmem:s22+$0xD0] =	vst v11  }
0x100: {  	s17 =	sadd.s32 $0x3, s24;
	v12 =	vmul.f32 v13, v8;
	[tilespmem:s22+$0xFFFFFFE0] =	vst v9;
	v20 =	vld [tilespmem:s23+$0xE0]  }
.Ltmp3:
0x101: {  	s9 =	sadd.s32 $0x1, s24;
	v11 =	vmov s17;
	v9 =	vmov s24;
	v13 =	vmul.f32 v16, v2;
	[tilespmem:s22+$0xFFFFFF60] =	vst v10;
	v14 =	vld [tilespmem:s23+$0xFFFFFFF0];
	(pc) =	sbr.rel @p2 .LBB2_5-.Ltmp3, $4  }
0x102: {  	v9 =	vand.u32 $0xFFFFFFFC, v9;
	v10 =	vmov s9;
	v17 =	vmul.f32 v17, v4;
	[tilespmem:s19+$0x20] =	vst v12;
	v15 =	vld [tilespmem:s23+$0xFFFFFF70]  }
0x103: {  	v9 =	vbroadcast v9, $0x0;
	v10 =	vand.u32 $0xFFFFFFFD, v10;
	[tilespmem:s19+$0xFFFFFF20] =	vst v13;
	v16 =	vld [tilespmem:s20+$0x30];
	v21 =	vmul.f32 v18, v1  }
0x104: {  	v10 =	vbroadcast v10, $0x0;
	v12 =	vld [tilespmem:s20+$0xFFFFFF30];
	[tilespmem:s19+$0xFFFFFFA0] =	vst v17;
	v18 =	vmul.f32 v19, v3;
	v3 =	vmov v8  }
0x105: {  	s17 =	sadd.s32 $0x2, s24;
	s24 =	sadd.s32 $0x4, s24;
	v13 =	vld [tilespmem:s20+$0xFFFFFFB0];
	[tilespmem:s19+$0xA0] =	vst v21;
	v17 =	vmul.f32 v20, v5  }
0x106: {  	v8 =	vmov s17  }
0x107: {  	v8 =	vand.u32 $0xFFFFFFFE, v8  }
0x108: {  	v19 =	vbroadcast v8, $0x0;
	_ =	sdelay $0x2  }
0x109: {  	v9 =	vld.idx.msk [tilespmem:v9+s11+$0x0], $0xffff  }
0x10a: {  	v10 =	vld.idx.msk [tilespmem:v10+s11+$0x0], $0xffff  }
0x10b: {  	v8 =	vld.idx.msk [tilespmem:v11+s11+$0x0], $0xffff  }
0x10c: {  	s9 =	sadd.s32 $0x200, s20;
	v11 =	vld.idx.msk [tilespmem:v19+s11+$0x0], $0xffff  }
0x10d: {  	v19 =	vld [tilespmem:s9+$0x0]  }
0x10e: {  	v20 =	vld [tilespmem:s9+$0xFFFFFF80]  }
0x10f: {  	v21 =	vld [tilespmem:s9+$0xFFFFFF00]  }
0x110: {  	v22 =	vld [tilespmem:s9+$0x80];
	_ =	sdelay $0x1  }
0x111: {  	v19 =	vmul.f32 v19, v11  }
0x112: {  	s24 =	sadd.s32 $0x200, s19;
	v20 =	vmul.f32 v20, v10  }
0x113: {  	v21 =	vmul.f32 v21, v9;
	[tilespmem:s24+$0x0] =	vst v19  }
0x114: {  	v22 =	vmul.f32 v22, v8;
	[tilespmem:s24+$0xFFFFFF80] =	vst v20;
	v19 =	vld [tilespmem:s9+$0x10]  }
0x115: {  	[tilespmem:s24+$0xFFFFFF00] =	vst v21;
	v20 =	vld [tilespmem:s9+$0xFFFFFF90]  }
0x116: {  	v21 =	vld [tilespmem:s9+$0xFFFFFF10];
	[tilespmem:s24+$0x80] =	vst v22  }
0x117: {  	v22 =	vld [tilespmem:s9+$0x90];
	_ =	sdelay $0x1  }
0x118: {  	v19 =	vmul.f32 v19, v11  }
0x119: {  	[tilespmem:s22+$0x70] =	vst v18;
	v18 =	vmul.f32 v20, v10  }
0x11a: {  	[tilespmem:s24+$0x10] =	vst v19;
	v19 =	vmul.f32 v21, v9  }
0x11b: {  	v20 =	vmul.f32 v22, v8;
	[tilespmem:s24+$0xFFFFFF90] =	vst v18;
	v18 =	vld [tilespmem:s9+$0x20]  }
0x11c: {  	[tilespmem:s24+$0xFFFFFF10] =	vst v19;
	v19 =	vld [tilespmem:s9+$0xFFFFFFA0]  }
0x11d: {  	v7 =	vmul.f32 v14, v7;
	[tilespmem:s24+$0x90] =	vst v20;
	v14 =	vld [tilespmem:s9+$0xFFFFFF20]  }
0x11e: {  	v6 =	vmul.f32 v15, v6;
	[tilespmem:s22+$0xE0] =	vst v17;
	v15 =	vld [tilespmem:s9+$0xA0]  }
0x11f: {  	v16 =	vmul.f32 v16, v3;
	[tilespmem:s22+$0xFFFFFFF0] =	vst v7  }
0x120: {  	[tilespmem:s22+$0xFFFFFF70] =	vst v6;
	v6 =	vmul.f32 v18, v11  }
0x121: {  	v7 =	vld [tilespmem:s20+$0xB0];
	[tilespmem:s19+$0x30] =	vst v16;
	v16 =	vmul.f32 v19, v10  }
0x122: {  	v17 =	vld [tilespmem:s23+$0xF0];
	v14 =	vmul.f32 v14, v9;
	[tilespmem:s24+$0x20] =	vst v6  }
0x123: {  	v15 =	vmul.f32 v15, v8;
	v6 =	vld [tilespmem:s9+$0x30];
	[tilespmem:s24+$0xFFFFFFA0] =	vst v16  }
0x124: {  	v12 =	vmul.f32 v12, v2;
	[tilespmem:s24+$0xFFFFFF20] =	vst v14;
	v14 =	vld [tilespmem:s9+$0xFFFFFFB0]  }
0x125: {  	v13 =	vmul.f32 v13, v4;
	[tilespmem:s24+$0xA0] =	vst v15;
	v16 =	vld [tilespmem:s9+$0xFFFFFF30]  }
0x126: {  	[tilespmem:s19+$0xFFFFFF30] =	vst v12;
	v7 =	vmul.f32 v7, v1;
	v12 =	vld [tilespmem:s9+$0xB0]  }
0x127: {  	[tilespmem:s19+$0xFFFFFFB0] =	vst v13;
	v5 =	vmul.f32 v17, v5;
	v15 =	vld [tilespmem:s20+$0x40]  }
0x128: {  	v13 =	vld [tilespmem:s20+$0xFFFFFFC0];
	[tilespmem:s19+$0xB0] =	vst v7;
	v6 =	vmul.f32 v6, v11  }
0x129: {  	v7 =	vld [tilespmem:s20+$0xFFFFFF40];
	[tilespmem:s22+$0xF0] =	vst v5;
	v5 =	vmul.f32 v14, v10  }
0x12a: {  	v14 =	vld [tilespmem:s20+$0xC0];
	v16 =	vmul.f32 v16, v9;
	[tilespmem:s24+$0x30] =	vst v6  }
0x12b: {  	v12 =	vmul.f32 v12, v8;
	v6 =	vld [tilespmem:s9+$0x40];
	[tilespmem:s24+$0xFFFFFFB0] =	vst v5  }
0x12c: {  	v5 =	vmul.f32 v15, v3;
	[tilespmem:s24+$0xFFFFFF30] =	vst v16;
	v15 =	vld [tilespmem:s9+$0xFFFFFFC0]  }
0x12d: {  	v13 =	vmul.f32 v13, v4;
	[tilespmem:s24+$0xB0] =	vst v12;
	v16 =	vld [tilespmem:s9+$0xFFFFFF40]  }
0x12e: {  	v7 =	vmul.f32 v7, v2;
	[tilespmem:s19+$0x40] =	vst v5;
	v5 =	vld [tilespmem:s9+$0xC0]  }
0x12f: {  	[tilespmem:s19+$0xFFFFFFC0] =	vst v13;
	v12 =	vld [tilespmem:s20+$0x50];
	v13 =	vmul.f32 v14, v1  }
0x130: {  	[tilespmem:s19+$0xFFFFFF40] =	vst v7;
	v7 =	vld [tilespmem:s20+$0xFFFFFFD0];
	v6 =	vmul.f32 v6, v11  }
0x131: {  	v14 =	vld [tilespmem:s20+$0xFFFFFF50];
	[tilespmem:s19+$0xC0] =	vst v13;
	v13 =	vmul.f32 v15, v10  }
0x132: {  	v15 =	vld [tilespmem:s20+$0xD0];
	v16 =	vmul.f32 v16, v9;
	[tilespmem:s24+$0x40] =	vst v6  }
0x133: {  	v5 =	vmul.f32 v5, v8;
	v6 =	vld [tilespmem:s9+$0x50];
	[tilespmem:s24+$0xFFFFFFC0] =	vst v13  }
0x134: {  	v12 =	vmul.f32 v12, v3;
	[tilespmem:s24+$0xFFFFFF40] =	vst v16;
	v13 =	vld [tilespmem:s9+$0xFFFFFFD0]  }
0x135: {  	v7 =	vmul.f32 v7, v4;
	[tilespmem:s24+$0xC0] =	vst v5;
	v16 =	vld [tilespmem:s9+$0xFFFFFF50]  }
0x136: {  	v5 =	vmul.f32 v14, v2;
	[tilespmem:s19+$0x50] =	vst v12;
	v12 =	vld [tilespmem:s9+$0xD0]  }
0x137: {  	[tilespmem:s19+$0xFFFFFFD0] =	vst v7;
	v14 =	vld [tilespmem:s20+$0x60];
	v7 =	vmul.f32 v15, v1  }
0x138: {  	[tilespmem:s19+$0xFFFFFF50] =	vst v5;
	v5 =	vld [tilespmem:s20+$0xFFFFFFE0];
	v6 =	vmul.f32 v6, v11  }
0x139: {  	v15 =	vld [tilespmem:s20+$0xFFFFFF60];
	[tilespmem:s19+$0xD0] =	vst v7;
	v7 =	vmul.f32 v13, v10  }
0x13a: {  	v13 =	vld [tilespmem:s20+$0xE0];
	[tilespmem:s24+$0x50] =	vst v6;
	v6 =	vmul.f32 v16, v9  }
0x13b: {  	v16 =	vld [tilespmem:s9+$0x60];
	[tilespmem:s24+$0xFFFFFFD0] =	vst v7;
	v7 =	vmul.f32 v12, v8  }
0x13c: {  	v12 =	vmul.f32 v14, v3;
	[tilespmem:s24+$0xFFFFFF50] =	vst v6;
	v6 =	vld [tilespmem:s9+$0xFFFFFFE0]  }
0x13d: {  	v5 =	vmul.f32 v5, v4;
	v14 =	vld [tilespmem:s9+$0xFFFFFF60];
	[tilespmem:s24+$0xD0] =	vst v7  }
0x13e: {  	[tilespmem:s19+$0x60] =	vst v12;
	v7 =	vmul.f32 v15, v2;
	v12 =	vld [tilespmem:s9+$0xE0]  }
0x13f: {  	[tilespmem:s19+$0xFFFFFFE0] =	vst v5;
	v15 =	vld [tilespmem:s20+$0x70];
	v5 =	vmul.f32 v13, v1  }
0x140: {  	[tilespmem:s19+$0xFFFFFF60] =	vst v7;
	v7 =	vld [tilespmem:s20+$0xFFFFFFF0];
	v13 =	vmul.f32 v16, v11  }
0x141: {  	v16 =	vld [tilespmem:s20+$0xFFFFFF70];
	[tilespmem:s19+$0xE0] =	vst v5;
	v5 =	vmul.f32 v6, v10  }
0x142: {  	v6 =	vld [tilespmem:s20+$0xF0];
	[tilespmem:s24+$0x60] =	vst v13;
	v13 =	vmul.f32 v14, v9  }
0x143: {  	v14 =	vld [tilespmem:s9+$0x70];
	[tilespmem:s24+$0xFFFFFFE0] =	vst v5;
	v5 =	vmul.f32 v12, v8  }
0x144: {  	v3 =	vmul.f32 v15, v3;
	[tilespmem:s24+$0xFFFFFF60] =	vst v13;
	v12 =	vld [tilespmem:s9+$0xFFFFFFF0]  }
0x145: {  	v4 =	vmul.f32 v7, v4;
	v7 =	vld [tilespmem:s9+$0xFFFFFF70];
	[tilespmem:s24+$0xE0] =	vst v5  }
0x146: {  	[tilespmem:s19+$0x70] =	vst v3;
	v2 =	vmul.f32 v16, v2;
	v3 =	vld [tilespmem:s9+$0xF0]  }
0x147: {  	[tilespmem:s19+$0xFFFFFFF0] =	vst v4;
	v1 =	vmul.f32 v6, v1  }
0x148: {  	[tilespmem:s19+$0xFFFFFF70] =	vst v2;
	v2 =	vmul.f32 v14, v11  }
0x149: {  	[tilespmem:s19+$0xF0] =	vst v1;
	v1 =	vmul.f32 v12, v10  }
0x14a: {  	[tilespmem:s24+$0x70] =	vst v2;
	v2 =	vmul.f32 v7, v9  }
0x14b: {  	[tilespmem:s24+$0xFFFFFFF0] =	vst v1;
	v1 =	vmul.f32 v3, v8  }
0x14c: {  	[tilespmem:s24+$0xFFFFFF70] =	vst v2  }
0x14d: {  	[tilespmem:s24+$0xF0] =	vst v1  }
0x14e: {  	v1 =	vld [tilespmem:$0x13880]  }
0x14f: {  	v2 =	vld [tilespmem:$0x13890]  }
0x150: {  	v3 =	vld [tilespmem:$0x138A0]  }
0x151: {  	v4 =	vld [tilespmem:$0x138B0]  }
0x152: {  	v5 =	vld [tilespmem:$0x138C0]  }
0x153: {  	[tilespmem:$0x13A00] =	vst v1  }
0x154: {  	[tilespmem:$0x13A10] =	vst v2  }
0x155: {  	[tilespmem:$0x13A20] =	vst v3  }
0x156: {  	[tilespmem:$0x13A30] =	vst v4  }
0x157: {  	[tilespmem:$0x13A40] =	vst v5  }
0x158: {  	[spmem:s3] =	stream.indirect.scatter.add.f32 [tilespmem:s25], [sflag:$0x3], $0x80, s0, s4, $0xb8;
	[tilespmem:$0x1DC80] =	vst v63  }
0x159: {  	_ =	swait.ge [sflag:s12], $0x2800  }
0x15a: {  	[sflag:s12] =	ssyncset.done $0x0  }
0x15b: {  	s9 =	simm.s32 @!p1 $0x4;
	[sflag:s12] =	ssyncadd.s32 $0xFFFFD800  }
0x15c: {  	_ =	swait.ge @!p1 [sflag:s9], $0x2800  }
0x15d: {  	[sflag:s9] =	ssyncset.done @!p1 $0x0  }
0x15e: {  	[sflag:s9] =	ssyncadd.s32 @!p1 $0xFFFFD800  }
0x15f: {  	v1 =	vld [tilespmem:$0x13900]  }
0x160: {  	v2 =	vld [tilespmem:$0x13910]  }
0x161: {  	v3 =	vld [tilespmem:$0x13920]  }
0x162: {  	v4 =	vld [tilespmem:$0x13930]  }
0x163: {  	p1 =	seq.s32 s18, $0x7C;
	v5 =	vld [tilespmem:$0x13940]  }
0x164: {  	s9 =	smul.u32 @!p1 $0x50, s18;
	[tilespmem:$0x13A80] =	vst v1  }
0x165: {  	s20 =	simm.s32 $0x0;
	[tilespmem:$0x13A90] =	vst v2  }
0x166: {  	s22 =	simm.s32 $0x1;
	s9 =	sadd.s32 @!p1 s9, s21;
	[tilespmem:$0x13AA0] =	vst v3;
	v1 =	vmov s20  }
0x167: {  	s23 =	simm.s32 $0x2;
	s9 =	sshrl.u32 @!p1 s9, $0x3;
	[tilespmem:$0x13AB0] =	vst v4;
	v2 =	vmov s22;
	v1 =	vand.u32 $0xFFFFFFFC, v1  }
0x168: {  	s19 =	sadd.s32 @!p1 s7, s9;
	[tilespmem:$0x13AC0] =	vst v5;
	s20 =	simm.s32 @!p1 $0x0;
	s22 =	simm.s32 @!p1 $0x13880;
	v3 =	vmov s23;
	v2 =	vand.u32 $0xFFFFFFFD, v2;
	v1 =	vbroadcast v1, $0x0  }
0x169: {  	[tilespmem:s22], [sflag:$0x5] =	stream.linear.gather @!p1 [hbm4b:s19+s20], $0x50, $0x38;
	v3 =	vand.u32 $0xFFFFFFFE, v3;
	v2 =	vbroadcast v2, $0x0;
	[tilespmem:$0x1DC80] =	vst v63  }
0x16a: {  	s17 =	sadd.s32 @!p1 s8, s9;
	s19 =	simm.s32 @!p1 $0x13900;
	v3 =	vbroadcast v3, $0x0  }
0x16b: {  	[tilespmem:s19], [sflag:$0x5] =	stream.linear.gather @!p1 [hbm4b:s17+s20], $0x50, $0x38;
	[tilespmem:$0x1DC80] =	vst v63  }
0x16c: {  	s9 =	sadd.s32 @!p1 s1, s9;
	s17 =	simm.s32 @!p1 $0x13980  }
0x16d: {  	[tilespmem:s17], [sflag:$0x5] =	stream.linear.gather @!p1 [hbm4b:s9+s20], $0x50, $0x38;
	[tilespmem:$0x1DC80] =	vst v63  }
0x16e: {  	s24 =	simm.s32 $0x3;
	v6 =	vld.idx.msk [tilespmem:v1+s11+$0x0], $0xffff  }
0x16f: {  	v1 =	vmov s24;
	v7 =	vld.idx.msk [tilespmem:v2+s11+$0x0], $0xffff  }
0x170: {  	s23 =	simm.s32 $0x16580;
	v8 =	vld.idx.msk [tilespmem:v3+s11+$0x0], $0xffff  }
0x171: {  	v2 =	vld [tilespmem:s23+$0x0]  }
0x172: {  	v3 =	vld [tilespmem:s23+$0xFFFFFF00]  }
0x173: {  	v4 =	vld [tilespmem:s23+$0xFFFFFF80]  }
0x174: {  	v5 =	vld.idx.msk [tilespmem:v1+s11+$0x0], $0xffff  }
0x175: {  	v1 =	vld [tilespmem:s23+$0x80]  }
0x176: {  	v2 =	vmul.f32 v2, v8  }
0x177: {  	s22 =	simm.s32 $0x1B580;
	v3 =	vmul.f32 v3, v6  }
0x178: {  	v4 =	vmul.f32 v4, v7;
	[tilespmem:s22+$0x0] =	vst v2  }
0x179: {  	[tilespmem:s22+$0xFFFFFF00] =	vst v3;
	v2 =	vld [tilespmem:s23+$0x10]  }
0x17a: {  	[tilespmem:s22+$0xFFFFFF80] =	vst v4;
	v3 =	vld [tilespmem:s23+$0xFFFFFF10];
	v1 =	vmul.f32 v1, v5  }
0x17b: {  	v4 =	vld [tilespmem:s23+$0xFFFFFF90]  }
0x17c: {  	[tilespmem:s22+$0x80] =	vst v1  }
0x17d: {  	v1 =	vld [tilespmem:s23+$0x90]  }
0x17e: {  	v2 =	vmul.f32 v2, v8  }
0x17f: {  	v3 =	vmul.f32 v3, v6  }
0x180: {  	v4 =	vmul.f32 v4, v7;
	[tilespmem:s22+$0x10] =	vst v2  }
0x181: {  	[tilespmem:s22+$0xFFFFFF10] =	vst v3;
	v2 =	vld [tilespmem:s23+$0x20]  }
0x182: {  	[tilespmem:s22+$0xFFFFFF90] =	vst v4;
	v3 =	vld [tilespmem:s23+$0xFFFFFF20];
	v1 =	vmul.f32 v1, v5  }
0x183: {  	v4 =	vld [tilespmem:s23+$0xFFFFFFA0]  }
0x184: {  	[tilespmem:s22+$0x90] =	vst v1  }
0x185: {  	v1 =	vld [tilespmem:s23+$0xA0]  }
0x186: {  	s17 =	simm.s32 $0x4;
	v2 =	vmul.f32 v2, v8  }
0x187: {  	s19 =	simm.s32 $0x5;
	v9 =	vmov s17;
	v3 =	vmul.f32 v3, v6  }
0x188: {  	v10 =	vmov s19;
	s20 =	simm.s32 $0x7;
	v9 =	vand.u32 $0xFFFFFFFC, v9;
	v4 =	vmul.f32 v4, v7;
	[tilespmem:s22+$0x20] =	vst v2  }
0x189: {  	v10 =	vand.u32 $0xFFFFFFFD, v10;
	v9 =	vbroadcast v9, $0x0;
	v2 =	vmov s20;
	[tilespmem:s22+$0xFFFFFF20] =	vst v3;
	v3 =	vld [tilespmem:s23+$0x30]  }
0x18a: {  	v10 =	vbroadcast v10, $0x0;
	[tilespmem:s22+$0xFFFFFFA0] =	vst v4;
	v11 =	vld [tilespmem:s23+$0xFFFFFF30];
	v1 =	vmul.f32 v1, v5  }
0x18b: {  	v12 =	vld [tilespmem:s23+$0xFFFFFFB0]  }
0x18c: {  	s24 =	simm.s32 $0x6;
	[tilespmem:s22+$0xA0] =	vst v1  }
0x18d: {  	v1 =	vmov s24;
	v13 =	vld [tilespmem:s23+$0xB0]  }
0x18e: {  	v4 =	vand.u32 $0xFFFFFFFE, v1;
	v1 =	vld.idx.msk [tilespmem:v2+s11+$0x0], $0xffff;
	v3 =	vmul.f32 v3, v8  }
0x18f: {  	v2 =	vld.idx.msk [tilespmem:v9+s11+$0x0], $0xffff;
	v9 =	vmul.f32 v11, v6;
	v14 =	vbroadcast v4, $0x0  }
0x190: {  	v4 =	vld.idx.msk [tilespmem:v10+s11+$0x0], $0xffff;
	v10 =	vmul.f32 v12, v7;
	[tilespmem:s22+$0x30] =	vst v3  }
0x191: {  	s20 =	simm.s32 $0x16780;
	[tilespmem:s22+$0xFFFFFF30] =	vst v9;
	v9 =	vld [tilespmem:s23+$0x40]  }
0x192: {  	v12 =	vld [tilespmem:s20+$0x0];
	[tilespmem:s22+$0xFFFFFFB0] =	vst v10  }
0x193: {  	v10 =	vld [tilespmem:s23+$0xFFFFFFC0]  }
0x194: {  	v11 =	vld [tilespmem:s23+$0xFFFFFF40]  }
0x195: {  	v3 =	vld.idx.msk [tilespmem:v14+s11+$0x0], $0xffff  }
0x196: {  	v14 =	vld [tilespmem:s20+$0xFFFFFF00];
	v9 =	vmul.f32 v9, v8  }
0x197: {  	v15 =	vld [tilespmem:s20+$0xFFFFFF80];
	v13 =	vmul.f32 v13, v5  }
0x198: {  	v16 =	vld [tilespmem:s20+$0x80];
	v10 =	vmul.f32 v10, v7;
	[tilespmem:s22+$0x40] =	vst v9  }
0x199: {  	[tilespmem:s22+$0xB0] =	vst v13;
	v9 =	vmul.f32 v11, v6;
	v11 =	vld [tilespmem:s23+$0x50]  }
0x19a: {  	[tilespmem:s22+$0xFFFFFFC0] =	vst v10;
	v10 =	vld [tilespmem:s23+$0xC0];
	v12 =	vmul.f32 v12, v3  }
0x19b: {  	s19 =	simm.s32 $0x1B780;
	[tilespmem:s22+$0xFFFFFF40] =	vst v9;
	v9 =	vmul.f32 v14, v2;
	v13 =	vld [tilespmem:s23+$0xFFFFFFD0]  }
0x19c: {  	v14 =	vmul.f32 v15, v4;
	[tilespmem:s19+$0x0] =	vst v12;
	v12 =	vld [tilespmem:s23+$0xFFFFFF50]  }
0x19d: {  	v15 =	vmul.f32 v16, v1;
	[tilespmem:s19+$0xFFFFFF00] =	vst v9;
	v9 =	vld [tilespmem:s20+$0x10]  }
0x19e: {  	[tilespmem:s19+$0xFFFFFF80] =	vst v14;
	v16 =	vld [tilespmem:s20+$0xFFFFFF10];
	v11 =	vmul.f32 v11, v8  }
0x19f: {  	[tilespmem:s19+$0x80] =	vst v15;
	v14 =	vld [tilespmem:s20+$0xFFFFFF90];
	v10 =	vmul.f32 v10, v5  }
0x1a0: {  	v15 =	vld [tilespmem:s20+$0x90];
	v13 =	vmul.f32 v13, v7;
	[tilespmem:s22+$0x50] =	vst v11  }
0x1a1: {  	[tilespmem:s22+$0xC0] =	vst v10;
	v11 =	vmul.f32 v12, v6;
	v12 =	vld [tilespmem:s23+$0x60]  }
0x1a2: {  	[tilespmem:s22+$0xFFFFFFD0] =	vst v13;
	v10 =	vld [tilespmem:s23+$0xD0];
	v9 =	vmul.f32 v9, v3  }
0x1a3: {  	v13 =	vmul.f32 v16, v2;
	[tilespmem:s22+$0xFFFFFF50] =	vst v11;
	v11 =	vld [tilespmem:s23+$0xFFFFFFE0]  }
0x1a4: {  	v14 =	vmul.f32 v14, v4;
	[tilespmem:s19+$0x10] =	vst v9;
	v9 =	vld [tilespmem:s23+$0xFFFFFF60]  }
0x1a5: {  	v15 =	vmul.f32 v15, v1;
	[tilespmem:s19+$0xFFFFFF10] =	vst v13;
	v13 =	vld [tilespmem:s20+$0x20]  }
0x1a6: {  	[tilespmem:s19+$0xFFFFFF90] =	vst v14;
	v16 =	vld [tilespmem:s20+$0xFFFFFF20];
	v12 =	vmul.f32 v12, v8  }
0x1a7: {  	[tilespmem:s19+$0x90] =	vst v15;
	v10 =	vmul.f32 v10, v5  }
0x1a8: {  	v17 =	vld [tilespmem:s20+$0xFFFFFFA0];
	v11 =	vmul.f32 v11, v7;
	[tilespmem:s22+$0x60] =	vst v12  }
0x1a9: {  	v18 =	vld [tilespmem:s20+$0xA0];
	[tilespmem:s22+$0xD0] =	vst v10;
	v9 =	vmul.f32 v9, v6  }
0x1aa: {  	v19 =	vld [tilespmem:s23+$0x70];
	v10 =	vmul.f32 v13, v3;
	[tilespmem:s22+$0xFFFFFFE0] =	vst v11  }
0x1ab: {  	s17 =	simm.s32 $0x8;
	s24 =	simm.s32 $0x9;
	v20 =	vld [tilespmem:s23+$0xE0];
	v11 =	vmul.f32 v16, v2;
	[tilespmem:s22+$0xFFFFFF60] =	vst v9  }
0x1ac: {  	v12 =	vmov s24;
	s24 =	simm.s32 $0xB;
	v14 =	vld [tilespmem:s23+$0xFFFFFFF0];
	v9 =	vmov s17;
	[tilespmem:s19+$0x20] =	vst v10  }
0x1ad: {  	v13 =	vmul.f32 v17, v4;
	v15 =	vld [tilespmem:s23+$0xFFFFFF70];
	v9 =	vand.u32 $0xFFFFFFFC, v9;
	[tilespmem:s19+$0xFFFFFF20] =	vst v11;
	v11 =	vmov s24  }
0x1ae: {  	v17 =	vmul.f32 v18, v1;
	v10 =	vand.u32 $0xFFFFFFFD, v12;
	v16 =	vld [tilespmem:s20+$0x30];
	v9 =	vbroadcast v9, $0x0  }
0x1af: {  	[tilespmem:s19+$0xFFFFFFA0] =	vst v13;
	v10 =	vbroadcast v10, $0x0;
	v12 =	vld [tilespmem:s20+$0xFFFFFF30];
	v18 =	vmul.f32 v19, v8  }
0x1b0: {  	s17 =	simm.s32 $0xA;
	s24 =	simm.s32 $0xC;
	[tilespmem:s19+$0xA0] =	vst v17;
	v13 =	vld [tilespmem:s20+$0xFFFFFFB0];
	v17 =	vmul.f32 v20, v5  }
.LBB2_7:
0x1b1: {  	p2 =	slt.u32 s24, $0x24;
	v8 =	vmov s17;
	v19 =	vld [tilespmem:s20+$0xB0];
	v14 =	vmul.f32 v14, v7;
	[tilespmem:s22+$0x70] =	vst v18;
	v7 =	vmov v4  }
0x1b2: {  	v4 =	vand.u32 $0xFFFFFFFE, v8;
	v8 =	vld.idx.msk [tilespmem:v11+s11+$0x0], $0xffff;
	v11 =	vmul.f32 v15, v6;
	[tilespmem:s22+$0xE0] =	vst v17;
	v6 =	vmov v2  }
0x1b3: {  	v15 =	vbroadcast v4, $0x0;
	v16 =	vmul.f32 v16, v3;
	[tilespmem:s22+$0xFFFFFFF0] =	vst v14;
	v14 =	vld [tilespmem:s23+$0xF0];
	s23 =	smov.u32 s20  }
0x1b4: {  	v2 =	vld.idx.msk [tilespmem:v9+s11+$0x0], $0xffff;
	v9 =	vmul.f32 v12, v6;
	[tilespmem:s22+$0xFFFFFF70] =	vst v11  }
0x1b5: {  	v4 =	vld.idx.msk [tilespmem:v10+s11+$0x0], $0xffff;
	v10 =	vmul.f32 v13, v7;
	[tilespmem:s19+$0x30] =	vst v16  }
0x1b6: {  	[tilespmem:s19+$0xFFFFFF30] =	vst v9;
	v9 =	vld [tilespmem:s20+$0x40];
	v11 =	vmul.f32 v19, v1  }
0x1b7: {  	v12 =	vld [tilespmem:s20+$0xFFFFFF40];
	[tilespmem:s19+$0xFFFFFFB0] =	vst v10  }
0x1b8: {  	v10 =	vld [tilespmem:s20+$0xFFFFFFC0];
	[tilespmem:s19+$0xB0] =	vst v11;
	v11 =	vmul.f32 v14, v5;
	v5 =	vmov v1;
	v1 =	vmov v8  }
0x1b9: {  	s20 =	sadd.s32 $0x200, s20;
	v8 =	vld.idx.msk [tilespmem:v15+s11+$0x0], $0xffff  }
0x1ba: {  	v13 =	vld [tilespmem:s20+$0x0];
	[tilespmem:s22+$0xF0] =	vst v11;
	s22 =	smov.u32 s19  }
0x1bb: {  	v11 =	vld [tilespmem:s20+$0xFFFFFF00];
	v9 =	vmul.f32 v9, v3  }
0x1bc: {  	v14 =	vld [tilespmem:s20+$0xFFFFFF80];
	v12 =	vmul.f32 v12, v6  }
0x1bd: {  	v15 =	vld [tilespmem:s20+$0x80];
	v10 =	vmul.f32 v10, v7;
	[tilespmem:s19+$0x40] =	vst v9  }
0x1be: {  	[tilespmem:s19+$0xFFFFFF40] =	vst v12;
	v9 =	vld [tilespmem:s23+$0x50]  }
0x1bf: {  	v12 =	vmul.f32 v13, v8;
	[tilespmem:s19+$0xFFFFFFC0] =	vst v10;
	v10 =	vld [tilespmem:s23+$0xC0]  }
0x1c0: {  	s19 =	sadd.s32 $0x200, s19;
	v11 =	vmul.f32 v11, v2;
	v13 =	vld [tilespmem:s23+$0xFFFFFFD0]  }
0x1c1: {  	v14 =	vmul.f32 v14, v4;
	[tilespmem:s19+$0x0] =	vst v12;
	v12 =	vld [tilespmem:s23+$0xFFFFFF50]  }
0x1c2: {  	[tilespmem:s19+$0xFFFFFF00] =	vst v11;
	v11 =	vld [tilespmem:s20+$0x10];
	v15 =	vmul.f32 v15, v1  }
0x1c3: {  	v16 =	vld [tilespmem:s20+$0xFFFFFF10];
	[tilespmem:s19+$0xFFFFFF80] =	vst v14;
	v9 =	vmul.f32 v9, v3  }
0x1c4: {  	v14 =	vld [tilespmem:s20+$0xFFFFFF90];
	[tilespmem:s19+$0x80] =	vst v15;
	v10 =	vmul.f32 v10, v5  }
0x1c5: {  	v15 =	vld [tilespmem:s20+$0x90];
	v13 =	vmul.f32 v13, v7;
	[tilespmem:s22+$0x50] =	vst v9  }
0x1c6: {  	v9 =	vmul.f32 v12, v6;
	v12 =	vld [tilespmem:s23+$0x60];
	[tilespmem:s22+$0xC0] =	vst v10  }
0x1c7: {  	v10 =	vmul.f32 v11, v8;
	[tilespmem:s22+$0xFFFFFFD0] =	vst v13;
	v11 =	vld [tilespmem:s23+$0xD0]  }
0x1c8: {  	v13 =	vmul.f32 v16, v2;
	[tilespmem:s22+$0xFFFFFF50] =	vst v9;
	v9 =	vld [tilespmem:s23+$0xFFFFFFE0]  }
0x1c9: {  	v14 =	vmul.f32 v14, v4;
	[tilespmem:s19+$0x10] =	vst v10;
	v10 =	vld [tilespmem:s23+$0xFFFFFF60]  }
0x1ca: {  	[tilespmem:s19+$0xFFFFFF10] =	vst v13;
	v13 =	vld [tilespmem:s20+$0x20];
	v15 =	vmul.f32 v15, v1  }
0x1cb: {  	v16 =	vld [tilespmem:s20+$0xFFFFFF20];
	[tilespmem:s19+$0xFFFFFF90] =	vst v14;
	v12 =	vmul.f32 v12, v3  }
0x1cc: {  	v17 =	vld [tilespmem:s20+$0xFFFFFFA0];
	[tilespmem:s19+$0x90] =	vst v15;
	v11 =	vmul.f32 v11, v5  }
0x1cd: {  	v18 =	vld [tilespmem:s20+$0xA0];
	v9 =	vmul.f32 v9, v7;
	[tilespmem:s22+$0x60] =	vst v12  }
0x1ce: {  	v10 =	vmul.f32 v10, v6;
	v19 =	vld [tilespmem:s23+$0x70];
	[tilespmem:s22+$0xD0] =	vst v11  }
0x1cf: {  	s9 =	sadd.s32 $0x3, s24;
	v12 =	vmul.f32 v13, v8;
	[tilespmem:s22+$0xFFFFFFE0] =	vst v9;
	v20 =	vld [tilespmem:s23+$0xE0]  }
.Ltmp4:
0x1d0: {  	s17 =	sadd.s32 $0x1, s24;
	v11 =	vmov s9;
	v9 =	vmov s24;
	v13 =	vmul.f32 v16, v2;
	[tilespmem:s22+$0xFFFFFF60] =	vst v10;
	v14 =	vld [tilespmem:s23+$0xFFFFFFF0];
	(pc) =	sbr.rel @p2 .LBB2_7-.Ltmp4, $4  }
0x1d1: {  	v9 =	vand.u32 $0xFFFFFFFC, v9;
	v10 =	vmov s17;
	v17 =	vmul.f32 v17, v4;
	[tilespmem:s19+$0x20] =	vst v12;
	v15 =	vld [tilespmem:s23+$0xFFFFFF70]  }
0x1d2: {  	v9 =	vbroadcast v9, $0x0;
	v10 =	vand.u32 $0xFFFFFFFD, v10;
	[tilespmem:s19+$0xFFFFFF20] =	vst v13;
	v16 =	vld [tilespmem:s20+$0x30];
	v21 =	vmul.f32 v18, v1  }
0x1d3: {  	v10 =	vbroadcast v10, $0x0;
	v12 =	vld [tilespmem:s20+$0xFFFFFF30];
	[tilespmem:s19+$0xFFFFFFA0] =	vst v17;
	v18 =	vmul.f32 v19, v3;
	v3 =	vmov v8  }
0x1d4: {  	s17 =	sadd.s32 $0x2, s24;
	s24 =	sadd.s32 $0x4, s24;
	v13 =	vld [tilespmem:s20+$0xFFFFFFB0];
	[tilespmem:s19+$0xA0] =	vst v21;
	v17 =	vmul.f32 v20, v5  }
0x1d5: {  	v8 =	vmov s17  }
0x1d6: {  	v8 =	vand.u32 $0xFFFFFFFE, v8  }
0x1d7: {  	v19 =	vbroadcast v8, $0x0;
	_ =	sdelay $0x2  }
0x1d8: {  	v9 =	vld.idx.msk [tilespmem:v9+s11+$0x0], $0xffff  }
0x1d9: {  	v10 =	vld.idx.msk [tilespmem:v10+s11+$0x0], $0xffff  }
0x1da: {  	v8 =	vld.idx.msk [tilespmem:v11+s11+$0x0], $0xffff  }
0x1db: {  	s9 =	sadd.s32 $0x200, s20;
	v11 =	vld.idx.msk [tilespmem:v19+s11+$0x0], $0xffff  }
0x1dc: {  	v19 =	vld [tilespmem:s9+$0x0]  }
0x1dd: {  	v20 =	vld [tilespmem:s9+$0xFFFFFF80]  }
0x1de: {  	v21 =	vld [tilespmem:s9+$0xFFFFFF00]  }
0x1df: {  	v22 =	vld [tilespmem:s9+$0x80];
	_ =	sdelay $0x1  }
0x1e0: {  	v19 =	vmul.f32 v19, v11  }
0x1e1: {  	s24 =	sadd.s32 $0x200, s19;
	v20 =	vmul.f32 v20, v10  }
0x1e2: {  	v21 =	vmul.f32 v21, v9;
	[tilespmem:s24+$0x0] =	vst v19  }
0x1e3: {  	v22 =	vmul.f32 v22, v8;
	[tilespmem:s24+$0xFFFFFF80] =	vst v20;
	v19 =	vld [tilespmem:s9+$0x10]  }
0x1e4: {  	[tilespmem:s24+$0xFFFFFF00] =	vst v21;
	v20 =	vld [tilespmem:s9+$0xFFFFFF90]  }
0x1e5: {  	v21 =	vld [tilespmem:s9+$0xFFFFFF10];
	[tilespmem:s24+$0x80] =	vst v22  }
0x1e6: {  	v22 =	vld [tilespmem:s9+$0x90];
	_ =	sdelay $0x1  }
0x1e7: {  	v19 =	vmul.f32 v19, v11  }
0x1e8: {  	[tilespmem:s22+$0x70] =	vst v18;
	v18 =	vmul.f32 v20, v10  }
0x1e9: {  	[tilespmem:s24+$0x10] =	vst v19;
	v19 =	vmul.f32 v21, v9  }
0x1ea: {  	v20 =	vmul.f32 v22, v8;
	[tilespmem:s24+$0xFFFFFF90] =	vst v18;
	v18 =	vld [tilespmem:s9+$0x20]  }
0x1eb: {  	[tilespmem:s24+$0xFFFFFF10] =	vst v19;
	v19 =	vld [tilespmem:s9+$0xFFFFFFA0]  }
0x1ec: {  	v7 =	vmul.f32 v14, v7;
	[tilespmem:s24+$0x90] =	vst v20;
	v14 =	vld [tilespmem:s9+$0xFFFFFF20]  }
0x1ed: {  	v6 =	vmul.f32 v15, v6;
	[tilespmem:s22+$0xE0] =	vst v17;
	v15 =	vld [tilespmem:s9+$0xA0]  }
0x1ee: {  	v16 =	vmul.f32 v16, v3;
	[tilespmem:s22+$0xFFFFFFF0] =	vst v7  }
0x1ef: {  	[tilespmem:s22+$0xFFFFFF70] =	vst v6;
	v6 =	vmul.f32 v18, v11  }
0x1f0: {  	v7 =	vld [tilespmem:s20+$0xB0];
	[tilespmem:s19+$0x30] =	vst v16;
	v16 =	vmul.f32 v19, v10  }
0x1f1: {  	v17 =	vld [tilespmem:s23+$0xF0];
	v14 =	vmul.f32 v14, v9;
	[tilespmem:s24+$0x20] =	vst v6  }
0x1f2: {  	v15 =	vmul.f32 v15, v8;
	v6 =	vld [tilespmem:s9+$0x30];
	[tilespmem:s24+$0xFFFFFFA0] =	vst v16  }
0x1f3: {  	v12 =	vmul.f32 v12, v2;
	[tilespmem:s24+$0xFFFFFF20] =	vst v14;
	v14 =	vld [tilespmem:s9+$0xFFFFFFB0]  }
0x1f4: {  	v13 =	vmul.f32 v13, v4;
	[tilespmem:s24+$0xA0] =	vst v15;
	v16 =	vld [tilespmem:s9+$0xFFFFFF30]  }
0x1f5: {  	[tilespmem:s19+$0xFFFFFF30] =	vst v12;
	v7 =	vmul.f32 v7, v1;
	v12 =	vld [tilespmem:s9+$0xB0]  }
0x1f6: {  	[tilespmem:s19+$0xFFFFFFB0] =	vst v13;
	v5 =	vmul.f32 v17, v5;
	v15 =	vld [tilespmem:s20+$0x40]  }
0x1f7: {  	v13 =	vld [tilespmem:s20+$0xFFFFFFC0];
	[tilespmem:s19+$0xB0] =	vst v7;
	v6 =	vmul.f32 v6, v11  }
0x1f8: {  	v7 =	vld [tilespmem:s20+$0xFFFFFF40];
	[tilespmem:s22+$0xF0] =	vst v5;
	v5 =	vmul.f32 v14, v10  }
0x1f9: {  	v14 =	vld [tilespmem:s20+$0xC0];
	v16 =	vmul.f32 v16, v9;
	[tilespmem:s24+$0x30] =	vst v6  }
0x1fa: {  	v12 =	vmul.f32 v12, v8;
	v6 =	vld [tilespmem:s9+$0x40];
	[tilespmem:s24+$0xFFFFFFB0] =	vst v5  }
0x1fb: {  	v5 =	vmul.f32 v15, v3;
	[tilespmem:s24+$0xFFFFFF30] =	vst v16;
	v15 =	vld [tilespmem:s9+$0xFFFFFFC0]  }
0x1fc: {  	v13 =	vmul.f32 v13, v4;
	[tilespmem:s24+$0xB0] =	vst v12;
	v16 =	vld [tilespmem:s9+$0xFFFFFF40]  }
0x1fd: {  	v7 =	vmul.f32 v7, v2;
	[tilespmem:s19+$0x40] =	vst v5;
	v5 =	vld [tilespmem:s9+$0xC0]  }
0x1fe: {  	[tilespmem:s19+$0xFFFFFFC0] =	vst v13;
	v12 =	vld [tilespmem:s20+$0x50];
	v13 =	vmul.f32 v14, v1  }
0x1ff: {  	[tilespmem:s19+$0xFFFFFF40] =	vst v7;
	v7 =	vld [tilespmem:s20+$0xFFFFFFD0];
	v6 =	vmul.f32 v6, v11  }
0x200: {  	v14 =	vld [tilespmem:s20+$0xFFFFFF50];
	[tilespmem:s19+$0xC0] =	vst v13;
	v13 =	vmul.f32 v15, v10  }
0x201: {  	v15 =	vld [tilespmem:s20+$0xD0];
	v16 =	vmul.f32 v16, v9;
	[tilespmem:s24+$0x40] =	vst v6  }
0x202: {  	v5 =	vmul.f32 v5, v8;
	v6 =	vld [tilespmem:s9+$0x50];
	[tilespmem:s24+$0xFFFFFFC0] =	vst v13  }
0x203: {  	v12 =	vmul.f32 v12, v3;
	[tilespmem:s24+$0xFFFFFF40] =	vst v16;
	v13 =	vld [tilespmem:s9+$0xFFFFFFD0]  }
0x204: {  	v7 =	vmul.f32 v7, v4;
	[tilespmem:s24+$0xC0] =	vst v5;
	v16 =	vld [tilespmem:s9+$0xFFFFFF50]  }
0x205: {  	v5 =	vmul.f32 v14, v2;
	[tilespmem:s19+$0x50] =	vst v12;
	v12 =	vld [tilespmem:s9+$0xD0]  }
0x206: {  	[tilespmem:s19+$0xFFFFFFD0] =	vst v7;
	v14 =	vld [tilespmem:s20+$0x60];
	v7 =	vmul.f32 v15, v1  }
0x207: {  	[tilespmem:s19+$0xFFFFFF50] =	vst v5;
	v5 =	vld [tilespmem:s20+$0xFFFFFFE0];
	v6 =	vmul.f32 v6, v11  }
0x208: {  	v15 =	vld [tilespmem:s20+$0xFFFFFF60];
	[tilespmem:s19+$0xD0] =	vst v7;
	v7 =	vmul.f32 v13, v10  }
0x209: {  	v13 =	vld [tilespmem:s20+$0xE0];
	[tilespmem:s24+$0x50] =	vst v6;
	v6 =	vmul.f32 v16, v9  }
0x20a: {  	v16 =	vld [tilespmem:s9+$0x60];
	[tilespmem:s24+$0xFFFFFFD0] =	vst v7;
	v7 =	vmul.f32 v12, v8  }
0x20b: {  	v12 =	vmul.f32 v14, v3;
	[tilespmem:s24+$0xFFFFFF50] =	vst v6;
	v6 =	vld [tilespmem:s9+$0xFFFFFFE0]  }
0x20c: {  	v5 =	vmul.f32 v5, v4;
	v14 =	vld [tilespmem:s9+$0xFFFFFF60];
	[tilespmem:s24+$0xD0] =	vst v7  }
0x20d: {  	[tilespmem:s19+$0x60] =	vst v12;
	v7 =	vmul.f32 v15, v2;
	v12 =	vld [tilespmem:s9+$0xE0]  }
0x20e: {  	[tilespmem:s19+$0xFFFFFFE0] =	vst v5;
	v15 =	vld [tilespmem:s20+$0x70];
	v5 =	vmul.f32 v13, v1  }
0x20f: {  	[tilespmem:s19+$0xFFFFFF60] =	vst v7;
	v7 =	vld [tilespmem:s20+$0xFFFFFFF0];
	v13 =	vmul.f32 v16, v11  }
0x210: {  	v16 =	vld [tilespmem:s20+$0xFFFFFF70];
	[tilespmem:s19+$0xE0] =	vst v5;
	v5 =	vmul.f32 v6, v10  }
0x211: {  	v6 =	vld [tilespmem:s20+$0xF0];
	[tilespmem:s24+$0x60] =	vst v13;
	v13 =	vmul.f32 v14, v9  }
0x212: {  	v14 =	vld [tilespmem:s9+$0x70];
	[tilespmem:s24+$0xFFFFFFE0] =	vst v5;
	v5 =	vmul.f32 v12, v8  }
0x213: {  	v3 =	vmul.f32 v15, v3;
	[tilespmem:s24+$0xFFFFFF60] =	vst v13;
	v12 =	vld [tilespmem:s9+$0xFFFFFFF0]  }
0x214: {  	v4 =	vmul.f32 v7, v4;
	v7 =	vld [tilespmem:s9+$0xFFFFFF70];
	[tilespmem:s24+$0xE0] =	vst v5  }
0x215: {  	[tilespmem:s19+$0x70] =	vst v3;
	v2 =	vmul.f32 v16, v2;
	v3 =	vld [tilespmem:s9+$0xF0]  }
0x216: {  	[tilespmem:s19+$0xFFFFFFF0] =	vst v4;
	v1 =	vmul.f32 v6, v1  }
0x217: {  	[tilespmem:s19+$0xFFFFFF70] =	vst v2;
	v2 =	vmul.f32 v14, v11  }
0x218: {  	[tilespmem:s19+$0xF0] =	vst v1;
	v1 =	vmul.f32 v12, v10  }
0x219: {  	[tilespmem:s24+$0x70] =	vst v2;
	v2 =	vmul.f32 v7, v9  }
0x21a: {  	[tilespmem:s24+$0xFFFFFFF0] =	vst v1;
	v1 =	vmul.f32 v3, v8  }
0x21b: {  	[tilespmem:s24+$0xFFFFFF70] =	vst v2  }
0x21c: {  	s9 =	simm.s32 @!p1 $0x5;
	[tilespmem:s24+$0xF0] =	vst v1  }
0x21d: {  	_ =	swait.ge @!p1 [sflag:s9], $0x50  }
0x21e: {  	s20 =	simm.s32 $0x28;
	[sflag:s9] =	ssyncset.done @!p1 $0x0  }
0x21f: {  	s22 =	simm.s32 $0x29;
	v1 =	vmov s20;
	[sflag:s9] =	ssyncadd.s32 @!p1 $0xFFFFFFB0  }
0x220: {  	s23 =	simm.s32 $0x2A;
	v2 =	vmov s22;
	v1 =	vand.u32 $0xFFFFFFFC, v1;
	_ =	swait.ge @!p1 [sflag:s9], $0x50  }
0x221: {  	v3 =	vmov s23;
	v2 =	vand.u32 $0xFFFFFFFD, v2;
	v1 =	vbroadcast v1, $0x0;
	[sflag:s9] =	ssyncset.done @!p1 $0x0  }
0x222: {  	v3 =	vand.u32 $0xFFFFFFFE, v3;
	v2 =	vbroadcast v2, $0x0;
	[sflag:s9] =	ssyncadd.s32 @!p1 $0xFFFFFFB0  }
0x223: {  	v3 =	vbroadcast v3, $0x0;
	_ =	swait.ge @!p1 [sflag:s9], $0x50  }
0x224: {  	s17 =	simm.s32 @!p1 $0x13900;
	[sflag:s9] =	ssyncset.done @!p1 $0x0  }
0x225: {  	s19 =	simm.s32 @!p1 $0x13C80;
	[sflag:s9] =	ssyncadd.s32 @!p1 $0xFFFFFFB0;
	s9 =	simm.s32 @!p1 $0x50  }
0x226: {  	[tilespmem:s19], [sflag:$0x1] =	stream.indirect.gather @!p1 [hbm4b:s6+s9], $0x80, s17, s9, $0xb8;
	[tilespmem:$0x1DC80] =	vst v63  }
0x227: {  	s24 =	simm.s32 $0x2B;
	v6 =	vld.idx.msk [tilespmem:v1+s11+$0x0], $0xffff  }
0x228: {  	v1 =	vmov s24;
	v7 =	vld.idx.msk [tilespmem:v2+s11+$0x0], $0xffff  }
0x229: {  	s23 =	simm.s32 $0x17A70;
	v8 =	vld.idx.msk [tilespmem:v3+s11+$0x0], $0xffff  }
0x22a: {  	v2 =	vld [tilespmem:s23+$0xFFFFFF10]  }
0x22b: {  	v3 =	vld [tilespmem:s23+$0xFFFFFE10]  }
0x22c: {  	v4 =	vld [tilespmem:s23+$0xFFFFFE90]  }
0x22d: {  	v5 =	vld.idx.msk [tilespmem:v1+s11+$0x0], $0xffff  }
0x22e: {  	v1 =	vld [tilespmem:s23+$0xFFFFFF90]  }
0x22f: {  	v2 =	vmul.f32 v2, v8  }
0x230: {  	s22 =	simm.s32 $0x1CA70;
	v3 =	vmul.f32 v3, v6  }
0x231: {  	v4 =	vmul.f32 v4, v7;
	[tilespmem:s22+$0xFFFFFF10] =	vst v2  }
0x232: {  	[tilespmem:s22+$0xFFFFFE10] =	vst v3;
	v2 =	vld [tilespmem:s23+$0xFFFFFF20]  }
0x233: {  	[tilespmem:s22+$0xFFFFFE90] =	vst v4;
	v3 =	vld [tilespmem:s23+$0xFFFFFE20];
	v1 =	vmul.f32 v1, v5  }
0x234: {  	v4 =	vld [tilespmem:s23+$0xFFFFFEA0]  }
0x235: {  	[tilespmem:s22+$0xFFFFFF90] =	vst v1  }
0x236: {  	v1 =	vld [tilespmem:s23+$0xFFFFFFA0]  }
0x237: {  	v2 =	vmul.f32 v2, v8  }
0x238: {  	v3 =	vmul.f32 v3, v6  }
0x239: {  	v4 =	vmul.f32 v4, v7;
	[tilespmem:s22+$0xFFFFFF20] =	vst v2  }
0x23a: {  	[tilespmem:s22+$0xFFFFFE20] =	vst v3;
	v2 =	vld [tilespmem:s23+$0xFFFFFF30]  }
0x23b: {  	[tilespmem:s22+$0xFFFFFEA0] =	vst v4;
	v3 =	vld [tilespmem:s23+$0xFFFFFE30];
	v1 =	vmul.f32 v1, v5  }
0x23c: {  	v4 =	vld [tilespmem:s23+$0xFFFFFEB0]  }
0x23d: {  	[tilespmem:s22+$0xFFFFFFA0] =	vst v1  }
0x23e: {  	v1 =	vld [tilespmem:s23+$0xFFFFFFB0]  }
0x23f: {  	s17 =	simm.s32 $0x2C;
	v2 =	vmul.f32 v2, v8  }
0x240: {  	s19 =	simm.s32 $0x2D;
	v9 =	vmov s17;
	v3 =	vmul.f32 v3, v6  }
0x241: {  	s20 =	simm.s32 $0x2F;
	v10 =	vmov s19;
	v9 =	vand.u32 $0xFFFFFFFC, v9;
	v4 =	vmul.f32 v4, v7;
	[tilespmem:s22+$0xFFFFFF30] =	vst v2  }
0x242: {  	v10 =	vand.u32 $0xFFFFFFFD, v10;
	v9 =	vbroadcast v9, $0x0;
	v2 =	vmov s20;
	[tilespmem:s22+$0xFFFFFE30] =	vst v3;
	v3 =	vld [tilespmem:s23+$0xFFFFFF40]  }
0x243: {  	v10 =	vbroadcast v10, $0x0;
	[tilespmem:s22+$0xFFFFFEB0] =	vst v4;
	v11 =	vld [tilespmem:s23+$0xFFFFFE40];
	v1 =	vmul.f32 v1, v5  }
0x244: {  	v12 =	vld [tilespmem:s23+$0xFFFFFEC0]  }
0x245: {  	s24 =	simm.s32 $0x2E;
	[tilespmem:s22+$0xFFFFFFB0] =	vst v1  }
0x246: {  	v1 =	vmov s24;
	v13 =	vld [tilespmem:s23+$0xFFFFFFC0]  }
0x247: {  	v4 =	vand.u32 $0xFFFFFFFE, v1;
	v1 =	vld.idx.msk [tilespmem:v2+s11+$0x0], $0xffff;
	v3 =	vmul.f32 v3, v8  }
0x248: {  	v2 =	vld.idx.msk [tilespmem:v9+s11+$0x0], $0xffff;
	v9 =	vmul.f32 v11, v6;
	v14 =	vbroadcast v4, $0x0  }
0x249: {  	v4 =	vld.idx.msk [tilespmem:v10+s11+$0x0], $0xffff;
	v10 =	vmul.f32 v12, v7;
	[tilespmem:s22+$0xFFFFFF40] =	vst v3  }
0x24a: {  	s20 =	simm.s32 $0x17C70;
	[tilespmem:s22+$0xFFFFFE40] =	vst v9;
	v9 =	vld [tilespmem:s23+$0xFFFFFF50]  }
0x24b: {  	v12 =	vld [tilespmem:s20+$0xFFFFFF10];
	[tilespmem:s22+$0xFFFFFEC0] =	vst v10  }
0x24c: {  	v10 =	vld [tilespmem:s23+$0xFFFFFED0]  }
0x24d: {  	v11 =	vld [tilespmem:s23+$0xFFFFFE50]  }
0x24e: {  	v3 =	vld.idx.msk [tilespmem:v14+s11+$0x0], $0xffff  }
0x24f: {  	v14 =	vld [tilespmem:s20+$0xFFFFFE10];
	v9 =	vmul.f32 v9, v8  }
0x250: {  	v15 =	vld [tilespmem:s20+$0xFFFFFE90];
	v13 =	vmul.f32 v13, v5  }
0x251: {  	v16 =	vld [tilespmem:s20+$0xFFFFFF90];
	v10 =	vmul.f32 v10, v7;
	[tilespmem:s22+$0xFFFFFF50] =	vst v9  }
0x252: {  	[tilespmem:s22+$0xFFFFFFC0] =	vst v13;
	v9 =	vmul.f32 v11, v6;
	v11 =	vld [tilespmem:s23+$0xFFFFFF60]  }
0x253: {  	[tilespmem:s22+$0xFFFFFED0] =	vst v10;
	v10 =	vld [tilespmem:s23+$0xFFFFFFD0];
	v12 =	vmul.f32 v12, v3  }
0x254: {  	s19 =	simm.s32 $0x1CC70;
	[tilespmem:s22+$0xFFFFFE50] =	vst v9;
	v9 =	vmul.f32 v14, v2;
	v13 =	vld [tilespmem:s23+$0xFFFFFEE0]  }
0x255: {  	v14 =	vmul.f32 v15, v4;
	[tilespmem:s19+$0xFFFFFF10] =	vst v12;
	v12 =	vld [tilespmem:s23+$0xFFFFFE60]  }
0x256: {  	v15 =	vmul.f32 v16, v1;
	[tilespmem:s19+$0xFFFFFE10] =	vst v9;
	v9 =	vld [tilespmem:s20+$0xFFFFFF20]  }
0x257: {  	[tilespmem:s19+$0xFFFFFE90] =	vst v14;
	v16 =	vld [tilespmem:s20+$0xFFFFFE20];
	v11 =	vmul.f32 v11, v8  }
0x258: {  	[tilespmem:s19+$0xFFFFFF90] =	vst v15;
	v14 =	vld [tilespmem:s20+$0xFFFFFEA0];
	v10 =	vmul.f32 v10, v5  }
0x259: {  	v15 =	vld [tilespmem:s20+$0xFFFFFFA0];
	v13 =	vmul.f32 v13, v7;
	[tilespmem:s22+$0xFFFFFF60] =	vst v11  }
0x25a: {  	[tilespmem:s22+$0xFFFFFFD0] =	vst v10;
	v11 =	vmul.f32 v12, v6;
	v12 =	vld [tilespmem:s23+$0xFFFFFF70]  }
0x25b: {  	[tilespmem:s22+$0xFFFFFEE0] =	vst v13;
	v10 =	vld [tilespmem:s23+$0xFFFFFFE0];
	v9 =	vmul.f32 v9, v3  }
0x25c: {  	v13 =	vmul.f32 v16, v2;
	[tilespmem:s22+$0xFFFFFE60] =	vst v11;
	v11 =	vld [tilespmem:s23+$0xFFFFFEF0]  }
0x25d: {  	v14 =	vmul.f32 v14, v4;
	[tilespmem:s19+$0xFFFFFF20] =	vst v9;
	v9 =	vld [tilespmem:s23+$0xFFFFFE70]  }
0x25e: {  	v15 =	vmul.f32 v15, v1;
	[tilespmem:s19+$0xFFFFFE20] =	vst v13;
	v13 =	vld [tilespmem:s20+$0xFFFFFF30]  }
0x25f: {  	[tilespmem:s19+$0xFFFFFEA0] =	vst v14;
	v16 =	vld [tilespmem:s20+$0xFFFFFE30];
	v12 =	vmul.f32 v12, v8  }
0x260: {  	[tilespmem:s19+$0xFFFFFFA0] =	vst v15;
	v10 =	vmul.f32 v10, v5  }
0x261: {  	v17 =	vld [tilespmem:s20+$0xFFFFFEB0];
	v11 =	vmul.f32 v11, v7;
	[tilespmem:s22+$0xFFFFFF70] =	vst v12  }
0x262: {  	v18 =	vld [tilespmem:s20+$0xFFFFFFB0];
	[tilespmem:s22+$0xFFFFFFE0] =	vst v10;
	v9 =	vmul.f32 v9, v6  }
0x263: {  	v19 =	vld [tilespmem:s23+$0xFFFFFF80];
	v10 =	vmul.f32 v13, v3;
	[tilespmem:s22+$0xFFFFFEF0] =	vst v11  }
0x264: {  	s17 =	simm.s32 $0x30;
	s24 =	simm.s32 $0x31;
	v20 =	vld [tilespmem:s23+$0xFFFFFFF0];
	v11 =	vmul.f32 v16, v2;
	[tilespmem:s22+$0xFFFFFE70] =	vst v9  }
0x265: {  	v12 =	vmov s24;
	s24 =	simm.s32 $0x33;
	v14 =	vld [tilespmem:s23+$0xFFFFFF00];
	v9 =	vmov s17;
	[tilespmem:s19+$0xFFFFFF30] =	vst v10  }
0x266: {  	v13 =	vmul.f32 v17, v4;
	v15 =	vld [tilespmem:s23+$0xFFFFFE80];
	v9 =	vand.u32 $0xFFFFFFFC, v9;
	[tilespmem:s19+$0xFFFFFE30] =	vst v11;
	v11 =	vmov s24  }
0x267: {  	v17 =	vmul.f32 v18, v1;
	v10 =	vand.u32 $0xFFFFFFFD, v12;
	v16 =	vld [tilespmem:s20+$0xFFFFFF40];
	v9 =	vbroadcast v9, $0x0  }
0x268: {  	[tilespmem:s19+$0xFFFFFEB0] =	vst v13;
	v10 =	vbroadcast v10, $0x0;
	v12 =	vld [tilespmem:s20+$0xFFFFFE40];
	v18 =	vmul.f32 v19, v8  }
0x269: {  	s17 =	simm.s32 $0x32;
	s24 =	simm.s32 $0x34;
	[tilespmem:s19+$0xFFFFFFB0] =	vst v17;
	v13 =	vld [tilespmem:s20+$0xFFFFFEC0];
	v17 =	vmul.f32 v20, v5  }
.LBB2_9:
0x26a: {  	p2 =	slt.u32 s24, $0x4C;
	v8 =	vmov s17;
	v19 =	vld [tilespmem:s20+$0xFFFFFFC0];
	v14 =	vmul.f32 v14, v7;
	[tilespmem:s22+$0xFFFFFF80] =	vst v18;
	v7 =	vmov v4  }
0x26b: {  	v4 =	vand.u32 $0xFFFFFFFE, v8;
	v8 =	vld.idx.msk [tilespmem:v11+s11+$0x0], $0xffff;
	v11 =	vmul.f32 v15, v6;
	[tilespmem:s22+$0xFFFFFFF0] =	vst v17;
	v6 =	vmov v2  }
0x26c: {  	v15 =	vbroadcast v4, $0x0;
	v16 =	vmul.f32 v16, v3;
	[tilespmem:s22+$0xFFFFFF00] =	vst v14;
	v14 =	vld [tilespmem:s23+$0x0];
	s23 =	smov.u32 s20  }
0x26d: {  	v2 =	vld.idx.msk [tilespmem:v9+s11+$0x0], $0xffff;
	v9 =	vmul.f32 v12, v6;
	[tilespmem:s22+$0xFFFFFE80] =	vst v11  }
0x26e: {  	v4 =	vld.idx.msk [tilespmem:v10+s11+$0x0], $0xffff;
	v10 =	vmul.f32 v13, v7;
	[tilespmem:s19+$0xFFFFFF40] =	vst v16  }
0x26f: {  	[tilespmem:s19+$0xFFFFFE40] =	vst v9;
	v9 =	vld [tilespmem:s20+$0xFFFFFF50];
	v11 =	vmul.f32 v19, v1  }
0x270: {  	v12 =	vld [tilespmem:s20+$0xFFFFFE50];
	[tilespmem:s19+$0xFFFFFEC0] =	vst v10  }
0x271: {  	v10 =	vld [tilespmem:s20+$0xFFFFFED0];
	[tilespmem:s19+$0xFFFFFFC0] =	vst v11;
	v11 =	vmul.f32 v14, v5;
	v5 =	vmov v1;
	v1 =	vmov v8  }
0x272: {  	s20 =	sadd.s32 $0x200, s20;
	v8 =	vld.idx.msk [tilespmem:v15+s11+$0x0], $0xffff  }
0x273: {  	v13 =	vld [tilespmem:s20+$0xFFFFFF10];
	[tilespmem:s22+$0x0] =	vst v11;
	s22 =	smov.u32 s19  }
0x274: {  	v11 =	vld [tilespmem:s20+$0xFFFFFE10];
	v9 =	vmul.f32 v9, v3  }
0x275: {  	v14 =	vld [tilespmem:s20+$0xFFFFFE90];
	v12 =	vmul.f32 v12, v6  }
0x276: {  	v15 =	vld [tilespmem:s20+$0xFFFFFF90];
	v10 =	vmul.f32 v10, v7;
	[tilespmem:s19+$0xFFFFFF50] =	vst v9  }
0x277: {  	[tilespmem:s19+$0xFFFFFE50] =	vst v12;
	v9 =	vld [tilespmem:s23+$0xFFFFFF60]  }
0x278: {  	v12 =	vmul.f32 v13, v8;
	[tilespmem:s19+$0xFFFFFED0] =	vst v10;
	v10 =	vld [tilespmem:s23+$0xFFFFFFD0]  }
0x279: {  	s19 =	sadd.s32 $0x200, s19;
	v11 =	vmul.f32 v11, v2;
	v13 =	vld [tilespmem:s23+$0xFFFFFEE0]  }
0x27a: {  	v14 =	vmul.f32 v14, v4;
	[tilespmem:s19+$0xFFFFFF10] =	vst v12;
	v12 =	vld [tilespmem:s23+$0xFFFFFE60]  }
0x27b: {  	[tilespmem:s19+$0xFFFFFE10] =	vst v11;
	v11 =	vld [tilespmem:s20+$0xFFFFFF20];
	v15 =	vmul.f32 v15, v1  }
0x27c: {  	v16 =	vld [tilespmem:s20+$0xFFFFFE20];
	[tilespmem:s19+$0xFFFFFE90] =	vst v14;
	v9 =	vmul.f32 v9, v3  }
0x27d: {  	v14 =	vld [tilespmem:s20+$0xFFFFFEA0];
	[tilespmem:s19+$0xFFFFFF90] =	vst v15;
	v10 =	vmul.f32 v10, v5  }
0x27e: {  	v15 =	vld [tilespmem:s20+$0xFFFFFFA0];
	v13 =	vmul.f32 v13, v7;
	[tilespmem:s22+$0xFFFFFF60] =	vst v9  }
0x27f: {  	v9 =	vmul.f32 v12, v6;
	v12 =	vld [tilespmem:s23+$0xFFFFFF70];
	[tilespmem:s22+$0xFFFFFFD0] =	vst v10  }
0x280: {  	v10 =	vmul.f32 v11, v8;
	[tilespmem:s22+$0xFFFFFEE0] =	vst v13;
	v11 =	vld [tilespmem:s23+$0xFFFFFFE0]  }
0x281: {  	v13 =	vmul.f32 v16, v2;
	[tilespmem:s22+$0xFFFFFE60] =	vst v9;
	v9 =	vld [tilespmem:s23+$0xFFFFFEF0]  }
0x282: {  	v14 =	vmul.f32 v14, v4;
	[tilespmem:s19+$0xFFFFFF20] =	vst v10;
	v10 =	vld [tilespmem:s23+$0xFFFFFE70]  }
0x283: {  	[tilespmem:s19+$0xFFFFFE20] =	vst v13;
	v13 =	vld [tilespmem:s20+$0xFFFFFF30];
	v15 =	vmul.f32 v15, v1  }
0x284: {  	v16 =	vld [tilespmem:s20+$0xFFFFFE30];
	[tilespmem:s19+$0xFFFFFEA0] =	vst v14;
	v12 =	vmul.f32 v12, v3  }
0x285: {  	v17 =	vld [tilespmem:s20+$0xFFFFFEB0];
	[tilespmem:s19+$0xFFFFFFA0] =	vst v15;
	v11 =	vmul.f32 v11, v5  }
0x286: {  	v18 =	vld [tilespmem:s20+$0xFFFFFFB0];
	v9 =	vmul.f32 v9, v7;
	[tilespmem:s22+$0xFFFFFF70] =	vst v12  }
0x287: {  	v10 =	vmul.f32 v10, v6;
	v19 =	vld [tilespmem:s23+$0xFFFFFF80];
	[tilespmem:s22+$0xFFFFFFE0] =	vst v11  }
0x288: {  	s9 =	sadd.s32 $0x3, s24;
	v12 =	vmul.f32 v13, v8;
	[tilespmem:s22+$0xFFFFFEF0] =	vst v9;
	v20 =	vld [tilespmem:s23+$0xFFFFFFF0]  }
.Ltmp5:
0x289: {  	s17 =	sadd.s32 $0x1, s24;
	v11 =	vmov s9;
	v9 =	vmov s24;
	v13 =	vmul.f32 v16, v2;
	[tilespmem:s22+$0xFFFFFE70] =	vst v10;
	v14 =	vld [tilespmem:s23+$0xFFFFFF00];
	(pc) =	sbr.rel @p2 .LBB2_9-.Ltmp5, $4  }
0x28a: {  	v9 =	vand.u32 $0xFFFFFFFC, v9;
	v10 =	vmov s17;
	v17 =	vmul.f32 v17, v4;
	[tilespmem:s19+$0xFFFFFF30] =	vst v12;
	v15 =	vld [tilespmem:s23+$0xFFFFFE80]  }
0x28b: {  	v9 =	vbroadcast v9, $0x0;
	v10 =	vand.u32 $0xFFFFFFFD, v10;
	[tilespmem:s19+$0xFFFFFE30] =	vst v13;
	v16 =	vld [tilespmem:s20+$0xFFFFFF40];
	v21 =	vmul.f32 v18, v1  }
0x28c: {  	v10 =	vbroadcast v10, $0x0;
	v12 =	vld [tilespmem:s20+$0xFFFFFE40];
	[tilespmem:s19+$0xFFFFFEB0] =	vst v17;
	v18 =	vmul.f32 v19, v3;
	v3 =	vmov v8  }
0x28d: {  	s17 =	sadd.s32 $0x2, s24;
	s24 =	sadd.s32 $0x4, s24;
	v13 =	vld [tilespmem:s20+$0xFFFFFEC0];
	[tilespmem:s19+$0xFFFFFFB0] =	vst v21;
	v17 =	vmul.f32 v20, v5  }
0x28e: {  	_ = 	snop  }
0x28f: {  	v8 =	vmov s17  }
0x290: {  	v8 =	vand.u32 $0xFFFFFFFE, v8  }
0x291: {  	v19 =	vbroadcast v8, $0x0  }
0x292: {  	v9 =	vld.idx.msk [tilespmem:v9+s11+$0x0], $0xffff  }
0x293: {  	v10 =	vld.idx.msk [tilespmem:v10+s11+$0x0], $0xffff;
	s9 =	sadd.s32 $0x200, s20  }
0x294: {  	v52 =	vld [tilespmem:s9+$0xFFFFFF10]  }
0x295: {  	v20 =	vld [tilespmem:s9+$0xFFFFFE90]  }
0x296: {  	v8 =	vld.idx.msk [tilespmem:v11+s11+$0x0], $0xffff  }
0x297: {  	v11 =	vld.idx.msk [tilespmem:v19+s11+$0x0], $0xffff  }
0x298: {  	v22 =	vld [tilespmem:s9+$0xFFFFFF90]  }
0x299: {  	v21 =	vld [tilespmem:s9+$0xFFFFFE10];
	_ =	sdelay $0x1  }
0x29a: {  	v20 =	vmul.f32 v20, v10  }
0x29b: {  	s24 =	sadd.s32 $0x200, s19;
	v19 =	vmul.f32 v52, v11  }
0x29c: {  	v22 =	vmul.f32 v22, v8;
	[tilespmem:s24+$0xFFFFFE90] =	vst v20  }
0x29d: {  	v21 =	vmul.f32 v21, v9;
	v20 =	vld [tilespmem:s9+$0xFFFFFEA0];
	[tilespmem:s24+$0xFFFFFF10] =	vst v19  }
0x29e: {  	[tilespmem:s24+$0xFFFFFF90] =	vst v22;
	v19 =	vld [tilespmem:s9+$0xFFFFFF20]  }
0x29f: {  	[tilespmem:s24+$0xFFFFFE10] =	vst v21;
	v22 =	vld [tilespmem:s9+$0xFFFFFFA0]  }
0x2a0: {  	v21 =	vld [tilespmem:s9+$0xFFFFFE20];
	_ =	sdelay $0x1  }
0x2a1: {  	v53 =	vmul.f32 v20, v10  }
0x2a2: {  	[tilespmem:s22+$0xFFFFFFF0] =	vst v17;
	v19 =	vmul.f32 v19, v11  }
0x2a3: {  	v56 =	vmul.f32 v22, v8;
	[tilespmem:s24+$0xFFFFFEA0] =	vst v53  }
0x2a4: {  	v54 =	vmul.f32 v21, v9;
	v57 =	vld [tilespmem:s9+$0xFFFFFEB0];
	[tilespmem:s24+$0xFFFFFF20] =	vst v19  }
0x2a5: {  	v7 =	vmul.f32 v14, v7;
	[tilespmem:s24+$0xFFFFFFA0] =	vst v56;
	v55 =	vld [tilespmem:s9+$0xFFFFFF30]  }
0x2a6: {  	v6 =	vmul.f32 v15, v6;
	[tilespmem:s24+$0xFFFFFE20] =	vst v54;
	v59 =	vld [tilespmem:s9+$0xFFFFFFB0]  }
0x2a7: {  	v16 =	vmul.f32 v16, v3;
	[tilespmem:s22+$0xFFFFFF00] =	vst v7;
	v58 =	vld [tilespmem:s9+$0xFFFFFE30]  }
0x2a8: {  	[tilespmem:s22+$0xFFFFFE80] =	vst v6;
	v12 =	vmul.f32 v12, v2  }
0x2a9: {  	v61 =	vld [tilespmem:s20+$0xFFFFFFC0];
	[tilespmem:s19+$0xFFFFFF40] =	vst v16;
	v62 =	vmul.f32 v57, v10  }
0x2aa: {  	v17 =	vld [tilespmem:s23+$0x0];
	[tilespmem:s19+$0xFFFFFE40] =	vst v12;
	v60 =	vmul.f32 v55, v11  }
0x2ab: {  	v22 =	vld [tilespmem:s20+$0xFFFFFF50];
	v15 =	vmul.f32 v59, v8;
	[tilespmem:s24+$0xFFFFFEB0] =	vst v62  }
0x2ac: {  	v14 =	vmul.f32 v58, v9;
	v63 =	vld [tilespmem:s9+$0xFFFFFEC0];
	[tilespmem:s24+$0xFFFFFF30] =	vst v60  }
0x2ad: {  	v13 =	vmul.f32 v13, v4;
	[tilespmem:s24+$0xFFFFFFB0] =	vst v15;
	v6 =	vld [tilespmem:s9+$0xFFFFFF40]  }
0x2ae: {  	v7 =	vmul.f32 v61, v1;
	[tilespmem:s24+$0xFFFFFE30] =	vst v14;
	v21 =	vld [tilespmem:s9+$0xFFFFFFC0]  }
0x2af: {  	[tilespmem:s19+$0xFFFFFEC0] =	vst v13;
	v5 =	vmul.f32 v17, v5;
	v20 =	vld [tilespmem:s9+$0xFFFFFE40]  }
0x2b0: {  	v23 =	vld [tilespmem:s20+$0xFFFFFE50];
	[tilespmem:s19+$0xFFFFFFC0] =	vst v7;
	v26 =	vmul.f32 v22, v3  }
0x2b1: {  	v25 =	vld [tilespmem:s20+$0xFFFFFFD0];
	[tilespmem:s22+$0x0] =	vst v5;
	v24 =	vmul.f32 v63, v10  }
0x2b2: {  	v13 =	vld [tilespmem:s20+$0xFFFFFED0];
	[tilespmem:s19+$0xFFFFFF50] =	vst v26;
	v6 =	vmul.f32 v6, v11  }
0x2b3: {  	v29 =	vld [tilespmem:s20+$0xFFFFFF60];
	v12 =	vmul.f32 v21, v8;
	[tilespmem:s24+$0xFFFFFEC0] =	vst v24  }
0x2b4: {  	v16 =	vmul.f32 v20, v9;
	v27 =	vld [tilespmem:s9+$0xFFFFFED0];
	[tilespmem:s24+$0xFFFFFF40] =	vst v6  }
0x2b5: {  	v7 =	vmul.f32 v23, v2;
	[tilespmem:s24+$0xFFFFFFC0] =	vst v12;
	v6 =	vld [tilespmem:s9+$0xFFFFFF50]  }
0x2b6: {  	v30 =	vmul.f32 v25, v1;
	[tilespmem:s24+$0xFFFFFE40] =	vst v16;
	v28 =	vld [tilespmem:s9+$0xFFFFFFD0]  }
0x2b7: {  	v13 =	vmul.f32 v13, v4;
	[tilespmem:s19+$0xFFFFFE50] =	vst v7;
	v16 =	vld [tilespmem:s9+$0xFFFFFE50]  }
0x2b8: {  	v32 =	vld [tilespmem:s20+$0xFFFFFE60];
	[tilespmem:s19+$0xFFFFFFD0] =	vst v30;
	v12 =	vmul.f32 v29, v3  }
0x2b9: {  	[tilespmem:s19+$0xFFFFFED0] =	vst v13;
	v34 =	vld [tilespmem:s20+$0xFFFFFFE0];
	v33 =	vmul.f32 v27, v10  }
0x2ba: {  	v31 =	vld [tilespmem:s20+$0xFFFFFEE0];
	[tilespmem:s19+$0xFFFFFF60] =	vst v12;
	v6 =	vmul.f32 v6, v11  }
0x2bb: {  	v37 =	vld [tilespmem:s20+$0xFFFFFF70];
	v5 =	vmul.f32 v28, v8;
	[tilespmem:s24+$0xFFFFFED0] =	vst v33  }
0x2bc: {  	v16 =	vmul.f32 v16, v9;
	v13 =	vld [tilespmem:s9+$0xFFFFFEE0];
	[tilespmem:s24+$0xFFFFFF50] =	vst v6  }
0x2bd: {  	v35 =	vmul.f32 v32, v2;
	[tilespmem:s24+$0xFFFFFFD0] =	vst v5;
	v6 =	vld [tilespmem:s9+$0xFFFFFF60]  }
0x2be: {  	v38 =	vmul.f32 v34, v1;
	[tilespmem:s24+$0xFFFFFE50] =	vst v16;
	v36 =	vld [tilespmem:s9+$0xFFFFFFE0]  }
0x2bf: {  	v7 =	vmul.f32 v31, v4;
	[tilespmem:s19+$0xFFFFFE60] =	vst v35;
	v16 =	vld [tilespmem:s9+$0xFFFFFE60]  }
0x2c0: {  	v40 =	vld [tilespmem:s20+$0xFFFFFE70];
	[tilespmem:s19+$0xFFFFFFE0] =	vst v38;
	v46 =	vmul.f32 v37, v3  }
0x2c1: {  	[tilespmem:s19+$0xFFFFFEE0] =	vst v7;
	v42 =	vld [tilespmem:s20+$0xFFFFFFF0];
	v41 =	vmul.f32 v13, v10  }
0x2c2: {  	v39 =	vld [tilespmem:s20+$0xFFFFFEF0];
	[tilespmem:s19+$0xFFFFFF70] =	vst v46;
	v6 =	vmul.f32 v6, v11  }
0x2c3: {  	v51 =	vld [tilespmem:s20+$0xFFFFFF80];
	v45 =	vmul.f32 v36, v8;
	[tilespmem:s24+$0xFFFFFEE0] =	vst v41  }
0x2c4: {  	v43 =	vmul.f32 v16, v9;
	v47 =	vld [tilespmem:s9+$0xFFFFFEF0];
	[tilespmem:s24+$0xFFFFFF60] =	vst v6  }
0x2c5: {  	v49 =	vmul.f32 v40, v2;
	[tilespmem:s24+$0xFFFFFFE0] =	vst v45;
	v44 =	vld [tilespmem:s9+$0xFFFFFF70]  }
0x2c6: {  	v52 =	vmul.f32 v42, v1;
	[tilespmem:s24+$0xFFFFFE60] =	vst v43;
	v50 =	vld [tilespmem:s9+$0xFFFFFFF0]  }
0x2c7: {  	[tilespmem:s19+$0xFFFFFE70] =	vst v49;
	v5 =	vmul.f32 v39, v4;
	v48 =	vld [tilespmem:s9+$0xFFFFFE70]  }
0x2c8: {  	[tilespmem:s19+$0xFFFFFFF0] =	vst v52;
	v3 =	vmul.f32 v51, v3  }
0x2c9: {  	v55 =	vld [tilespmem:s20+$0xFFFFFE80];
	[tilespmem:s19+$0xFFFFFEF0] =	vst v5;
	v56 =	vmul.f32 v47, v10  }
0x2ca: {  	v57 =	vld [tilespmem:s20+$0x0];
	[tilespmem:s19+$0xFFFFFF80] =	vst v3;
	v54 =	vmul.f32 v44, v11  }
0x2cb: {  	v53 =	vld [tilespmem:s20+$0xFFFFFF00];
	v60 =	vmul.f32 v50, v8;
	[tilespmem:s24+$0xFFFFFEF0] =	vst v56  }
0x2cc: {  	v58 =	vmul.f32 v48, v9;
	v61 =	vld [tilespmem:s9+$0xFFFFFF00];
	[tilespmem:s24+$0xFFFFFF70] =	vst v54  }
0x2cd: {  	[tilespmem:s24+$0xFFFFFFF0] =	vst v60;
	v59 =	vld [tilespmem:s9+$0xFFFFFF80]  }
0x2ce: {  	v2 =	vmul.f32 v55, v2;
	[tilespmem:s24+$0xFFFFFE70] =	vst v58;
	v3 =	vld [tilespmem:s9+$0x0]  }
0x2cf: {  	[tilespmem:s22+$0xFFFFFF80] =	vst v18;
	v1 =	vmul.f32 v57, v1;
	v63 =	vld [tilespmem:s9+$0xFFFFFE80]  }
0x2d0: {  	[tilespmem:s19+$0xFFFFFE80] =	vst v2;
	v62 =	vmul.f32 v53, v4  }
0x2d1: {  	[tilespmem:s19+$0x0] =	vst v1;
	v1 =	vmul.f32 v61, v10  }
0x2d2: {  	[tilespmem:s19+$0xFFFFFF00] =	vst v62;
	v2 =	vmul.f32 v59, v11  }
.Ltmp6:
0x2d3: {  	[tilespmem:s24+$0xFFFFFF00] =	vst v1;
	v1 =	vmul.f32 v3, v8;
	(pc) =	sbr.rel @p1 .LBB2_12-.Ltmp6, $4  }
0x2d4: {  	[tilespmem:s24+$0xFFFFFF80] =	vst v2;
	v2 =	vmul.f32 v63, v9  }
0x2d5: {  	[tilespmem:s24+$0x0] =	vst v1  }
0x2d6: {  	[tilespmem:s24+$0xFFFFFE80] =	vst v2  }
0x2d7: {  	[spmem:s3] =	stream.indirect.scatter.add.f32 [tilespmem:s14], [sflag:$0x4], $0x80, s13, s4, $0xb8;
	[tilespmem:$0x1DC80] =	vst v63  }
.Ltmp7:
0x2d8: {  	(pc) =	sbr.rel .LBB2_4-.Ltmp7, $3  }
0x2d9: {  	_ =	sdelay $0x1  }
0x2da: {  	[tilespmem:s5], [sflag:$0x2] =	stream.indirect.gather [hbm4b:s6+s4], $0x80, s31, s4, $0xb8;
	[tilespmem:$0x1DC80] =	vst v63  }
0x2db: {  	s18 =	sadd.s32 $0x1, s18  }
.LBB2_13:
0x2dc: {  	_ =	sfence.sel $0x180000  }
0x2dd: {  	[bflag:$0x0] =	sbarrier.arrive $0xFFFF  }
0x2de: {  	_ =	strace $0x90000047  }
0x2df: {  	[bflag:$0x2] =	sbarrier.arrive $0xFFFF  }
0x2e0: {  	s0 =	rddreg [dreg:$0x5]  }
0x2e1: {  	s0 =	sadd.s32 @!p0 $0x100000, s0  }
0x2e2: {  	[sflag:s0] =	ssyncadd.tile.s32 @!p0 $0x1;
	_ =	shalt  }
.Lfunc_end2:
_tile_overlayer_lowered:
.L_overlay_start_2:
0x2e3: {  	(tag) =	ssettag $0x2  }
0x2e4: {  	s0 =	rddreg [dreg:$0x0];
	s2 =	stileid.u32  }
0x2e5: {  	s1 =	rddreg [dreg:$0x1];
	p0 =	sne.s32 s2, $0x0  }
0x2e6: {  	s3 =	rddreg [dreg:$0x2];
	[bflag:$0x3] =	sbarrier.arrive $0xFFFF;
	s2 =	simm.s32 @!p0 $0x1C06  }
0x2e7: {  	[timem:s3], [sflag:s2] =	dma.local @!p0 [hbm:s0], s1  }
0x2e8: {  	s0 =	simm.s32 @!p0 $0x6  }
0x2e9: {  	_ =	swait.ge @!p0 [sflag:s0], s1  }
0x2ea: {  	s1 =	ssub.s32 @!p0 $0x0, s1;
	[sflag:s0] =	ssyncset.done @!p0 $0x0  }
0x2eb: {  	[sflag:s0] =	ssyncadd.s32 @!p0 s1  }
0x2ec: {  	[bflag:$0x3] =	sbarrier.arrive $0xFFFF  }
0x2ed: {  	_ =	shalt  }

// kernel: kernel.13.cloned.1.call-start
scs
__scs_entry_jumppad:
0x0: {  	(pc) =	sbr.rel $0x88, $3  }
0x1: {  	(tag) =	ssettag $0x0;
	lr =	simm.s32 $0x1  }
0x2: {  	[smem:$0x3F7E] =	sst lr;
	_ =	strace $0xD0000000  }
0x3: {  	_ = 	snop  }
0x4: {  	_ = 	snop  }
0x5: {  	_ = 	snop  }
0x6: {  	_ = 	snop  }
0x7: {  	_ = 	snop  }
__scs_overlays_trampoline_lowered:
0x8: {  	[smem:$0x3F8D] =	sst s0  }
0x9: {  	[smem:$0x3F8E] =	sst s1  }
0xa: {  	[smem:$0x3F8F] =	sst s2  }
0xb: {  	[smem:$0x3F90] =	sst s3  }
0xc: {  	[smem:$0x3F91] =	sst s4  }
0xd: {  	[smem:$0x3F92] =	sst s5  }
0xe: {  	[smem:$0x3F93] =	sst s6  }
0xf: {  	[smem:$0x3F94] =	sst s7  }
0x10: {  	[smem:$0x3F95] =	sst s8  }
0x11: {  	[smem:$0x3F96] =	sst s9;
	s0 =	simm.s32 @!p0 $0x0  }
0x12: {  	s1 =	sld [smem:$0x3F7C];
	s0 =	simm.s32 @p0 $0x1  }
0x13: {  	[smem:$0x3F97] =	sst s0;
	s0 =	simm.s32 @!p1 $0x0  }
0x14: {  	s2 =	sld [smem:$0x3F7B];
	s0 =	simm.s32 @p1 $0x1  }
0x15: {  	[smem:$0x3F98] =	sst s0;
	s0 =	simm.s32 @!p2 $0x0  }
0x16: {  	s3 =	sld [smem:$0x3FDB];
	s0 =	simm.s32 @p2 $0x1  }
0x17: {  	s4 =	simm.s32 $0x1BF5;
	[smem:$0x3F9A] =	sst s0  }
0x18: {  	s0 =	sld [smem:$0x3F7D];
	_ =	swait.ge [sflag:s4], $0x0  }
0x19: {  	s7 =	sld [smem:$0x3F7E]  }
0x1a: {  	s8 =	sadd.s32 $0xFFFFE003, lr  }
0x1b: {  	s9 =	sadd.s32 $0xFFFFFEF7, lr;
	s5 =	simm.s32 $0xFFFFFFFF;
	p2 =	slt.u32 s8, $0xFFFFF086  }
0x1c: {  	p1 =	slt.u32 s9, $0xF7A;
	s5 =	simm.s32 @!p2 $0x0  }
0x1d: {  	s5 =	simm.s32 @p1 $0x1;
	p0 =	seq.s32 s7, s2  }
0x1e: {  	s7 =	smul.u32 @!p0 $0xF7A, s2;
	p2 =	seq.s32 @!p0 s5, $0x0  }
0x1f: {  	s9 =	smul.u32 $0xF7A, s1;
	s8 =	simm.s32 @!p0 $0x1BF5;
	p2 =	por !p2, p0  }
0x20: {  	[sflag:s8] =	ssyncset.s32 @!p0 $0xFFFFF086;
	s6 =	sadd.s32 @!p0 s3, s7;
	s7 =	simm.s32 @!p0 $0x108  }
0x21: {  	s3 =	sadd.s32 s3, s9;
	s6 =	sadd.s32 @!p0 $0x88, s6;
	s7 =	simm.s32 @p2 $0x1082  }
0x22: {  	[simem:s7], [sflag:s8] =	dma.local @!p0 [hbm:s6], $0xF7A  }
0x23: {  	s9 =	sor.u32 $0xD0000000, s2;
	s6 =	simm.s32 $0x108;
	_ =	swait.ge @!p0 [sflag:s8], $0x0  }
0x24: {  	s3 =	sadd.s32 $0x88, s3;
	s6 =	simm.s32 @!p1 $0x1082;
	[sflag:s4] =	ssyncset.s32 $0xFFFFF086  }
0x25: {  	[simem:s6], [sflag:s4] =	dma.local [hbm:s3], $0xF7A  }
0x26: {  	[smem:$0x3F7E] =	sst s1;
	(tag) =	ssettag s2;
	_ =	strace s9  }
0x27: {  	s1 =	sld [smem:$0x3F8E]  }
0x28: {  	s2 =	sld [smem:$0x3F8F]  }
0x29: {  	s4 =	sld [smem:$0x3F91]  }
0x2a: {  	p0 =	seq.s32 s5, $0x0;
	s5 =	sld [smem:$0x3F92]  }
0x2b: {  	s6 =	sld [smem:$0x3F93]  }
0x2c: {  	s7 =	sld [smem:$0x3F94]  }
0x2d: {  	s3 =	simm.s32 $0x108;
	s8 =	sld [smem:$0x3F95]  }
0x2e: {  	s3 =	simm.s32 @!p0 $0x1082;
	s9 =	sld [smem:$0x3F96]  }
0x2f: {  	lr =	sadd.s32 s0, s3;
	s0 =	sld [smem:$0x3F8D]  }
0x30: {  	s3 =	sld [smem:$0x3F90]  }
0x31: {  	[smem:$0x3F99] =	sst s10  }
0x32: {  	s10 =	sld [smem:$0x3F97];
	_ =	sdelay $0x3  }
0x33: {  	p0 =	seq.s32 s10, $0x1;
	s10 =	sld [smem:$0x3F99];
	_ =	sdelay $0x3  }
0x34: {  	[smem:$0x3F99] =	sst s10  }
0x35: {  	s10 =	sld [smem:$0x3F98];
	_ =	sdelay $0x3  }
0x36: {  	p1 =	seq.s32 s10, $0x1;
	s10 =	sld [smem:$0x3F99];
	_ =	sdelay $0x3  }
0x37: {  	[smem:$0x3F99] =	sst s10  }
0x38: {  	s10 =	sld [smem:$0x3F9A]  }
0x39: {  	_ = 	snop;
	(pc) =	sbr.ind lr, $3  }
0x3a: {  	_ = 	snop  }
0x3b: {  	_ = 	snop  }
0x3c: {  	p2 =	seq.s32 s10, $0x1;
	s10 =	sld [smem:$0x3F99]  }
0x3d: {  	_ =	shalt  }
0x3e: {  	_ =	shalt  }
0x3f: {  	_ =	shalt  }
0x40: {  	_ =	shalt  }
0x41: {  	_ =	shalt  }
0x42: {  	_ =	shalt  }
0x43: {  	_ =	shalt  }
0x44: {  	_ =	shalt  }
0x45: {  	_ =	shalt  }
0x46: {  	_ =	shalt  }
0x47: {  	_ =	shalt  }
0x48: {  	_ =	shalt  }
0x49: {  	_ =	shalt  }
0x4a: {  	_ =	shalt  }
0x4b: {  	_ =	shalt  }
0x4c: {  	_ =	shalt  }
0x4d: {  	_ =	shalt  }
0x4e: {  	_ =	shalt  }
0x4f: {  	_ =	shalt  }
0x50: {  	_ =	shalt  }
0x51: {  	_ =	shalt  }
0x52: {  	_ =	shalt  }
0x53: {  	_ =	shalt  }
0x54: {  	_ =	shalt  }
0x55: {  	_ =	shalt  }
0x56: {  	_ =	shalt  }
0x57: {  	_ =	shalt  }
0x58: {  	_ =	shalt  }
0x59: {  	_ =	shalt  }
0x5a: {  	_ =	shalt  }
0x5b: {  	_ =	shalt  }
0x5c: {  	_ =	shalt  }
0x5d: {  	_ =	shalt  }
0x5e: {  	_ =	shalt  }
0x5f: {  	_ =	shalt  }
0x60: {  	_ =	shalt  }
0x61: {  	_ =	shalt  }
0x62: {  	_ =	shalt  }
0x63: {  	_ =	shalt  }
0x64: {  	_ =	shalt  }
0x65: {  	_ =	shalt  }
0x66: {  	_ =	shalt  }
0x67: {  	_ =	shalt  }
0x68: {  	_ =	shalt  }
0x69: {  	_ =	shalt  }
0x6a: {  	_ =	shalt  }
0x6b: {  	_ =	shalt  }
0x6c: {  	_ =	shalt  }
0x6d: {  	_ =	shalt  }
0x6e: {  	_ =	shalt  }
0x6f: {  	_ =	shalt  }
0x70: {  	_ =	shalt  }
0x71: {  	_ =	shalt  }
0x72: {  	_ =	shalt  }
0x73: {  	_ =	shalt  }
0x74: {  	_ =	shalt  }
0x75: {  	_ =	shalt  }
0x76: {  	_ =	shalt  }
0x77: {  	_ =	shalt  }
0x78: {  	_ =	shalt  }
0x79: {  	_ =	shalt  }
0x7a: {  	_ =	shalt  }
0x7b: {  	_ =	shalt  }
0x7c: {  	_ =	shalt  }
0x7d: {  	_ =	shalt  }
0x7e: {  	_ =	shalt  }
0x7f: {  	_ =	shalt  }
0x80: {  	_ =	shalt  }
0x81: {  	_ =	shalt  }
0x82: {  	_ =	shalt  }
0x83: {  	_ =	shalt  }
0x84: {  	_ =	shalt  }
0x85: {  	_ =	shalt  }
0x86: {  	_ =	shalt  }
0x87: {  	_ =	shalt  }
.Lfunc_end0:
.L_simem_size_0:
called_computation.1_lowered:
.L_overlay_start_0:
0x88: {  	s2 =	sld [smem:$0x3FD9]  }
0x89: {  	s3 =	sld [smem:$0x3FFE];
	_ =	sdelay $0x1  }
0x8a: {  	s1 =	srdreg.scid  }
0x8b: {  	s0 =	sand.u32 $0x1, s1  }
0x8c: {  	s14 =	sshll.u32 s0, $0xA;
	s2 =	sadd.s32 s3, s2  }
0x8d: {  	s2 =	sadd.s32 s2, s14  }
0x8e: {  	[smem:$0x3FA5] =	sst s2  }
0x8f: {  	_ = 	snop  }
0x90: {  	s2 =	sld [smem:$0x3FD0];
	_ =	sdelay $0x2  }
0x91: {  	s4 =	simm.s32 $0xA;
	s5 =	simm.s32 $0x10;
	s15 =	sld [smem:$0x3FC5]  }
0x92: {  	[smem:s5], [sflag:s4] =	dma.local [hbm:s2], $0x1  }
0x93: {  	_ =	swait.eq [sflag:s4], $0x1  }
0x94: {  	[sflag:s4] =	ssyncset.done $0x0  }
0x95: {  	[sflag:s4] =	ssyncadd.s32 $0xFFFFFFFF  }
0x96: {  	s16 =	sld [smem:$0x10];
	(tm) =	ssettm $0x1  }
0x97: {  	s17 =	sld [smem:$0x3FFB];
	_ =	sdelay $0x3  }
0x98: {  	_ =	strace s17  }
0x99: {  	s4 =	sld [smem:$0x3FFC];
	_ =	sdelay $0x3  }
0x9a: {  	_ =	strace s4  }
0x9b: {  	s4 =	sld [smem:$0x3FFD];
	_ =	sdelay $0x3  }
0x9c: {  	_ =	strace s4  }
0x9d: {  	_ =	strace $0x8FFFFFFF  }
0x9e: {  	s18 =	sld [smem:$0x3FDB];
	_ =	sdelay $0x1  }
0x9f: {  	s19 =	simm.s32 $_scs_section_size  }
0xa0: {  	s6 =	simm.s32 $_size__tile_overlayer_lowered;
	s7 =	simm.s32 $_tile_overlayer_lowered  }
0xa1: {  	s22 =	simm.s32 $0x1BFF;
	s21 =	sshll.u32 s7, $0x1;
	s4 =	sadd.s32 s19, s18  }
0xa2: {  	s8 =	simm.s32 $0x0;
	s20 =	sshll.u32 s6, $0x1;
	s6 =	sadd.s32 s21, s4  }
0xa3: {  	[timem:s8], [sflag:s22] =	dma.local [hbm:s6], s20  }
0xa4: {  	_ =	swait.ge [sflag:s22], s20  }
0xa5: {  	s5 =	ssub.s32 $0x0, s20;
	[sflag:s22] =	ssyncset.done $0x0  }
0xa6: {  	[sflag:s22] =	ssyncadd.s32 s5;
	_ =	sdelay $0x1  }
0xa7: {  	s23 =	simm.s32 $0x1B8B  }
0xa8: {  	_ =	swait.ge [sflag:s23], $0x1  }
0xa9: {  	[sflag:s23] =	ssyncset.done $0x0  }
0xaa: {  	s25 =	simm.s32 $0x1B8E;
	s24 =	sld [smem:$0x3FFE];
	[sflag:s23] =	ssyncadd.s32 $0xFFFFFFFF  }
0xab: {  	s26 =	simm.s32 $execute0_lowered;
	[smem:$0x3FD2] =	sst s25  }
0xac: {  	s6 =	sshll.u32 s26, $0x1;
	_ =	strace $0x80000049;
	[dreg:$0x1] =	wrdreg $0xFFFFFFFF  }
0xad: {  	s28 =	simm.s32 $_size_execute0_lowered;
	s4 =	sadd.s32 s4, s6;
	[dreg:$0x0] =	wrdreg $0x0  }
0xae: {  	s6 =	sshll.u32 s28, $0x1;
	[dreg:$0x2] =	wrdreg s4  }
0xaf: {  	[dreg:$0x3] =	wrdreg s6  }
0xb0: {  	[dreg:$0x4] =	wrdreg $0xC0  }
0xb1: {  	_ =	task [dreg:s8], $0x5FFFF  }
0xb2: {  	[dreg:$0x1] =	wrdreg $0xFFFFFFFF  }
0xb3: {  	[dreg:$0x0] =	wrdreg $0x60  }
0xb4: {  	[dreg:$0x2] =	wrdreg s24  }
0xb5: {  	[dreg:$0x3] =	wrdreg s15  }
0xb6: {  	[dreg:$0x4] =	wrdreg s16  }
0xb7: {  	[dreg:$0x5] =	wrdreg $0x0  }
0xb8: {  	[dreg:$0x6] =	wrdreg $0x9  }
0xb9: {  	_ =	task.clear_ibuf [dreg:s8], $0x7FFFF;
	_ =	strace $0x90000049  }
0xba: {  	s29 =	simm.s32 $0x9;
	_ =	strace $0x8000004B  }
0xbb: {  	_ =	swait.ge [sflag:s29], $0x1  }
0xbc: {  	[sflag:s29] =	ssyncadd.s32 $0xFFFFFFFF  }
0xbd: {  	_ =	strace $0x9000004B  }
0xbe: {  	_ =	sfence  }
0xbf: {  	s30 =	sld [smem:$0x0];
	_ =	sdelay $0x2  }
0xc0: {  	s31 =	sshll.u32 s1, $0xD;
	s1 =	sshrl.u32 s1, $0x2  }
0xc1: {  	s3 =	sand.u32 $0x4000, s31;
	s1 =	sadd.s32 s1, s30  }
0xc2: {  	s0 =	sor.u32 s3, s0;
	s1 =	sshll.u32 s1, $0x11  }
0xc3: {  	s0 =	sor.u32 s1, s0  }
0xc4: {  	s0 =	sadd.s32 $0x8F2B, s0  }
0xc5: {  	[sflag:s0] =	ssyncadd.remote.s32 $0x1  }
0xc6: {  	_ =	sfence.sel $0xFFFF  }
0xc7: {  	[dreg:$0x0] =	wrdreg $0xFFFFFFFF;
	(pc) =	sbr.abs _section_cstart, $3  }
0xc8: {  	[dreg:$0x1] =	wrdreg $0xFFFFFFFF  }
0xc9: {  	_ =	task.clear_ibuf [dreg:s8], $0x2FFFF;
	_ =	strace $0x9FFFFFFF  }
0xca: {  	(tm) =	ssettm $0x7FFFFFFF  }
0xcb: {  	_ =	shalt  }
tec
execute0_lowered:
.L_overlay_start_1:
0x0: {  	(tag) =	ssettag $0x1  }
0x1: {  	s0 =	rddreg [dreg:$0x0]  }
0x2: {  	s1 =	rddreg [dreg:$0x1]  }
0x3: {  	s3 =	rddreg [dreg:$0x2]  }
0x4: {  	s2 =	rddreg [dreg:$0x3]  }
0x5: {  	s4 =	simm.s32 $0x0;
	s5 =	srdreg.scid;
	s13 =	stileid.u32  }
0x6: {  	s28 =	simm.s32 $0x6;
	s29 =	simm.s32 $0x3;
	s30 =	simm.s32 $0x4  }
0x7: {  	s31 =	simm.s32 $0x13880;
	[smem:$0x7FF] =	sst s4;
	s4 =	sadd.s32 $0x19C00, s0  }
0x8: {  	s5 =	sand.u32 $0x1, s5;
	s6 =	sadd.s32 $0xFE00, s0;
	s9 =	smul.u32 $0x4E000, s13  }
0x9: {  	s7 =	sadd.s32 $0x6000, s0;
	s0 =	sadd.s32 $0x40E00, s0;
	s10 =	smul.u32 $0x2700, s13  }
0xa: {  	p0 =	sne.s32 s13, $0x0;
	_ =	strace $0x8000004A;
	s8 =	ssub.s32 $0x2, s5  }
0xb: {  	[dreg:$0x5] =	wrdreg s0;
	s15 =	sshll.u32 s5, $0x4;
	s11 =	smul.u32 $0x27100, s5  }
0xc: {  	s5 =	smul.u32 $0x138800, s5;
	s14 =	sshrl.u32 s8, $0x1;
	s9 =	sshrl.u32 s9, $0x2  }
0xd: {  	s0 =	ssub.s32 s8, s14;
	s8 =	sor.u32 s13, s15;
	s18 =	sadd.s32 s9, s2  }
0xe: {  	s10 =	sadd.s32 s10, s11;
	s9 =	sadd.s32 $0x2800, s18;
	[dreg:$0x6] =	wrdreg s18  }
0xf: {  	s5 =	sshrl.u32 s5, $0x3;
	s16 =	sadd.s32 $0x5000, s18;
	[dreg:$0x7] =	wrdreg s9  }
0x10: {  	s11 =	simm.s32 $0x13B00;
	s17 =	sadd.s32 $0x7800, s18;
	[dreg:$0x8] =	wrdreg s16  }
0x11: {  	s13 =	simm.s32 $0x13A80;
	s19 =	sadd.s32 $0xA000, s18;
	[dreg:$0x9] =	wrdreg s17  }
0x12: {  	s14 =	simm.s32 $0x1B480;
	s20 =	sadd.s32 $0xC800, s18;
	[dreg:$0xa] =	wrdreg s19  }
0x13: {  	s15 =	simm.s32 $0x0;
	s21 =	sadd.s32 $0xF000, s18;
	[dreg:$0xb] =	wrdreg s20  }
0x14: {  	s8 =	smul.u32 $0x2710, s8;
	s22 =	sadd.s32 $0x11800, s18;
	[dreg:$0xc] =	wrdreg s21  }
0x15: {  	s5 =	sadd.s32 s3, s5;
	s3 =	sadd.s32 s3, s10;
	[dreg:$0xd] =	wrdreg s22  }
0x16: {  	s0 =	smax.u32 s0, $0x1;
	s10 =	simm.s32 $0x1;
	[dreg:$0x12] =	wrdreg s3  }
0x17: {  	s19 =	sadd.s32 $0x138000, s2;
	s26 =	sadd.s32 $0x27000, s5;
	[dreg:$0x14] =	wrdreg s0  }
0x18: {  	s3 =	simm.s32 $0x5;
	s5 =	simm.s32 $0x50;
	s0 =	simm.s32 $0x13A00  }
.Ltmp0:
0x19: {  	s12 =	sshrl.u32 s8, $0x3;
	[dreg:$0x13] =	wrdreg s26;
	(pc) =	sbr.rel .LBB2_1-.Ltmp0, $4  }
0x1a: {  	s21 =	sadd.s32 $0x50, s8;
	[dreg:$0xe] =	wrdreg s19;
	s23 =	sadd.s32 s6, s12  }
0x1b: {  	s26 =	simm.s32 $0x13B80;
	s24 =	sadd.s32 s7, s12;
	[dreg:$0xf] =	wrdreg s23  }
0x1c: {  	s8 =	simm.s32 $0x16480;
	s25 =	sadd.s32 s1, s12;
	[dreg:$0x10] =	wrdreg s24  }
0x1d: {  	v0 =	vimm.f32 $0.0e+00;
	s12 =	simm.s32 $0x2;
	[dreg:$0x11] =	wrdreg s25;
	s25 =	simm.s32 $0x18C80  }
.LBB2_12:
0x1e: {  	_ =	swait.ge [sflag:s29], $0x2800  }
0x1f: {  	[sflag:s29] =	ssyncset.done $0x0  }
0x20: {  	[sflag:s29] =	ssyncadd.s32 $0xFFFFD800  }
0x21: {  	_ =	swait.ge [sflag:s30], $0x2800  }
0x22: {  	[sflag:s30] =	ssyncset.done $0x0  }
0x23: {  	[sflag:s30] =	ssyncadd.s32 $0xFFFFD800  }
0x24: {  	s9 =	stileid.u32;
	[bflag:$0x0] =	sbarrier.arrive $0xFFFF  }
0x25: {  	s9 =	sshll.u32 s9, $0x6;
	s18 =	rddreg [dreg:$0x6]  }
0x26: {  	s9 =	sor.u32 $0x1C06, s9;
	s17 =	rddreg [dreg:$0x12];
	s16 =	sshrl.u32 s18, $0x3  }
0x27: {  	[hbm:s17], [sflag:s9] =	dma.local [spmem:s16], $0x2700  }
0x28: {  	_ =	swait.ge [sflag:s28], $0x2700  }
0x29: {  	[sflag:s28] =	ssyncset.done $0x0;
	s19 =	rddreg [dreg:$0xe]  }
0x2a: {  	s17 =	rddreg [dreg:$0x13];
	[sflag:s28] =	ssyncadd.s32 $0xFFFFD900;
	s16 =	sshrl.u32 @!p0 s19, $0x3  }
0x2b: {  	[hbm:s17], [sflag:s9] =	dma.local @!p0 [spmem:s16], $0x100  }
0x2c: {  	s9 =	simm.s32 @!p0 $0x6  }
0x2d: {  	_ =	swait.ge @!p0 [sflag:s9], $0x100  }
0x2e: {  	s15 =	sadd.s32 $0x1, s15;
	s24 =	rddreg [dreg:$0x14]  }
0x2f: {  	p1 =	sne.s32 s15, s24  }
.Ltmp1:
0x30: {  	_ = 	snop;
	(pc) =	sbr.rel @!p1 .LBB2_13-.Ltmp1, $3  }
0x31: {  	_ =	sdelay $0x1  }
0x32: {  	[sflag:s9] =	ssyncset.done @!p0 $0x0  }
0x33: {  	[sflag:s9] =	ssyncadd.s32 @!p0 $0xFFFFFF00  }
.LBB2_1:
0x34: {  	s16 =	simm.s32 $0x0;
	s17 =	simm.s32 $0x200  }
.LBB2_2:
0x35: {  	p1 =	sne.s32 s17, $0x9E00;
	[tilespmem:s16+$0x18CF0] =	vst v0  }
0x36: {  	[tilespmem:s16+$0x18C80] =	vst v0  }
0x37: {  	[tilespmem:s16+$0x18C90] =	vst v0  }
.Ltmp2:
0x38: {  	[tilespmem:s16+$0x18CA0] =	vst v0;
	(pc) =	sbr.rel @p1 .LBB2_2-.Ltmp2, $4  }
0x39: {  	[tilespmem:s16+$0x18CB0] =	vst v0  }
0x3a: {  	[tilespmem:s16+$0x18CC0] =	vst v0  }
0x3b: {  	[tilespmem:s16+$0x18CD0] =	vst v0  }
0x3c: {  	[tilespmem:s16+$0x18CE0] =	vst v0;
	s16 =	sshra.s32 s17, $0x2;
	s17 =	sadd.s32 $0x200, s17  }
0x3d: {  	[tilespmem:s16+$0x18CF0] =	vst v0  }
0x3e: {  	[tilespmem:s16+$0x18C80] =	vst v0  }
0x3f: {  	[tilespmem:s16+$0x18C90] =	vst v0  }
0x40: {  	[tilespmem:s16+$0x18CA0] =	vst v0  }
0x41: {  	[tilespmem:s16+$0x18CB0] =	vst v0  }
0x42: {  	[tilespmem:s16+$0x18CC0] =	vst v0  }
0x43: {  	[tilespmem:s16+$0x18CD0] =	vst v0  }
0x44: {  	[tilespmem:s16+$0x18CE0] =	vst v0  }
0x45: {  	[spmem:s18] =	stream.linear.scatter [tilespmem:s25], [sflag:$0x3], $0x2800, $0x38;
	[tilespmem:$0x1DC80] =	vst v63  }
0x46: {  	s9 =	rddreg [dreg:$0x7]  }
0x47: {  	[spmem:s9] =	stream.linear.scatter [tilespmem:s25], [sflag:$0x3], $0x2800, $0x38;
	[tilespmem:$0x1DC80] =	vst v63  }
0x48: {  	s18 =	rddreg [dreg:$0x8]  }
0x49: {  	[spmem:s18] =	stream.linear.scatter [tilespmem:s25], [sflag:$0x3], $0x2800, $0x38;
	[tilespmem:$0x1DC80] =	vst v63  }
0x4a: {  	s20 =	rddreg [dreg:$0x9]  }
0x4b: {  	[spmem:s20] =	stream.linear.scatter [tilespmem:s25], [sflag:$0x3], $0x2800, $0x38;
	[tilespmem:$0x1DC80] =	vst v63  }
0x4c: {  	s22 =	rddreg [dreg:$0xa]  }
0x4d: {  	[spmem:s22] =	stream.linear.scatter [tilespmem:s25], [sflag:$0x3], $0x2800, $0x38;
	[tilespmem:$0x1DC80] =	vst v63  }
0x4e: {  	s23 =	rddreg [dreg:$0xb]  }
0x4f: {  	[spmem:s23] =	stream.linear.scatter [tilespmem:s25], [sflag:$0x3], $0x2800, $0x38;
	[tilespmem:$0x1DC80] =	vst v63  }
0x50: {  	s24 =	rddreg [dreg:$0xc]  }
0x51: {  	[spmem:s24] =	stream.linear.scatter [tilespmem:s25], [sflag:$0x3], $0x2800, $0x38;
	[tilespmem:$0x1DC80] =	vst v63  }
0x52: {  	s16 =	rddreg [dreg:$0xd]  }
0x53: {  	[spmem:s16] =	stream.linear.scatter [tilespmem:s25], [sflag:$0x4], $0x2000, $0x38;
	[tilespmem:$0x1DC80] =	vst v63  }
0x54: {  	s16 =	simm.s32 @!p0 $0x18C80  }
0x55: {  	[spmem:s19] =	stream.linear.scatter @!p0 [tilespmem:s16], [sflag:$0x4], $0x800, $0x38;
	[tilespmem:$0x1DC80] =	vst v63  }
0x56: {  	s17 =	simm.s32 $0x0;
	s18 =	rddreg [dreg:$0x5]  }
0x57: {  	[tilespmem:s26], [sflag:$0x6] =	stream.linear.gather [hbm4b:s18+s17], $0x100, $0x38;
	[tilespmem:$0x1DC80] =	vst v63  }
0x58: {  	_ =	swait.ge [sflag:s28], $0x100  }
0x59: {  	[sflag:s28] =	ssyncset.done $0x0  }
0x5a: {  	[sflag:s28] =	ssyncadd.s32 $0xFFFFFF00  }
0x5b: {  	_ =	swait.ge [sflag:s29], $0x2800  }
0x5c: {  	[sflag:s29] =	ssyncset.done $0x0  }
0x5d: {  	[sflag:s29] =	ssyncadd.s32 $0xFFFFD800  }
0x5e: {  	_ =	swait.ge [sflag:s29], $0x2800  }
0x5f: {  	[sflag:s29] =	ssyncset.done $0x0  }
0x60: {  	[sflag:s29] =	ssyncadd.s32 $0xFFFFD800  }
0x61: {  	_ =	swait.ge [sflag:s29], $0x2800  }
0x62: {  	[sflag:s29] =	ssyncset.done $0x0  }
0x63: {  	[sflag:s29] =	ssyncadd.s32 $0xFFFFD800  }
0x64: {  	_ =	swait.ge [sflag:s29], $0x2800  }
0x65: {  	[sflag:s29] =	ssyncset.done $0x0  }
0x66: {  	[sflag:s29] =	ssyncadd.s32 $0xFFFFD800  }
0x67: {  	_ =	swait.ge [sflag:s29], $0x2800  }
0x68: {  	[sflag:s29] =	ssyncset.done $0x0  }
0x69: {  	[sflag:s29] =	ssyncadd.s32 $0xFFFFD800  }
0x6a: {  	_ =	swait.ge [sflag:s29], $0x2800  }
0x6b: {  	[sflag:s29] =	ssyncset.done $0x0  }
0x6c: {  	[sflag:s29] =	ssyncadd.s32 $0xFFFFD800  }
0x6d: {  	_ =	swait.ge [sflag:s29], $0x2800  }
0x6e: {  	[sflag:s29] =	ssyncset.done $0x0  }
0x6f: {  	[sflag:s29] =	ssyncadd.s32 $0xFFFFD800  }
0x70: {  	_ =	swait.ge [sflag:s30], $0x2000  }
0x71: {  	[sflag:s30] =	ssyncset.done $0x0  }
0x72: {  	s16 =	simm.s32 @!p0 $0x4;
	[sflag:s30] =	ssyncadd.s32 $0xFFFFE000  }
0x73: {  	_ =	swait.ge @!p0 [sflag:s16], $0x800  }
0x74: {  	[sflag:s16] =	ssyncset.done @!p0 $0x0  }
0x75: {  	[sflag:s16] =	ssyncadd.s32 @!p0 $0xFFFFF800  }
0x76: {  	[bflag:$0x0] =	sbarrier.arrive $0xFFFF  }
0x77: {  	s16 =	simm.s32 $0x0;
	s19 =	rddreg [dreg:$0xf]  }
0x78: {  	[tilespmem:s31], [sflag:$0x5] =	stream.linear.gather [hbm4b:s19+s16], $0x50, $0x38;
	[tilespmem:$0x1DC80] =	vst v63  }
0x79: {  	s17 =	simm.s32 $0x13900;
	s20 =	rddreg [dreg:$0x10]  }
0x7a: {  	[tilespmem:s17], [sflag:$0x5] =	stream.linear.gather [hbm4b:s20+s16], $0x50, $0x38;
	[tilespmem:$0x1DC80] =	vst v63  }
0x7b: {  	s23 =	simm.s32 $0x13980;
	s22 =	rddreg [dreg:$0x11]  }
0x7c: {  	[tilespmem:s23], [sflag:$0x5] =	stream.linear.gather [hbm4b:s22+s16], $0x50, $0x38;
	[tilespmem:$0x1DC80] =	vst v63  }
0x7d: {  	_ =	swait.ge [sflag:s3], $0x50  }
0x7e: {  	[sflag:s3] =	ssyncset.done $0x0  }
0x7f: {  	[sflag:s3] =	ssyncadd.s32 $0xFFFFFFB0  }
0x80: {  	_ =	swait.ge [sflag:s3], $0x50  }
0x81: {  	[sflag:s3] =	ssyncset.done $0x0  }
0x82: {  	[sflag:s3] =	ssyncadd.s32 $0xFFFFFFB0  }
0x83: {  	_ =	swait.ge [sflag:s3], $0x50  }
0x84: {  	[sflag:s3] =	ssyncset.done $0x0  }
0x85: {  	s24 =	simm.s32 $0x13C80;
	[sflag:s3] =	ssyncadd.s32 $0xFFFFFFB0  }
0x86: {  	[tilespmem:s24], [sflag:$0x1] =	stream.indirect.gather [hbm4b:s4+s5], $0x80, s17, s5, $0xb8;
	[tilespmem:$0x1DC80] =	vst v63  }
0x87: {  	s18 =	simm.s32 $0x0  }
0x88: {  	[tilespmem:s8], [sflag:$0x2] =	stream.indirect.gather [hbm4b:s4+s5], $0x80, s31, s5, $0xb8;
	[tilespmem:$0x1DC80] =	vst v63  }
.LBB2_4:
0x89: {  	v1 =	vld [tilespmem:$0x13980];
	_ =	sdelay $0x5  }
0x8a: {  	v2 =	vld [tilespmem:$0x13990];
	_ =	sdelay $0x1  }
0x8b: {  	v1 =	vld.idx.msk [tilespmem:v1+s26+$0x0], $0xffff;
	_ =	sdelay $0x3  }
0x8c: {  	v3 =	vld [tilespmem:$0x139A0]  }
0x8d: {  	[tilespmem:$0x13B00] =	vst v1  }
0x8e: {  	v1 =	vld.idx.msk [tilespmem:v2+s26+$0x0], $0xffff;
	_ =	sdelay $0x3  }
0x8f: {  	v2 =	vld [tilespmem:$0x139B0]  }
0x90: {  	[tilespmem:$0x13B10] =	vst v1  }
0x91: {  	v1 =	vld.idx.msk [tilespmem:v3+s26+$0x0], $0xffff;
	_ =	sdelay $0x3  }
0x92: {  	v3 =	vld [tilespmem:$0x139C0]  }
0x93: {  	[tilespmem:$0x13B20] =	vst v1  }
0x94: {  	v1 =	vld.idx.msk [tilespmem:v2+s26+$0x0], $0xffff;
	_ =	sdelay $0x4  }
0x95: {  	[tilespmem:$0x13B30] =	vst v1  }
0x96: {  	v1 =	vld.idx.msk [tilespmem:v3+s26+$0x0], $0xffff;
	_ =	sdelay $0x3  }
0x97: {  	s24 =	simm.s32 $0x2;
	v2 =	vmov s16  }
0x98: {  	v3 =	vmov s24;
	[tilespmem:$0x13B40] =	vst v1;
	v1 =	vand.u32 $0xFFFFFFFC, v2  }
0x99: {  	s17 =	simm.s32 $0x1;
	v3 =	vand.u32 $0xFFFFFFFE, v3;
	_ =	swait.ge [sflag:s10], $0x2800;
	v1 =	vbroadcast v1, $0x0  }
0x9a: {  	p1 =	seq.s32 s18, $0x0;
	v3 =	vbroadcast v3, $0x0;
	v2 =	vmov s17;
	[sflag:s10] =	ssyncset.done $0x0  }
0x9b: {  	s17 =	simm.s32 @!p1 $0x3;
	v2 =	vand.u32 $0xFFFFFFFD, v2;
	[sflag:s10] =	ssyncadd.s32 $0xFFFFD800  }
0x9c: {  	v2 =	vbroadcast v2, $0x0;
	_ =	swait.ge @!p1 [sflag:s17], $0x2800  }
0x9d: {  	[sflag:s17] =	ssyncset.done @!p1 $0x0  }
0x9e: {  	[sflag:s17] =	ssyncadd.s32 @!p1 $0xFFFFD800  }
0x9f: {  	v6 =	vld.idx.msk [tilespmem:v1+s11+$0x0], $0xffff  }
0xa0: {  	s9 =	simm.s32 $0x3;
	s23 =	simm.s32 $0x13D80;
	v8 =	vld.idx.msk [tilespmem:v3+s11+$0x0], $0xffff  }
0xa1: {  	v1 =	vmov s9;
	v3 =	vld [tilespmem:s23+$0xFFFFFF00]  }
0xa2: {  	v7 =	vld.idx.msk [tilespmem:v2+s11+$0x0], $0xffff  }
0xa3: {  	v2 =	vld [tilespmem:s23+$0x0];
	_ =	sdelay $0x1  }
0xa4: {  	v4 =	vld [tilespmem:s23+$0xFFFFFF80]  }
0xa5: {  	v5 =	vld.idx.msk [tilespmem:v1+s11+$0x0], $0xffff  }
0xa6: {  	v1 =	vld [tilespmem:s23+$0x80];
	v3 =	vmul.f32 v3, v6  }
0xa7: {  	s22 =	simm.s32 $0x18D80;
	v2 =	vmul.f32 v2, v8  }
0xa8: {  	[tilespmem:s22+$0xFFFFFF00] =	vst v3  }
0xa9: {  	v4 =	vmul.f32 v4, v7;
	[tilespmem:s22+$0x0] =	vst v2;
	v3 =	vld [tilespmem:s23+$0xFFFFFF10]  }
0xaa: {  	v2 =	vld [tilespmem:s23+$0x10]  }
0xab: {  	[tilespmem:s22+$0xFFFFFF80] =	vst v4;
	v1 =	vmul.f32 v1, v5  }
0xac: {  	v4 =	vld [tilespmem:s23+$0xFFFFFF90]  }
0xad: {  	[tilespmem:s22+$0x80] =	vst v1  }
0xae: {  	v1 =	vld [tilespmem:s23+$0x90];
	v3 =	vmul.f32 v3, v6  }
0xaf: {  	v2 =	vmul.f32 v2, v8  }
0xb0: {  	[tilespmem:s22+$0xFFFFFF10] =	vst v3  }
0xb1: {  	v4 =	vmul.f32 v4, v7;
	[tilespmem:s22+$0x10] =	vst v2;
	v3 =	vld [tilespmem:s23+$0xFFFFFF20]  }
0xb2: {  	v2 =	vld [tilespmem:s23+$0x20]  }
0xb3: {  	[tilespmem:s22+$0xFFFFFF90] =	vst v4;
	v1 =	vmul.f32 v1, v5  }
0xb4: {  	v4 =	vld [tilespmem:s23+$0xFFFFFFA0]  }
0xb5: {  	[tilespmem:s22+$0x90] =	vst v1  }
0xb6: {  	s19 =	simm.s32 $0x4;
	v1 =	vld [tilespmem:s23+$0xA0];
	v3 =	vmul.f32 v3, v6  }
0xb7: {  	s20 =	simm.s32 $0x5;
	v9 =	vmov s19;
	v2 =	vmul.f32 v2, v8  }
0xb8: {  	s19 =	simm.s32 $0x7;
	v10 =	vmov s20;
	v9 =	vand.u32 $0xFFFFFFFC, v9;
	[tilespmem:s22+$0xFFFFFF20] =	vst v3  }
0xb9: {  	v9 =	vbroadcast v9, $0x0;
	v4 =	vmul.f32 v4, v7;
	[tilespmem:s22+$0x20] =	vst v2;
	v2 =	vmov s19  }
0xba: {  	v10 =	vand.u32 $0xFFFFFFFD, v10;
	v11 =	vld [tilespmem:s23+$0xFFFFFF30]  }
0xbb: {  	v10 =	vbroadcast v10, $0x0;
	[tilespmem:s22+$0xFFFFFFA0] =	vst v4;
	v3 =	vld [tilespmem:s23+$0x30];
	v1 =	vmul.f32 v1, v5  }
0xbc: {  	s24 =	simm.s32 $0x6;
	v12 =	vld [tilespmem:s23+$0xFFFFFFB0]  }
0xbd: {  	[tilespmem:s22+$0xA0] =	vst v1;
	v1 =	vmov s24  }
0xbe: {  	v4 =	vand.u32 $0xFFFFFFFE, v1;
	v1 =	vld.idx.msk [tilespmem:v2+s11+$0x0], $0xffff  }
0xbf: {  	v2 =	vld.idx.msk [tilespmem:v9+s11+$0x0], $0xffff;
	v9 =	vmul.f32 v11, v6  }
0xc0: {  	v3 =	vmul.f32 v3, v8  }
0xc1: {  	v14 =	vbroadcast v4, $0x0;
	v4 =	vld.idx.msk [tilespmem:v10+s11+$0x0], $0xffff;
	v10 =	vmul.f32 v12, v7;
	[tilespmem:s22+$0xFFFFFF30] =	vst v9  }
0xc2: {  	v13 =	vld [tilespmem:s23+$0xB0];
	[tilespmem:s22+$0x30] =	vst v3  }
0xc3: {  	[tilespmem:s22+$0xFFFFFFB0] =	vst v10;
	v9 =	vld [tilespmem:s23+$0x40]  }
0xc4: {  	s20 =	simm.s32 $0x13F80;
	v10 =	vld [tilespmem:s23+$0xFFFFFFC0]  }
0xc5: {  	v12 =	vld [tilespmem:s20+$0x0]  }
0xc6: {  	v11 =	vld [tilespmem:s23+$0xFFFFFF40]  }
0xc7: {  	v13 =	vmul.f32 v13, v5;
	v3 =	vld.idx.msk [tilespmem:v14+s11+$0x0], $0xffff  }
0xc8: {  	v14 =	vld [tilespmem:s20+$0xFFFFFF00];
	v9 =	vmul.f32 v9, v8  }
0xc9: {  	v15 =	vld [tilespmem:s20+$0xFFFFFF80];
	[tilespmem:s22+$0xB0] =	vst v13;
	v10 =	vmul.f32 v10, v7  }
0xca: {  	v16 =	vld [tilespmem:s20+$0x80];
	[tilespmem:s22+$0x40] =	vst v9  }
0xcb: {  	v9 =	vmul.f32 v11, v6;
	[tilespmem:s22+$0xFFFFFFC0] =	vst v10;
	v10 =	vld [tilespmem:s23+$0xC0]  }
0xcc: {  	v11 =	vld [tilespmem:s23+$0x50];
	v12 =	vmul.f32 v12, v3  }
0xcd: {  	s19 =	simm.s32 $0x18F80;
	v13 =	vld [tilespmem:s23+$0xFFFFFFD0];
	[tilespmem:s22+$0xFFFFFF40] =	vst v9;
	v9 =	vmul.f32 v14, v2  }
0xce: {  	v14 =	vmul.f32 v15, v4;
	[tilespmem:s19+$0x0] =	vst v12;
	v12 =	vld [tilespmem:s23+$0xFFFFFF50]  }
0xcf: {  	v15 =	vmul.f32 v16, v1;
	[tilespmem:s19+$0xFFFFFF00] =	vst v9;
	v9 =	vld [tilespmem:s20+$0x10]  }
0xd0: {  	[tilespmem:s19+$0xFFFFFF80] =	vst v14;
	v16 =	vld [tilespmem:s20+$0xFFFFFF10];
	v10 =	vmul.f32 v10, v5  }
0xd1: {  	[tilespmem:s19+$0x80] =	vst v15;
	v14 =	vld [tilespmem:s20+$0xFFFFFF90];
	v11 =	vmul.f32 v11, v8  }
0xd2: {  	v15 =	vld [tilespmem:s20+$0x90];
	v13 =	vmul.f32 v13, v7;
	[tilespmem:s22+$0xC0] =	vst v10  }
0xd3: {  	[tilespmem:s22+$0x50] =	vst v11;
	v11 =	vmul.f32 v12, v6;
	v10 =	vld [tilespmem:s23+$0xD0]  }
0xd4: {  	[tilespmem:s22+$0xFFFFFFD0] =	vst v13;
	v12 =	vld [tilespmem:s23+$0x60];
	v9 =	vmul.f32 v9, v3  }
0xd5: {  	v13 =	vmul.f32 v16, v2;
	[tilespmem:s22+$0xFFFFFF50] =	vst v11;
	v11 =	vld [tilespmem:s23+$0xFFFFFFE0]  }
0xd6: {  	v14 =	vmul.f32 v14, v4;
	[tilespmem:s19+$0x10] =	vst v9;
	v9 =	vld [tilespmem:s23+$0xFFFFFF60]  }
0xd7: {  	v15 =	vmul.f32 v15, v1;
	[tilespmem:s19+$0xFFFFFF10] =	vst v13;
	v13 =	vld [tilespmem:s20+$0x20]  }
0xd8: {  	[tilespmem:s19+$0xFFFFFF90] =	vst v14;
	v16 =	vld [tilespmem:s20+$0xFFFFFF20];
	v10 =	vmul.f32 v10, v5  }
0xd9: {  	[tilespmem:s19+$0x90] =	vst v15;
	v12 =	vmul.f32 v12, v8  }
0xda: {  	v17 =	vld [tilespmem:s20+$0xFFFFFFA0];
	v11 =	vmul.f32 v11, v7;
	[tilespmem:s22+$0xD0] =	vst v10  }
0xdb: {  	v18 =	vld [tilespmem:s20+$0xA0];
	[tilespmem:s22+$0x60] =	vst v12;
	v9 =	vmul.f32 v9, v6  }
0xdc: {  	v19 =	vld [tilespmem:s23+$0x70];
	v10 =	vmul.f32 v13, v3;
	[tilespmem:s22+$0xFFFFFFE0] =	vst v11  }
0xdd: {  	s9 =	simm.s32 $0x8;
	s24 =	simm.s32 $0x9;
	v20 =	vld [tilespmem:s23+$0xE0];
	v11 =	vmul.f32 v16, v2;
	[tilespmem:s22+$0xFFFFFF60] =	vst v9  }
0xde: {  	v12 =	vmov s24;
	s24 =	simm.s32 $0xB;
	v14 =	vld [tilespmem:s23+$0xFFFFFFF0];
	v9 =	vmov s9;
	[tilespmem:s19+$0x20] =	vst v10  }
0xdf: {  	v13 =	vmul.f32 v17, v4;
	v15 =	vld [tilespmem:s23+$0xFFFFFF70];
	v9 =	vand.u32 $0xFFFFFFFC, v9;
	[tilespmem:s19+$0xFFFFFF20] =	vst v11;
	v11 =	vmov s24  }
0xe0: {  	v17 =	vmul.f32 v18, v1;
	v10 =	vand.u32 $0xFFFFFFFD, v12;
	v16 =	vld [tilespmem:s20+$0x30];
	v9 =	vbroadcast v9, $0x0  }
0xe1: {  	v10 =	vbroadcast v10, $0x0;
	[tilespmem:s19+$0xFFFFFFA0] =	vst v13;
	v12 =	vld [tilespmem:s20+$0xFFFFFF30];
	v18 =	vmul.f32 v19, v8  }
0xe2: {  	s17 =	simm.s32 $0xA;
	s24 =	simm.s32 $0xC;
	[tilespmem:s19+$0xA0] =	vst v17;
	v13 =	vld [tilespmem:s20+$0xFFFFFFB0];
	v17 =	vmul.f32 v20, v5  }
.LBB2_5:
0xe3: {  	p2 =	slt.u32 s24, $0x4C;
	v8 =	vmov s17;
	v19 =	vld [tilespmem:s20+$0xB0];
	v14 =	vmul.f32 v14, v7;
	[tilespmem:s22+$0x70] =	vst v18;
	v7 =	vmov v4  }
0xe4: {  	v4 =	vand.u32 $0xFFFFFFFE, v8;
	v8 =	vld.idx.msk [tilespmem:v11+s11+$0x0], $0xffff;
	v11 =	vmul.f32 v15, v6;
	[tilespmem:s22+$0xE0] =	vst v17;
	v6 =	vmov v2  }
0xe5: {  	v15 =	vbroadcast v4, $0x0;
	v16 =	vmul.f32 v16, v3;
	[tilespmem:s22+$0xFFFFFFF0] =	vst v14;
	v14 =	vld [tilespmem:s23+$0xF0];
	s23 =	smov.u32 s20  }
0xe6: {  	v2 =	vld.idx.msk [tilespmem:v9+s11+$0x0], $0xffff;
	v9 =	vmul.f32 v12, v6;
	[tilespmem:s22+$0xFFFFFF70] =	vst v11  }
0xe7: {  	v4 =	vld.idx.msk [tilespmem:v10+s11+$0x0], $0xffff;
	v10 =	vmul.f32 v13, v7;
	[tilespmem:s19+$0x30] =	vst v16  }
0xe8: {  	[tilespmem:s19+$0xFFFFFF30] =	vst v9;
	v9 =	vld [tilespmem:s20+$0x40];
	v11 =	vmul.f32 v19, v1  }
0xe9: {  	v12 =	vld [tilespmem:s20+$0xFFFFFF40];
	[tilespmem:s19+$0xFFFFFFB0] =	vst v10  }
0xea: {  	v10 =	vld [tilespmem:s20+$0xFFFFFFC0];
	[tilespmem:s19+$0xB0] =	vst v11;
	v11 =	vmul.f32 v14, v5;
	v5 =	vmov v1;
	v1 =	vmov v8  }
0xeb: {  	s20 =	sadd.s32 $0x200, s20;
	v8 =	vld.idx.msk [tilespmem:v15+s11+$0x0], $0xffff  }
0xec: {  	v13 =	vld [tilespmem:s20+$0x0];
	[tilespmem:s22+$0xF0] =	vst v11;
	s22 =	smov.u32 s19  }
0xed: {  	v11 =	vld [tilespmem:s20+$0xFFFFFF00];
	v9 =	vmul.f32 v9, v3  }
0xee: {  	v14 =	vld [tilespmem:s20+$0xFFFFFF80];
	v12 =	vmul.f32 v12, v6  }
0xef: {  	v15 =	vld [tilespmem:s20+$0x80];
	v10 =	vmul.f32 v10, v7;
	[tilespmem:s19+$0x40] =	vst v9  }
0xf0: {  	[tilespmem:s19+$0xFFFFFF40] =	vst v12;
	v9 =	vld [tilespmem:s23+$0x50]  }
0xf1: {  	v12 =	vmul.f32 v13, v8;
	[tilespmem:s19+$0xFFFFFFC0] =	vst v10;
	v10 =	vld [tilespmem:s23+$0xC0]  }
0xf2: {  	s19 =	sadd.s32 $0x200, s19;
	v11 =	vmul.f32 v11, v2;
	v13 =	vld [tilespmem:s23+$0xFFFFFFD0]  }
0xf3: {  	v14 =	vmul.f32 v14, v4;
	[tilespmem:s19+$0x0] =	vst v12;
	v12 =	vld [tilespmem:s23+$0xFFFFFF50]  }
0xf4: {  	[tilespmem:s19+$0xFFFFFF00] =	vst v11;
	v11 =	vld [tilespmem:s20+$0x10];
	v15 =	vmul.f32 v15, v1  }
0xf5: {  	v16 =	vld [tilespmem:s20+$0xFFFFFF10];
	[tilespmem:s19+$0xFFFFFF80] =	vst v14;
	v9 =	vmul.f32 v9, v3  }
0xf6: {  	v14 =	vld [tilespmem:s20+$0xFFFFFF90];
	[tilespmem:s19+$0x80] =	vst v15;
	v10 =	vmul.f32 v10, v5  }
0xf7: {  	v15 =	vld [tilespmem:s20+$0x90];
	v13 =	vmul.f32 v13, v7;
	[tilespmem:s22+$0x50] =	vst v9  }
0xf8: {  	v9 =	vmul.f32 v12, v6;
	v12 =	vld [tilespmem:s23+$0x60];
	[tilespmem:s22+$0xC0] =	vst v10  }
0xf9: {  	v10 =	vmul.f32 v11, v8;
	[tilespmem:s22+$0xFFFFFFD0] =	vst v13;
	v11 =	vld [tilespmem:s23+$0xD0]  }
0xfa: {  	v13 =	vmul.f32 v16, v2;
	[tilespmem:s22+$0xFFFFFF50] =	vst v9;
	v9 =	vld [tilespmem:s23+$0xFFFFFFE0]  }
0xfb: {  	v14 =	vmul.f32 v14, v4;
	[tilespmem:s19+$0x10] =	vst v10;
	v10 =	vld [tilespmem:s23+$0xFFFFFF60]  }
0xfc: {  	[tilespmem:s19+$0xFFFFFF10] =	vst v13;
	v13 =	vld [tilespmem:s20+$0x20];
	v15 =	vmul.f32 v15, v1  }
0xfd: {  	v16 =	vld [tilespmem:s20+$0xFFFFFF20];
	[tilespmem:s19+$0xFFFFFF90] =	vst v14;
	v12 =	vmul.f32 v12, v3  }
0xfe: {  	v17 =	vld [tilespmem:s20+$0xFFFFFFA0];
	[tilespmem:s19+$0x90] =	vst v15;
	v11 =	vmul.f32 v11, v5  }
0xff: {  	v18 =	vld [tilespmem:s20+$0xA0];
	v9 =	vmul.f32 v9, v7;
	[tilespmem:s22+$0x60] =	vst v12  }
0x100: {  	v10 =	vmul.f32 v10, v6;
	v19 =	vld [tilespmem:s23+$0x70];
	[tilespmem:s22+$0xD0] =	vst v11  }
0x101: {  	s17 =	sadd.s32 $0x3, s24;
	v12 =	vmul.f32 v13, v8;
	[tilespmem:s22+$0xFFFFFFE0] =	vst v9;
	v20 =	vld [tilespmem:s23+$0xE0]  }
.Ltmp3:
0x102: {  	s9 =	sadd.s32 $0x1, s24;
	v11 =	vmov s17;
	v9 =	vmov s24;
	v13 =	vmul.f32 v16, v2;
	[tilespmem:s22+$0xFFFFFF60] =	vst v10;
	v14 =	vld [tilespmem:s23+$0xFFFFFFF0];
	(pc) =	sbr.rel @p2 .LBB2_5-.Ltmp3, $4  }
0x103: {  	v9 =	vand.u32 $0xFFFFFFFC, v9;
	v10 =	vmov s9;
	v17 =	vmul.f32 v17, v4;
	[tilespmem:s19+$0x20] =	vst v12;
	v15 =	vld [tilespmem:s23+$0xFFFFFF70]  }
0x104: {  	v9 =	vbroadcast v9, $0x0;
	v10 =	vand.u32 $0xFFFFFFFD, v10;
	[tilespmem:s19+$0xFFFFFF20] =	vst v13;
	v16 =	vld [tilespmem:s20+$0x30];
	v21 =	vmul.f32 v18, v1  }
0x105: {  	v10 =	vbroadcast v10, $0x0;
	v12 =	vld [tilespmem:s20+$0xFFFFFF30];
	[tilespmem:s19+$0xFFFFFFA0] =	vst v17;
	v18 =	vmul.f32 v19, v3;
	v3 =	vmov v8  }
0x106: {  	s17 =	sadd.s32 $0x2, s24;
	s24 =	sadd.s32 $0x4, s24;
	v13 =	vld [tilespmem:s20+$0xFFFFFFB0];
	[tilespmem:s19+$0xA0] =	vst v21;
	v17 =	vmul.f32 v20, v5  }
0x107: {  	v8 =	vmov s17  }
0x108: {  	v8 =	vand.u32 $0xFFFFFFFE, v8  }
0x109: {  	v19 =	vbroadcast v8, $0x0;
	_ =	sdelay $0x2  }
0x10a: {  	v9 =	vld.idx.msk [tilespmem:v9+s11+$0x0], $0xffff  }
0x10b: {  	v10 =	vld.idx.msk [tilespmem:v10+s11+$0x0], $0xffff  }
0x10c: {  	v8 =	vld.idx.msk [tilespmem:v11+s11+$0x0], $0xffff  }
0x10d: {  	s9 =	sadd.s32 $0x200, s20;
	v11 =	vld.idx.msk [tilespmem:v19+s11+$0x0], $0xffff  }
0x10e: {  	v19 =	vld [tilespmem:s9+$0x0]  }
0x10f: {  	v20 =	vld [tilespmem:s9+$0xFFFFFF80]  }
0x110: {  	v21 =	vld [tilespmem:s9+$0xFFFFFF00]  }
0x111: {  	v22 =	vld [tilespmem:s9+$0x80];
	_ =	sdelay $0x1  }
0x112: {  	v19 =	vmul.f32 v19, v11  }
0x113: {  	s24 =	sadd.s32 $0x200, s19;
	v20 =	vmul.f32 v20, v10  }
0x114: {  	v21 =	vmul.f32 v21, v9;
	[tilespmem:s24+$0x0] =	vst v19  }
0x115: {  	v22 =	vmul.f32 v22, v8;
	[tilespmem:s24+$0xFFFFFF80] =	vst v20;
	v19 =	vld [tilespmem:s9+$0x10]  }
0x116: {  	[tilespmem:s24+$0xFFFFFF00] =	vst v21;
	v20 =	vld [tilespmem:s9+$0xFFFFFF90]  }
0x117: {  	v21 =	vld [tilespmem:s9+$0xFFFFFF10];
	[tilespmem:s24+$0x80] =	vst v22  }
0x118: {  	v22 =	vld [tilespmem:s9+$0x90];
	_ =	sdelay $0x1  }
0x119: {  	v19 =	vmul.f32 v19, v11  }
0x11a: {  	[tilespmem:s22+$0x70] =	vst v18;
	v18 =	vmul.f32 v20, v10  }
0x11b: {  	[tilespmem:s24+$0x10] =	vst v19;
	v19 =	vmul.f32 v21, v9  }
0x11c: {  	v20 =	vmul.f32 v22, v8;
	[tilespmem:s24+$0xFFFFFF90] =	vst v18;
	v18 =	vld [tilespmem:s9+$0x20]  }
0x11d: {  	[tilespmem:s24+$0xFFFFFF10] =	vst v19;
	v19 =	vld [tilespmem:s9+$0xFFFFFFA0]  }
0x11e: {  	v7 =	vmul.f32 v14, v7;
	[tilespmem:s24+$0x90] =	vst v20;
	v14 =	vld [tilespmem:s9+$0xFFFFFF20]  }
0x11f: {  	v6 =	vmul.f32 v15, v6;
	[tilespmem:s22+$0xE0] =	vst v17;
	v15 =	vld [tilespmem:s9+$0xA0]  }
0x120: {  	v16 =	vmul.f32 v16, v3;
	[tilespmem:s22+$0xFFFFFFF0] =	vst v7  }
0x121: {  	[tilespmem:s22+$0xFFFFFF70] =	vst v6;
	v6 =	vmul.f32 v18, v11  }
0x122: {  	v7 =	vld [tilespmem:s20+$0xB0];
	[tilespmem:s19+$0x30] =	vst v16;
	v16 =	vmul.f32 v19, v10  }
0x123: {  	v17 =	vld [tilespmem:s23+$0xF0];
	v14 =	vmul.f32 v14, v9;
	[tilespmem:s24+$0x20] =	vst v6  }
0x124: {  	v15 =	vmul.f32 v15, v8;
	v6 =	vld [tilespmem:s9+$0x30];
	[tilespmem:s24+$0xFFFFFFA0] =	vst v16  }
0x125: {  	v12 =	vmul.f32 v12, v2;
	[tilespmem:s24+$0xFFFFFF20] =	vst v14;
	v14 =	vld [tilespmem:s9+$0xFFFFFFB0]  }
0x126: {  	v13 =	vmul.f32 v13, v4;
	[tilespmem:s24+$0xA0] =	vst v15;
	v16 =	vld [tilespmem:s9+$0xFFFFFF30]  }
0x127: {  	[tilespmem:s19+$0xFFFFFF30] =	vst v12;
	v7 =	vmul.f32 v7, v1;
	v12 =	vld [tilespmem:s9+$0xB0]  }
0x128: {  	[tilespmem:s19+$0xFFFFFFB0] =	vst v13;
	v5 =	vmul.f32 v17, v5;
	v15 =	vld [tilespmem:s20+$0x40]  }
0x129: {  	v13 =	vld [tilespmem:s20+$0xFFFFFFC0];
	[tilespmem:s19+$0xB0] =	vst v7;
	v6 =	vmul.f32 v6, v11  }
0x12a: {  	v7 =	vld [tilespmem:s20+$0xFFFFFF40];
	[tilespmem:s22+$0xF0] =	vst v5;
	v5 =	vmul.f32 v14, v10  }
0x12b: {  	v14 =	vld [tilespmem:s20+$0xC0];
	v16 =	vmul.f32 v16, v9;
	[tilespmem:s24+$0x30] =	vst v6  }
0x12c: {  	v12 =	vmul.f32 v12, v8;
	v6 =	vld [tilespmem:s9+$0x40];
	[tilespmem:s24+$0xFFFFFFB0] =	vst v5  }
0x12d: {  	v5 =	vmul.f32 v15, v3;
	[tilespmem:s24+$0xFFFFFF30] =	vst v16;
	v15 =	vld [tilespmem:s9+$0xFFFFFFC0]  }
0x12e: {  	v13 =	vmul.f32 v13, v4;
	[tilespmem:s24+$0xB0] =	vst v12;
	v16 =	vld [tilespmem:s9+$0xFFFFFF40]  }
0x12f: {  	v7 =	vmul.f32 v7, v2;
	[tilespmem:s19+$0x40] =	vst v5;
	v5 =	vld [tilespmem:s9+$0xC0]  }
0x130: {  	[tilespmem:s19+$0xFFFFFFC0] =	vst v13;
	v12 =	vld [tilespmem:s20+$0x50];
	v13 =	vmul.f32 v14, v1  }
0x131: {  	[tilespmem:s19+$0xFFFFFF40] =	vst v7;
	v7 =	vld [tilespmem:s20+$0xFFFFFFD0];
	v6 =	vmul.f32 v6, v11  }
0x132: {  	v14 =	vld [tilespmem:s20+$0xFFFFFF50];
	[tilespmem:s19+$0xC0] =	vst v13;
	v13 =	vmul.f32 v15, v10  }
0x133: {  	v15 =	vld [tilespmem:s20+$0xD0];
	v16 =	vmul.f32 v16, v9;
	[tilespmem:s24+$0x40] =	vst v6  }
0x134: {  	v5 =	vmul.f32 v5, v8;
	v6 =	vld [tilespmem:s9+$0x50];
	[tilespmem:s24+$0xFFFFFFC0] =	vst v13  }
0x135: {  	v12 =	vmul.f32 v12, v3;
	[tilespmem:s24+$0xFFFFFF40] =	vst v16;
	v13 =	vld [tilespmem:s9+$0xFFFFFFD0]  }
0x136: {  	v7 =	vmul.f32 v7, v4;
	[tilespmem:s24+$0xC0] =	vst v5;
	v16 =	vld [tilespmem:s9+$0xFFFFFF50]  }
0x137: {  	v5 =	vmul.f32 v14, v2;
	[tilespmem:s19+$0x50] =	vst v12;
	v12 =	vld [tilespmem:s9+$0xD0]  }
0x138: {  	[tilespmem:s19+$0xFFFFFFD0] =	vst v7;
	v14 =	vld [tilespmem:s20+$0x60];
	v7 =	vmul.f32 v15, v1  }
0x139: {  	[tilespmem:s19+$0xFFFFFF50] =	vst v5;
	v5 =	vld [tilespmem:s20+$0xFFFFFFE0];
	v6 =	vmul.f32 v6, v11  }
0x13a: {  	v15 =	vld [tilespmem:s20+$0xFFFFFF60];
	[tilespmem:s19+$0xD0] =	vst v7;
	v7 =	vmul.f32 v13, v10  }
0x13b: {  	v13 =	vld [tilespmem:s20+$0xE0];
	[tilespmem:s24+$0x50] =	vst v6;
	v6 =	vmul.f32 v16, v9  }
0x13c: {  	v16 =	vld [tilespmem:s9+$0x60];
	[tilespmem:s24+$0xFFFFFFD0] =	vst v7;
	v7 =	vmul.f32 v12, v8  }
0x13d: {  	v12 =	vmul.f32 v14, v3;
	[tilespmem:s24+$0xFFFFFF50] =	vst v6;
	v6 =	vld [tilespmem:s9+$0xFFFFFFE0]  }
0x13e: {  	v5 =	vmul.f32 v5, v4;
	v14 =	vld [tilespmem:s9+$0xFFFFFF60];
	[tilespmem:s24+$0xD0] =	vst v7  }
0x13f: {  	[tilespmem:s19+$0x60] =	vst v12;
	v7 =	vmul.f32 v15, v2;
	v12 =	vld [tilespmem:s9+$0xE0]  }
0x140: {  	[tilespmem:s19+$0xFFFFFFE0] =	vst v5;
	v15 =	vld [tilespmem:s20+$0x70];
	v5 =	vmul.f32 v13, v1  }
0x141: {  	[tilespmem:s19+$0xFFFFFF60] =	vst v7;
	v7 =	vld [tilespmem:s20+$0xFFFFFFF0];
	v13 =	vmul.f32 v16, v11  }
0x142: {  	v16 =	vld [tilespmem:s20+$0xFFFFFF70];
	[tilespmem:s19+$0xE0] =	vst v5;
	v5 =	vmul.f32 v6, v10  }
0x143: {  	v6 =	vld [tilespmem:s20+$0xF0];
	[tilespmem:s24+$0x60] =	vst v13;
	v13 =	vmul.f32 v14, v9  }
0x144: {  	v14 =	vld [tilespmem:s9+$0x70];
	[tilespmem:s24+$0xFFFFFFE0] =	vst v5;
	v5 =	vmul.f32 v12, v8  }
0x145: {  	v3 =	vmul.f32 v15, v3;
	[tilespmem:s24+$0xFFFFFF60] =	vst v13;
	v12 =	vld [tilespmem:s9+$0xFFFFFFF0]  }
0x146: {  	v4 =	vmul.f32 v7, v4;
	v7 =	vld [tilespmem:s9+$0xFFFFFF70];
	[tilespmem:s24+$0xE0] =	vst v5  }
0x147: {  	[tilespmem:s19+$0x70] =	vst v3;
	v2 =	vmul.f32 v16, v2;
	v3 =	vld [tilespmem:s9+$0xF0]  }
0x148: {  	[tilespmem:s19+$0xFFFFFFF0] =	vst v4;
	v1 =	vmul.f32 v6, v1  }
0x149: {  	[tilespmem:s19+$0xFFFFFF70] =	vst v2;
	v2 =	vmul.f32 v14, v11  }
0x14a: {  	[tilespmem:s19+$0xF0] =	vst v1;
	v1 =	vmul.f32 v12, v10  }
0x14b: {  	[tilespmem:s24+$0x70] =	vst v2;
	v2 =	vmul.f32 v7, v9  }
0x14c: {  	[tilespmem:s24+$0xFFFFFFF0] =	vst v1;
	v1 =	vmul.f32 v3, v8  }
0x14d: {  	[tilespmem:s24+$0xFFFFFF70] =	vst v2  }
0x14e: {  	[tilespmem:s24+$0xF0] =	vst v1  }
0x14f: {  	v1 =	vld [tilespmem:$0x13880]  }
0x150: {  	v2 =	vld [tilespmem:$0x13890]  }
0x151: {  	v3 =	vld [tilespmem:$0x138A0]  }
0x152: {  	v4 =	vld [tilespmem:$0x138B0]  }
0x153: {  	v5 =	vld [tilespmem:$0x138C0]  }
0x154: {  	[tilespmem:$0x13A00] =	vst v1  }
0x155: {  	[tilespmem:$0x13A10] =	vst v2  }
0x156: {  	[tilespmem:$0x13A20] =	vst v3  }
0x157: {  	[tilespmem:$0x13A30] =	vst v4  }
0x158: {  	[tilespmem:$0x13A40] =	vst v5  }
0x159: {  	[spmem:s2] =	stream.indirect.scatter.add.f32 [tilespmem:s25], [sflag:$0x3], $0x80, s0, s5, $0xb8;
	[tilespmem:$0x1DC80] =	vst v63  }
0x15a: {  	_ =	swait.ge [sflag:s12], $0x2800  }
0x15b: {  	[sflag:s12] =	ssyncset.done $0x0  }
0x15c: {  	s9 =	simm.s32 @!p1 $0x4;
	[sflag:s12] =	ssyncadd.s32 $0xFFFFD800  }
0x15d: {  	_ =	swait.ge @!p1 [sflag:s9], $0x2800  }
0x15e: {  	[sflag:s9] =	ssyncset.done @!p1 $0x0  }
0x15f: {  	[sflag:s9] =	ssyncadd.s32 @!p1 $0xFFFFD800  }
0x160: {  	v1 =	vld [tilespmem:$0x13900]  }
0x161: {  	v2 =	vld [tilespmem:$0x13910]  }
0x162: {  	v3 =	vld [tilespmem:$0x13920]  }
0x163: {  	v4 =	vld [tilespmem:$0x13930]  }
0x164: {  	p1 =	seq.s32 s18, $0x7C;
	v5 =	vld [tilespmem:$0x13940]  }
0x165: {  	s9 =	smul.u32 @!p1 $0x50, s18;
	[tilespmem:$0x13A80] =	vst v1  }
0x166: {  	s20 =	simm.s32 $0x0;
	[tilespmem:$0x13A90] =	vst v2  }
0x167: {  	s22 =	simm.s32 $0x1;
	s9 =	sadd.s32 @!p1 s9, s21;
	[tilespmem:$0x13AA0] =	vst v3;
	v1 =	vmov s20  }
0x168: {  	s23 =	simm.s32 $0x2;
	s9 =	sshrl.u32 @!p1 s9, $0x3;
	[tilespmem:$0x13AB0] =	vst v4;
	v2 =	vmov s22;
	v1 =	vand.u32 $0xFFFFFFFC, v1  }
0x169: {  	s19 =	sadd.s32 @!p1 s6, s9;
	[tilespmem:$0x13AC0] =	vst v5;
	s20 =	simm.s32 @!p1 $0x0;
	s22 =	simm.s32 @!p1 $0x13880;
	v3 =	vmov s23;
	v2 =	vand.u32 $0xFFFFFFFD, v2;
	v1 =	vbroadcast v1, $0x0  }
0x16a: {  	[tilespmem:s22], [sflag:$0x5] =	stream.linear.gather @!p1 [hbm4b:s19+s20], $0x50, $0x38;
	v3 =	vand.u32 $0xFFFFFFFE, v3;
	v2 =	vbroadcast v2, $0x0;
	[tilespmem:$0x1DC80] =	vst v63  }
0x16b: {  	s17 =	sadd.s32 @!p1 s7, s9;
	s19 =	simm.s32 @!p1 $0x13900;
	v3 =	vbroadcast v3, $0x0  }
0x16c: {  	[tilespmem:s19], [sflag:$0x5] =	stream.linear.gather @!p1 [hbm4b:s17+s20], $0x50, $0x38;
	[tilespmem:$0x1DC80] =	vst v63  }
0x16d: {  	s9 =	sadd.s32 @!p1 s1, s9;
	s17 =	simm.s32 @!p1 $0x13980  }
0x16e: {  	[tilespmem:s17], [sflag:$0x5] =	stream.linear.gather @!p1 [hbm4b:s9+s20], $0x50, $0x38;
	[tilespmem:$0x1DC80] =	vst v63  }
0x16f: {  	s24 =	simm.s32 $0x3;
	v6 =	vld.idx.msk [tilespmem:v1+s11+$0x0], $0xffff  }
0x170: {  	v1 =	vmov s24;
	v7 =	vld.idx.msk [tilespmem:v2+s11+$0x0], $0xffff  }
0x171: {  	s23 =	simm.s32 $0x16580;
	v8 =	vld.idx.msk [tilespmem:v3+s11+$0x0], $0xffff  }
0x172: {  	v2 =	vld [tilespmem:s23+$0x0]  }
0x173: {  	v3 =	vld [tilespmem:s23+$0xFFFFFF00]  }
0x174: {  	v4 =	vld [tilespmem:s23+$0xFFFFFF80]  }
0x175: {  	v5 =	vld.idx.msk [tilespmem:v1+s11+$0x0], $0xffff  }
0x176: {  	v1 =	vld [tilespmem:s23+$0x80]  }
0x177: {  	v2 =	vmul.f32 v2, v8  }
0x178: {  	s22 =	simm.s32 $0x1B580;
	v3 =	vmul.f32 v3, v6  }
0x179: {  	v4 =	vmul.f32 v4, v7;
	[tilespmem:s22+$0x0] =	vst v2  }
0x17a: {  	[tilespmem:s22+$0xFFFFFF00] =	vst v3;
	v2 =	vld [tilespmem:s23+$0x10]  }
0x17b: {  	[tilespmem:s22+$0xFFFFFF80] =	vst v4;
	v3 =	vld [tilespmem:s23+$0xFFFFFF10];
	v1 =	vmul.f32 v1, v5  }
0x17c: {  	v4 =	vld [tilespmem:s23+$0xFFFFFF90]  }
0x17d: {  	[tilespmem:s22+$0x80] =	vst v1  }
0x17e: {  	v1 =	vld [tilespmem:s23+$0x90]  }
0x17f: {  	v2 =	vmul.f32 v2, v8  }
0x180: {  	v3 =	vmul.f32 v3, v6  }
0x181: {  	v4 =	vmul.f32 v4, v7;
	[tilespmem:s22+$0x10] =	vst v2  }
0x182: {  	[tilespmem:s22+$0xFFFFFF10] =	vst v3;
	v2 =	vld [tilespmem:s23+$0x20]  }
0x183: {  	[tilespmem:s22+$0xFFFFFF90] =	vst v4;
	v3 =	vld [tilespmem:s23+$0xFFFFFF20];
	v1 =	vmul.f32 v1, v5  }
0x184: {  	v4 =	vld [tilespmem:s23+$0xFFFFFFA0]  }
0x185: {  	[tilespmem:s22+$0x90] =	vst v1  }
0x186: {  	v1 =	vld [tilespmem:s23+$0xA0]  }
0x187: {  	s17 =	simm.s32 $0x4;
	v2 =	vmul.f32 v2, v8  }
0x188: {  	s19 =	simm.s32 $0x5;
	v9 =	vmov s17;
	v3 =	vmul.f32 v3, v6  }
0x189: {  	v10 =	vmov s19;
	s20 =	simm.s32 $0x7;
	v9 =	vand.u32 $0xFFFFFFFC, v9;
	v4 =	vmul.f32 v4, v7;
	[tilespmem:s22+$0x20] =	vst v2  }
0x18a: {  	v10 =	vand.u32 $0xFFFFFFFD, v10;
	v9 =	vbroadcast v9, $0x0;
	v2 =	vmov s20;
	[tilespmem:s22+$0xFFFFFF20] =	vst v3;
	v3 =	vld [tilespmem:s23+$0x30]  }
0x18b: {  	v10 =	vbroadcast v10, $0x0;
	[tilespmem:s22+$0xFFFFFFA0] =	vst v4;
	v11 =	vld [tilespmem:s23+$0xFFFFFF30];
	v1 =	vmul.f32 v1, v5  }
0x18c: {  	v12 =	vld [tilespmem:s23+$0xFFFFFFB0]  }
0x18d: {  	s24 =	simm.s32 $0x6;
	[tilespmem:s22+$0xA0] =	vst v1  }
0x18e: {  	v1 =	vmov s24;
	v13 =	vld [tilespmem:s23+$0xB0]  }
0x18f: {  	v4 =	vand.u32 $0xFFFFFFFE, v1;
	v1 =	vld.idx.msk [tilespmem:v2+s11+$0x0], $0xffff;
	v3 =	vmul.f32 v3, v8  }
0x190: {  	v2 =	vld.idx.msk [tilespmem:v9+s11+$0x0], $0xffff;
	v9 =	vmul.f32 v11, v6;
	v14 =	vbroadcast v4, $0x0  }
0x191: {  	v4 =	vld.idx.msk [tilespmem:v10+s11+$0x0], $0xffff;
	v10 =	vmul.f32 v12, v7;
	[tilespmem:s22+$0x30] =	vst v3  }
0x192: {  	s20 =	simm.s32 $0x16780;
	[tilespmem:s22+$0xFFFFFF30] =	vst v9;
	v9 =	vld [tilespmem:s23+$0x40]  }
0x193: {  	v12 =	vld [tilespmem:s20+$0x0];
	[tilespmem:s22+$0xFFFFFFB0] =	vst v10  }
0x194: {  	v10 =	vld [tilespmem:s23+$0xFFFFFFC0]  }
0x195: {  	v11 =	vld [tilespmem:s23+$0xFFFFFF40]  }
0x196: {  	v3 =	vld.idx.msk [tilespmem:v14+s11+$0x0], $0xffff  }
0x197: {  	v14 =	vld [tilespmem:s20+$0xFFFFFF00];
	v9 =	vmul.f32 v9, v8  }
0x198: {  	v15 =	vld [tilespmem:s20+$0xFFFFFF80];
	v13 =	vmul.f32 v13, v5  }
0x199: {  	v16 =	vld [tilespmem:s20+$0x80];
	v10 =	vmul.f32 v10, v7;
	[tilespmem:s22+$0x40] =	vst v9  }
0x19a: {  	[tilespmem:s22+$0xB0] =	vst v13;
	v9 =	vmul.f32 v11, v6;
	v11 =	vld [tilespmem:s23+$0x50]  }
0x19b: {  	[tilespmem:s22+$0xFFFFFFC0] =	vst v10;
	v10 =	vld [tilespmem:s23+$0xC0];
	v12 =	vmul.f32 v12, v3  }
0x19c: {  	s19 =	simm.s32 $0x1B780;
	[tilespmem:s22+$0xFFFFFF40] =	vst v9;
	v9 =	vmul.f32 v14, v2;
	v13 =	vld [tilespmem:s23+$0xFFFFFFD0]  }
0x19d: {  	v14 =	vmul.f32 v15, v4;
	[tilespmem:s19+$0x0] =	vst v12;
	v12 =	vld [tilespmem:s23+$0xFFFFFF50]  }
0x19e: {  	v15 =	vmul.f32 v16, v1;
	[tilespmem:s19+$0xFFFFFF00] =	vst v9;
	v9 =	vld [tilespmem:s20+$0x10]  }
0x19f: {  	[tilespmem:s19+$0xFFFFFF80] =	vst v14;
	v16 =	vld [tilespmem:s20+$0xFFFFFF10];
	v11 =	vmul.f32 v11, v8  }
0x1a0: {  	[tilespmem:s19+$0x80] =	vst v15;
	v14 =	vld [tilespmem:s20+$0xFFFFFF90];
	v10 =	vmul.f32 v10, v5  }
0x1a1: {  	v15 =	vld [tilespmem:s20+$0x90];
	v13 =	vmul.f32 v13, v7;
	[tilespmem:s22+$0x50] =	vst v11  }
0x1a2: {  	[tilespmem:s22+$0xC0] =	vst v10;
	v11 =	vmul.f32 v12, v6;
	v12 =	vld [tilespmem:s23+$0x60]  }
0x1a3: {  	[tilespmem:s22+$0xFFFFFFD0] =	vst v13;
	v10 =	vld [tilespmem:s23+$0xD0];
	v9 =	vmul.f32 v9, v3  }
0x1a4: {  	v13 =	vmul.f32 v16, v2;
	[tilespmem:s22+$0xFFFFFF50] =	vst v11;
	v11 =	vld [tilespmem:s23+$0xFFFFFFE0]  }
0x1a5: {  	v14 =	vmul.f32 v14, v4;
	[tilespmem:s19+$0x10] =	vst v9;
	v9 =	vld [tilespmem:s23+$0xFFFFFF60]  }
0x1a6: {  	v15 =	vmul.f32 v15, v1;
	[tilespmem:s19+$0xFFFFFF10] =	vst v13;
	v13 =	vld [tilespmem:s20+$0x20]  }
0x1a7: {  	[tilespmem:s19+$0xFFFFFF90] =	vst v14;
	v16 =	vld [tilespmem:s20+$0xFFFFFF20];
	v12 =	vmul.f32 v12, v8  }
0x1a8: {  	[tilespmem:s19+$0x90] =	vst v15;
	v10 =	vmul.f32 v10, v5  }
0x1a9: {  	v17 =	vld [tilespmem:s20+$0xFFFFFFA0];
	v11 =	vmul.f32 v11, v7;
	[tilespmem:s22+$0x60] =	vst v12  }
0x1aa: {  	v18 =	vld [tilespmem:s20+$0xA0];
	[tilespmem:s22+$0xD0] =	vst v10;
	v9 =	vmul.f32 v9, v6  }
0x1ab: {  	v19 =	vld [tilespmem:s23+$0x70];
	v10 =	vmul.f32 v13, v3;
	[tilespmem:s22+$0xFFFFFFE0] =	vst v11  }
0x1ac: {  	s17 =	simm.s32 $0x8;
	s24 =	simm.s32 $0x9;
	v20 =	vld [tilespmem:s23+$0xE0];
	v11 =	vmul.f32 v16, v2;
	[tilespmem:s22+$0xFFFFFF60] =	vst v9  }
0x1ad: {  	v12 =	vmov s24;
	s24 =	simm.s32 $0xB;
	v14 =	vld [tilespmem:s23+$0xFFFFFFF0];
	v9 =	vmov s17;
	[tilespmem:s19+$0x20] =	vst v10  }
0x1ae: {  	v13 =	vmul.f32 v17, v4;
	v15 =	vld [tilespmem:s23+$0xFFFFFF70];
	v9 =	vand.u32 $0xFFFFFFFC, v9;
	[tilespmem:s19+$0xFFFFFF20] =	vst v11;
	v11 =	vmov s24  }
0x1af: {  	v17 =	vmul.f32 v18, v1;
	v10 =	vand.u32 $0xFFFFFFFD, v12;
	v16 =	vld [tilespmem:s20+$0x30];
	v9 =	vbroadcast v9, $0x0  }
0x1b0: {  	[tilespmem:s19+$0xFFFFFFA0] =	vst v13;
	v10 =	vbroadcast v10, $0x0;
	v12 =	vld [tilespmem:s20+$0xFFFFFF30];
	v18 =	vmul.f32 v19, v8  }
0x1b1: {  	s17 =	simm.s32 $0xA;
	s24 =	simm.s32 $0xC;
	[tilespmem:s19+$0xA0] =	vst v17;
	v13 =	vld [tilespmem:s20+$0xFFFFFFB0];
	v17 =	vmul.f32 v20, v5  }
.LBB2_7:
0x1b2: {  	p2 =	slt.u32 s24, $0x24;
	v8 =	vmov s17;
	v19 =	vld [tilespmem:s20+$0xB0];
	v14 =	vmul.f32 v14, v7;
	[tilespmem:s22+$0x70] =	vst v18;
	v7 =	vmov v4  }
0x1b3: {  	v4 =	vand.u32 $0xFFFFFFFE, v8;
	v8 =	vld.idx.msk [tilespmem:v11+s11+$0x0], $0xffff;
	v11 =	vmul.f32 v15, v6;
	[tilespmem:s22+$0xE0] =	vst v17;
	v6 =	vmov v2  }
0x1b4: {  	v15 =	vbroadcast v4, $0x0;
	v16 =	vmul.f32 v16, v3;
	[tilespmem:s22+$0xFFFFFFF0] =	vst v14;
	v14 =	vld [tilespmem:s23+$0xF0];
	s23 =	smov.u32 s20  }
0x1b5: {  	v2 =	vld.idx.msk [tilespmem:v9+s11+$0x0], $0xffff;
	v9 =	vmul.f32 v12, v6;
	[tilespmem:s22+$0xFFFFFF70] =	vst v11  }
0x1b6: {  	v4 =	vld.idx.msk [tilespmem:v10+s11+$0x0], $0xffff;
	v10 =	vmul.f32 v13, v7;
	[tilespmem:s19+$0x30] =	vst v16  }
0x1b7: {  	[tilespmem:s19+$0xFFFFFF30] =	vst v9;
	v9 =	vld [tilespmem:s20+$0x40];
	v11 =	vmul.f32 v19, v1  }
0x1b8: {  	v12 =	vld [tilespmem:s20+$0xFFFFFF40];
	[tilespmem:s19+$0xFFFFFFB0] =	vst v10  }
0x1b9: {  	v10 =	vld [tilespmem:s20+$0xFFFFFFC0];
	[tilespmem:s19+$0xB0] =	vst v11;
	v11 =	vmul.f32 v14, v5;
	v5 =	vmov v1;
	v1 =	vmov v8  }
0x1ba: {  	s20 =	sadd.s32 $0x200, s20;
	v8 =	vld.idx.msk [tilespmem:v15+s11+$0x0], $0xffff  }
0x1bb: {  	v13 =	vld [tilespmem:s20+$0x0];
	[tilespmem:s22+$0xF0] =	vst v11;
	s22 =	smov.u32 s19  }
0x1bc: {  	v11 =	vld [tilespmem:s20+$0xFFFFFF00];
	v9 =	vmul.f32 v9, v3  }
0x1bd: {  	v14 =	vld [tilespmem:s20+$0xFFFFFF80];
	v12 =	vmul.f32 v12, v6  }
0x1be: {  	v15 =	vld [tilespmem:s20+$0x80];
	v10 =	vmul.f32 v10, v7;
	[tilespmem:s19+$0x40] =	vst v9  }
0x1bf: {  	[tilespmem:s19+$0xFFFFFF40] =	vst v12;
	v9 =	vld [tilespmem:s23+$0x50]  }
0x1c0: {  	v12 =	vmul.f32 v13, v8;
	[tilespmem:s19+$0xFFFFFFC0] =	vst v10;
	v10 =	vld [tilespmem:s23+$0xC0]  }
0x1c1: {  	s19 =	sadd.s32 $0x200, s19;
	v11 =	vmul.f32 v11, v2;
	v13 =	vld [tilespmem:s23+$0xFFFFFFD0]  }
0x1c2: {  	v14 =	vmul.f32 v14, v4;
	[tilespmem:s19+$0x0] =	vst v12;
	v12 =	vld [tilespmem:s23+$0xFFFFFF50]  }
0x1c3: {  	[tilespmem:s19+$0xFFFFFF00] =	vst v11;
	v11 =	vld [tilespmem:s20+$0x10];
	v15 =	vmul.f32 v15, v1  }
0x1c4: {  	v16 =	vld [tilespmem:s20+$0xFFFFFF10];
	[tilespmem:s19+$0xFFFFFF80] =	vst v14;
	v9 =	vmul.f32 v9, v3  }
0x1c5: {  	v14 =	vld [tilespmem:s20+$0xFFFFFF90];
	[tilespmem:s19+$0x80] =	vst v15;
	v10 =	vmul.f32 v10, v5  }
0x1c6: {  	v15 =	vld [tilespmem:s20+$0x90];
	v13 =	vmul.f32 v13, v7;
	[tilespmem:s22+$0x50] =	vst v9  }
0x1c7: {  	v9 =	vmul.f32 v12, v6;
	v12 =	vld [tilespmem:s23+$0x60];
	[tilespmem:s22+$0xC0] =	vst v10  }
0x1c8: {  	v10 =	vmul.f32 v11, v8;
	[tilespmem:s22+$0xFFFFFFD0] =	vst v13;
	v11 =	vld [tilespmem:s23+$0xD0]  }
0x1c9: {  	v13 =	vmul.f32 v16, v2;
	[tilespmem:s22+$0xFFFFFF50] =	vst v9;
	v9 =	vld [tilespmem:s23+$0xFFFFFFE0]  }
0x1ca: {  	v14 =	vmul.f32 v14, v4;
	[tilespmem:s19+$0x10] =	vst v10;
	v10 =	vld [tilespmem:s23+$0xFFFFFF60]  }
0x1cb: {  	[tilespmem:s19+$0xFFFFFF10] =	vst v13;
	v13 =	vld [tilespmem:s20+$0x20];
	v15 =	vmul.f32 v15, v1  }
0x1cc: {  	v16 =	vld [tilespmem:s20+$0xFFFFFF20];
	[tilespmem:s19+$0xFFFFFF90] =	vst v14;
	v12 =	vmul.f32 v12, v3  }
0x1cd: {  	v17 =	vld [tilespmem:s20+$0xFFFFFFA0];
	[tilespmem:s19+$0x90] =	vst v15;
	v11 =	vmul.f32 v11, v5  }
0x1ce: {  	v18 =	vld [tilespmem:s20+$0xA0];
	v9 =	vmul.f32 v9, v7;
	[tilespmem:s22+$0x60] =	vst v12  }
0x1cf: {  	v10 =	vmul.f32 v10, v6;
	v19 =	vld [tilespmem:s23+$0x70];
	[tilespmem:s22+$0xD0] =	vst v11  }
0x1d0: {  	s9 =	sadd.s32 $0x3, s24;
	v12 =	vmul.f32 v13, v8;
	[tilespmem:s22+$0xFFFFFFE0] =	vst v9;
	v20 =	vld [tilespmem:s23+$0xE0]  }
.Ltmp4:
0x1d1: {  	s17 =	sadd.s32 $0x1, s24;
	v11 =	vmov s9;
	v9 =	vmov s24;
	v13 =	vmul.f32 v16, v2;
	[tilespmem:s22+$0xFFFFFF60] =	vst v10;
	v14 =	vld [tilespmem:s23+$0xFFFFFFF0];
	(pc) =	sbr.rel @p2 .LBB2_7-.Ltmp4, $4  }
0x1d2: {  	v9 =	vand.u32 $0xFFFFFFFC, v9;
	v10 =	vmov s17;
	v17 =	vmul.f32 v17, v4;
	[tilespmem:s19+$0x20] =	vst v12;
	v15 =	vld [tilespmem:s23+$0xFFFFFF70]  }
0x1d3: {  	v9 =	vbroadcast v9, $0x0;
	v10 =	vand.u32 $0xFFFFFFFD, v10;
	[tilespmem:s19+$0xFFFFFF20] =	vst v13;
	v16 =	vld [tilespmem:s20+$0x30];
	v21 =	vmul.f32 v18, v1  }
0x1d4: {  	v10 =	vbroadcast v10, $0x0;
	v12 =	vld [tilespmem:s20+$0xFFFFFF30];
	[tilespmem:s19+$0xFFFFFFA0] =	vst v17;
	v18 =	vmul.f32 v19, v3;
	v3 =	vmov v8  }
0x1d5: {  	s17 =	sadd.s32 $0x2, s24;
	s24 =	sadd.s32 $0x4, s24;
	v13 =	vld [tilespmem:s20+$0xFFFFFFB0];
	[tilespmem:s19+$0xA0] =	vst v21;
	v17 =	vmul.f32 v20, v5  }
0x1d6: {  	v8 =	vmov s17  }
0x1d7: {  	v8 =	vand.u32 $0xFFFFFFFE, v8  }
0x1d8: {  	v19 =	vbroadcast v8, $0x0;
	_ =	sdelay $0x2  }
0x1d9: {  	v9 =	vld.idx.msk [tilespmem:v9+s11+$0x0], $0xffff  }
0x1da: {  	v10 =	vld.idx.msk [tilespmem:v10+s11+$0x0], $0xffff  }
0x1db: {  	v8 =	vld.idx.msk [tilespmem:v11+s11+$0x0], $0xffff  }
0x1dc: {  	s9 =	sadd.s32 $0x200, s20;
	v11 =	vld.idx.msk [tilespmem:v19+s11+$0x0], $0xffff  }
0x1dd: {  	v19 =	vld [tilespmem:s9+$0x0]  }
0x1de: {  	v20 =	vld [tilespmem:s9+$0xFFFFFF80]  }
0x1df: {  	v21 =	vld [tilespmem:s9+$0xFFFFFF00]  }
0x1e0: {  	v22 =	vld [tilespmem:s9+$0x80];
	_ =	sdelay $0x1  }
0x1e1: {  	v19 =	vmul.f32 v19, v11  }
0x1e2: {  	s24 =	sadd.s32 $0x200, s19;
	v20 =	vmul.f32 v20, v10  }
0x1e3: {  	v21 =	vmul.f32 v21, v9;
	[tilespmem:s24+$0x0] =	vst v19  }
0x1e4: {  	v22 =	vmul.f32 v22, v8;
	[tilespmem:s24+$0xFFFFFF80] =	vst v20;
	v19 =	vld [tilespmem:s9+$0x10]  }
0x1e5: {  	[tilespmem:s24+$0xFFFFFF00] =	vst v21;
	v20 =	vld [tilespmem:s9+$0xFFFFFF90]  }
0x1e6: {  	v21 =	vld [tilespmem:s9+$0xFFFFFF10];
	[tilespmem:s24+$0x80] =	vst v22  }
0x1e7: {  	v22 =	vld [tilespmem:s9+$0x90];
	_ =	sdelay $0x1  }
0x1e8: {  	v19 =	vmul.f32 v19, v11  }
0x1e9: {  	[tilespmem:s22+$0x70] =	vst v18;
	v18 =	vmul.f32 v20, v10  }
0x1ea: {  	[tilespmem:s24+$0x10] =	vst v19;
	v19 =	vmul.f32 v21, v9  }
0x1eb: {  	v20 =	vmul.f32 v22, v8;
	[tilespmem:s24+$0xFFFFFF90] =	vst v18;
	v18 =	vld [tilespmem:s9+$0x20]  }
0x1ec: {  	[tilespmem:s24+$0xFFFFFF10] =	vst v19;
	v19 =	vld [tilespmem:s9+$0xFFFFFFA0]  }
0x1ed: {  	v7 =	vmul.f32 v14, v7;
	[tilespmem:s24+$0x90] =	vst v20;
	v14 =	vld [tilespmem:s9+$0xFFFFFF20]  }
0x1ee: {  	v6 =	vmul.f32 v15, v6;
	[tilespmem:s22+$0xE0] =	vst v17;
	v15 =	vld [tilespmem:s9+$0xA0]  }
0x1ef: {  	v16 =	vmul.f32 v16, v3;
	[tilespmem:s22+$0xFFFFFFF0] =	vst v7  }
0x1f0: {  	[tilespmem:s22+$0xFFFFFF70] =	vst v6;
	v6 =	vmul.f32 v18, v11  }
0x1f1: {  	v7 =	vld [tilespmem:s20+$0xB0];
	[tilespmem:s19+$0x30] =	vst v16;
	v16 =	vmul.f32 v19, v10  }
0x1f2: {  	v17 =	vld [tilespmem:s23+$0xF0];
	v14 =	vmul.f32 v14, v9;
	[tilespmem:s24+$0x20] =	vst v6  }
0x1f3: {  	v15 =	vmul.f32 v15, v8;
	v6 =	vld [tilespmem:s9+$0x30];
	[tilespmem:s24+$0xFFFFFFA0] =	vst v16  }
0x1f4: {  	v12 =	vmul.f32 v12, v2;
	[tilespmem:s24+$0xFFFFFF20] =	vst v14;
	v14 =	vld [tilespmem:s9+$0xFFFFFFB0]  }
0x1f5: {  	v13 =	vmul.f32 v13, v4;
	[tilespmem:s24+$0xA0] =	vst v15;
	v16 =	vld [tilespmem:s9+$0xFFFFFF30]  }
0x1f6: {  	[tilespmem:s19+$0xFFFFFF30] =	vst v12;
	v7 =	vmul.f32 v7, v1;
	v12 =	vld [tilespmem:s9+$0xB0]  }
0x1f7: {  	[tilespmem:s19+$0xFFFFFFB0] =	vst v13;
	v5 =	vmul.f32 v17, v5;
	v15 =	vld [tilespmem:s20+$0x40]  }
0x1f8: {  	v13 =	vld [tilespmem:s20+$0xFFFFFFC0];
	[tilespmem:s19+$0xB0] =	vst v7;
	v6 =	vmul.f32 v6, v11  }
0x1f9: {  	v7 =	vld [tilespmem:s20+$0xFFFFFF40];
	[tilespmem:s22+$0xF0] =	vst v5;
	v5 =	vmul.f32 v14, v10  }
0x1fa: {  	v14 =	vld [tilespmem:s20+$0xC0];
	v16 =	vmul.f32 v16, v9;
	[tilespmem:s24+$0x30] =	vst v6  }
0x1fb: {  	v12 =	vmul.f32 v12, v8;
	v6 =	vld [tilespmem:s9+$0x40];
	[tilespmem:s24+$0xFFFFFFB0] =	vst v5  }
0x1fc: {  	v5 =	vmul.f32 v15, v3;
	[tilespmem:s24+$0xFFFFFF30] =	vst v16;
	v15 =	vld [tilespmem:s9+$0xFFFFFFC0]  }
0x1fd: {  	v13 =	vmul.f32 v13, v4;
	[tilespmem:s24+$0xB0] =	vst v12;
	v16 =	vld [tilespmem:s9+$0xFFFFFF40]  }
0x1fe: {  	v7 =	vmul.f32 v7, v2;
	[tilespmem:s19+$0x40] =	vst v5;
	v5 =	vld [tilespmem:s9+$0xC0]  }
0x1ff: {  	[tilespmem:s19+$0xFFFFFFC0] =	vst v13;
	v12 =	vld [tilespmem:s20+$0x50];
	v13 =	vmul.f32 v14, v1  }
0x200: {  	[tilespmem:s19+$0xFFFFFF40] =	vst v7;
	v7 =	vld [tilespmem:s20+$0xFFFFFFD0];
	v6 =	vmul.f32 v6, v11  }
0x201: {  	v14 =	vld [tilespmem:s20+$0xFFFFFF50];
	[tilespmem:s19+$0xC0] =	vst v13;
	v13 =	vmul.f32 v15, v10  }
0x202: {  	v15 =	vld [tilespmem:s20+$0xD0];
	v16 =	vmul.f32 v16, v9;
	[tilespmem:s24+$0x40] =	vst v6  }
0x203: {  	v5 =	vmul.f32 v5, v8;
	v6 =	vld [tilespmem:s9+$0x50];
	[tilespmem:s24+$0xFFFFFFC0] =	vst v13  }
0x204: {  	v12 =	vmul.f32 v12, v3;
	[tilespmem:s24+$0xFFFFFF40] =	vst v16;
	v13 =	vld [tilespmem:s9+$0xFFFFFFD0]  }
0x205: {  	v7 =	vmul.f32 v7, v4;
	[tilespmem:s24+$0xC0] =	vst v5;
	v16 =	vld [tilespmem:s9+$0xFFFFFF50]  }
0x206: {  	v5 =	vmul.f32 v14, v2;
	[tilespmem:s19+$0x50] =	vst v12;
	v12 =	vld [tilespmem:s9+$0xD0]  }
0x207: {  	[tilespmem:s19+$0xFFFFFFD0] =	vst v7;
	v14 =	vld [tilespmem:s20+$0x60];
	v7 =	vmul.f32 v15, v1  }
0x208: {  	[tilespmem:s19+$0xFFFFFF50] =	vst v5;
	v5 =	vld [tilespmem:s20+$0xFFFFFFE0];
	v6 =	vmul.f32 v6, v11  }
0x209: {  	v15 =	vld [tilespmem:s20+$0xFFFFFF60];
	[tilespmem:s19+$0xD0] =	vst v7;
	v7 =	vmul.f32 v13, v10  }
0x20a: {  	v13 =	vld [tilespmem:s20+$0xE0];
	[tilespmem:s24+$0x50] =	vst v6;
	v6 =	vmul.f32 v16, v9  }
0x20b: {  	v16 =	vld [tilespmem:s9+$0x60];
	[tilespmem:s24+$0xFFFFFFD0] =	vst v7;
	v7 =	vmul.f32 v12, v8  }
0x20c: {  	v12 =	vmul.f32 v14, v3;
	[tilespmem:s24+$0xFFFFFF50] =	vst v6;
	v6 =	vld [tilespmem:s9+$0xFFFFFFE0]  }
0x20d: {  	v5 =	vmul.f32 v5, v4;
	v14 =	vld [tilespmem:s9+$0xFFFFFF60];
	[tilespmem:s24+$0xD0] =	vst v7  }
0x20e: {  	[tilespmem:s19+$0x60] =	vst v12;
	v7 =	vmul.f32 v15, v2;
	v12 =	vld [tilespmem:s9+$0xE0]  }
0x20f: {  	[tilespmem:s19+$0xFFFFFFE0] =	vst v5;
	v15 =	vld [tilespmem:s20+$0x70];
	v5 =	vmul.f32 v13, v1  }
0x210: {  	[tilespmem:s19+$0xFFFFFF60] =	vst v7;
	v7 =	vld [tilespmem:s20+$0xFFFFFFF0];
	v13 =	vmul.f32 v16, v11  }
0x211: {  	v16 =	vld [tilespmem:s20+$0xFFFFFF70];
	[tilespmem:s19+$0xE0] =	vst v5;
	v5 =	vmul.f32 v6, v10  }
0x212: {  	v6 =	vld [tilespmem:s20+$0xF0];
	[tilespmem:s24+$0x60] =	vst v13;
	v13 =	vmul.f32 v14, v9  }
0x213: {  	v14 =	vld [tilespmem:s9+$0x70];
	[tilespmem:s24+$0xFFFFFFE0] =	vst v5;
	v5 =	vmul.f32 v12, v8  }
0x214: {  	v3 =	vmul.f32 v15, v3;
	[tilespmem:s24+$0xFFFFFF60] =	vst v13;
	v12 =	vld [tilespmem:s9+$0xFFFFFFF0]  }
0x215: {  	v4 =	vmul.f32 v7, v4;
	v7 =	vld [tilespmem:s9+$0xFFFFFF70];
	[tilespmem:s24+$0xE0] =	vst v5  }
0x216: {  	[tilespmem:s19+$0x70] =	vst v3;
	v2 =	vmul.f32 v16, v2;
	v3 =	vld [tilespmem:s9+$0xF0]  }
0x217: {  	[tilespmem:s19+$0xFFFFFFF0] =	vst v4;
	v1 =	vmul.f32 v6, v1  }
0x218: {  	[tilespmem:s19+$0xFFFFFF70] =	vst v2;
	v2 =	vmul.f32 v14, v11  }
0x219: {  	[tilespmem:s19+$0xF0] =	vst v1;
	v1 =	vmul.f32 v12, v10  }
0x21a: {  	[tilespmem:s24+$0x70] =	vst v2;
	v2 =	vmul.f32 v7, v9  }
0x21b: {  	[tilespmem:s24+$0xFFFFFFF0] =	vst v1;
	v1 =	vmul.f32 v3, v8  }
0x21c: {  	[tilespmem:s24+$0xFFFFFF70] =	vst v2  }
0x21d: {  	s9 =	simm.s32 @!p1 $0x5;
	[tilespmem:s24+$0xF0] =	vst v1  }
0x21e: {  	_ =	swait.ge @!p1 [sflag:s9], $0x50  }
0x21f: {  	s20 =	simm.s32 $0x28;
	[sflag:s9] =	ssyncset.done @!p1 $0x0  }
0x220: {  	s22 =	simm.s32 $0x29;
	v1 =	vmov s20;
	[sflag:s9] =	ssyncadd.s32 @!p1 $0xFFFFFFB0  }
0x221: {  	s23 =	simm.s32 $0x2A;
	v2 =	vmov s22;
	v1 =	vand.u32 $0xFFFFFFFC, v1;
	_ =	swait.ge @!p1 [sflag:s9], $0x50  }
0x222: {  	v3 =	vmov s23;
	v2 =	vand.u32 $0xFFFFFFFD, v2;
	v1 =	vbroadcast v1, $0x0;
	[sflag:s9] =	ssyncset.done @!p1 $0x0  }
0x223: {  	v3 =	vand.u32 $0xFFFFFFFE, v3;
	v2 =	vbroadcast v2, $0x0;
	[sflag:s9] =	ssyncadd.s32 @!p1 $0xFFFFFFB0  }
0x224: {  	v3 =	vbroadcast v3, $0x0;
	_ =	swait.ge @!p1 [sflag:s9], $0x50  }
0x225: {  	s17 =	simm.s32 @!p1 $0x13900;
	[sflag:s9] =	ssyncset.done @!p1 $0x0  }
0x226: {  	s19 =	simm.s32 @!p1 $0x13C80;
	[sflag:s9] =	ssyncadd.s32 @!p1 $0xFFFFFFB0;
	s9 =	simm.s32 @!p1 $0x50  }
0x227: {  	[tilespmem:s19], [sflag:$0x1] =	stream.indirect.gather @!p1 [hbm4b:s4+s9], $0x80, s17, s9, $0xb8;
	[tilespmem:$0x1DC80] =	vst v63  }
0x228: {  	s24 =	simm.s32 $0x2B;
	v6 =	vld.idx.msk [tilespmem:v1+s11+$0x0], $0xffff  }
0x229: {  	v1 =	vmov s24;
	v7 =	vld.idx.msk [tilespmem:v2+s11+$0x0], $0xffff  }
0x22a: {  	s23 =	simm.s32 $0x17A70;
	v8 =	vld.idx.msk [tilespmem:v3+s11+$0x0], $0xffff  }
0x22b: {  	v2 =	vld [tilespmem:s23+$0xFFFFFF10]  }
0x22c: {  	v3 =	vld [tilespmem:s23+$0xFFFFFE10]  }
0x22d: {  	v4 =	vld [tilespmem:s23+$0xFFFFFE90]  }
0x22e: {  	v5 =	vld.idx.msk [tilespmem:v1+s11+$0x0], $0xffff  }
0x22f: {  	v1 =	vld [tilespmem:s23+$0xFFFFFF90]  }
0x230: {  	v2 =	vmul.f32 v2, v8  }
0x231: {  	s22 =	simm.s32 $0x1CA70;
	v3 =	vmul.f32 v3, v6  }
0x232: {  	v4 =	vmul.f32 v4, v7;
	[tilespmem:s22+$0xFFFFFF10] =	vst v2  }
0x233: {  	[tilespmem:s22+$0xFFFFFE10] =	vst v3;
	v2 =	vld [tilespmem:s23+$0xFFFFFF20]  }
0x234: {  	[tilespmem:s22+$0xFFFFFE90] =	vst v4;
	v3 =	vld [tilespmem:s23+$0xFFFFFE20];
	v1 =	vmul.f32 v1, v5  }
0x235: {  	v4 =	vld [tilespmem:s23+$0xFFFFFEA0]  }
0x236: {  	[tilespmem:s22+$0xFFFFFF90] =	vst v1  }
0x237: {  	v1 =	vld [tilespmem:s23+$0xFFFFFFA0]  }
0x238: {  	v2 =	vmul.f32 v2, v8  }
0x239: {  	v3 =	vmul.f32 v3, v6  }
0x23a: {  	v4 =	vmul.f32 v4, v7;
	[tilespmem:s22+$0xFFFFFF20] =	vst v2  }
0x23b: {  	[tilespmem:s22+$0xFFFFFE20] =	vst v3;
	v2 =	vld [tilespmem:s23+$0xFFFFFF30]  }
0x23c: {  	[tilespmem:s22+$0xFFFFFEA0] =	vst v4;
	v3 =	vld [tilespmem:s23+$0xFFFFFE30];
	v1 =	vmul.f32 v1, v5  }
0x23d: {  	v4 =	vld [tilespmem:s23+$0xFFFFFEB0]  }
0x23e: {  	[tilespmem:s22+$0xFFFFFFA0] =	vst v1  }
0x23f: {  	v1 =	vld [tilespmem:s23+$0xFFFFFFB0]  }
0x240: {  	s17 =	simm.s32 $0x2C;
	v2 =	vmul.f32 v2, v8  }
0x241: {  	s19 =	simm.s32 $0x2D;
	v9 =	vmov s17;
	v3 =	vmul.f32 v3, v6  }
0x242: {  	s20 =	simm.s32 $0x2F;
	v10 =	vmov s19;
	v9 =	vand.u32 $0xFFFFFFFC, v9;
	v4 =	vmul.f32 v4, v7;
	[tilespmem:s22+$0xFFFFFF30] =	vst v2  }
0x243: {  	v10 =	vand.u32 $0xFFFFFFFD, v10;
	v9 =	vbroadcast v9, $0x0;
	v2 =	vmov s20;
	[tilespmem:s22+$0xFFFFFE30] =	vst v3;
	v3 =	vld [tilespmem:s23+$0xFFFFFF40]  }
0x244: {  	v10 =	vbroadcast v10, $0x0;
	[tilespmem:s22+$0xFFFFFEB0] =	vst v4;
	v11 =	vld [tilespmem:s23+$0xFFFFFE40];
	v1 =	vmul.f32 v1, v5  }
0x245: {  	v12 =	vld [tilespmem:s23+$0xFFFFFEC0]  }
0x246: {  	s24 =	simm.s32 $0x2E;
	[tilespmem:s22+$0xFFFFFFB0] =	vst v1  }
0x247: {  	v1 =	vmov s24;
	v13 =	vld [tilespmem:s23+$0xFFFFFFC0]  }
0x248: {  	v4 =	vand.u32 $0xFFFFFFFE, v1;
	v1 =	vld.idx.msk [tilespmem:v2+s11+$0x0], $0xffff;
	v3 =	vmul.f32 v3, v8  }
0x249: {  	v2 =	vld.idx.msk [tilespmem:v9+s11+$0x0], $0xffff;
	v9 =	vmul.f32 v11, v6;
	v14 =	vbroadcast v4, $0x0  }
0x24a: {  	v4 =	vld.idx.msk [tilespmem:v10+s11+$0x0], $0xffff;
	v10 =	vmul.f32 v12, v7;
	[tilespmem:s22+$0xFFFFFF40] =	vst v3  }
0x24b: {  	s20 =	simm.s32 $0x17C70;
	[tilespmem:s22+$0xFFFFFE40] =	vst v9;
	v9 =	vld [tilespmem:s23+$0xFFFFFF50]  }
0x24c: {  	v12 =	vld [tilespmem:s20+$0xFFFFFF10];
	[tilespmem:s22+$0xFFFFFEC0] =	vst v10  }
0x24d: {  	v10 =	vld [tilespmem:s23+$0xFFFFFED0]  }
0x24e: {  	v11 =	vld [tilespmem:s23+$0xFFFFFE50]  }
0x24f: {  	v3 =	vld.idx.msk [tilespmem:v14+s11+$0x0], $0xffff  }
0x250: {  	v14 =	vld [tilespmem:s20+$0xFFFFFE10];
	v9 =	vmul.f32 v9, v8  }
0x251: {  	v15 =	vld [tilespmem:s20+$0xFFFFFE90];
	v13 =	vmul.f32 v13, v5  }
0x252: {  	v16 =	vld [tilespmem:s20+$0xFFFFFF90];
	v10 =	vmul.f32 v10, v7;
	[tilespmem:s22+$0xFFFFFF50] =	vst v9  }
0x253: {  	[tilespmem:s22+$0xFFFFFFC0] =	vst v13;
	v9 =	vmul.f32 v11, v6;
	v11 =	vld [tilespmem:s23+$0xFFFFFF60]  }
0x254: {  	[tilespmem:s22+$0xFFFFFED0] =	vst v10;
	v10 =	vld [tilespmem:s23+$0xFFFFFFD0];
	v12 =	vmul.f32 v12, v3  }
0x255: {  	s19 =	simm.s32 $0x1CC70;
	[tilespmem:s22+$0xFFFFFE50] =	vst v9;
	v9 =	vmul.f32 v14, v2;
	v13 =	vld [tilespmem:s23+$0xFFFFFEE0]  }
0x256: {  	v14 =	vmul.f32 v15, v4;
	[tilespmem:s19+$0xFFFFFF10] =	vst v12;
	v12 =	vld [tilespmem:s23+$0xFFFFFE60]  }
0x257: {  	v15 =	vmul.f32 v16, v1;
	[tilespmem:s19+$0xFFFFFE10] =	vst v9;
	v9 =	vld [tilespmem:s20+$0xFFFFFF20]  }
0x258: {  	[tilespmem:s19+$0xFFFFFE90] =	vst v14;
	v16 =	vld [tilespmem:s20+$0xFFFFFE20];
	v11 =	vmul.f32 v11, v8  }
0x259: {  	[tilespmem:s19+$0xFFFFFF90] =	vst v15;
	v14 =	vld [tilespmem:s20+$0xFFFFFEA0];
	v10 =	vmul.f32 v10, v5  }
0x25a: {  	v15 =	vld [tilespmem:s20+$0xFFFFFFA0];
	v13 =	vmul.f32 v13, v7;
	[tilespmem:s22+$0xFFFFFF60] =	vst v11  }
0x25b: {  	[tilespmem:s22+$0xFFFFFFD0] =	vst v10;
	v11 =	vmul.f32 v12, v6;
	v12 =	vld [tilespmem:s23+$0xFFFFFF70]  }
0x25c: {  	[tilespmem:s22+$0xFFFFFEE0] =	vst v13;
	v10 =	vld [tilespmem:s23+$0xFFFFFFE0];
	v9 =	vmul.f32 v9, v3  }
0x25d: {  	v13 =	vmul.f32 v16, v2;
	[tilespmem:s22+$0xFFFFFE60] =	vst v11;
	v11 =	vld [tilespmem:s23+$0xFFFFFEF0]  }
0x25e: {  	v14 =	vmul.f32 v14, v4;
	[tilespmem:s19+$0xFFFFFF20] =	vst v9;
	v9 =	vld [tilespmem:s23+$0xFFFFFE70]  }
0x25f: {  	v15 =	vmul.f32 v15, v1;
	[tilespmem:s19+$0xFFFFFE20] =	vst v13;
	v13 =	vld [tilespmem:s20+$0xFFFFFF30]  }
0x260: {  	[tilespmem:s19+$0xFFFFFEA0] =	vst v14;
	v16 =	vld [tilespmem:s20+$0xFFFFFE30];
	v12 =	vmul.f32 v12, v8  }
0x261: {  	[tilespmem:s19+$0xFFFFFFA0] =	vst v15;
	v10 =	vmul.f32 v10, v5  }
0x262: {  	v17 =	vld [tilespmem:s20+$0xFFFFFEB0];
	v11 =	vmul.f32 v11, v7;
	[tilespmem:s22+$0xFFFFFF70] =	vst v12  }
0x263: {  	v18 =	vld [tilespmem:s20+$0xFFFFFFB0];
	[tilespmem:s22+$0xFFFFFFE0] =	vst v10;
	v9 =	vmul.f32 v9, v6  }
0x264: {  	v19 =	vld [tilespmem:s23+$0xFFFFFF80];
	v10 =	vmul.f32 v13, v3;
	[tilespmem:s22+$0xFFFFFEF0] =	vst v11  }
0x265: {  	s17 =	simm.s32 $0x30;
	s24 =	simm.s32 $0x31;
	v20 =	vld [tilespmem:s23+$0xFFFFFFF0];
	v11 =	vmul.f32 v16, v2;
	[tilespmem:s22+$0xFFFFFE70] =	vst v9  }
0x266: {  	v12 =	vmov s24;
	s24 =	simm.s32 $0x33;
	v14 =	vld [tilespmem:s23+$0xFFFFFF00];
	v9 =	vmov s17;
	[tilespmem:s19+$0xFFFFFF30] =	vst v10  }
0x267: {  	v13 =	vmul.f32 v17, v4;
	v15 =	vld [tilespmem:s23+$0xFFFFFE80];
	v9 =	vand.u32 $0xFFFFFFFC, v9;
	[tilespmem:s19+$0xFFFFFE30] =	vst v11;
	v11 =	vmov s24  }
0x268: {  	v17 =	vmul.f32 v18, v1;
	v10 =	vand.u32 $0xFFFFFFFD, v12;
	v16 =	vld [tilespmem:s20+$0xFFFFFF40];
	v9 =	vbroadcast v9, $0x0  }
0x269: {  	[tilespmem:s19+$0xFFFFFEB0] =	vst v13;
	v10 =	vbroadcast v10, $0x0;
	v12 =	vld [tilespmem:s20+$0xFFFFFE40];
	v18 =	vmul.f32 v19, v8  }
0x26a: {  	s17 =	simm.s32 $0x32;
	s24 =	simm.s32 $0x34;
	[tilespmem:s19+$0xFFFFFFB0] =	vst v17;
	v13 =	vld [tilespmem:s20+$0xFFFFFEC0];
	v17 =	vmul.f32 v20, v5  }
.LBB2_9:
0x26b: {  	p2 =	slt.u32 s24, $0x4C;
	v8 =	vmov s17;
	v19 =	vld [tilespmem:s20+$0xFFFFFFC0];
	v14 =	vmul.f32 v14, v7;
	[tilespmem:s22+$0xFFFFFF80] =	vst v18;
	v7 =	vmov v4  }
0x26c: {  	v4 =	vand.u32 $0xFFFFFFFE, v8;
	v8 =	vld.idx.msk [tilespmem:v11+s11+$0x0], $0xffff;
	v11 =	vmul.f32 v15, v6;
	[tilespmem:s22+$0xFFFFFFF0] =	vst v17;
	v6 =	vmov v2  }
0x26d: {  	v15 =	vbroadcast v4, $0x0;
	v16 =	vmul.f32 v16, v3;
	[tilespmem:s22+$0xFFFFFF00] =	vst v14;
	v14 =	vld [tilespmem:s23+$0x0];
	s23 =	smov.u32 s20  }
0x26e: {  	v2 =	vld.idx.msk [tilespmem:v9+s11+$0x0], $0xffff;
	v9 =	vmul.f32 v12, v6;
	[tilespmem:s22+$0xFFFFFE80] =	vst v11  }
0x26f: {  	v4 =	vld.idx.msk [tilespmem:v10+s11+$0x0], $0xffff;
	v10 =	vmul.f32 v13, v7;
	[tilespmem:s19+$0xFFFFFF40] =	vst v16  }
0x270: {  	[tilespmem:s19+$0xFFFFFE40] =	vst v9;
	v9 =	vld [tilespmem:s20+$0xFFFFFF50];
	v11 =	vmul.f32 v19, v1  }
0x271: {  	v12 =	vld [tilespmem:s20+$0xFFFFFE50];
	[tilespmem:s19+$0xFFFFFEC0] =	vst v10  }
0x272: {  	v10 =	vld [tilespmem:s20+$0xFFFFFED0];
	[tilespmem:s19+$0xFFFFFFC0] =	vst v11;
	v11 =	vmul.f32 v14, v5;
	v5 =	vmov v1;
	v1 =	vmov v8  }
0x273: {  	s20 =	sadd.s32 $0x200, s20;
	v8 =	vld.idx.msk [tilespmem:v15+s11+$0x0], $0xffff  }
0x274: {  	v13 =	vld [tilespmem:s20+$0xFFFFFF10];
	[tilespmem:s22+$0x0] =	vst v11;
	s22 =	smov.u32 s19  }
0x275: {  	v11 =	vld [tilespmem:s20+$0xFFFFFE10];
	v9 =	vmul.f32 v9, v3  }
0x276: {  	v14 =	vld [tilespmem:s20+$0xFFFFFE90];
	v12 =	vmul.f32 v12, v6  }
0x277: {  	v15 =	vld [tilespmem:s20+$0xFFFFFF90];
	v10 =	vmul.f32 v10, v7;
	[tilespmem:s19+$0xFFFFFF50] =	vst v9  }
0x278: {  	[tilespmem:s19+$0xFFFFFE50] =	vst v12;
	v9 =	vld [tilespmem:s23+$0xFFFFFF60]  }
0x279: {  	v12 =	vmul.f32 v13, v8;
	[tilespmem:s19+$0xFFFFFED0] =	vst v10;
	v10 =	vld [tilespmem:s23+$0xFFFFFFD0]  }
0x27a: {  	s19 =	sadd.s32 $0x200, s19;
	v11 =	vmul.f32 v11, v2;
	v13 =	vld [tilespmem:s23+$0xFFFFFEE0]  }
0x27b: {  	v14 =	vmul.f32 v14, v4;
	[tilespmem:s19+$0xFFFFFF10] =	vst v12;
	v12 =	vld [tilespmem:s23+$0xFFFFFE60]  }
0x27c: {  	[tilespmem:s19+$0xFFFFFE10] =	vst v11;
	v11 =	vld [tilespmem:s20+$0xFFFFFF20];
	v15 =	vmul.f32 v15, v1  }
0x27d: {  	v16 =	vld [tilespmem:s20+$0xFFFFFE20];
	[tilespmem:s19+$0xFFFFFE90] =	vst v14;
	v9 =	vmul.f32 v9, v3  }
0x27e: {  	v14 =	vld [tilespmem:s20+$0xFFFFFEA0];
	[tilespmem:s19+$0xFFFFFF90] =	vst v15;
	v10 =	vmul.f32 v10, v5  }
0x27f: {  	v15 =	vld [tilespmem:s20+$0xFFFFFFA0];
	v13 =	vmul.f32 v13, v7;
	[tilespmem:s22+$0xFFFFFF60] =	vst v9  }
0x280: {  	v9 =	vmul.f32 v12, v6;
	v12 =	vld [tilespmem:s23+$0xFFFFFF70];
	[tilespmem:s22+$0xFFFFFFD0] =	vst v10  }
0x281: {  	v10 =	vmul.f32 v11, v8;
	[tilespmem:s22+$0xFFFFFEE0] =	vst v13;
	v11 =	vld [tilespmem:s23+$0xFFFFFFE0]  }
0x282: {  	v13 =	vmul.f32 v16, v2;
	[tilespmem:s22+$0xFFFFFE60] =	vst v9;
	v9 =	vld [tilespmem:s23+$0xFFFFFEF0]  }
0x283: {  	v14 =	vmul.f32 v14, v4;
	[tilespmem:s19+$0xFFFFFF20] =	vst v10;
	v10 =	vld [tilespmem:s23+$0xFFFFFE70]  }
0x284: {  	[tilespmem:s19+$0xFFFFFE20] =	vst v13;
	v13 =	vld [tilespmem:s20+$0xFFFFFF30];
	v15 =	vmul.f32 v15, v1  }
0x285: {  	v16 =	vld [tilespmem:s20+$0xFFFFFE30];
	[tilespmem:s19+$0xFFFFFEA0] =	vst v14;
	v12 =	vmul.f32 v12, v3  }
0x286: {  	v17 =	vld [tilespmem:s20+$0xFFFFFEB0];
	[tilespmem:s19+$0xFFFFFFA0] =	vst v15;
	v11 =	vmul.f32 v11, v5  }
0x287: {  	v18 =	vld [tilespmem:s20+$0xFFFFFFB0];
	v9 =	vmul.f32 v9, v7;
	[tilespmem:s22+$0xFFFFFF70] =	vst v12  }
0x288: {  	v10 =	vmul.f32 v10, v6;
	v19 =	vld [tilespmem:s23+$0xFFFFFF80];
	[tilespmem:s22+$0xFFFFFFE0] =	vst v11  }
0x289: {  	s9 =	sadd.s32 $0x3, s24;
	v12 =	vmul.f32 v13, v8;
	[tilespmem:s22+$0xFFFFFEF0] =	vst v9;
	v20 =	vld [tilespmem:s23+$0xFFFFFFF0]  }
.Ltmp5:
0x28a: {  	s17 =	sadd.s32 $0x1, s24;
	v11 =	vmov s9;
	v9 =	vmov s24;
	v13 =	vmul.f32 v16, v2;
	[tilespmem:s22+$0xFFFFFE70] =	vst v10;
	v14 =	vld [tilespmem:s23+$0xFFFFFF00];
	(pc) =	sbr.rel @p2 .LBB2_9-.Ltmp5, $4  }
0x28b: {  	v9 =	vand.u32 $0xFFFFFFFC, v9;
	v10 =	vmov s17;
	v17 =	vmul.f32 v17, v4;
	[tilespmem:s19+$0xFFFFFF30] =	vst v12;
	v15 =	vld [tilespmem:s23+$0xFFFFFE80]  }
0x28c: {  	v9 =	vbroadcast v9, $0x0;
	v10 =	vand.u32 $0xFFFFFFFD, v10;
	[tilespmem:s19+$0xFFFFFE30] =	vst v13;
	v16 =	vld [tilespmem:s20+$0xFFFFFF40];
	v21 =	vmul.f32 v18, v1  }
0x28d: {  	v10 =	vbroadcast v10, $0x0;
	v12 =	vld [tilespmem:s20+$0xFFFFFE40];
	[tilespmem:s19+$0xFFFFFEB0] =	vst v17;
	v18 =	vmul.f32 v19, v3;
	v3 =	vmov v8  }
0x28e: {  	s17 =	sadd.s32 $0x2, s24;
	s24 =	sadd.s32 $0x4, s24;
	v13 =	vld [tilespmem:s20+$0xFFFFFEC0];
	[tilespmem:s19+$0xFFFFFFB0] =	vst v21;
	v17 =	vmul.f32 v20, v5  }
0x28f: {  	_ = 	snop  }
0x290: {  	v8 =	vmov s17  }
0x291: {  	v8 =	vand.u32 $0xFFFFFFFE, v8  }
0x292: {  	v19 =	vbroadcast v8, $0x0  }
0x293: {  	v9 =	vld.idx.msk [tilespmem:v9+s11+$0x0], $0xffff  }
0x294: {  	v10 =	vld.idx.msk [tilespmem:v10+s11+$0x0], $0xffff;
	s9 =	sadd.s32 $0x200, s20  }
0x295: {  	v52 =	vld [tilespmem:s9+$0xFFFFFF10]  }
0x296: {  	v20 =	vld [tilespmem:s9+$0xFFFFFE90]  }
0x297: {  	v8 =	vld.idx.msk [tilespmem:v11+s11+$0x0], $0xffff  }
0x298: {  	v11 =	vld.idx.msk [tilespmem:v19+s11+$0x0], $0xffff  }
0x299: {  	v22 =	vld [tilespmem:s9+$0xFFFFFF90]  }
0x29a: {  	v21 =	vld [tilespmem:s9+$0xFFFFFE10];
	_ =	sdelay $0x1  }
0x29b: {  	v20 =	vmul.f32 v20, v10  }
0x29c: {  	s24 =	sadd.s32 $0x200, s19;
	v19 =	vmul.f32 v52, v11  }
0x29d: {  	v22 =	vmul.f32 v22, v8;
	[tilespmem:s24+$0xFFFFFE90] =	vst v20  }
0x29e: {  	v21 =	vmul.f32 v21, v9;
	v20 =	vld [tilespmem:s9+$0xFFFFFEA0];
	[tilespmem:s24+$0xFFFFFF10] =	vst v19  }
0x29f: {  	[tilespmem:s24+$0xFFFFFF90] =	vst v22;
	v19 =	vld [tilespmem:s9+$0xFFFFFF20]  }
0x2a0: {  	[tilespmem:s24+$0xFFFFFE10] =	vst v21;
	v22 =	vld [tilespmem:s9+$0xFFFFFFA0]  }
0x2a1: {  	v21 =	vld [tilespmem:s9+$0xFFFFFE20];
	_ =	sdelay $0x1  }
0x2a2: {  	v53 =	vmul.f32 v20, v10  }
0x2a3: {  	[tilespmem:s22+$0xFFFFFFF0] =	vst v17;
	v19 =	vmul.f32 v19, v11  }
0x2a4: {  	v56 =	vmul.f32 v22, v8;
	[tilespmem:s24+$0xFFFFFEA0] =	vst v53  }
0x2a5: {  	v54 =	vmul.f32 v21, v9;
	v57 =	vld [tilespmem:s9+$0xFFFFFEB0];
	[tilespmem:s24+$0xFFFFFF20] =	vst v19  }
0x2a6: {  	v7 =	vmul.f32 v14, v7;
	[tilespmem:s24+$0xFFFFFFA0] =	vst v56;
	v55 =	vld [tilespmem:s9+$0xFFFFFF30]  }
0x2a7: {  	v6 =	vmul.f32 v15, v6;
	[tilespmem:s24+$0xFFFFFE20] =	vst v54;
	v59 =	vld [tilespmem:s9+$0xFFFFFFB0]  }
0x2a8: {  	v16 =	vmul.f32 v16, v3;
	[tilespmem:s22+$0xFFFFFF00] =	vst v7;
	v58 =	vld [tilespmem:s9+$0xFFFFFE30]  }
0x2a9: {  	[tilespmem:s22+$0xFFFFFE80] =	vst v6;
	v12 =	vmul.f32 v12, v2  }
0x2aa: {  	v61 =	vld [tilespmem:s20+$0xFFFFFFC0];
	[tilespmem:s19+$0xFFFFFF40] =	vst v16;
	v62 =	vmul.f32 v57, v10  }
0x2ab: {  	v17 =	vld [tilespmem:s23+$0x0];
	[tilespmem:s19+$0xFFFFFE40] =	vst v12;
	v60 =	vmul.f32 v55, v11  }
0x2ac: {  	v22 =	vld [tilespmem:s20+$0xFFFFFF50];
	v15 =	vmul.f32 v59, v8;
	[tilespmem:s24+$0xFFFFFEB0] =	vst v62  }
0x2ad: {  	v14 =	vmul.f32 v58, v9;
	v63 =	vld [tilespmem:s9+$0xFFFFFEC0];
	[tilespmem:s24+$0xFFFFFF30] =	vst v60  }
0x2ae: {  	v13 =	vmul.f32 v13, v4;
	[tilespmem:s24+$0xFFFFFFB0] =	vst v15;
	v6 =	vld [tilespmem:s9+$0xFFFFFF40]  }
0x2af: {  	v7 =	vmul.f32 v61, v1;
	[tilespmem:s24+$0xFFFFFE30] =	vst v14;
	v21 =	vld [tilespmem:s9+$0xFFFFFFC0]  }
0x2b0: {  	[tilespmem:s19+$0xFFFFFEC0] =	vst v13;
	v5 =	vmul.f32 v17, v5;
	v20 =	vld [tilespmem:s9+$0xFFFFFE40]  }
0x2b1: {  	v23 =	vld [tilespmem:s20+$0xFFFFFE50];
	[tilespmem:s19+$0xFFFFFFC0] =	vst v7;
	v26 =	vmul.f32 v22, v3  }
0x2b2: {  	v25 =	vld [tilespmem:s20+$0xFFFFFFD0];
	[tilespmem:s22+$0x0] =	vst v5;
	v24 =	vmul.f32 v63, v10  }
0x2b3: {  	v13 =	vld [tilespmem:s20+$0xFFFFFED0];
	[tilespmem:s19+$0xFFFFFF50] =	vst v26;
	v6 =	vmul.f32 v6, v11  }
0x2b4: {  	v29 =	vld [tilespmem:s20+$0xFFFFFF60];
	v12 =	vmul.f32 v21, v8;
	[tilespmem:s24+$0xFFFFFEC0] =	vst v24  }
0x2b5: {  	v16 =	vmul.f32 v20, v9;
	v27 =	vld [tilespmem:s9+$0xFFFFFED0];
	[tilespmem:s24+$0xFFFFFF40] =	vst v6  }
0x2b6: {  	v7 =	vmul.f32 v23, v2;
	[tilespmem:s24+$0xFFFFFFC0] =	vst v12;
	v6 =	vld [tilespmem:s9+$0xFFFFFF50]  }
0x2b7: {  	v30 =	vmul.f32 v25, v1;
	[tilespmem:s24+$0xFFFFFE40] =	vst v16;
	v28 =	vld [tilespmem:s9+$0xFFFFFFD0]  }
0x2b8: {  	v13 =	vmul.f32 v13, v4;
	[tilespmem:s19+$0xFFFFFE50] =	vst v7;
	v16 =	vld [tilespmem:s9+$0xFFFFFE50]  }
0x2b9: {  	v32 =	vld [tilespmem:s20+$0xFFFFFE60];
	[tilespmem:s19+$0xFFFFFFD0] =	vst v30;
	v12 =	vmul.f32 v29, v3  }
0x2ba: {  	[tilespmem:s19+$0xFFFFFED0] =	vst v13;
	v34 =	vld [tilespmem:s20+$0xFFFFFFE0];
	v33 =	vmul.f32 v27, v10  }
0x2bb: {  	v31 =	vld [tilespmem:s20+$0xFFFFFEE0];
	[tilespmem:s19+$0xFFFFFF60] =	vst v12;
	v6 =	vmul.f32 v6, v11  }
0x2bc: {  	v37 =	vld [tilespmem:s20+$0xFFFFFF70];
	v5 =	vmul.f32 v28, v8;
	[tilespmem:s24+$0xFFFFFED0] =	vst v33  }
0x2bd: {  	v16 =	vmul.f32 v16, v9;
	v13 =	vld [tilespmem:s9+$0xFFFFFEE0];
	[tilespmem:s24+$0xFFFFFF50] =	vst v6  }
0x2be: {  	v35 =	vmul.f32 v32, v2;
	[tilespmem:s24+$0xFFFFFFD0] =	vst v5;
	v6 =	vld [tilespmem:s9+$0xFFFFFF60]  }
0x2bf: {  	v38 =	vmul.f32 v34, v1;
	[tilespmem:s24+$0xFFFFFE50] =	vst v16;
	v36 =	vld [tilespmem:s9+$0xFFFFFFE0]  }
0x2c0: {  	v7 =	vmul.f32 v31, v4;
	[tilespmem:s19+$0xFFFFFE60] =	vst v35;
	v16 =	vld [tilespmem:s9+$0xFFFFFE60]  }
0x2c1: {  	v40 =	vld [tilespmem:s20+$0xFFFFFE70];
	[tilespmem:s19+$0xFFFFFFE0] =	vst v38;
	v46 =	vmul.f32 v37, v3  }
0x2c2: {  	[tilespmem:s19+$0xFFFFFEE0] =	vst v7;
	v42 =	vld [tilespmem:s20+$0xFFFFFFF0];
	v41 =	vmul.f32 v13, v10  }
0x2c3: {  	v39 =	vld [tilespmem:s20+$0xFFFFFEF0];
	[tilespmem:s19+$0xFFFFFF70] =	vst v46;
	v6 =	vmul.f32 v6, v11  }
0x2c4: {  	v51 =	vld [tilespmem:s20+$0xFFFFFF80];
	v45 =	vmul.f32 v36, v8;
	[tilespmem:s24+$0xFFFFFEE0] =	vst v41  }
0x2c5: {  	v43 =	vmul.f32 v16, v9;
	v47 =	vld [tilespmem:s9+$0xFFFFFEF0];
	[tilespmem:s24+$0xFFFFFF60] =	vst v6  }
0x2c6: {  	v49 =	vmul.f32 v40, v2;
	[tilespmem:s24+$0xFFFFFFE0] =	vst v45;
	v44 =	vld [tilespmem:s9+$0xFFFFFF70]  }
0x2c7: {  	v52 =	vmul.f32 v42, v1;
	[tilespmem:s24+$0xFFFFFE60] =	vst v43;
	v50 =	vld [tilespmem:s9+$0xFFFFFFF0]  }
0x2c8: {  	[tilespmem:s19+$0xFFFFFE70] =	vst v49;
	v5 =	vmul.f32 v39, v4;
	v48 =	vld [tilespmem:s9+$0xFFFFFE70]  }
0x2c9: {  	[tilespmem:s19+$0xFFFFFFF0] =	vst v52;
	v3 =	vmul.f32 v51, v3  }
0x2ca: {  	v55 =	vld [tilespmem:s20+$0xFFFFFE80];
	[tilespmem:s19+$0xFFFFFEF0] =	vst v5;
	v56 =	vmul.f32 v47, v10  }
0x2cb: {  	v57 =	vld [tilespmem:s20+$0x0];
	[tilespmem:s19+$0xFFFFFF80] =	vst v3;
	v54 =	vmul.f32 v44, v11  }
0x2cc: {  	v53 =	vld [tilespmem:s20+$0xFFFFFF00];
	v60 =	vmul.f32 v50, v8;
	[tilespmem:s24+$0xFFFFFEF0] =	vst v56  }
0x2cd: {  	v58 =	vmul.f32 v48, v9;
	v61 =	vld [tilespmem:s9+$0xFFFFFF00];
	[tilespmem:s24+$0xFFFFFF70] =	vst v54  }
0x2ce: {  	[tilespmem:s24+$0xFFFFFFF0] =	vst v60;
	v59 =	vld [tilespmem:s9+$0xFFFFFF80]  }
0x2cf: {  	v2 =	vmul.f32 v55, v2;
	[tilespmem:s24+$0xFFFFFE70] =	vst v58;
	v3 =	vld [tilespmem:s9+$0x0]  }
0x2d0: {  	[tilespmem:s22+$0xFFFFFF80] =	vst v18;
	v1 =	vmul.f32 v57, v1;
	v63 =	vld [tilespmem:s9+$0xFFFFFE80]  }
0x2d1: {  	[tilespmem:s19+$0xFFFFFE80] =	vst v2;
	v62 =	vmul.f32 v53, v4  }
0x2d2: {  	[tilespmem:s19+$0x0] =	vst v1;
	v1 =	vmul.f32 v61, v10  }
0x2d3: {  	[tilespmem:s19+$0xFFFFFF00] =	vst v62;
	v2 =	vmul.f32 v59, v11  }
.Ltmp6:
0x2d4: {  	[tilespmem:s24+$0xFFFFFF00] =	vst v1;
	v1 =	vmul.f32 v3, v8;
	(pc) =	sbr.rel @p1 .LBB2_12-.Ltmp6, $4  }
0x2d5: {  	[tilespmem:s24+$0xFFFFFF80] =	vst v2;
	v2 =	vmul.f32 v63, v9  }
0x2d6: {  	[tilespmem:s24+$0x0] =	vst v1  }
0x2d7: {  	[tilespmem:s24+$0xFFFFFE80] =	vst v2  }
0x2d8: {  	[spmem:s2] =	stream.indirect.scatter.add.f32 [tilespmem:s14], [sflag:$0x4], $0x80, s13, s5, $0xb8;
	[tilespmem:$0x1DC80] =	vst v63  }
.Ltmp7:
0x2d9: {  	(pc) =	sbr.rel .LBB2_4-.Ltmp7, $3  }
0x2da: {  	_ =	sdelay $0x1  }
0x2db: {  	[tilespmem:s8], [sflag:$0x2] =	stream.indirect.gather [hbm4b:s4+s5], $0x80, s31, s5, $0xb8;
	[tilespmem:$0x1DC80] =	vst v63  }
0x2dc: {  	s18 =	sadd.s32 $0x1, s18  }
.LBB2_13:
0x2dd: {  	_ =	sfence.sel $0x180000  }
0x2de: {  	[bflag:$0x0] =	sbarrier.arrive $0xFFFF  }
0x2df: {  	_ =	strace $0x9000004A  }
0x2e0: {  	[bflag:$0x2] =	sbarrier.arrive $0xFFFF  }
0x2e1: {  	s0 =	rddreg [dreg:$0x4]  }
0x2e2: {  	s0 =	sadd.s32 @!p0 $0x100000, s0  }
0x2e3: {  	[sflag:s0] =	ssyncadd.tile.s32 @!p0 $0x1;
	_ =	shalt  }
.Lfunc_end2:
_tile_overlayer_lowered:
.L_overlay_start_2:
0x2e4: {  	(tag) =	ssettag $0x2  }
0x2e5: {  	s0 =	rddreg [dreg:$0x0];
	s2 =	stileid.u32  }
0x2e6: {  	s1 =	rddreg [dreg:$0x1];
	p0 =	sne.s32 s2, $0x0  }
0x2e7: {  	s3 =	rddreg [dreg:$0x2];
	[bflag:$0x3] =	sbarrier.arrive $0xFFFF;
	s2 =	simm.s32 @!p0 $0x1C06  }
0x2e8: {  	[timem:s3], [sflag:s2] =	dma.local @!p0 [hbm:s0], s1  }
0x2e9: {  	s0 =	simm.s32 @!p0 $0x6  }
0x2ea: {  	_ =	swait.ge @!p0 [sflag:s0], s1  }
0x2eb: {  	s1 =	ssub.s32 @!p0 $0x0, s1;
	[sflag:s0] =	ssyncset.done @!p0 $0x0  }
0x2ec: {  	[sflag:s0] =	ssyncadd.s32 @!p0 s1  }
0x2ed: {  	[bflag:$0x3] =	sbarrier.arrive $0xFFFF  }
0x2ee: {  	_ =	shalt  }

// kernel: kernel.16.cloned.1.call-start
scs
__scs_entry_jumppad:
0x0: {  	(pc) =	sbr.rel $0x88, $3  }
0x1: {  	(tag) =	ssettag $0x0;
	lr =	simm.s32 $0x1  }
0x2: {  	[smem:$0x3F7E] =	sst lr;
	_ =	strace $0xD0000000  }
0x3: {  	_ = 	snop  }
0x4: {  	_ = 	snop  }
0x5: {  	_ = 	snop  }
0x6: {  	_ = 	snop  }
0x7: {  	_ = 	snop  }
__scs_overlays_trampoline_lowered:
0x8: {  	[smem:$0x3F8D] =	sst s0  }
0x9: {  	[smem:$0x3F8E] =	sst s1  }
0xa: {  	[smem:$0x3F8F] =	sst s2  }
0xb: {  	[smem:$0x3F90] =	sst s3  }
0xc: {  	[smem:$0x3F91] =	sst s4  }
0xd: {  	[smem:$0x3F92] =	sst s5  }
0xe: {  	[smem:$0x3F93] =	sst s6  }
0xf: {  	[smem:$0x3F94] =	sst s7  }
0x10: {  	[smem:$0x3F95] =	sst s8  }
0x11: {  	[smem:$0x3F96] =	sst s9;
	s0 =	simm.s32 @!p0 $0x0  }
0x12: {  	s1 =	sld [smem:$0x3F7C];
	s0 =	simm.s32 @p0 $0x1  }
0x13: {  	[smem:$0x3F97] =	sst s0;
	s0 =	simm.s32 @!p1 $0x0  }
0x14: {  	s2 =	sld [smem:$0x3F7B];
	s0 =	simm.s32 @p1 $0x1  }
0x15: {  	[smem:$0x3F98] =	sst s0;
	s0 =	simm.s32 @!p2 $0x0  }
0x16: {  	s3 =	sld [smem:$0x3FDB];
	s0 =	simm.s32 @p2 $0x1  }
0x17: {  	s4 =	simm.s32 $0x1BF5;
	[smem:$0x3F9A] =	sst s0  }
0x18: {  	s0 =	sld [smem:$0x3F7D];
	_ =	swait.ge [sflag:s4], $0x0  }
0x19: {  	s7 =	sld [smem:$0x3F7E]  }
0x1a: {  	s8 =	sadd.s32 $0xFFFFE003, lr  }
0x1b: {  	s9 =	sadd.s32 $0xFFFFFEF7, lr;
	s5 =	simm.s32 $0xFFFFFFFF;
	p2 =	slt.u32 s8, $0xFFFFF086  }
0x1c: {  	p1 =	slt.u32 s9, $0xF7A;
	s5 =	simm.s32 @!p2 $0x0  }
0x1d: {  	s5 =	simm.s32 @p1 $0x1;
	p0 =	seq.s32 s7, s2  }
0x1e: {  	s7 =	smul.u32 @!p0 $0xF7A, s2;
	p2 =	seq.s32 @!p0 s5, $0x0  }
0x1f: {  	s9 =	smul.u32 $0xF7A, s1;
	s8 =	simm.s32 @!p0 $0x1BF5;
	p2 =	por !p2, p0  }
0x20: {  	[sflag:s8] =	ssyncset.s32 @!p0 $0xFFFFF086;
	s6 =	sadd.s32 @!p0 s3, s7;
	s7 =	simm.s32 @!p0 $0x108  }
0x21: {  	s3 =	sadd.s32 s3, s9;
	s6 =	sadd.s32 @!p0 $0x88, s6;
	s7 =	simm.s32 @p2 $0x1082  }
0x22: {  	[simem:s7], [sflag:s8] =	dma.local @!p0 [hbm:s6], $0xF7A  }
0x23: {  	s9 =	sor.u32 $0xD0000000, s2;
	s6 =	simm.s32 $0x108;
	_ =	swait.ge @!p0 [sflag:s8], $0x0  }
0x24: {  	s3 =	sadd.s32 $0x88, s3;
	s6 =	simm.s32 @!p1 $0x1082;
	[sflag:s4] =	ssyncset.s32 $0xFFFFF086  }
0x25: {  	[simem:s6], [sflag:s4] =	dma.local [hbm:s3], $0xF7A  }
0x26: {  	[smem:$0x3F7E] =	sst s1;
	(tag) =	ssettag s2;
	_ =	strace s9  }
0x27: {  	s1 =	sld [smem:$0x3F8E]  }
0x28: {  	s2 =	sld [smem:$0x3F8F]  }
0x29: {  	s4 =	sld [smem:$0x3F91]  }
0x2a: {  	p0 =	seq.s32 s5, $0x0;
	s5 =	sld [smem:$0x3F92]  }
0x2b: {  	s6 =	sld [smem:$0x3F93]  }
0x2c: {  	s7 =	sld [smem:$0x3F94]  }
0x2d: {  	s3 =	simm.s32 $0x108;
	s8 =	sld [smem:$0x3F95]  }
0x2e: {  	s3 =	simm.s32 @!p0 $0x1082;
	s9 =	sld [smem:$0x3F96]  }
0x2f: {  	lr =	sadd.s32 s0, s3;
	s0 =	sld [smem:$0x3F8D]  }
0x30: {  	s3 =	sld [smem:$0x3F90]  }
0x31: {  	[smem:$0x3F99] =	sst s10  }
0x32: {  	s10 =	sld [smem:$0x3F97];
	_ =	sdelay $0x3  }
0x33: {  	p0 =	seq.s32 s10, $0x1;
	s10 =	sld [smem:$0x3F99];
	_ =	sdelay $0x3  }
0x34: {  	[smem:$0x3F99] =	sst s10  }
0x35: {  	s10 =	sld [smem:$0x3F98];
	_ =	sdelay $0x3  }
0x36: {  	p1 =	seq.s32 s10, $0x1;
	s10 =	sld [smem:$0x3F99];
	_ =	sdelay $0x3  }
0x37: {  	[smem:$0x3F99] =	sst s10  }
0x38: {  	s10 =	sld [smem:$0x3F9A]  }
0x39: {  	_ = 	snop;
	(pc) =	sbr.ind lr, $3  }
0x3a: {  	_ = 	snop  }
0x3b: {  	_ = 	snop  }
0x3c: {  	p2 =	seq.s32 s10, $0x1;
	s10 =	sld [smem:$0x3F99]  }
0x3d: {  	_ =	shalt  }
0x3e: {  	_ =	shalt  }
0x3f: {  	_ =	shalt  }
0x40: {  	_ =	shalt  }
0x41: {  	_ =	shalt  }
0x42: {  	_ =	shalt  }
0x43: {  	_ =	shalt  }
0x44: {  	_ =	shalt  }
0x45: {  	_ =	shalt  }
0x46: {  	_ =	shalt  }
0x47: {  	_ =	shalt  }
0x48: {  	_ =	shalt  }
0x49: {  	_ =	shalt  }
0x4a: {  	_ =	shalt  }
0x4b: {  	_ =	shalt  }
0x4c: {  	_ =	shalt  }
0x4d: {  	_ =	shalt  }
0x4e: {  	_ =	shalt  }
0x4f: {  	_ =	shalt  }
0x50: {  	_ =	shalt  }
0x51: {  	_ =	shalt  }
0x52: {  	_ =	shalt  }
0x53: {  	_ =	shalt  }
0x54: {  	_ =	shalt  }
0x55: {  	_ =	shalt  }
0x56: {  	_ =	shalt  }
0x57: {  	_ =	shalt  }
0x58: {  	_ =	shalt  }
0x59: {  	_ =	shalt  }
0x5a: {  	_ =	shalt  }
0x5b: {  	_ =	shalt  }
0x5c: {  	_ =	shalt  }
0x5d: {  	_ =	shalt  }
0x5e: {  	_ =	shalt  }
0x5f: {  	_ =	shalt  }
0x60: {  	_ =	shalt  }
0x61: {  	_ =	shalt  }
0x62: {  	_ =	shalt  }
0x63: {  	_ =	shalt  }
0x64: {  	_ =	shalt  }
0x65: {  	_ =	shalt  }
0x66: {  	_ =	shalt  }
0x67: {  	_ =	shalt  }
0x68: {  	_ =	shalt  }
0x69: {  	_ =	shalt  }
0x6a: {  	_ =	shalt  }
0x6b: {  	_ =	shalt  }
0x6c: {  	_ =	shalt  }
0x6d: {  	_ =	shalt  }
0x6e: {  	_ =	shalt  }
0x6f: {  	_ =	shalt  }
0x70: {  	_ =	shalt  }
0x71: {  	_ =	shalt  }
0x72: {  	_ =	shalt  }
0x73: {  	_ =	shalt  }
0x74: {  	_ =	shalt  }
0x75: {  	_ =	shalt  }
0x76: {  	_ =	shalt  }
0x77: {  	_ =	shalt  }
0x78: {  	_ =	shalt  }
0x79: {  	_ =	shalt  }
0x7a: {  	_ =	shalt  }
0x7b: {  	_ =	shalt  }
0x7c: {  	_ =	shalt  }
0x7d: {  	_ =	shalt  }
0x7e: {  	_ =	shalt  }
0x7f: {  	_ =	shalt  }
0x80: {  	_ =	shalt  }
0x81: {  	_ =	shalt  }
0x82: {  	_ =	shalt  }
0x83: {  	_ =	shalt  }
0x84: {  	_ =	shalt  }
0x85: {  	_ =	shalt  }
0x86: {  	_ =	shalt  }
0x87: {  	_ =	shalt  }
.Lfunc_end0:
.L_simem_size_0:
called_computation.2_lowered:
.L_overlay_start_0:
0x88: {  	s2 =	sld [smem:$0x3FD9]  }
0x89: {  	s3 =	sld [smem:$0x3FFE];
	_ =	sdelay $0x1  }
0x8a: {  	s1 =	srdreg.scid  }
0x8b: {  	s0 =	sand.u32 $0x1, s1  }
0x8c: {  	s14 =	sshll.u32 s0, $0xA;
	s2 =	sadd.s32 s3, s2  }
0x8d: {  	s2 =	sadd.s32 s2, s14  }
0x8e: {  	[smem:$0x3FA5] =	sst s2  }
0x8f: {  	_ = 	snop  }
0x90: {  	s2 =	sld [smem:$0x3FD0]  }
0x91: {  	s15 =	sld [smem:$0x3FC9]  }
0x92: {  	s4 =	sld [smem:$0x3FC8]  }
0x93: {  	s6 =	simm.s32 $0xA;
	s7 =	simm.s32 $0x10;
	s5 =	sld [smem:$0x3FB1]  }
0x94: {  	[smem:s7], [sflag:s6] =	dma.local [hbm:s2], $0x1  }
0x95: {  	_ =	swait.eq [sflag:s6], $0x1  }
0x96: {  	[sflag:s6] =	ssyncset.done $0x0  }
0x97: {  	s16 =	sld [smem:$0x10];
	[sflag:s6] =	ssyncadd.s32 $0xFFFFFFFF  }
0x98: {  	s17 =	sld [smem:$0x11];
	(tm) =	ssettm $0x1  }
0x99: {  	s18 =	sld [smem:$0x3FFB];
	_ =	sdelay $0x3  }
0x9a: {  	_ =	strace s18  }
0x9b: {  	s7 =	sld [smem:$0x3FFC];
	_ =	sdelay $0x3  }
0x9c: {  	_ =	strace s7  }
0x9d: {  	s7 =	sld [smem:$0x3FFD];
	_ =	sdelay $0x3  }
0x9e: {  	_ =	strace s7  }
0x9f: {  	_ =	strace $0x8FFFFFFF  }
0xa0: {  	s19 =	sld [smem:$0x3FDB];
	_ =	sdelay $0x1  }
0xa1: {  	s8 =	simm.s32 $_scs_section_size  }
0xa2: {  	s9 =	simm.s32 $_size__tile_overlayer_lowered;
	s10 =	simm.s32 $_tile_overlayer_lowered  }
0xa3: {  	s22 =	simm.s32 $0x1BFF;
	s21 =	sshll.u32 s10, $0x1;
	s7 =	sadd.s32 s8, s19  }
0xa4: {  	s11 =	simm.s32 $0x0;
	s20 =	sshll.u32 s9, $0x1;
	s9 =	sadd.s32 s21, s7  }
0xa5: {  	[timem:s11], [sflag:s22] =	dma.local [hbm:s9], s20  }
0xa6: {  	_ =	swait.ge [sflag:s22], s20  }
0xa7: {  	s8 =	ssub.s32 $0x0, s20;
	[sflag:s22] =	ssyncset.done $0x0  }
0xa8: {  	[sflag:s22] =	ssyncadd.s32 s8;
	_ =	sdelay $0x1  }
0xa9: {  	s23 =	simm.s32 $0x1B8B  }
0xaa: {  	_ =	swait.ge [sflag:s23], $0x1  }
0xab: {  	[sflag:s23] =	ssyncset.done $0x0  }
0xac: {  	s25 =	simm.s32 $0x1B8E;
	s24 =	sld [smem:$0x3FFE];
	[sflag:s23] =	ssyncadd.s32 $0xFFFFFFFF  }
0xad: {  	s26 =	simm.s32 $execute0_lowered;
	[smem:$0x3FD2] =	sst s25  }
0xae: {  	s9 =	sshll.u32 s26, $0x1;
	_ =	strace $0x8000004C;
	[dreg:$0x1] =	wrdreg $0xFFFFFFFF  }
0xaf: {  	s28 =	simm.s32 $_size_execute0_lowered;
	s7 =	sadd.s32 s7, s9;
	[dreg:$0x0] =	wrdreg $0x0  }
0xb0: {  	s9 =	sshll.u32 s28, $0x1;
	[dreg:$0x2] =	wrdreg s7  }
0xb1: {  	[dreg:$0x3] =	wrdreg s9  }
0xb2: {  	[dreg:$0x4] =	wrdreg $0xC0  }
0xb3: {  	_ =	task [dreg:s11], $0x5FFFF  }
0xb4: {  	[dreg:$0x1] =	wrdreg $0xFFFFFFFF  }
0xb5: {  	[dreg:$0x0] =	wrdreg $0x60  }
0xb6: {  	[dreg:$0x2] =	wrdreg s16  }
0xb7: {  	[dreg:$0x3] =	wrdreg s5  }
0xb8: {  	[dreg:$0x4] =	wrdreg s15  }
0xb9: {  	[dreg:$0x5] =	wrdreg s4  }
0xba: {  	[dreg:$0x6] =	wrdreg s17  }
0xbb: {  	[dreg:$0x7] =	wrdreg s24  }
0xbc: {  	[dreg:$0x8] =	wrdreg $0x9  }
0xbd: {  	_ =	task.clear_ibuf [dreg:s11], $0x9FFFF;
	_ =	strace $0x9000004C  }
0xbe: {  	s29 =	simm.s32 $0x9;
	_ =	strace $0x8000004E  }
0xbf: {  	_ =	swait.ge [sflag:s29], $0x1  }
0xc0: {  	[sflag:s29] =	ssyncadd.s32 $0xFFFFFFFF  }
0xc1: {  	_ =	strace $0x9000004E  }
0xc2: {  	_ =	sfence  }
0xc3: {  	s30 =	sld [smem:$0x0];
	_ =	sdelay $0x2  }
0xc4: {  	s31 =	sshll.u32 s1, $0xD;
	s1 =	sshrl.u32 s1, $0x2  }
0xc5: {  	s3 =	sand.u32 $0x4000, s31;
	s1 =	sadd.s32 s1, s30  }
0xc6: {  	s0 =	sor.u32 s3, s0;
	s1 =	sshll.u32 s1, $0x11  }
0xc7: {  	s0 =	sor.u32 s1, s0  }
0xc8: {  	s0 =	sadd.s32 $0x8F2B, s0  }
0xc9: {  	[sflag:s0] =	ssyncadd.remote.s32 $0x1  }
0xca: {  	_ =	sfence.sel $0xFFFF  }
0xcb: {  	[dreg:$0x0] =	wrdreg $0xFFFFFFFF;
	(pc) =	sbr.abs _section_cstart, $3  }
0xcc: {  	[dreg:$0x1] =	wrdreg $0xFFFFFFFF  }
0xcd: {  	_ =	task.clear_ibuf [dreg:s11], $0x2FFFF;
	_ =	strace $0x9FFFFFFF  }
0xce: {  	(tm) =	ssettm $0x7FFFFFFF  }
0xcf: {  	_ =	shalt  }
tec
execute0_lowered:
.L_overlay_start_1:
0x0: {  	(tag) =	ssettag $0x1  }
0x1: {  	s0 =	rddreg [dreg:$0x0]  }
0x2: {  	s1 =	rddreg [dreg:$0x1]  }
0x3: {  	s5 =	rddreg [dreg:$0x2]  }
0x4: {  	s7 =	rddreg [dreg:$0x3];
	s2 =	srdreg.scid  }
0x5: {  	s9 =	rddreg [dreg:$0x4];
	s19 =	sand.u32 $0x1, s2  }
0x6: {  	s20 =	rddreg [dreg:$0x5];
	s3 =	stileid.u32;
	s6 =	sshll.u32 s19, $0x4  }
0x7: {  	s4 =	simm.s32 $0x0;
	s2 =	rddreg [dreg:$0x6];
	s21 =	sor.u32 s3, s6  }
0x8: {  	[smem:$0x7FF] =	sst s4;
	s8 =	sshll.u32 s21, $0x2  }
0x9: {  	_ =	strace $0x8000004D;
	s6 =	sadd.s32 s5, s8;
	s5 =	simm.s32 $0x4  }
0xa: {  	[tilespmem:s4], [sflag:$0x4] =	stream.linear.gather [hbm4b:s6+s4], $0x20, $0x38;
	[tilespmem:$0xA200] =	vst v63  }
0xb: {  	_ =	swait.ge [sflag:s5], $0x20  }
0xc: {  	[sflag:s5] =	ssyncset.done $0x0  }
0xd: {  	s7 =	sadd.s32 s7, s8;
	s8 =	simm.s32 $0x80;
	[sflag:s5] =	ssyncadd.s32 $0xFFFFFFE0  }
0xe: {  	[tilespmem:s8], [sflag:$0x4] =	stream.linear.gather [hbm4b:s7+s4], $0x20, $0x38;
	[tilespmem:$0xA200] =	vst v63  }
0xf: {  	_ =	swait.ge [sflag:s5], $0x20  }
0x10: {  	s10 =	sshll.u32 s21, $0x5;
	[sflag:s5] =	ssyncset.done $0x0  }
0x11: {  	s9 =	sadd.s32 s9, s10;
	s10 =	simm.s32 $0x100;
	[sflag:s5] =	ssyncadd.s32 $0xFFFFFFE0  }
0x12: {  	[tilespmem:s10], [sflag:$0x4] =	stream.linear.gather [hbm4b:s9+s4], $0x100, $0x38;
	[tilespmem:$0xA200] =	vst v63  }
0x13: {  	_ =	swait.ge [sflag:s5], $0x100  }
0x14: {  	[sflag:s5] =	ssyncset.done $0x0  }
0x15: {  	s11 =	simm.s32 $0x20;
	s12 =	simm.s32 $0x200;
	[sflag:s5] =	ssyncadd.s32 $0xFFFFFF00  }
0x16: {  	[tilespmem:s12], [sflag:$0x1] =	stream.indirect.gather [hbm4b:s0+s11], $0x80, s4, s11, $0xb8;
	[tilespmem:$0xA200] =	vst v63  }
0x17: {  	s13 =	simm.s32 $0x1200  }
0x18: {  	[tilespmem:s13], [sflag:$0x2] =	stream.indirect.gather [hbm4b:s1+s11], $0x80, s8, s11, $0xb8;
	[tilespmem:$0xA200] =	vst v63  }
0x19: {  	s14 =	simm.s32 $0x2200;
	s15 =	simm.s32 $0x1  }
0x1a: {  	[tilespmem:s14], [sflag:$0x3] =	stream.indirect.gather [hbm4b:s0+s10], $0x80, s10, s10, $0xb8;
	[tilespmem:$0xA200] =	vst v63  }
0x1b: {  	s16 =	sshll.u32 s21, $0x9;
	_ =	swait.ge [sflag:s15], $0x1000  }
0x1c: {  	s18 =	sadd.s32 s16, s20;
	[sflag:s15] =	ssyncset.done $0x0  }
0x1d: {  	s16 =	sadd.s32 $0x26000, s18;
	[sflag:s15] =	ssyncadd.s32 $0xFFFFF000  }
0x1e: {  	[hbm4b:s16+s4] =	stream.linear.scatter [tilespmem:s12], [sflag:$0x4], $0x1000, $0x38;
	[tilespmem:$0xA200] =	vst v63  }
0x1f: {  	_ =	swait.ge [sflag:s5], $0x1000  }
0x20: {  	[sflag:s5] =	ssyncset.done $0x0  }
0x21: {  	s17 =	simm.s32 $0x2;
	[sflag:s5] =	ssyncadd.s32 $0xFFFFF000  }
0x22: {  	_ =	swait.ge [sflag:s17], $0x1000  }
0x23: {  	[sflag:s17] =	ssyncset.done $0x0  }
0x24: {  	s22 =	ssub.s32 $0x2, s19;
	s18 =	sadd.s32 $0x2A000, s18;
	[sflag:s17] =	ssyncadd.s32 $0xFFFFF000  }
0x25: {  	[hbm4b:s18+s4] =	stream.linear.scatter [tilespmem:s13], [sflag:$0x4], $0x1000, $0x38;
	[tilespmem:$0xA200] =	vst v63  }
0x26: {  	s19 =	simm.s32 $0x3;
	s23 =	sshrl.u32 s22, $0x1;
	_ =	swait.ge [sflag:s5], $0x1000  }
0x27: {  	s21 =	sshll.u32 s21, $0xC;
	s31 =	ssub.s32 s22, s23;
	[sflag:s5] =	ssyncset.done $0x0  }
0x28: {  	s20 =	sadd.s32 s21, s20;
	s21 =	smax.u32 s31, $0x1;
	[sflag:s5] =	ssyncadd.s32 $0xFFFFF000  }
0x29: {  	p0 =	sne.s32 s21, $0x1;
	_ =	swait.ge [sflag:s19], $0x8000  }
.Ltmp0:
0x2a: {  	[sflag:s19] =	ssyncset.done $0x0;
	(pc) =	sbr.rel @!p0 .LBB2_2-.Ltmp0, $4  }
0x2b: {  	s20 =	sadd.s32 $0x6000, s20;
	[sflag:s19] =	ssyncadd.s32 $0xFFFF8000  }
0x2c: {  	[hbm4b:s20+s4] =	stream.linear.scatter [tilespmem:s14], [sflag:$0x4], $0x8000, $0x38;
	[tilespmem:$0xA200] =	vst v63  }
0x2d: {  	_ =	swait.ge [sflag:s5], $0x8000  }
0x2e: {  	s21 =	sadd.s32 $0xFFFFFFFF, s21;
	[sflag:s5] =	ssyncset.done $0x0  }
.LBB2_1:
0x2f: {  	p0 =	sne.s32 s21, $0x1;
	s21 =	sadd.s32 $0xFFFFFFFF, s21;
	[sflag:s5] =	ssyncadd.s32 $0xFFFF8000  }
0x30: {  	[tilespmem:s4], [sflag:$0x4] =	stream.linear.gather [hbm4b:s6+s4], $0x20, $0x38;
	[tilespmem:$0xA200] =	vst v63  }
0x31: {  	_ =	swait.ge [sflag:s5], $0x20  }
0x32: {  	[sflag:s5] =	ssyncset.done $0x0  }
0x33: {  	[sflag:s5] =	ssyncadd.s32 $0xFFFFFFE0  }
0x34: {  	[tilespmem:s8], [sflag:$0x4] =	stream.linear.gather [hbm4b:s7+s4], $0x20, $0x38;
	[tilespmem:$0xA200] =	vst v63  }
0x35: {  	_ =	swait.ge [sflag:s5], $0x20  }
0x36: {  	[sflag:s5] =	ssyncset.done $0x0  }
0x37: {  	[sflag:s5] =	ssyncadd.s32 $0xFFFFFFE0  }
0x38: {  	[tilespmem:s10], [sflag:$0x4] =	stream.linear.gather [hbm4b:s9+s4], $0x100, $0x38;
	[tilespmem:$0xA200] =	vst v63  }
0x39: {  	_ =	swait.ge [sflag:s5], $0x100  }
0x3a: {  	[sflag:s5] =	ssyncset.done $0x0  }
0x3b: {  	[sflag:s5] =	ssyncadd.s32 $0xFFFFFF00  }
0x3c: {  	[tilespmem:s12], [sflag:$0x1] =	stream.indirect.gather [hbm4b:s0+s11], $0x80, s4, s11, $0xb8;
	[tilespmem:$0xA200] =	vst v63  }
0x3d: {  	_ = 	snop  }
0x3e: {  	[tilespmem:s13], [sflag:$0x2] =	stream.indirect.gather [hbm4b:s1+s11], $0x80, s8, s11, $0xb8;
	[tilespmem:$0xA200] =	vst v63  }
0x3f: {  	_ = 	snop  }
0x40: {  	[tilespmem:s14], [sflag:$0x3] =	stream.indirect.gather [hbm4b:s0+s10], $0x80, s10, s10, $0xb8;
	[tilespmem:$0xA200] =	vst v63  }
0x41: {  	_ =	swait.ge [sflag:s15], $0x1000  }
0x42: {  	[sflag:s15] =	ssyncset.done $0x0  }
0x43: {  	[sflag:s15] =	ssyncadd.s32 $0xFFFFF000  }
0x44: {  	[hbm4b:s16+s4] =	stream.linear.scatter [tilespmem:s12], [sflag:$0x4], $0x1000, $0x38;
	[tilespmem:$0xA200] =	vst v63  }
0x45: {  	_ =	swait.ge [sflag:s5], $0x1000  }
0x46: {  	[sflag:s5] =	ssyncset.done $0x0  }
0x47: {  	[sflag:s5] =	ssyncadd.s32 $0xFFFFF000  }
0x48: {  	_ =	swait.ge [sflag:s17], $0x1000  }
0x49: {  	[sflag:s17] =	ssyncset.done $0x0  }
0x4a: {  	[sflag:s17] =	ssyncadd.s32 $0xFFFFF000  }
0x4b: {  	[hbm4b:s18+s4] =	stream.linear.scatter [tilespmem:s13], [sflag:$0x4], $0x1000, $0x38;
	[tilespmem:$0xA200] =	vst v63  }
0x4c: {  	_ =	swait.ge [sflag:s5], $0x1000  }
0x4d: {  	[sflag:s5] =	ssyncset.done $0x0  }
0x4e: {  	[sflag:s5] =	ssyncadd.s32 $0xFFFFF000  }
0x4f: {  	_ =	swait.ge [sflag:s19], $0x8000  }
.Ltmp1:
0x50: {  	[sflag:s19] =	ssyncset.done $0x0;
	(pc) =	sbr.rel @p0 .LBB2_1-.Ltmp1, $4  }
0x51: {  	[sflag:s19] =	ssyncadd.s32 $0xFFFF8000  }
0x52: {  	[hbm4b:s20+s4] =	stream.linear.scatter [tilespmem:s14], [sflag:$0x4], $0x8000, $0x38;
	[tilespmem:$0xA200] =	vst v63  }
0x53: {  	_ =	swait.ge [sflag:s5], $0x8000  }
0x54: {  	[sflag:s5] =	ssyncset.done $0x0  }
.LBB2_2:
0x55: {  	[sflag:s5] =	ssyncadd.s32 $0xFFFF8000  }
0x56: {  	_ =	sfence.sel $0x180000  }
0x57: {  	[bflag:$0x0] =	sbarrier.arrive $0xFFFF  }
0x58: {  	p0 =	sne.s32 s3, $0x0;
	_ =	strace $0x9000004D  }
0x59: {  	s0 =	sadd.s32 @!p0 $0x100000, s2;
	[bflag:$0x2] =	sbarrier.arrive $0xFFFF  }
0x5a: {  	[sflag:s0] =	ssyncadd.tile.s32 @!p0 $0x1;
	_ =	shalt  }
.Lfunc_end2:
_tile_overlayer_lowered:
.L_overlay_start_2:
0x5b: {  	(tag) =	ssettag $0x2  }
0x5c: {  	s0 =	rddreg [dreg:$0x0];
	s2 =	stileid.u32  }
0x5d: {  	s1 =	rddreg [dreg:$0x1];
	p0 =	sne.s32 s2, $0x0  }
0x5e: {  	s3 =	rddreg [dreg:$0x2];
	[bflag:$0x3] =	sbarrier.arrive $0xFFFF;
	s2 =	simm.s32 @!p0 $0x1C04  }
0x5f: {  	[timem:s3], [sflag:s2] =	dma.local @!p0 [hbm:s0], s1  }
0x60: {  	s0 =	simm.s32 @!p0 $0x4  }
0x61: {  	_ =	swait.ge @!p0 [sflag:s0], s1  }
0x62: {  	s1 =	ssub.s32 @!p0 $0x0, s1;
	[sflag:s0] =	ssyncset.done @!p0 $0x0  }
0x63: {  	[sflag:s0] =	ssyncadd.s32 @!p0 s1  }
0x64: {  	[bflag:$0x3] =	sbarrier.arrive $0xFFFF  }
0x65: {  	_ =	shalt  }

</sc_bundles>
